<compile_context>
chip_gen: v7x
topology: tpu7x:2x2x1
jax: 0.10.2.dev20260603
libtpu: 0.0.44.dev20260713+nightly
codegen_flags: <defaults>
</compile_context>

<pallas_src>
import functools

import jax
import jax.numpy as jnp
from jax import lax
from jax.experimental import pallas as pl
from jax.experimental.pallas import tpu as pltpu
from jax.experimental.pallas import tpu_sc as plsc

N = 10000
E = 320000
D = 128
H = 128
C = 10
G = 64

NP = 10240
EP = 327680
EPT = EP // 32
CH = 128
NCH = EPT // CH
RPT = NP // 16
BN = 1024

_mesh = plsc.VectorSubcoreMesh(core_axis_name="c", subcore_axis_name="s")
_f32 = jnp.float32


@functools.partial(
    pl.kernel,
    mesh=_mesh,
    out_type=jax.ShapeDtypeStruct((32, NP), _f32),
    scratch_types=[
        pltpu.VMEM((EPT,), jnp.int32),
        pltpu.VMEM((EPT,), _f32),
        pltpu.VMEM((NP,), _f32),
    ],
    compiler_params=pltpu.CompilerParams(needs_layout_passes=False),
)
def _deg_kernel(dst_hbm, w_hbm, out_hbm, didx_v, w_v, deg_v):
    c = lax.axis_index("c")
    s = lax.axis_index("s")
    wid = c * 16 + s
    zero = jnp.zeros((16,), _f32)

    def zb(i, cc):
        deg_v[pl.ds(i * 16, 16)] = zero
        return cc

    lax.fori_loop(0, NP // 16, zb, 0)
    pltpu.sync_copy(dst_hbm.at[pl.ds(wid * EPT, EPT)], didx_v)
    pltpu.sync_copy(w_hbm.at[pl.ds(wid * EPT, EPT)], w_v)

    def body(g, cc):
        idx = didx_v[pl.ds(g * 16, 16)]
        vals = w_v[pl.ds(g * 16, 16)]
        plsc.addupdate_scatter(deg_v, [idx], vals)
        return cc

    lax.fori_loop(0, EPT // 16, body, 0)
    pltpu.sync_copy(deg_v, out_hbm.at[wid])


@functools.partial(
    pl.kernel,
    mesh=_mesh,
    out_type=jax.ShapeDtypeStruct((2, NP, H), _f32),
    scratch_types=[
        pltpu.VMEM((CH,), jnp.int32),
        pltpu.VMEM((CH,), jnp.int32),
        pltpu.VMEM((CH,), _f32),
        pltpu.VMEM((CH, H), _f32),
        pltpu.VMEM_SHARED((NP, H), _f32),
        pltpu.SemaphoreType.DMA,
    ],
)
def _agg_kernel(y_hbm, src_hbm, dst_hbm, w_hbm, out_hbm,
                sidx_v, didx_v, w_v, rows_v, acc_sh, sem):
    c = lax.axis_index("c")
    s = lax.axis_index("s")
    wid = c * 16 + s
    zero = jnp.zeros((16,), _f32)

    def zb(e, cc):
        for j in range(H // 16):
            rows_v[e, pl.ds(j * 16, 16)] = zero
        return cc

    lax.fori_loop(0, CH, zb, 0)
    for b in range(RPT // CH):
        pltpu.sync_copy(rows_v, acc_sh.at[pl.ds(s * RPT + b * CH, CH)])
    plsc.subcore_barrier()

    def body(g, cc):
        base = wid * EPT + g * CH
        pltpu.sync_copy(src_hbm.at[pl.ds(base, CH)], sidx_v)
        pltpu.sync_copy(dst_hbm.at[pl.ds(base, CH)], didx_v)
        pltpu.sync_copy(w_hbm.at[pl.ds(base, CH)], w_v)
        pltpu.async_copy(y_hbm.at[sidx_v], rows_v, sem).wait()

        def sc_body(g16, dd):
            wv = w_v[pl.ds(g16 * 16, 16)]
            for e16 in range(16):
                we = wv[e16]
                e = g16 * 16 + e16
                for j in range(H // 16):
                    sl = pl.ds(j * 16, 16)
                    rows_v[e, sl] = rows_v[e, sl] * we
            return dd

        lax.fori_loop(0, CH // 16, sc_body, 0)
        pltpu.sync_copy(rows_v, acc_sh.at[didx_v], add=True)
        return cc

    lax.fori_loop(0, NCH, body, 0)
    plsc.subcore_barrier()
    pltpu.sync_copy(acc_sh.at[pl.ds(s * RPT, RPT)],
                    out_hbm.at[c, pl.ds(s * RPT, RPT)])


def _k2_body(x_ref, w_ref, degp_ref, y1_ref, xw1_ref, dis_ref, dinv_ref):
    deg = 1.0 + jnp.sum(degp_ref[...], axis=0)
    dis = lax.rsqrt(deg)
    xw = jnp.dot(x_ref[...], w_ref[...], preferred_element_type=_f32)
    y1_ref[...] = xw * dis[:, None]
    xw1_ref[...] = xw
    dis_ref[...] = dis[None, :]
    dinv_ref[...] = (1.0 / deg)[None, :]


def _k2(x, W1T, degp):
    return pl.pallas_call(
        _k2_body,
        grid=(NP // BN,),
        in_specs=[
            pl.BlockSpec((BN, D), lambda i: (i, 0)),
            pl.BlockSpec((D, H), lambda i: (0, 0)),
            pl.BlockSpec((32, BN), lambda i: (0, i)),
        ],
        out_specs=[
            pl.BlockSpec((BN, H), lambda i: (i, 0)),
            pl.BlockSpec((BN, H), lambda i: (i, 0)),
            pl.BlockSpec((1, BN), lambda i: (0, i)),
            pl.BlockSpec((1, BN), lambda i: (0, i)),
        ],
        out_shape=[
            jax.ShapeDtypeStruct((NP, H), _f32),
            jax.ShapeDtypeStruct((NP, H), _f32),
            jax.ShapeDtypeStruct((1, NP), _f32),
            jax.ShapeDtypeStruct((1, NP), _f32),
        ],
    )(x, W1T, degp)


def _k4_body(acc_ref, xw_ref, dis_ref, dinv_ref, b_ref, wT_ref,
             y2_ref, xw2_ref):
    dis = dis_ref[0, :]
    dinv = dinv_ref[0, :]
    accsum = acc_ref[0] + acc_ref[1]
    x1 = jnp.maximum(
        accsum * dis[:, None] + xw_ref[...] * dinv[:, None] + b_ref[...], 0.0)
    xw2 = jnp.dot(x1, wT_ref[...], preferred_element_type=_f32)
    y2_ref[...] = xw2 * dis[:, None]
    xw2_ref[...] = xw2


def _k4(acc, xw1, dis, dinv, b1, W2T):
    return pl.pallas_call(
        _k4_body,
        grid=(NP // BN,),
        in_specs=[
            pl.BlockSpec((2, BN, H), lambda i: (0, i, 0)),
            pl.BlockSpec((BN, H), lambda i: (i, 0)),
            pl.BlockSpec((1, BN), lambda i: (0, i)),
            pl.BlockSpec((1, BN), lambda i: (0, i)),
            pl.BlockSpec((1, H), lambda i: (0, 0)),
            pl.BlockSpec((H, H), lambda i: (0, 0)),
        ],
        out_specs=[
            pl.BlockSpec((BN, H), lambda i: (i, 0)),
            pl.BlockSpec((BN, H), lambda i: (i, 0)),
        ],
        out_shape=[
            jax.ShapeDtypeStruct((NP, H), _f32),
            jax.ShapeDtypeStruct((NP, H), _f32),
        ],
    )(acc, xw1, dis, dinv, b1, W2T)


def _k6_body(acc_ref, xw_ref, dis_ref, dinv_ref, b_ref, batch_ref,
             wfcT_ref, bfc_ref, out_ref, sums, counts):
    i = pl.program_id(0)

    @pl.when(i == 0)
    def _():
        sums[...] = jnp.zeros_like(sums)
        counts[...] = jnp.zeros_like(counts)

    dis = dis_ref[0, :]
    dinv = dinv_ref[0, :]
    accsum = acc_ref[0] + acc_ref[1]
    x2 = jnp.maximum(
        accsum * dis[:, None] + xw_ref[...] * dinv[:, None] + b_ref[...], 0.0)
    bvals = batch_ref[0, :]
    seg = lax.broadcasted_iota(jnp.int32, (G, BN), 0)
    mask = (bvals[None, :] == seg).astype(_f32)
    sums[...] += jnp.dot(mask, x2, preferred_element_type=_f32)
    counts[...] += jnp.broadcast_to(jnp.sum(mask, axis=1)[:, None], (G, H))

    @pl.when(i == NP // BN - 1)
    def _():
        pooled = sums[...] / jnp.maximum(counts[...], 1.0)
        out_ref[...] = (
            jnp.dot(pooled, wfcT_ref[...], preferred_element_type=_f32)
            + bfc_ref[...])


def _k6(acc, xw2, dis, dinv, b2, batch2d, WfcT, bfc):
    return pl.pallas_call(
        _k6_body,
        grid=(NP // BN,),
        in_specs=[
            pl.BlockSpec((2, BN, H), lambda i: (0, i, 0)),
            pl.BlockSpec((BN, H), lambda i: (i, 0)),
            pl.BlockSpec((1, BN), lambda i: (0, i)),
            pl.BlockSpec((1, BN), lambda i: (0, i)),
            pl.BlockSpec((1, H), lambda i: (0, 0)),
            pl.BlockSpec((1, BN), lambda i: (0, i)),
            pl.BlockSpec((H, C), lambda i: (0, 0)),
            pl.BlockSpec((1, C), lambda i: (0, 0)),
        ],
        out_specs=pl.BlockSpec((G, C), lambda i: (0, 0)),
        out_shape=jax.ShapeDtypeStruct((G, C), _f32),
        scratch_shapes=[
            pltpu.VMEM((G, H), _f32),
            pltpu.VMEM((G, H), _f32),
        ],
    )(acc, xw2, dis, dinv, b2, batch2d, WfcT, bfc)


def kernel(x, edge_index, edge_weight, batch, W1, b1, W2, b2, Wfc, bfc):
    src = edge_index[0]
    dst = edge_index[1]
    pe = EP - E
    src_p = jnp.concatenate([src, jnp.zeros((pe,), jnp.int32)])
    dst_p = jnp.concatenate([dst, jnp.zeros((pe,), jnp.int32)])
    w_p = jnp.concatenate([edge_weight, jnp.zeros((pe,), _f32)])
    x_p = jnp.pad(x, ((0, NP - N), (0, 0)))
    batch_p = jnp.concatenate([batch, jnp.full((NP - N,), G, jnp.int32)])

    degp = _deg_kernel(dst_p, w_p)
    y1, xw1, dis, dinv = _k2(x_p, W1.T, degp)
    acc1 = _agg_kernel(y1, src_p, dst_p, w_p)
    y2, xw2 = _k4(acc1, xw1, dis, dinv, b1[None, :], W2.T)
    acc2 = _agg_kernel(y2, src_p, dst_p, w_p)
    return _k6(acc2, xw2, dis, dinv, b2[None, :], batch_p[None, :],
               Wfc.T, bfc[None, :])

# --- scband reference (transcript-rebuilt; emitter-appended) ---
"""Pipeline reference for scband-gin-pyg-perturb-39986145525888 (READ-ONLY COPY).

The authoritative reference and input builder live on the scoring server;
editing this copy changes nothing except your own understanding.
"""

import jax, jax.numpy as jnp
import numpy as np

N = 10000
E = 320000
D = 128
H = 128
C = 10
G = 64


def setup_inputs(seed: int = 0) -> dict:
    key = jax.random.key(seed)
    ks = jax.random.split(key, 12)
    x = jax.random.normal(ks[0], (N, D), dtype=jnp.float32)
    edge_index = jax.random.randint(ks[1], (2, E), 0, N, dtype=jnp.int32)
    edge_weight = jax.random.uniform(ks[2], (E,), dtype=jnp.float32)
    batch = jnp.sort(jax.random.randint(ks[3], (N,), 0, G, dtype=jnp.int32))
    W1 = jax.random.normal(ks[4], (H, D), dtype=jnp.float32) * (1.0 / np.sqrt(D))
    b1 = jnp.zeros((H,), dtype=jnp.float32)
    W2 = jax.random.normal(ks[5], (H, H), dtype=jnp.float32) * (1.0 / np.sqrt(H))
    b2 = jnp.zeros((H,), dtype=jnp.float32)
    Wfc = jax.random.normal(ks[6], (C, H), dtype=jnp.float32) * (1.0 / np.sqrt(H))
    bfc = jnp.zeros((C,), dtype=jnp.float32)
    return {"x": x, "edge_index": edge_index, "edge_weight": edge_weight, "batch": batch,
            "W1": W1, "b1": b1, "W2": W2, "b2": b2, "Wfc": Wfc, "bfc": bfc}


def _gcn_conv(x, W, b, src, dst, ew, num_nodes):
    # PyG GCNConv: x @ W^T, add self-loops (weight 1), symmetric normalization, scatter-add, + bias
    loop = jnp.arange(num_nodes, dtype=src.dtype)
    s = jnp.concatenate([src, loop])
    d = jnp.concatenate([dst, loop])
    w = jnp.concatenate([ew, jnp.ones((num_nodes,), dtype=ew.dtype)])
    deg = jnp.zeros((num_nodes,), dtype=x.dtype).at[d].add(w)
    deg_inv_sqrt = jnp.where(deg > 0, 1.0 / jnp.sqrt(jnp.maximum(deg, 1e-12)), 0.0)
    norm = deg_inv_sqrt[s] * w * deg_inv_sqrt[d]
    xw = x @ W.T
    msg = xw[s] * norm[:, None]
    out = jnp.zeros((num_nodes, W.shape[0]), dtype=x.dtype).at[d].add(msg)
    return out + b


def reference(x, edge_index, edge_weight, batch, W1, b1, W2, b2, Wfc, bfc):
    src, dst = edge_index[0], edge_index[1]
    x1 = jax.nn.relu(_gcn_conv(x, W1, b1, src, dst, edge_weight, N))
    # dropout p=0.5 is identity in eval mode
    x2 = jax.nn.relu(_gcn_conv(x1, W2, b2, src, dst, edge_weight, N))
    # global_mean_pool over batch ids
    sums = jax.ops.segment_sum(x2, batch, num_segments=G)
    counts = jax.ops.segment_sum(jnp.ones((N,), dtype=x.dtype), batch, num_segments=G)
    pooled = sums / jnp.maximum(counts, 1.0)[:, None]
    return pooled @ Wfc.T + bfc

if __name__ == "__main__":
    import jax
    _d = setup_inputs()
    print(jax.jit(kernel)(*tuple(_d.values())))

</pallas_src>

<mosaic_0001>
#map = affine_map<(d0, d1) -> (0)>
#map1 = affine_map<(d0, d1) -> (0, 0)>
module attributes {stable_mosaic.version = 14 : i64} {
  func.func @_deg_kernel(%arg0: i32, %arg1: i32, %arg2: memref<327680xi32, #tpu.memory_space<hbm>>, %arg3: memref<327680xf32, #tpu.memory_space<hbm>>, %arg4: memref<32x10240xf32, #tpu.memory_space<hbm>>, %arg5: memref<10240xi32, #tpu.memory_space<vmem>>, %arg6: memref<10240xf32, #tpu.memory_space<vmem>>, %arg7: memref<10240xf32, #tpu.memory_space<vmem>>) attributes {dimension_semantics = [#tpu.dimension_semantics<core_parallel>, #tpu.dimension_semantics<subcore_parallel>], iteration_bounds = array<i64: 2, 16>, scalar_prefetch = 0 : i64, scratch_operands = 3 : i64, tpu.core_type = #tpu.core_type<sc_vector_subcore>, window_params = [{transform_indices = #map}, {transform_indices = #map}, {transform_indices = #map1}]} {
    %mul3A = arith.constant 16 : i32
    %mul3A_0 = arith.muli %arg0, %mul3A : i32
    %add3A = arith.addi %mul3A_0, %arg1 : i32
    %broadcast_in_dim3A = arith.constant 0.000000e+00 : f32
    %broadcast_in_dim3A_1 = vector.broadcast %broadcast_in_dim3A : f32 to vector<16xf32>
    %scan3A = arith.constant 0 : i32
    %scan3A_2 = arith.constant 0 : i32
    %scan3A_3 = arith.constant 640 : i32
    %scan3A_4 = arith.addi %scan3A_2, %scan3A_3 : i32
    %scan3A_5 = arith.constant 1 : i32
    scf.for %scan3A_17 = %scan3A_2 to %scan3A_4 step %scan3A_5  : i32 {
      %mul3A_18 = arith.constant 16 : i32
      %mul3A_19 = arith.muli %scan3A_17, %mul3A_18 : i32
      %swap3A = arith.index_cast %mul3A_19 : i32 to index
      %swap3A_20 = tpu.vector_load %arg7[%swap3A] {strides = array<i32>} : memref<10240xf32, #tpu.memory_space<vmem>>, vector<16xf32>,
      tpu.vector_store %arg7[%swap3A], %broadcast_in_dim3A_1 {strides = array<i32>} : memref<10240xf32, #tpu.memory_space<vmem>>, vector<16xf32>,
    }
    %scan3A_6 = arith.constant 640 : i32
    %mul3A_7 = arith.constant 10240 : i32
    %mul3A_8 = arith.muli %add3A, %mul3A_7 : i32
    "tpu.region"() ({
      %run_scoped3A = tpu.sem_alloc : memref<!tpu.dma_semaphore, #tpu.memory_space<semaphore_mem>>
      %dma_start3A = tpu.memref_slice %arg2[%mul3A_8] : memref<327680xi32, #tpu.memory_space<hbm>> -> memref<10240xi32, #tpu.memory_space<hbm>>
      %dma_start3A_17 = tpu.memref_slice %arg2[%mul3A_8] : memref<327680xi32, #tpu.memory_space<hbm>> -> memref<10240xi32, #tpu.memory_space<hbm>>
      tpu.enqueue_dma source(%dma_start3A_17 : memref<10240xi32, #tpu.memory_space<hbm>>) target(%arg5 : memref<10240xi32, #tpu.memory_space<vmem>>) target_semaphore(%run_scoped3A : memref<!tpu.dma_semaphore, #tpu.memory_space<semaphore_mem>>)
      %dma_wait3A = tpu.memref_slice %arg2[%mul3A_8] : memref<327680xi32, #tpu.memory_space<hbm>> -> memref<10240xi32, #tpu.memory_space<hbm>>
      %dma_wait3A_18 = tpu.memref_slice %arg2[%mul3A_8] : memref<327680xi32, #tpu.memory_space<hbm>> -> memref<10240xi32, #tpu.memory_space<hbm>>
      tpu.wait_dma2 semaphore(%run_scoped3A : memref<!tpu.dma_semaphore, #tpu.memory_space<semaphore_mem>>) src(%dma_wait3A_18 : memref<10240xi32, #tpu.memory_space<hbm>>) dst(%arg5 : memref<10240xi32, #tpu.memory_space<vmem>>)
      tpu.yield
    }) : () -> ()
    %mul3A_9 = arith.constant 10240 : i32
    %mul3A_10 = arith.muli %add3A, %mul3A_9 : i32
    "tpu.region"() ({
      %run_scoped3A = tpu.sem_alloc : memref<!tpu.dma_semaphore, #tpu.memory_space<semaphore_mem>>
      %dma_start3A = tpu.memref_slice %arg3[%mul3A_10] : memref<327680xf32, #tpu.memory_space<hbm>> -> memref<10240xf32, #tpu.memory_space<hbm>>
      %dma_start3A_17 = tpu.memref_slice %arg3[%mul3A_10] : memref<327680xf32, #tpu.memory_space<hbm>> -> memref<10240xf32, #tpu.memory_space<hbm>>
      tpu.enqueue_dma source(%dma_start3A_17 : memref<10240xf32, #tpu.memory_space<hbm>>) target(%arg6 : memref<10240xf32, #tpu.memory_space<vmem>>) target_semaphore(%run_scoped3A : memref<!tpu.dma_semaphore, #tpu.memory_space<semaphore_mem>>)
      %dma_wait3A = tpu.memref_slice %arg3[%mul3A_10] : memref<327680xf32, #tpu.memory_space<hbm>> -> memref<10240xf32, #tpu.memory_space<hbm>>
      %dma_wait3A_18 = tpu.memref_slice %arg3[%mul3A_10] : memref<327680xf32, #tpu.memory_space<hbm>> -> memref<10240xf32, #tpu.memory_space<hbm>>
      tpu.wait_dma2 semaphore(%run_scoped3A : memref<!tpu.dma_semaphore, #tpu.memory_space<semaphore_mem>>) src(%dma_wait3A_18 : memref<10240xf32, #tpu.memory_space<hbm>>) dst(%arg6 : memref<10240xf32, #tpu.memory_space<vmem>>)
      tpu.yield
    }) : () -> ()
    %scan3A_11 = arith.constant 0 : i32
    %scan3A_12 = arith.constant 0 : i32
    %scan3A_13 = arith.constant 640 : i32
    %scan3A_14 = arith.addi %scan3A_12, %scan3A_13 : i32
    %scan3A_15 = arith.constant 1 : i32
    scf.for %scan3A_17 = %scan3A_12 to %scan3A_14 step %scan3A_15  : i32 {
      %mul3A_18 = arith.constant 16 : i32
      %mul3A_19 = arith.muli %scan3A_17, %mul3A_18 : i32
      %get3A = arith.index_cast %mul3A_19 : i32 to index
      %get3A_20 = tpu.vector_load %arg5[%get3A] {strides = array<i32>} : memref<10240xi32, #tpu.memory_space<vmem>>, vector<16xi32>,
      %mul3A_21 = arith.constant 16 : i32
      %mul3A_22 = arith.muli %scan3A_17, %mul3A_21 : i32
      %get3A_23 = arith.index_cast %mul3A_22 : i32 to index
      %get3A_24 = tpu.vector_load %arg6[%get3A_23] {strides = array<i32>} : memref<10240xf32, #tpu.memory_space<vmem>>, vector<16xf32>,
      tpu.vector_store_idx %arg7[%get3A_20], %get3A_24 {add = true} : memref<10240xf32, #tpu.memory_space<vmem>>[vector<16xi32>], vector<16xf32>,
    }
    %scan3A_16 = arith.constant 640 : i32
    "tpu.region"() ({
      %run_scoped3A = tpu.sem_alloc : memref<!tpu.dma_semaphore, #tpu.memory_space<semaphore_mem>>
      %dma_start3A = arith.constant 0 : i32
      %dma_start3A_17 = tpu.memref_slice %arg4[%add3A, %dma_start3A] : memref<32x10240xf32, #tpu.memory_space<hbm>> -> memref<1x10240xf32, #tpu.memory_space<hbm>>
      %dma_start3A_18 = tpu.memref_squeeze %dma_start3A_17 : memref<1x10240xf32, #tpu.memory_space<hbm>> -> memref<10240xf32, #tpu.memory_space<hbm>>
      %dma_start3A_19 = arith.constant 0 : i32
      %dma_start3A_20 = tpu.memref_slice %arg4[%add3A, %dma_start3A_19] : memref<32x10240xf32, #tpu.memory_space<hbm>> -> memref<1x10240xf32, #tpu.memory_space<hbm>>
      %dma_start3A_21 = tpu.memref_squeeze %dma_start3A_20 : memref<1x10240xf32, #tpu.memory_space<hbm>> -> memref<10240xf32, #tpu.memory_space<hbm>>
      tpu.enqueue_dma source(%arg7 : memref<10240xf32, #tpu.memory_space<vmem>>) target(%dma_start3A_21 : memref<10240xf32, #tpu.memory_space<hbm>>) target_semaphore(%run_scoped3A : memref<!tpu.dma_semaphore, #tpu.memory_space<semaphore_mem>>)
      %dma_wait3A = arith.constant 0 : i32
      %dma_wait3A_22 = tpu.memref_slice %arg4[%add3A, %dma_wait3A] : memref<32x10240xf32, #tpu.memory_space<hbm>> -> memref<1x10240xf32, #tpu.memory_space<hbm>>
      %dma_wait3A_23 = tpu.memref_squeeze %dma_wait3A_22 : memref<1x10240xf32, #tpu.memory_space<hbm>> -> memref<10240xf32, #tpu.memory_space<hbm>>
      %dma_wait3A_24 = arith.constant 0 : i32
      %dma_wait3A_25 = tpu.memref_slice %arg4[%add3A, %dma_wait3A_24] : memref<32x10240xf32, #tpu.memory_space<hbm>> -> memref<1x10240xf32, #tpu.memory_space<hbm>>
      %dma_wait3A_26 = tpu.memref_squeeze %dma_wait3A_25 : memref<1x10240xf32, #tpu.memory_space<hbm>> -> memref<10240xf32, #tpu.memory_space<hbm>>
      tpu.wait_dma2 semaphore(%run_scoped3A : memref<!tpu.dma_semaphore, #tpu.memory_space<semaphore_mem>>) src(%arg7 : memref<10240xf32, #tpu.memory_space<vmem>>) dst(%dma_wait3A_26 : memref<10240xf32, #tpu.memory_space<hbm>>)
      tpu.yield
    }) : () -> ()
    return
  }
}

#map = affine_map<(d0, d1) -> (0, 0)>
#map1 = affine_map<(d0, d1) -> (0)>
#map2 = affine_map<(d0, d1) -> (0, 0, 0)>
module attributes {stable_mosaic.version = 14 : i64} {
  func.func @_agg_kernel(%arg0: i32, %arg1: i32, %arg2: memref<10240x128xf32, #tpu.memory_space<hbm>>, %arg3: memref<327680xi32, #tpu.memory_space<hbm>>, %arg4: memref<327680xi32, #tpu.memory_space<hbm>>, %arg5: memref<327680xf32, #tpu.memory_space<hbm>>, %arg6: memref<2x10240x128xf32, #tpu.memory_space<hbm>>, %arg7: memref<128xi32, #tpu.memory_space<vmem>>, %arg8: memref<128xi32, #tpu.memory_space<vmem>>, %arg9: memref<128xf32, #tpu.memory_space<vmem>>, %arg10: memref<128x128xf32, #tpu.memory_space<vmem>>, %arg11: memref<10240x128xf32, #tpu.memory_space<vmem_shared>>, %arg12: memref<!tpu.dma_semaphore, #tpu.memory_space<semaphore_mem>>) attributes {dimension_semantics = [#tpu.dimension_semantics<core_parallel>, #tpu.dimension_semantics<subcore_parallel>], iteration_bounds = array<i64: 2, 16>, scalar_prefetch = 0 : i64, scratch_operands = 6 : i64, tpu.core_type = #tpu.core_type<sc_vector_subcore>, window_params = [{transform_indices = #map}, {transform_indices = #map1}, {transform_indices = #map1}, {transform_indices = #map1}, {transform_indices = #map2}]} {
    %mul3A = arith.constant 16 : i32
    %mul3A_0 = arith.muli %arg0, %mul3A : i32
    %add3A = arith.addi %mul3A_0, %arg1 : i32
    %broadcast_in_dim3A = arith.constant 0.000000e+00 : f32
    %broadcast_in_dim3A_1 = vector.broadcast %broadcast_in_dim3A : f32 to vector<16xf32>
    %scan3A = arith.constant 0 : i32
    %scan3A_2 = arith.constant 0 : i32
    %scan3A_3 = arith.constant 128 : i32
    %scan3A_4 = arith.addi %scan3A_2, %scan3A_3 : i32
    %scan3A_5 = arith.constant 1 : i32
    scf.for %scan3A_38 = %scan3A_2 to %scan3A_4 step %scan3A_5  : i32 {
      %swap3A = arith.index_cast %scan3A_38 : i32 to index
      %swap3A_39 = arith.constant 0 : index
      %swap3A_40 = tpu.vector_load %arg10[%swap3A, %swap3A_39] {strides = array<i32>} : memref<128x128xf32, #tpu.memory_space<vmem>>, vector<1x16xf32>,
      %swap3A_41 = vector.shape_cast %swap3A_40 : vector<1x16xf32> to vector<16xf32>
      %swap3A_42 = vector.shape_cast %broadcast_in_dim3A_1 : vector<16xf32> to vector<1x16xf32>
      tpu.vector_store %arg10[%swap3A, %swap3A_39], %swap3A_42 {strides = array<i32>} : memref<128x128xf32, #tpu.memory_space<vmem>>, vector<1x16xf32>,
      %swap3A_43 = arith.index_cast %scan3A_38 : i32 to index
      %swap3A_44 = arith.constant 16 : index
      %swap3A_45 = tpu.vector_load %arg10[%swap3A_43, %swap3A_44] {strides = array<i32>} : memref<128x128xf32, #tpu.memory_space<vmem>>, vector<1x16xf32>,
      %swap3A_46 = vector.shape_cast %swap3A_45 : vector<1x16xf32> to vector<16xf32>
      %swap3A_47 = vector.shape_cast %broadcast_in_dim3A_1 : vector<16xf32> to vector<1x16xf32>
      tpu.vector_store %arg10[%swap3A_43, %swap3A_44], %swap3A_47 {strides = array<i32>} : memref<128x128xf32, #tpu.memory_space<vmem>>, vector<1x16xf32>,
      %swap3A_48 = arith.index_cast %scan3A_38 : i32 to index
      %swap3A_49 = arith.constant 32 : index
      %swap3A_50 = tpu.vector_load %arg10[%swap3A_48, %swap3A_49] {strides = array<i32>} : memref<128x128xf32, #tpu.memory_space<vmem>>, vector<1x16xf32>,
      %swap3A_51 = vector.shape_cast %swap3A_50 : vector<1x16xf32> to vector<16xf32>
      %swap3A_52 = vector.shape_cast %broadcast_in_dim3A_1 : vector<16xf32> to vector<1x16xf32>
      tpu.vector_store %arg10[%swap3A_48, %swap3A_49], %swap3A_52 {strides = array<i32>} : memref<128x128xf32, #tpu.memory_space<vmem>>, vector<1x16xf32>,
      %swap3A_53 = arith.index_cast %scan3A_38 : i32 to index
      %swap3A_54 = arith.constant 48 : index
      %swap3A_55 = tpu.vector_load %arg10[%swap3A_53, %swap3A_54] {strides = array<i32>} : memref<128x128xf32, #tpu.memory_space<vmem>>, vector<1x16xf32>,
      %swap3A_56 = vector.shape_cast %swap3A_55 : vector<1x16xf32> to vector<16xf32>
      %swap3A_57 = vector.shape_cast %broadcast_in_dim3A_1 : vector<16xf32> to vector<1x16xf32>
      tpu.vector_store %arg10[%swap3A_53, %swap3A_54], %swap3A_57 {strides = array<i32>} : memref<128x128xf32, #tpu.memory_space<vmem>>, vector<1x16xf32>,
      %swap3A_58 = arith.index_cast %scan3A_38 : i32 to index
      %swap3A_59 = arith.constant 64 : index
      %swap3A_60 = tpu.vector_load %arg10[%swap3A_58, %swap3A_59] {strides = array<i32>} : memref<128x128xf32, #tpu.memory_space<vmem>>, vector<1x16xf32>,
      %swap3A_61 = vector.shape_cast %swap3A_60 : vector<1x16xf32> to vector<16xf32>
      %swap3A_62 = vector.shape_cast %broadcast_in_dim3A_1 : vector<16xf32> to vector<1x16xf32>
      tpu.vector_store %arg10[%swap3A_58, %swap3A_59], %swap3A_62 {strides = array<i32>} : memref<128x128xf32, #tpu.memory_space<vmem>>, vector<1x16xf32>,
      %swap3A_63 = arith.index_cast %scan3A_38 : i32 to index
      %swap3A_64 = arith.constant 80 : index
      %swap3A_65 = tpu.vector_load %arg10[%swap3A_63, %swap3A_64] {strides = array<i32>} : memref<128x128xf32, #tpu.memory_space<vmem>>, vector<1x16xf32>,
      %swap3A_66 = vector.shape_cast %swap3A_65 : vector<1x16xf32> to vector<16xf32>
      %swap3A_67 = vector.shape_cast %broadcast_in_dim3A_1 : vector<16xf32> to vector<1x16xf32>
      tpu.vector_store %arg10[%swap3A_63, %swap3A_64], %swap3A_67 {strides = array<i32>} : memref<128x128xf32, #tpu.memory_space<vmem>>, vector<1x16xf32>,
      %swap3A_68 = arith.index_cast %scan3A_38 : i32 to index
      %swap3A_69 = arith.constant 96 : index
      %swap3A_70 = tpu.vector_load %arg10[%swap3A_68, %swap3A_69] {strides = array<i32>} : memref<128x128xf32, #tpu.memory_space<vmem>>, vector<1x16xf32>,
      %swap3A_71 = vector.shape_cast %swap3A_70 : vector<1x16xf32> to vector<16xf32>
      %swap3A_72 = vector.shape_cast %broadcast_in_dim3A_1 : vector<16xf32> to vector<1x16xf32>
      tpu.vector_store %arg10[%swap3A_68, %swap3A_69], %swap3A_72 {strides = array<i32>} : memref<128x128xf32, #tpu.memory_space<vmem>>, vector<1x16xf32>,
      %swap3A_73 = arith.index_cast %scan3A_38 : i32 to index
      %swap3A_74 = arith.constant 112 : index
      %swap3A_75 = tpu.vector_load %arg10[%swap3A_73, %swap3A_74] {strides = array<i32>} : memref<128x128xf32, #tpu.memory_space<vmem>>, vector<1x16xf32>,
      %swap3A_76 = vector.shape_cast %swap3A_75 : vector<1x16xf32> to vector<16xf32>
      %swap3A_77 = vector.shape_cast %broadcast_in_dim3A_1 : vector<16xf32> to vector<1x16xf32>
      tpu.vector_store %arg10[%swap3A_73, %swap3A_74], %swap3A_77 {strides = array<i32>} : memref<128x128xf32, #tpu.memory_space<vmem>>, vector<1x16xf32>,
    }
    %scan3A_6 = arith.constant 128 : i32
    %mul3A_7 = arith.constant 640 : i32
    %mul3A_8 = arith.muli %arg1, %mul3A_7 : i32
    %add3A_9 = arith.constant 0 : i32
    %add3A_10 = arith.addi %mul3A_8, %add3A_9 : i32
    "tpu.region"() ({
      %run_scoped3A = tpu.sem_alloc : memref<!tpu.dma_semaphore, #tpu.memory_space<semaphore_mem>>
      %dma_start3A = arith.constant 0 : i32
      %dma_start3A_38 = tpu.memref_slice %arg11[%add3A_10, %dma_start3A] : memref<10240x128xf32, #tpu.memory_space<vmem_shared>> -> memref<128x128xf32, #tpu.memory_space<vmem_shared>>
      %dma_start3A_39 = arith.constant 0 : i32
      %dma_start3A_40 = tpu.memref_slice %arg11[%add3A_10, %dma_start3A_39] : memref<10240x128xf32, #tpu.memory_space<vmem_shared>> -> memref<128x128xf32, #tpu.memory_space<vmem_shared>>
      tpu.enqueue_dma source(%arg10 : memref<128x128xf32, #tpu.memory_space<vmem>>) target(%dma_start3A_40 : memref<128x128xf32, #tpu.memory_space<vmem_shared>>) target_semaphore(%run_scoped3A : memref<!tpu.dma_semaphore, #tpu.memory_space<semaphore_mem>>)
      %dma_wait3A = arith.constant 0 : i32
      %dma_wait3A_41 = tpu.memref_slice %arg11[%add3A_10, %dma_wait3A] : memref<10240x128xf32, #tpu.memory_space<vmem_shared>> -> memref<128x128xf32, #tpu.memory_space<vmem_shared>>
      %dma_wait3A_42 = arith.constant 0 : i32
      %dma_wait3A_43 = tpu.memref_slice %arg11[%add3A_10, %dma_wait3A_42] : memref<10240x128xf32, #tpu.memory_space<vmem_shared>> -> memref<128x128xf32, #tpu.memory_space<vmem_shared>>
      tpu.wait_dma2 semaphore(%run_scoped3A : memref<!tpu.dma_semaphore, #tpu.memory_space<semaphore_mem>>) src(%arg10 : memref<128x128xf32, #tpu.memory_space<vmem>>) dst(%dma_wait3A_43 : memref<128x128xf32, #tpu.memory_space<vmem_shared>>)
      tpu.yield
    }) : () -> ()
    %mul3A_11 = arith.constant 640 : i32
    %mul3A_12 = arith.muli %arg1, %mul3A_11 : i32
    %add3A_13 = arith.constant 128 : i32
    %add3A_14 = arith.addi %mul3A_12, %add3A_13 : i32
    "tpu.region"() ({
      %run_scoped3A = tpu.sem_alloc : memref<!tpu.dma_semaphore, #tpu.memory_space<semaphore_mem>>
      %dma_start3A = arith.constant 0 : i32
      %dma_start3A_38 = tpu.memref_slice %arg11[%add3A_14, %dma_start3A] : memref<10240x128xf32, #tpu.memory_space<vmem_shared>> -> memref<128x128xf32, #tpu.memory_space<vmem_shared>>
      %dma_start3A_39 = arith.constant 0 : i32
      %dma_start3A_40 = tpu.memref_slice %arg11[%add3A_14, %dma_start3A_39] : memref<10240x128xf32, #tpu.memory_space<vmem_shared>> -> memref<128x128xf32, #tpu.memory_space<vmem_shared>>
      tpu.enqueue_dma source(%arg10 : memref<128x128xf32, #tpu.memory_space<vmem>>) target(%dma_start3A_40 : memref<128x128xf32, #tpu.memory_space<vmem_shared>>) target_semaphore(%run_scoped3A : memref<!tpu.dma_semaphore, #tpu.memory_space<semaphore_mem>>)
      %dma_wait3A = arith.constant 0 : i32
      %dma_wait3A_41 = tpu.memref_slice %arg11[%add3A_14, %dma_wait3A] : memref<10240x128xf32, #tpu.memory_space<vmem_shared>> -> memref<128x128xf32, #tpu.memory_space<vmem_shared>>
      %dma_wait3A_42 = arith.constant 0 : i32
      %dma_wait3A_43 = tpu.memref_slice %arg11[%add3A_14, %dma_wait3A_42] : memref<10240x128xf32, #tpu.memory_space<vmem_shared>> -> memref<128x128xf32, #tpu.memory_space<vmem_shared>>
      tpu.wait_dma2 semaphore(%run_scoped3A : memref<!tpu.dma_semaphore, #tpu.memory_space<semaphore_mem>>) src(%arg10 : memref<128x128xf32, #tpu.memory_space<vmem>>) dst(%dma_wait3A_43 : memref<128x128xf32, #tpu.memory_space<vmem_shared>>)
      tpu.yield
    }) : () -> ()
    %mul3A_15 = arith.constant 640 : i32
    %mul3A_16 = arith.muli %arg1, %mul3A_15 : i32
    %add3A_17 = arith.constant 256 : i32
    %add3A_18 = arith.addi %mul3A_16, %add3A_17 : i32
    "tpu.region"() ({
      %run_scoped3A = tpu.sem_alloc : memref<!tpu.dma_semaphore, #tpu.memory_space<semaphore_mem>>
      %dma_start3A = arith.constant 0 : i32
      %dma_start3A_38 = tpu.memref_slice %arg11[%add3A_18, %dma_start3A] : memref<10240x128xf32, #tpu.memory_space<vmem_shared>> -> memref<128x128xf32, #tpu.memory_space<vmem_shared>>
      %dma_start3A_39 = arith.constant 0 : i32
      %dma_start3A_40 = tpu.memref_slice %arg11[%add3A_18, %dma_start3A_39] : memref<10240x128xf32, #tpu.memory_space<vmem_shared>> -> memref<128x128xf32, #tpu.memory_space<vmem_shared>>
      tpu.enqueue_dma source(%arg10 : memref<128x128xf32, #tpu.memory_space<vmem>>) target(%dma_start3A_40 : memref<128x128xf32, #tpu.memory_space<vmem_shared>>) target_semaphore(%run_scoped3A : memref<!tpu.dma_semaphore, #tpu.memory_space<semaphore_mem>>)
      %dma_wait3A = arith.constant 0 : i32
      %dma_wait3A_41 = tpu.memref_slice %arg11[%add3A_18, %dma_wait3A] : memref<10240x128xf32, #tpu.memory_space<vmem_shared>> -> memref<128x128xf32, #tpu.memory_space<vmem_shared>>
      %dma_wait3A_42 = arith.constant 0 : i32
      %dma_wait3A_43 = tpu.memref_slice %arg11[%add3A_18, %dma_wait3A_42] : memref<10240x128xf32, #tpu.memory_space<vmem_shared>> -> memref<128x128xf32, #tpu.memory_space<vmem_shared>>
      tpu.wait_dma2 semaphore(%run_scoped3A : memref<!tpu.dma_semaphore, #tpu.memory_space<semaphore_mem>>) src(%arg10 : memref<128x128xf32, #tpu.memory_space<vmem>>) dst(%dma_wait3A_43 : memref<128x128xf32, #tpu.memory_space<vmem_shared>>)
      tpu.yield
    }) : () -> ()
    %mul3A_19 = arith.constant 640 : i32
    %mul3A_20 = arith.muli %arg1, %mul3A_19 : i32
    %add3A_21 = arith.constant 384 : i32
    %add3A_22 = arith.addi %mul3A_20, %add3A_21 : i32
    "tpu.region"() ({
      %run_scoped3A = tpu.sem_alloc : memref<!tpu.dma_semaphore, #tpu.memory_space<semaphore_mem>>
      %dma_start3A = arith.constant 0 : i32
      %dma_start3A_38 = tpu.memref_slice %arg11[%add3A_22, %dma_start3A] : memref<10240x128xf32, #tpu.memory_space<vmem_shared>> -> memref<128x128xf32, #tpu.memory_space<vmem_shared>>
      %dma_start3A_39 = arith.constant 0 : i32
      %dma_start3A_40 = tpu.memref_slice %arg11[%add3A_22, %dma_start3A_39] : memref<10240x128xf32, #tpu.memory_space<vmem_shared>> -> memref<128x128xf32, #tpu.memory_space<vmem_shared>>
      tpu.enqueue_dma source(%arg10 : memref<128x128xf32, #tpu.memory_space<vmem>>) target(%dma_start3A_40 : memref<128x128xf32, #tpu.memory_space<vmem_shared>>) target_semaphore(%run_scoped3A : memref<!tpu.dma_semaphore, #tpu.memory_space<semaphore_mem>>)
      %dma_wait3A = arith.constant 0 : i32
      %dma_wait3A_41 = tpu.memref_slice %arg11[%add3A_22, %dma_wait3A] : memref<10240x128xf32, #tpu.memory_space<vmem_shared>> -> memref<128x128xf32, #tpu.memory_space<vmem_shared>>
      %dma_wait3A_42 = arith.constant 0 : i32
      %dma_wait3A_43 = tpu.memref_slice %arg11[%add3A_22, %dma_wait3A_42] : memref<10240x128xf32, #tpu.memory_space<vmem_shared>> -> memref<128x128xf32, #tpu.memory_space<vmem_shared>>
      tpu.wait_dma2 semaphore(%run_scoped3A : memref<!tpu.dma_semaphore, #tpu.memory_space<semaphore_mem>>) src(%arg10 : memref<128x128xf32, #tpu.memory_space<vmem>>) dst(%dma_wait3A_43 : memref<128x128xf32, #tpu.memory_space<vmem_shared>>)
      tpu.yield
    }) : () -> ()
    %mul3A_23 = arith.constant 640 : i32
    %mul3A_24 = arith.muli %arg1, %mul3A_23 : i32
    %add3A_25 = arith.constant 512 : i32
    %add3A_26 = arith.addi %mul3A_24, %add3A_25 : i32
    "tpu.region"() ({
      %run_scoped3A = tpu.sem_alloc : memref<!tpu.dma_semaphore, #tpu.memory_space<semaphore_mem>>
      %dma_start3A = arith.constant 0 : i32
      %dma_start3A_38 = tpu.memref_slice %arg11[%add3A_26, %dma_start3A] : memref<10240x128xf32, #tpu.memory_space<vmem_shared>> -> memref<128x128xf32, #tpu.memory_space<vmem_shared>>
      %dma_start3A_39 = arith.constant 0 : i32
      %dma_start3A_40 = tpu.memref_slice %arg11[%add3A_26, %dma_start3A_39] : memref<10240x128xf32, #tpu.memory_space<vmem_shared>> -> memref<128x128xf32, #tpu.memory_space<vmem_shared>>
      tpu.enqueue_dma source(%arg10 : memref<128x128xf32, #tpu.memory_space<vmem>>) target(%dma_start3A_40 : memref<128x128xf32, #tpu.memory_space<vmem_shared>>) target_semaphore(%run_scoped3A : memref<!tpu.dma_semaphore, #tpu.memory_space<semaphore_mem>>)
      %dma_wait3A = arith.constant 0 : i32
      %dma_wait3A_41 = tpu.memref_slice %arg11[%add3A_26, %dma_wait3A] : memref<10240x128xf32, #tpu.memory_space<vmem_shared>> -> memref<128x128xf32, #tpu.memory_space<vmem_shared>>
      %dma_wait3A_42 = arith.constant 0 : i32
      %dma_wait3A_43 = tpu.memref_slice %arg11[%add3A_26, %dma_wait3A_42] : memref<10240x128xf32, #tpu.memory_space<vmem_shared>> -> memref<128x128xf32, #tpu.memory_space<vmem_shared>>
      tpu.wait_dma2 semaphore(%run_scoped3A : memref<!tpu.dma_semaphore, #tpu.memory_space<semaphore_mem>>) src(%arg10 : memref<128x128xf32, #tpu.memory_space<vmem>>) dst(%dma_wait3A_43 : memref<128x128xf32, #tpu.memory_space<vmem_shared>>)
      tpu.yield
    }) : () -> ()
    %barrier3A = arith.constant 0 : index
    tpu.barrier barrier_id(%barrier3A)
    %scan3A_27 = arith.constant 0 : i32
    %scan3A_28 = arith.constant 0 : i32
    %scan3A_29 = arith.constant 80 : i32
    %scan3A_30 = arith.addi %scan3A_28, %scan3A_29 : i32
    %scan3A_31 = arith.constant 1 : i32
    scf.for %scan3A_38 = %scan3A_28 to %scan3A_30 step %scan3A_31  : i32 {
      %mul3A_39 = arith.constant 10240 : i32
      %mul3A_40 = arith.muli %add3A, %mul3A_39 : i32
      %mul3A_41 = arith.constant 128 : i32
      %mul3A_42 = arith.muli %scan3A_38, %mul3A_41 : i32
      %add3A_43 = arith.addi %mul3A_40, %mul3A_42 : i32
      "tpu.region"() ({
        %run_scoped3A = tpu.sem_alloc : memref<!tpu.dma_semaphore, #tpu.memory_space<semaphore_mem>>
        %dma_start3A_54 = tpu.memref_slice %arg3[%add3A_43] : memref<327680xi32, #tpu.memory_space<hbm>> -> memref<128xi32, #tpu.memory_space<hbm>>
        %dma_start3A_55 = tpu.memref_slice %arg3[%add3A_43] : memref<327680xi32, #tpu.memory_space<hbm>> -> memref<128xi32, #tpu.memory_space<hbm>>
        tpu.enqueue_dma source(%dma_start3A_55 : memref<128xi32, #tpu.memory_space<hbm>>) target(%arg7 : memref<128xi32, #tpu.memory_space<vmem>>) target_semaphore(%run_scoped3A : memref<!tpu.dma_semaphore, #tpu.memory_space<semaphore_mem>>)
        %dma_wait3A_56 = tpu.memref_slice %arg3[%add3A_43] : memref<327680xi32, #tpu.memory_space<hbm>> -> memref<128xi32, #tpu.memory_space<hbm>>
        %dma_wait3A_57 = tpu.memref_slice %arg3[%add3A_43] : memref<327680xi32, #tpu.memory_space<hbm>> -> memref<128xi32, #tpu.memory_space<hbm>>
        tpu.wait_dma2 semaphore(%run_scoped3A : memref<!tpu.dma_semaphore, #tpu.memory_space<semaphore_mem>>) src(%dma_wait3A_57 : memref<128xi32, #tpu.memory_space<hbm>>) dst(%arg7 : memref<128xi32, #tpu.memory_space<vmem>>)
        tpu.yield
      }) : () -> ()
      "tpu.region"() ({
        %run_scoped3A = tpu.sem_alloc : memref<!tpu.dma_semaphore, #tpu.memory_space<semaphore_mem>>
        %dma_start3A_54 = tpu.memref_slice %arg4[%add3A_43] : memref<327680xi32, #tpu.memory_space<hbm>> -> memref<128xi32, #tpu.memory_space<hbm>>
        %dma_start3A_55 = tpu.memref_slice %arg4[%add3A_43] : memref<327680xi32, #tpu.memory_space<hbm>> -> memref<128xi32, #tpu.memory_space<hbm>>
        tpu.enqueue_dma source(%dma_start3A_55 : memref<128xi32, #tpu.memory_space<hbm>>) target(%arg8 : memref<128xi32, #tpu.memory_space<vmem>>) target_semaphore(%run_scoped3A : memref<!tpu.dma_semaphore, #tpu.memory_space<semaphore_mem>>)
        %dma_wait3A_56 = tpu.memref_slice %arg4[%add3A_43] : memref<327680xi32, #tpu.memory_space<hbm>> -> memref<128xi32, #tpu.memory_space<hbm>>
        %dma_wait3A_57 = tpu.memref_slice %arg4[%add3A_43] : memref<327680xi32, #tpu.memory_space<hbm>> -> memref<128xi32, #tpu.memory_space<hbm>>
        tpu.wait_dma2 semaphore(%run_scoped3A : memref<!tpu.dma_semaphore, #tpu.memory_space<semaphore_mem>>) src(%dma_wait3A_57 : memref<128xi32, #tpu.memory_space<hbm>>) dst(%arg8 : memref<128xi32, #tpu.memory_space<vmem>>)
        tpu.yield
      }) : () -> ()
      "tpu.region"() ({
        %run_scoped3A = tpu.sem_alloc : memref<!tpu.dma_semaphore, #tpu.memory_space<semaphore_mem>>
        %dma_start3A_54 = tpu.memref_slice %arg5[%add3A_43] : memref<327680xf32, #tpu.memory_space<hbm>> -> memref<128xf32, #tpu.memory_space<hbm>>
        %dma_start3A_55 = tpu.memref_slice %arg5[%add3A_43] : memref<327680xf32, #tpu.memory_space<hbm>> -> memref<128xf32, #tpu.memory_space<hbm>>
        tpu.enqueue_dma source(%dma_start3A_55 : memref<128xf32, #tpu.memory_space<hbm>>) target(%arg9 : memref<128xf32, #tpu.memory_space<vmem>>) target_semaphore(%run_scoped3A : memref<!tpu.dma_semaphore, #tpu.memory_space<semaphore_mem>>)
        %dma_wait3A_56 = tpu.memref_slice %arg5[%add3A_43] : memref<327680xf32, #tpu.memory_space<hbm>> -> memref<128xf32, #tpu.memory_space<hbm>>
        %dma_wait3A_57 = tpu.memref_slice %arg5[%add3A_43] : memref<327680xf32, #tpu.memory_space<hbm>> -> memref<128xf32, #tpu.memory_space<hbm>>
        tpu.wait_dma2 semaphore(%run_scoped3A : memref<!tpu.dma_semaphore, #tpu.memory_space<semaphore_mem>>) src(%dma_wait3A_57 : memref<128xf32, #tpu.memory_space<hbm>>) dst(%arg9 : memref<128xf32, #tpu.memory_space<vmem>>)
        tpu.yield
      }) : () -> ()
      %dma_start3A = arith.constant 0 : i32
      %dma_start3A_44 = arith.constant 0 : i32
      %dma_start3A_45 = tpu.memref_slice %arg2[%dma_start3A, %dma_start3A_44] : memref<10240x128xf32, #tpu.memory_space<hbm>> -> memref<10240x128xf32, #tpu.memory_space<hbm>>
      tpu.enqueue_indirect_dma source(%dma_start3A_45 : memref<10240x128xf32, #tpu.memory_space<hbm>>) target(%arg10 : memref<128x128xf32, #tpu.memory_space<vmem>>) offsets(%arg7 : memref<128xi32, #tpu.memory_space<vmem>>) semaphore(%arg12 : memref<!tpu.dma_semaphore, #tpu.memory_space<semaphore_mem>>)
      %dma_wait3A = arith.constant 0 : i32
      %dma_wait3A_46 = arith.constant 0 : i32
      %dma_wait3A_47 = tpu.memref_slice %arg2[%dma_wait3A, %dma_wait3A_46] : memref<10240x128xf32, #tpu.memory_space<hbm>> -> memref<10240x128xf32, #tpu.memory_space<hbm>>
      tpu.wait_indirect_dma semaphore(%arg12 : memref<!tpu.dma_semaphore, #tpu.memory_space<semaphore_mem>>) src(%dma_wait3A_47 : memref<10240x128xf32, #tpu.memory_space<hbm>>) dst(%arg10 : memref<128x128xf32, #tpu.memory_space<vmem>>)
      %scan3A_48 = arith.constant 0 : i32
      %scan3A_49 = arith.constant 0 : i32
      %scan3A_50 = arith.constant 8 : i32
      %scan3A_51 = arith.addi %scan3A_49, %scan3A_50 : i32
      %scan3A_52 = arith.constant 1 : i32
      scf.for %scan3A_54 = %scan3A_49 to %scan3A_51 step %scan3A_52  : i32 {
        %mul3A_55 = arith.constant 16 : i32
        %mul3A_56 = arith.muli %scan3A_54, %mul3A_55 : i32
        %get3A = arith.index_cast %mul3A_56 : i32 to index
        %get3A_57 = tpu.vector_load %arg9[%get3A] {strides = array<i32>} : memref<128xf32, #tpu.memory_space<vmem>>, vector<16xf32>,
        %get3A_58 = vector.shape_cast %get3A_57 : vector<16xf32> to vector<16xf32>
        %slice3A = vector.extract_strided_slice %get3A_58 {offsets = [0], sizes = [1], strides = [1]} : vector<16xf32> to vector<1xf32>
        %squeeze3A = vector.extract %slice3A[0] : f32 from vector<1xf32>
        %mul3A_59 = arith.constant 16 : i32
        %mul3A_60 = arith.muli %scan3A_54, %mul3A_59 : i32
        %add3A_61 = arith.constant 0 : i32
        %add3A_62 = arith.addi %mul3A_60, %add3A_61 : i32
        %get3A_63 = arith.index_cast %add3A_62 : i32 to index
        %get3A_64 = arith.constant 0 : index
        %get3A_65 = tpu.vector_load %arg10[%get3A_63, %get3A_64] {strides = array<i32>} : memref<128x128xf32, #tpu.memory_space<vmem>>, vector<1x16xf32>,
        %get3A_66 = vector.shape_cast %get3A_65 : vector<1x16xf32> to vector<16xf32>
        %mul3A_67 = vector.broadcast %squeeze3A : f32 to vector<16xf32>
        %mul3A_68 = arith.mulf %get3A_66, %mul3A_67 : vector<16xf32>
        %swap3A = arith.index_cast %add3A_62 : i32 to index
        %swap3A_69 = arith.constant 0 : index
        %swap3A_70 = tpu.vector_load %arg10[%swap3A, %swap3A_69] {strides = array<i32>} : memref<128x128xf32, #tpu.memory_space<vmem>>, vector<1x16xf32>,
        %swap3A_71 = vector.shape_cast %swap3A_70 : vector<1x16xf32> to vector<16xf32>
        %swap3A_72 = vector.shape_cast %mul3A_68 : vector<16xf32> to vector<1x16xf32>
        tpu.vector_store %arg10[%swap3A, %swap3A_69], %swap3A_72 {strides = array<i32>} : memref<128x128xf32, #tpu.memory_space<vmem>>, vector<1x16xf32>,
        %get3A_73 = arith.index_cast %add3A_62 : i32 to index
        %get3A_74 = arith.constant 16 : index
        %get3A_75 = tpu.vector_load %arg10[%get3A_73, %get3A_74] {strides = array<i32>} : memref<128x128xf32, #tpu.memory_space<vmem>>, vector<1x16xf32>,
        %get3A_76 = vector.shape_cast %get3A_75 : vector<1x16xf32> to vector<16xf32>
        %mul3A_77 = vector.broadcast %squeeze3A : f32 to vector<16xf32>
        %mul3A_78 = arith.mulf %get3A_76, %mul3A_77 : vector<16xf32>
        %swap3A_79 = arith.index_cast %add3A_62 : i32 to index
        %swap3A_80 = arith.constant 16 : index
        %swap3A_81 = tpu.vector_load %arg10[%swap3A_79, %swap3A_80] {strides = array<i32>} : memref<128x128xf32, #tpu.memory_space<vmem>>, vector<1x16xf32>,
        %swap3A_82 = vector.shape_cast %swap3A_81 : vector<1x16xf32> to vector<16xf32>
        %swap3A_83 = vector.shape_cast %mul3A_78 : vector<16xf32> to vector<1x16xf32>
        tpu.vector_store %arg10[%swap3A_79, %swap3A_80], %swap3A_83 {strides = array<i32>} : memref<128x128xf32, #tpu.memory_space<vmem>>, vector<1x16xf32>,
        %get3A_84 = arith.index_cast %add3A_62 : i32 to index
        %get3A_85 = arith.constant 32 : index
        %get3A_86 = tpu.vector_load %arg10[%get3A_84, %get3A_85] {strides = array<i32>} : memref<128x128xf32, #tpu.memory_space<vmem>>, vector<1x16xf32>,
        %get3A_87 = vector.shape_cast %get3A_86 : vector<1x16xf32> to vector<16xf32>
        %mul3A_88 = vector.broadcast %squeeze3A : f32 to vector<16xf32>
        %mul3A_89 = arith.mulf %get3A_87, %mul3A_88 : vector<16xf32>
        %swap3A_90 = arith.index_cast %add3A_62 : i32 to index
        %swap3A_91 = arith.constant 32 : index
        %swap3A_92 = tpu.vector_load %arg10[%swap3A_90, %swap3A_91] {strides = array<i32>} : memref<128x128xf32, #tpu.memory_space<vmem>>, vector<1x16xf32>,
        %swap3A_93 = vector.shape_cast %swap3A_92 : vector<1x16xf32> to vector<16xf32>
        %swap3A_94 = vector.shape_cast %mul3A_89 : vector<16xf32> to vector<1x16xf32>
        tpu.vector_store %arg10[%swap3A_90, %swap3A_91], %swap3A_94 {strides = array<i32>} : memref<128x128xf32, #tpu.memory_space<vmem>>, vector<1x16xf32>,
        %get3A_95 = arith.index_cast %add3A_62 : i32 to index
        %get3A_96 = arith.constant 48 : index
        %get3A_97 = tpu.vector_load %arg10[%get3A_95, %get3A_96] {strides = array<i32>} : memref<128x128xf32, #tpu.memory_space<vmem>>, vector<1x16xf32>,
        %get3A_98 = vector.shape_cast %get3A_97 : vector<1x16xf32> to vector<16xf32>
        %mul3A_99 = vector.broadcast %squeeze3A : f32 to vector<16xf32>
        %mul3A_100 = arith.mulf %get3A_98, %mul3A_99 : vector<16xf32>
        %swap3A_101 = arith.index_cast %add3A_62 : i32 to index
        %swap3A_102 = arith.constant 48 : index
        %swap3A_103 = tpu.vector_load %arg10[%swap3A_101, %swap3A_102] {strides = array<i32>} : memref<128x128xf32, #tpu.memory_space<vmem>>, vector<1x16xf32>,
        %swap3A_104 = vector.shape_cast %swap3A_103 : vector<1x16xf32> to vector<16xf32>
        %swap3A_105 = vector.shape_cast %mul3A_100 : vector<16xf32> to vector<1x16xf32>
        tpu.vector_store %arg10[%swap3A_101, %swap3A_102], %swap3A_105 {strides = array<i32>} : memref<128x128xf32, #tpu.memory_space<vmem>>, vector<1x16xf32>,
        %get3A_106 = arith.index_cast %add3A_62 : i32 to index
        %get3A_107 = arith.constant 64 : index
        %get3A_108 = tpu.vector_load %arg10[%get3A_106, %get3A_107] {strides = array<i32>} : memref<128x128xf32, #tpu.memory_space<vmem>>, vector<1x16xf32>,
        %get3A_109 = vector.shape_cast %get3A_108 : vector<1x16xf32> to vector<16xf32>
        %mul3A_110 = vector.broadcast %squeeze3A : f32 to vector<16xf32>
        %mul3A_111 = arith.mulf %get3A_109, %mul3A_110 : vector<16xf32>
        %swap3A_112 = arith.index_cast %add3A_62 : i32 to index
        %swap3A_113 = arith.constant 64 : index
        %swap3A_114 = tpu.vector_load %arg10[%swap3A_112, %swap3A_113] {strides = array<i32>} : memref<128x128xf32, #tpu.memory_space<vmem>>, vector<1x16xf32>,
        %swap3A_115 = vector.shape_cast %swap3A_114 : vector<1x16xf32> to vector<16xf32>
        %swap3A_116 = vector.shape_cast %mul3A_111 : vector<16xf32> to vector<1x16xf32>
        tpu.vector_store %arg10[%swap3A_112, %swap3A_113], %swap3A_116 {strides = array<i32>} : memref<128x128xf32, #tpu.memory_space<vmem>>, vector<1x16xf32>,
        %get3A_117 = arith.index_cast %add3A_62 : i32 to index
        %get3A_118 = arith.constant 80 : index
        %get3A_119 = tpu.vector_load %arg10[%get3A_117, %get3A_118] {strides = array<i32>} : memref<128x128xf32, #tpu.memory_space<vmem>>, vector<1x16xf32>,
        %get3A_120 = vector.shape_cast %get3A_119 : vector<1x16xf32> to vector<16xf32>
        %mul3A_121 = vector.broadcast %squeeze3A : f32 to vector<16xf32>
        %mul3A_122 = arith.mulf %get3A_120, %mul3A_121 : vector<16xf32>
        %swap3A_123 = arith.index_cast %add3A_62 : i32 to index
        %swap3A_124 = arith.constant 80 : index
        %swap3A_125 = tpu.vector_load %arg10[%swap3A_123, %swap3A_124] {strides = array<i32>} : memref<128x128xf32, #tpu.memory_space<vmem>>, vector<1x16xf32>,
        %swap3A_126 = vector.shape_cast %swap3A_125 : vector<1x16xf32> to vector<16xf32>
        %swap3A_127 = vector.shape_cast %mul3A_122 : vector<16xf32> to vector<1x16xf32>
        tpu.vector_store %arg10[%swap3A_123, %swap3A_124], %swap3A_127 {strides = array<i32>} : memref<128x128xf32, #tpu.memory_space<vmem>>, vector<1x16xf32>,
        %get3A_128 = arith.index_cast %add3A_62 : i32 to index
        %get3A_129 = arith.constant 96 : index
        %get3A_130 = tpu.vector_load %arg10[%get3A_128, %get3A_129] {strides = array<i32>} : memref<128x128xf32, #tpu.memory_space<vmem>>, vector<1x16xf32>,
        %get3A_131 = vector.shape_cast %get3A_130 : vector<1x16xf32> to vector<16xf32>
        %mul3A_132 = vector.broadcast %squeeze3A : f32 to vector<16xf32>
        %mul3A_133 = arith.mulf %get3A_131, %mul3A_132 : vector<16xf32>
        %swap3A_134 = arith.index_cast %add3A_62 : i32 to index
        %swap3A_135 = arith.constant 96 : index
        %swap3A_136 = tpu.vector_load %arg10[%swap3A_134, %swap3A_135] {strides = array<i32>} : memref<128x128xf32, #tpu.memory_space<vmem>>, vector<1x16xf32>,
        %swap3A_137 = vector.shape_cast %swap3A_136 : vector<1x16xf32> to vector<16xf32>
        %swap3A_138 = vector.shape_cast %mul3A_133 : vector<16xf32> to vector<1x16xf32>
        tpu.vector_store %arg10[%swap3A_134, %swap3A_135], %swap3A_138 {strides = array<i32>} : memref<128x128xf32, #tpu.memory_space<vmem>>, vector<1x16xf32>,
        %get3A_139 = arith.index_cast %add3A_62 : i32 to index
        %get3A_140 = arith.constant 112 : index
        %get3A_141 = tpu.vector_load %arg10[%get3A_139, %get3A_140] {strides = array<i32>} : memref<128x128xf32, #tpu.memory_space<vmem>>, vector<1x16xf32>,
        %get3A_142 = vector.shape_cast %get3A_141 : vector<1x16xf32> to vector<16xf32>
        %mul3A_143 = vector.broadcast %squeeze3A : f32 to vector<16xf32>
        %mul3A_144 = arith.mulf %get3A_142, %mul3A_143 : vector<16xf32>
        %swap3A_145 = arith.index_cast %add3A_62 : i32 to index
        %swap3A_146 = arith.constant 112 : index
        %swap3A_147 = tpu.vector_load %arg10[%swap3A_145, %swap3A_146] {strides = array<i32>} : memref<128x128xf32, #tpu.memory_space<vmem>>, vector<1x16xf32>,
        %swap3A_148 = vector.shape_cast %swap3A_147 : vector<1x16xf32> to vector<16xf32>
        %swap3A_149 = vector.shape_cast %mul3A_144 : vector<16xf32> to vector<1x16xf32>
        tpu.vector_store %arg10[%swap3A_145, %swap3A_146], %swap3A_149 {strides = array<i32>} : memref<128x128xf32, #tpu.memory_space<vmem>>, vector<1x16xf32>,
        %slice3A_150 = vector.extract_strided_slice %get3A_58 {offsets = [1], sizes = [1], strides = [1]} : vector<16xf32> to vector<1xf32>
        %squeeze3A_151 = vector.extract %slice3A_150[0] : f32 from vector<1xf32>
        %mul3A_152 = arith.constant 16 : i32
        %mul3A_153 = arith.muli %scan3A_54, %mul3A_152 : i32
        %add3A_154 = arith.constant 1 : i32
        %add3A_155 = arith.addi %mul3A_153, %add3A_154 : i32
        %get3A_156 = arith.index_cast %add3A_155 : i32 to index
        %get3A_157 = arith.constant 0 : index
        %get3A_158 = tpu.vector_load %arg10[%get3A_156, %get3A_157] {strides = array<i32>} : memref<128x128xf32, #tpu.memory_space<vmem>>, vector<1x16xf32>,
        %get3A_159 = vector.shape_cast %get3A_158 : vector<1x16xf32> to vector<16xf32>
        %mul3A_160 = vector.broadcast %squeeze3A_151 : f32 to vector<16xf32>
        %mul3A_161 = arith.mulf %get3A_159, %mul3A_160 : vector<16xf32>
        %swap3A_162 = arith.index_cast %add3A_155 : i32 to index
        %swap3A_163 = arith.constant 0 : index
        %swap3A_164 = tpu.vector_load %arg10[%swap3A_162, %swap3A_163] {strides = array<i32>} : memref<128x128xf32, #tpu.memory_space<vmem>>, vector<1x16xf32>,
        %swap3A_165 = vector.shape_cast %swap3A_164 : vector<1x16xf32> to vector<16xf32>
        %swap3A_166 = vector.shape_cast %mul3A_161 : vector<16xf32> to vector<1x16xf32>
        tpu.vector_store %arg10[%swap3A_162, %swap3A_163], %swap3A_166 {strides = array<i32>} : memref<128x128xf32, #tpu.memory_space<vmem>>, vector<1x16xf32>,
        %get3A_167 = arith.index_cast %add3A_155 : i32 to index
        %get3A_168 = arith.constant 16 : index
        %get3A_169 = tpu.vector_load %arg10[%get3A_167, %get3A_168] {strides = array<i32>} : memref<128x128xf32, #tpu.memory_space<vmem>>, vector<1x16xf32>,
        %get3A_170 = vector.shape_cast %get3A_169 : vector<1x16xf32> to vector<16xf32>
        %mul3A_171 = vector.broadcast %squeeze3A_151 : f32 to vector<16xf32>
        %mul3A_172 = arith.mulf %get3A_170, %mul3A_171 : vector<16xf32>
        %swap3A_173 = arith.index_cast %add3A_155 : i32 to index
        %swap3A_174 = arith.constant 16 : index
        %swap3A_175 = tpu.vector_load %arg10[%swap3A_173, %swap3A_174] {strides = array<i32>} : memref<128x128xf32, #tpu.memory_space<vmem>>, vector<1x16xf32>,
        %swap3A_176 = vector.shape_cast %swap3A_175 : vector<1x16xf32> to vector<16xf32>
        %swap3A_177 = vector.shape_cast %mul3A_172 : vector<16xf32> to vector<1x16xf32>
        tpu.vector_store %arg10[%swap3A_173, %swap3A_174], %swap3A_177 {strides = array<i32>} : memref<128x128xf32, #tpu.memory_space<vmem>>, vector<1x16xf32>,
        %get3A_178 = arith.index_cast %add3A_155 : i32 to index
        %get3A_179 = arith.constant 32 : index
        %get3A_180 = tpu.vector_load %arg10[%get3A_178, %get3A_179] {strides = array<i32>} : memref<128x128xf32, #tpu.memory_space<vmem>>, vector<1x16xf32>,
        %get3A_181 = vector.shape_cast %get3A_180 : vector<1x16xf32> to vector<16xf32>
        %mul3A_182 = vector.broadcast %squeeze3A_151 : f32 to vector<16xf32>
        %mul3A_183 = arith.mulf %get3A_181, %mul3A_182 : vector<16xf32>
        %swap3A_184 = arith.index_cast %add3A_155 : i32 to index
        %swap3A_185 = arith.constant 32 : index
        %swap3A_186 = tpu.vector_load %arg10[%swap3A_184, %swap3A_185] {strides = array<i32>} : memref<128x128xf32, #tpu.memory_space<vmem>>, vector<1x16xf32>,
        %swap3A_187 = vector.shape_cast %swap3A_186 : vector<1x16xf32> to vector<16xf32>
        %swap3A_188 = vector.shape_cast %mul3A_183 : vector<16xf32> to vector<1x16xf32>
        tpu.vector_store %arg10[%swap3A_184, %swap3A_185], %swap3A_188 {strides = array<i32>} : memref<128x128xf32, #tpu.memory_space<vmem>>, vector<1x16xf32>,
        %get3A_189 = arith.index_cast %add3A_155 : i32 to index
        %get3A_190 = arith.constant 48 : index
        %get3A_191 = tpu.vector_load %arg10[%get3A_189, %get3A_190] {strides = array<i32>} : memref<128x128xf32, #tpu.memory_space<vmem>>, vector<1x16xf32>,
        %get3A_192 = vector.shape_cast %get3A_191 : vector<1x16xf32> to vector<16xf32>
        %mul3A_193 = vector.broadcast %squeeze3A_151 : f32 to vector<16xf32>
        %mul3A_194 = arith.mulf %get3A_192, %mul3A_193 : vector<16xf32>
        %swap3A_195 = arith.index_cast %add3A_155 : i32 to index
        %swap3A_196 = arith.constant 48 : index
        %swap3A_197 = tpu.vector_load %arg10[%swap3A_195, %swap3A_196] {strides = array<i32>} : memref<128x128xf32, #tpu.memory_space<vmem>>, vector<1x16xf32>,
        %swap3A_198 = vector.shape_cast %swap3A_197 : vector<1x16xf32> to vector<16xf32>
        %swap3A_199 = vector.shape_cast %mul3A_194 : vector<16xf32> to vector<1x16xf32>
        tpu.vector_store %arg10[%swap3A_195, %swap3A_196], %swap3A_199 {strides = array<i32>} : memref<128x128xf32, #tpu.memory_space<vmem>>, vector<1x16xf32>,
        %get3A_200 = arith.index_cast %add3A_155 : i32 to index
        %get3A_201 = arith.constant 64 : index
        %get3A_202 = tpu.vector_load %arg10[%get3A_200, %get3A_201] {strides = array<i32>} : memref<128x128xf32, #tpu.memory_space<vmem>>, vector<1x16xf32>,
        %get3A_203 = vector.shape_cast %get3A_202 : vector<1x16xf32> to vector<16xf32>
        %mul3A_204 = vector.broadcast %squeeze3A_151 : f32 to vector<16xf32>
        %mul3A_205 = arith.mulf %get3A_203, %mul3A_204 : vector<16xf32>
        %swap3A_206 = arith.index_cast %add3A_155 : i32 to index
        %swap3A_207 = arith.constant 64 : index
        %swap3A_208 = tpu.vector_load %arg10[%swap3A_206, %swap3A_207] {strides = array<i32>} : memref<128x128xf32, #tpu.memory_space<vmem>>, vector<1x16xf32>,
        %swap3A_209 = vector.shape_cast %swap3A_208 : vector<1x16xf32> to vector<16xf32>
        %swap3A_210 = vector.shape_cast %mul3A_205 : vector<16xf32> to vector<1x16xf32>
        tpu.vector_store %arg10[%swap3A_206, %swap3A_207], %swap3A_210 {strides = array<i32>} : memref<128x128xf32, #tpu.memory_space<vmem>>, vector<1x16xf32>,
        %get3A_211 = arith.index_cast %add3A_155 : i32 to index
        %get3A_212 = arith.constant 80 : index
        %get3A_213 = tpu.vector_load %arg10[%get3A_211, %get3A_212] {strides = array<i32>} : memref<128x128xf32, #tpu.memory_space<vmem>>, vector<1x16xf32>,
        %get3A_214 = vector.shape_cast %get3A_213 : vector<1x16xf32> to vector<16xf32>
        %mul3A_215 = vector.broadcast %squeeze3A_151 : f32 to vector<16xf32>
        %mul3A_216 = arith.mulf %get3A_214, %mul3A_215 : vector<16xf32>
        %swap3A_217 = arith.index_cast %add3A_155 : i32 to index
        %swap3A_218 = arith.constant 80 : index
        %swap3A_219 = tpu.vector_load %arg10[%swap3A_217, %swap3A_218] {strides = array<i32>} : memref<128x128xf32, #tpu.memory_space<vmem>>, vector<1x16xf32>,
        %swap3A_220 = vector.shape_cast %swap3A_219 : vector<1x16xf32> to vector<16xf32>
        %swap3A_221 = vector.shape_cast %mul3A_216 : vector<16xf32> to vector<1x16xf32>
        tpu.vector_store %arg10[%swap3A_217, %swap3A_218], %swap3A_221 {strides = array<i32>} : memref<128x128xf32, #tpu.memory_space<vmem>>, vector<1x16xf32>,
        %get3A_222 = arith.index_cast %add3A_155 : i32 to index
        %get3A_223 = arith.constant 96 : index
        %get3A_224 = tpu.vector_load %arg10[%get3A_222, %get3A_223] {strides = array<i32>} : memref<128x128xf32, #tpu.memory_space<vmem>>, vector<1x16xf32>,
        %get3A_225 = vector.shape_cast %get3A_224 : vector<1x16xf32> to vector<16xf32>
        %mul3A_226 = vector.broadcast %squeeze3A_151 : f32 to vector<16xf32>
        %mul3A_227 = arith.mulf %get3A_225, %mul3A_226 : vector<16xf32>
        %swap3A_228 = arith.index_cast %add3A_155 : i32 to index
        %swap3A_229 = arith.constant 96 : index
        %swap3A_230 = tpu.vector_load %arg10[%swap3A_228, %swap3A_229] {strides = array<i32>} : memref<128x128xf32, #tpu.memory_space<vmem>>, vector<1x16xf32>,
        %swap3A_231 = vector.shape_cast %swap3A_230 : vector<1x16xf32> to vector<16xf32>
        %swap3A_232 = vector.shape_cast %mul3A_227 : vector<16xf32> to vector<1x16xf32>
        tpu.vector_store %arg10[%swap3A_228, %swap3A_229], %swap3A_232 {strides = array<i32>} : memref<128x128xf32, #tpu.memory_space<vmem>>, vector<1x16xf32>,
        %get3A_233 = arith.index_cast %add3A_155 : i32 to index
        %get3A_234 = arith.constant 112 : index
        %get3A_235 = tpu.vector_load %arg10[%get3A_233, %get3A_234] {strides = array<i32>} : memref<128x128xf32, #tpu.memory_space<vmem>>, vector<1x16xf32>,
        %get3A_236 = vector.shape_cast %get3A_235 : vector<1x16xf32> to vector<16xf32>
        %mul3A_237 = vector.broadcast %squeeze3A_151 : f32 to vector<16xf32>
        %mul3A_238 = arith.mulf %get3A_236, %mul3A_237 : vector<16xf32>
        %swap3A_239 = arith.index_cast %add3A_155 : i32 to index
        %swap3A_240 = arith.constant 112 : index
        %swap3A_241 = tpu.vector_load %arg10[%swap3A_239, %swap3A_240] {strides = array<i32>} : memref<128x128xf32, #tpu.memory_space<vmem>>, vector<1x16xf32>,
        %swap3A_242 = vector.shape_cast %swap3A_241 : vector<1x16xf32> to vector<16xf32>
        %swap3A_243 = vector.shape_cast %mul3A_238 : vector<16xf32> to vector<1x16xf32>
        tpu.vector_store %arg10[%swap3A_239, %swap3A_240], %swap3A_243 {strides = array<i32>} : memref<128x128xf32, #tpu.memory_space<vmem>>, vector<1x16xf32>,
        %slice3A_244 = vector.extract_strided_slice %get3A_58 {offsets = [2], sizes = [1], strides = [1]} : vector<16xf32> to vector<1xf32>
        %squeeze3A_245 = vector.extract %slice3A_244[0] : f32 from vector<1xf32>
        %mul3A_246 = arith.constant 16 : i32
        %mul3A_247 = arith.muli %scan3A_54, %mul3A_246 : i32
        %add3A_248 = arith.constant 2 : i32
        %add3A_249 = arith.addi %mul3A_247, %add3A_248 : i32
        %get3A_250 = arith.index_cast %add3A_249 : i32 to index
        %get3A_251 = arith.constant 0 : index
        %get3A_252 = tpu.vector_load %arg10[%get3A_250, %get3A_251] {strides = array<i32>} : memref<128x128xf32, #tpu.memory_space<vmem>>, vector<1x16xf32>,
        %get3A_253 = vector.shape_cast %get3A_252 : vector<1x16xf32> to vector<16xf32>
        %mul3A_254 = vector.broadcast %squeeze3A_245 : f32 to vector<16xf32>
        %mul3A_255 = arith.mulf %get3A_253, %mul3A_254 : vector<16xf32>
        %swap3A_256 = arith.index_cast %add3A_249 : i32 to index
        %swap3A_257 = arith.constant 0 : index
        %swap3A_258 = tpu.vector_load %arg10[%swap3A_256, %swap3A_257] {strides = array<i32>} : memref<128x128xf32, #tpu.memory_space<vmem>>, vector<1x16xf32>,
        %swap3A_259 = vector.shape_cast %swap3A_258 : vector<1x16xf32> to vector<16xf32>
        %swap3A_260 = vector.shape_cast %mul3A_255 : vector<16xf32> to vector<1x16xf32>
        tpu.vector_store %arg10[%swap3A_256, %swap3A_257], %swap3A_260 {strides = array<i32>} : memref<128x128xf32, #tpu.memory_space<vmem>>, vector<1x16xf32>,
        %get3A_261 = arith.index_cast %add3A_249 : i32 to index
        %get3A_262 = arith.constant 16 : index
        %get3A_263 = tpu.vector_load %arg10[%get3A_261, %get3A_262] {strides = array<i32>} : memref<128x128xf32, #tpu.memory_space<vmem>>, vector<1x16xf32>,
        %get3A_264 = vector.shape_cast %get3A_263 : vector<1x16xf32> to vector<16xf32>
        %mul3A_265 = vector.broadcast %squeeze3A_245 : f32 to vector<16xf32>
        %mul3A_266 = arith.mulf %get3A_264, %mul3A_265 : vector<16xf32>
        %swap3A_267 = arith.index_cast %add3A_249 : i32 to index
        %swap3A_268 = arith.constant 16 : index
        %swap3A_269 = tpu.vector_load %arg10[%swap3A_267, %swap3A_268] {strides = array<i32>} : memref<128x128xf32, #tpu.memory_space<vmem>>, vector<1x16xf32>,
        %swap3A_270 = vector.shape_cast %swap3A_269 : vector<1x16xf32> to vector<16xf32>
        %swap3A_271 = vector.shape_cast %mul3A_266 : vector<16xf32> to vector<1x16xf32>
        tpu.vector_store %arg10[%swap3A_267, %swap3A_268], %swap3A_271 {strides = array<i32>} : memref<128x128xf32, #tpu.memory_space<vmem>>, vector<1x16xf32>,
        %get3A_272 = arith.index_cast %add3A_249 : i32 to index
        %get3A_273 = arith.constant 32 : index
        %get3A_274 = tpu.vector_load %arg10[%get3A_272, %get3A_273] {strides = array<i32>} : memref<128x128xf32, #tpu.memory_space<vmem>>, vector<1x16xf32>,
        %get3A_275 = vector.shape_cast %get3A_274 : vector<1x16xf32> to vector<16xf32>
        %mul3A_276 = vector.broadcast %squeeze3A_245 : f32 to vector<16xf32>
        %mul3A_277 = arith.mulf %get3A_275, %mul3A_276 : vector<16xf32>
        %swap3A_278 = arith.index_cast %add3A_249 : i32 to index
        %swap3A_279 = arith.constant 32 : index
        %swap3A_280 = tpu.vector_load %arg10[%swap3A_278, %swap3A_279] {strides = array<i32>} : memref<128x128xf32, #tpu.memory_space<vmem>>, vector<1x16xf32>,
        %swap3A_281 = vector.shape_cast %swap3A_280 : vector<1x16xf32> to vector<16xf32>
        %swap3A_282 = vector.shape_cast %mul3A_277 : vector<16xf32> to vector<1x16xf32>
        tpu.vector_store %arg10[%swap3A_278, %swap3A_279], %swap3A_282 {strides = array<i32>} : memref<128x128xf32, #tpu.memory_space<vmem>>, vector<1x16xf32>,
        %get3A_283 = arith.index_cast %add3A_249 : i32 to index
        %get3A_284 = arith.constant 48 : index
        %get3A_285 = tpu.vector_load %arg10[%get3A_283, %get3A_284] {strides = array<i32>} : memref<128x128xf32, #tpu.memory_space<vmem>>, vector<1x16xf32>,
        %get3A_286 = vector.shape_cast %get3A_285 : vector<1x16xf32> to vector<16xf32>
        %mul3A_287 = vector.broadcast %squeeze3A_245 : f32 to vector<16xf32>
        %mul3A_288 = arith.mulf %get3A_286, %mul3A_287 : vector<16xf32>
        %swap3A_289 = arith.index_cast %add3A_249 : i32 to index
        %swap3A_290 = arith.constant 48 : index
        %swap3A_291 = tpu.vector_load %arg10[%swap3A_289, %swap3A_290] {strides = array<i32>} : memref<128x128xf32, #tpu.memory_space<vmem>>, vector<1x16xf32>,
        %swap3A_292 = vector.shape_cast %swap3A_291 : vector<1x16xf32> to vector<16xf32>
        %swap3A_293 = vector.shape_cast %mul3A_288 : vector<16xf32> to vector<1x16xf32>
        tpu.vector_store %arg10[%swap3A_289, %swap3A_290], %swap3A_293 {strides = array<i32>} : memref<128x128xf32, #tpu.memory_space<vmem>>, vector<1x16xf32>,
        %get3A_294 = arith.index_cast %add3A_249 : i32 to index
        %get3A_295 = arith.constant 64 : index
        %get3A_296 = tpu.vector_load %arg10[%get3A_294, %get3A_295] {strides = array<i32>} : memref<128x128xf32, #tpu.memory_space<vmem>>, vector<1x16xf32>,
        %get3A_297 = vector.shape_cast %get3A_296 : vector<1x16xf32> to vector<16xf32>
        %mul3A_298 = vector.broadcast %squeeze3A_245 : f32 to vector<16xf32>
        %mul3A_299 = arith.mulf %get3A_297, %mul3A_298 : vector<16xf32>
        %swap3A_300 = arith.index_cast %add3A_249 : i32 to index
        %swap3A_301 = arith.constant 64 : index
        %swap3A_302 = tpu.vector_load %arg10[%swap3A_300, %swap3A_301] {strides = array<i32>} : memref<128x128xf32, #tpu.memory_space<vmem>>, vector<1x16xf32>,
        %swap3A_303 = vector.shape_cast %swap3A_302 : vector<1x16xf32> to vector<16xf32>
        %swap3A_304 = vector.shape_cast %mul3A_299 : vector<16xf32> to vector<1x16xf32>
        tpu.vector_store %arg10[%swap3A_300, %swap3A_301], %swap3A_304 {strides = array<i32>} : memref<128x128xf32, #tpu.memory_space<vmem>>, vector<1x16xf32>,
        %get3A_305 = arith.index_cast %add3A_249 : i32 to index
        %get3A_306 = arith.constant 80 : index
        %get3A_307 = tpu.vector_load %arg10[%get3A_305, %get3A_306] {strides = array<i32>} : memref<128x128xf32, #tpu.memory_space<vmem>>, vector<1x16xf32>,
        %get3A_308 = vector.shape_cast %get3A_307 : vector<1x16xf32> to vector<16xf32>
        %mul3A_309 = vector.broadcast %squeeze3A_245 : f32 to vector<16xf32>
        %mul3A_310 = arith.mulf %get3A_308, %mul3A_309 : vector<16xf32>
        %swap3A_311 = arith.index_cast %add3A_249 : i32 to index
        %swap3A_312 = arith.constant 80 : index
        %swap3A_313 = tpu.vector_load %arg10[%swap3A_311, %swap3A_312] {strides = array<i32>} : memref<128x128xf32, #tpu.memory_space<vmem>>, vector<1x16xf32>,
        %swap3A_314 = vector.shape_cast %swap3A_313 : vector<1x16xf32> to vector<16xf32>
        %swap3A_315 = vector.shape_cast %mul3A_310 : vector<16xf32> to vector<1x16xf32>
        tpu.vector_store %arg10[%swap3A_311, %swap3A_312], %swap3A_315 {strides = array<i32>} : memref<128x128xf32, #tpu.memory_space<vmem>>, vector<1x16xf32>,
        %get3A_316 = arith.index_cast %add3A_249 : i32 to index
        %get3A_317 = arith.constant 96 : index
        %get3A_318 = tpu.vector_load %arg10[%get3A_316, %get3A_317] {strides = array<i32>} : memref<128x128xf32, #tpu.memory_space<vmem>>, vector<1x16xf32>,
        %get3A_319 = vector.shape_cast %get3A_318 : vector<1x16xf32> to vector<16xf32>
        %mul3A_320 = vector.broadcast %squeeze3A_245 : f32 to vector<16xf32>
        %mul3A_321 = arith.mulf %get3A_319, %mul3A_320 : vector<16xf32>
        %swap3A_322 = arith.index_cast %add3A_249 : i32 to index
        %swap3A_323 = arith.constant 96 : index
        %swap3A_324 = tpu.vector_load %arg10[%swap3A_322, %swap3A_323] {strides = array<i32>} : memref<128x128xf32, #tpu.memory_space<vmem>>, vector<1x16xf32>,
        %swap3A_325 = vector.shape_cast %swap3A_324 : vector<1x16xf32> to vector<16xf32>
        %swap3A_326 = vector.shape_cast %mul3A_321 : vector<16xf32> to vector<1x16xf32>
        tpu.vector_store %arg10[%swap3A_322, %swap3A_323], %swap3A_326 {strides = array<i32>} : memref<128x128xf32, #tpu.memory_space<vmem>>, vector<1x16xf32>,
        %get3A_327 = arith.index_cast %add3A_249 : i32 to index
        %get3A_328 = arith.constant 112 : index
        %get3A_329 = tpu.vector_load %arg10[%get3A_327, %get3A_328] {strides = array<i32>} : memref<128x128xf32, #tpu.memory_space<vmem>>, vector<1x16xf32>,
        %get3A_330 = vector.shape_cast %get3A_329 : vector<1x16xf32> to vector<16xf32>
        %mul3A_331 = vector.broadcast %squeeze3A_245 : f32 to vector<16xf32>
        %mul3A_332 = arith.mulf %get3A_330, %mul3A_331 : vector<16xf32>
        %swap3A_333 = arith.index_cast %add3A_249 : i32 to index
        %swap3A_334 = arith.constant 112 : index
        %swap3A_335 = tpu.vector_load %arg10[%swap3A_333, %swap3A_334] {strides = array<i32>} : memref<128x128xf32, #tpu.memory_space<vmem>>, vector<1x16xf32>,
        %swap3A_336 = vector.shape_cast %swap3A_335 : vector<1x16xf32> to vector<16xf32>
        %swap3A_337 = vector.shape_cast %mul3A_332 : vector<16xf32> to vector<1x16xf32>
        tpu.vector_store %arg10[%swap3A_333, %swap3A_334], %swap3A_337 {strides = array<i32>} : memref<128x128xf32, #tpu.memory_space<vmem>>, vector<1x16xf32>,
        %slice3A_338 = vector.extract_strided_slice %get3A_58 {offsets = [3], sizes = [1], strides = [1]} : vector<16xf32> to vector<1xf32>
        %squeeze3A_339 = vector.extract %slice3A_338[0] : f32 from vector<1xf32>
        %mul3A_340 = arith.constant 16 : i32
        %mul3A_341 = arith.muli %scan3A_54, %mul3A_340 : i32
        %add3A_342 = arith.constant 3 : i32
        %add3A_343 = arith.addi %mul3A_341, %add3A_342 : i32
        %get3A_344 = arith.index_cast %add3A_343 : i32 to index
        %get3A_345 = arith.constant 0 : index
        %get3A_346 = tpu.vector_load %arg10[%get3A_344, %get3A_345] {strides = array<i32>} : memref<128x128xf32, #tpu.memory_space<vmem>>, vector<1x16xf32>,
        %get3A_347 = vector.shape_cast %get3A_346 : vector<1x16xf32> to vector<16xf32>
        %mul3A_348 = vector.broadcast %squeeze3A_339 : f32 to vector<16xf32>
        %mul3A_349 = arith.mulf %get3A_347, %mul3A_348 : vector<16xf32>
        %swap3A_350 = arith.index_cast %add3A_343 : i32 to index
        %swap3A_351 = arith.constant 0 : index
        %swap3A_352 = tpu.vector_load %arg10[%swap3A_350, %swap3A_351] {strides = array<i32>} : memref<128x128xf32, #tpu.memory_space<vmem>>, vector<1x16xf32>,
        %swap3A_353 = vector.shape_cast %swap3A_352 : vector<1x16xf32> to vector<16xf32>
        %swap3A_354 = vector.shape_cast %mul3A_349 : vector<16xf32> to vector<1x16xf32>
        tpu.vector_store %arg10[%swap3A_350, %swap3A_351], %swap3A_354 {strides = array<i32>} : memref<128x128xf32, #tpu.memory_space<vmem>>, vector<1x16xf32>,
        %get3A_355 = arith.index_cast %add3A_343 : i32 to index
        %get3A_356 = arith.constant 16 : index
        %get3A_357 = tpu.vector_load %arg10[%get3A_355, %get3A_356] {strides = array<i32>} : memref<128x128xf32, #tpu.memory_space<vmem>>, vector<1x16xf32>,
        %get3A_358 = vector.shape_cast %get3A_357 : vector<1x16xf32> to vector<16xf32>
        %mul3A_359 = vector.broadcast %squeeze3A_339 : f32 to vector<16xf32>
        %mul3A_360 = arith.mulf %get3A_358, %mul3A_359 : vector<16xf32>
        %swap3A_361 = arith.index_cast %add3A_343 : i32 to index
        %swap3A_362 = arith.constant 16 : index
        %swap3A_363 = tpu.vector_load %arg10[%swap3A_361, %swap3A_362] {strides = array<i32>} : memref<128x128xf32, #tpu.memory_space<vmem>>, vector<1x16xf32>,
        %swap3A_364 = vector.shape_cast %swap3A_363 : vector<1x16xf32> to vector<16xf32>
        %swap3A_365 = vector.shape_cast %mul3A_360 : vector<16xf32> to vector<1x16xf32>
        tpu.vector_store %arg10[%swap3A_361, %swap3A_362], %swap3A_365 {strides = array<i32>} : memref<128x128xf32, #tpu.memory_space<vmem>>, vector<1x16xf32>,
        %get3A_366 = arith.index_cast %add3A_343 : i32 to index
        %get3A_367 = arith.constant 32 : index
        %get3A_368 = tpu.vector_load %arg10[%get3A_366, %get3A_367] {strides = array<i32>} : memref<128x128xf32, #tpu.memory_space<vmem>>, vector<1x16xf32>,
        %get3A_369 = vector.shape_cast %get3A_368 : vector<1x16xf32> to vector<16xf32>
        %mul3A_370 = vector.broadcast %squeeze3A_339 : f32 to vector<16xf32>
        %mul3A_371 = arith.mulf %get3A_369, %mul3A_370 : vector<16xf32>
        %swap3A_372 = arith.index_cast %add3A_343 : i32 to index
        %swap3A_373 = arith.constant 32 : index
        %swap3A_374 = tpu.vector_load %arg10[%swap3A_372, %swap3A_373] {strides = array<i32>} : memref<128x128xf32, #tpu.memory_space<vmem>>, vector<1x16xf32>,
        %swap3A_375 = vector.shape_cast %swap3A_374 : vector<1x16xf32> to vector<16xf32>
        %swap3A_376 = vector.shape_cast %mul3A_371 : vector<16xf32> to vector<1x16xf32>
        tpu.vector_store %arg10[%swap3A_372, %swap3A_373], %swap3A_376 {strides = array<i32>} : memref<128x128xf32, #tpu.memory_space<vmem>>, vector<1x16xf32>,
        %get3A_377 = arith.index_cast %add3A_343 : i32 to index
        %get3A_378 = arith.constant 48 : index
        %get3A_379 = tpu.vector_load %arg10[%get3A_377, %get3A_378] {strides = array<i32>} : memref<128x128xf32, #tpu.memory_space<vmem>>, vector<1x16xf32>,
        %get3A_380 = vector.shape_cast %get3A_379 : vector<1x16xf32> to vector<16xf32>
        %mul3A_381 = vector.broadcast %squeeze3A_339 : f32 to vector<16xf32>
        %mul3A_382 = arith.mulf %get3A_380, %mul3A_381 : vector<16xf32>
        %swap3A_383 = arith.index_cast %add3A_343 : i32 to index
        %swap3A_384 = arith.constant 48 : index
        %swap3A_385 = tpu.vector_load %arg10[%swap3A_383, %swap3A_384] {strides = array<i32>} : memref<128x128xf32, #tpu.memory_space<vmem>>, vector<1x16xf32>,
        %swap3A_386 = vector.shape_cast %swap3A_385 : vector<1x16xf32> to vector<16xf32>
        %swap3A_387 = vector.shape_cast %mul3A_382 : vector<16xf32> to vector<1x16xf32>
        tpu.vector_store %arg10[%swap3A_383, %swap3A_384], %swap3A_387 {strides = array<i32>} : memref<128x128xf32, #tpu.memory_space<vmem>>, vector<1x16xf32>,
        %get3A_388 = arith.index_cast %add3A_343 : i32 to index
        %get3A_389 = arith.constant 64 : index
        %get3A_390 = tpu.vector_load %arg10[%get3A_388, %get3A_389] {strides = array<i32>} : memref<128x128xf32, #tpu.memory_space<vmem>>, vector<1x16xf32>,
        %get3A_391 = vector.shape_cast %get3A_390 : vector<1x16xf32> to vector<16xf32>
        %mul3A_392 = vector.broadcast %squeeze3A_339 : f32 to vector<16xf32>
        %mul3A_393 = arith.mulf %get3A_391, %mul3A_392 : vector<16xf32>
        %swap3A_394 = arith.index_cast %add3A_343 : i32 to index
        %swap3A_395 = arith.constant 64 : index
        %swap3A_396 = tpu.vector_load %arg10[%swap3A_394, %swap3A_395] {strides = array<i32>} : memref<128x128xf32, #tpu.memory_space<vmem>>, vector<1x16xf32>,
        %swap3A_397 = vector.shape_cast %swap3A_396 : vector<1x16xf32> to vector<16xf32>
        %swap3A_398 = vector.shape_cast %mul3A_393 : vector<16xf32> to vector<1x16xf32>
        tpu.vector_store %arg10[%swap3A_394, %swap3A_395], %swap3A_398 {strides = array<i32>} : memref<128x128xf32, #tpu.memory_space<vmem>>, vector<1x16xf32>,
        %get3A_399 = arith.index_cast %add3A_343 : i32 to index
        %get3A_400 = arith.constant 80 : index
        %get3A_401 = tpu.vector_load %arg10[%get3A_399, %get3A_400] {strides = array<i32>} : memref<128x128xf32, #tpu.memory_space<vmem>>, vector<1x16xf32>,
        %get3A_402 = vector.shape_cast %get3A_401 : vector<1x16xf32> to vector<16xf32>
        %mul3A_403 = vector.broadcast %squeeze3A_339 : f32 to vector<16xf32>
        %mul3A_404 = arith.mulf %get3A_402, %mul3A_403 : vector<16xf32>
        %swap3A_405 = arith.index_cast %add3A_343 : i32 to index
        %swap3A_406 = arith.constant 80 : index
        %swap3A_407 = tpu.vector_load %arg10[%swap3A_405, %swap3A_406] {strides = array<i32>} : memref<128x128xf32, #tpu.memory_space<vmem>>, vector<1x16xf32>,
        %swap3A_408 = vector.shape_cast %swap3A_407 : vector<1x16xf32> to vector<16xf32>
        %swap3A_409 = vector.shape_cast %mul3A_404 : vector<16xf32> to vector<1x16xf32>
        tpu.vector_store %arg10[%swap3A_405, %swap3A_406], %swap3A_409 {strides = array<i32>} : memref<128x128xf32, #tpu.memory_space<vmem>>, vector<1x16xf32>,
        %get3A_410 = arith.index_cast %add3A_343 : i32 to index
        %get3A_411 = arith.constant 96 : index
        %get3A_412 = tpu.vector_load %arg10[%get3A_410, %get3A_411] {strides = array<i32>} : memref<128x128xf32, #tpu.memory_space<vmem>>, vector<1x16xf32>,
        %get3A_413 = vector.shape_cast %get3A_412 : vector<1x16xf32> to vector<16xf32>
        %mul3A_414 = vector.broadcast %squeeze3A_339 : f32 to vector<16xf32>
        %mul3A_415 = arith.mulf %get3A_413, %mul3A_414 : vector<16xf32>
        %swap3A_416 = arith.index_cast %add3A_343 : i32 to index
        %swap3A_417 = arith.constant 96 : index
        %swap3A_418 = tpu.vector_load %arg10[%swap3A_416, %swap3A_417] {strides = array<i32>} : memref<128x128xf32, #tpu.memory_space<vmem>>, vector<1x16xf32>,
        %swap3A_419 = vector.shape_cast %swap3A_418 : vector<1x16xf32> to vector<16xf32>
        %swap3A_420 = vector.shape_cast %mul3A_415 : vector<16xf32> to vector<1x16xf32>
        tpu.vector_store %arg10[%swap3A_416, %swap3A_417], %swap3A_420 {strides = array<i32>} : memref<128x128xf32, #tpu.memory_space<vmem>>, vector<1x16xf32>,
        %get3A_421 = arith.index_cast %add3A_343 : i32 to index
        %get3A_422 = arith.constant 112 : index
        %get3A_423 = tpu.vector_load %arg10[%get3A_421, %get3A_422] {strides = array<i32>} : memref<128x128xf32, #tpu.memory_space<vmem>>, vector<1x16xf32>,
        %get3A_424 = vector.shape_cast %get3A_423 : vector<1x16xf32> to vector<16xf32>
        %mul3A_425 = vector.broadcast %squeeze3A_339 : f32 to vector<16xf32>
        %mul3A_426 = arith.mulf %get3A_424, %mul3A_425 : vector<16xf32>
        %swap3A_427 = arith.index_cast %add3A_343 : i32 to index
        %swap3A_428 = arith.constant 112 : index
        %swap3A_429 = tpu.vector_load %arg10[%swap3A_427, %swap3A_428] {strides = array<i32>} : memref<128x128xf32, #tpu.memory_space<vmem>>, vector<1x16xf32>,
        %swap3A_430 = vector.shape_cast %swap3A_429 : vector<1x16xf32> to vector<16xf32>
        %swap3A_431 = vector.shape_cast %mul3A_426 : vector<16xf32> to vector<1x16xf32>
        tpu.vector_store %arg10[%swap3A_427, %swap3A_428], %swap3A_431 {strides = array<i32>} : memref<128x128xf32, #tpu.memory_space<vmem>>, vector<1x16xf32>,
        %slice3A_432 = vector.extract_strided_slice %get3A_58 {offsets = [4], sizes = [1], strides = [1]} : vector<16xf32> to vector<1xf32>
        %squeeze3A_433 = vector.extract %slice3A_432[0] : f32 from vector<1xf32>
        %mul3A_434 = arith.constant 16 : i32
        %mul3A_435 = arith.muli %scan3A_54, %mul3A_434 : i32
        %add3A_436 = arith.constant 4 : i32
        %add3A_437 = arith.addi %mul3A_435, %add3A_436 : i32
        %get3A_438 = arith.index_cast %add3A_437 : i32 to index
        %get3A_439 = arith.constant 0 : index
        %get3A_440 = tpu.vector_load %arg10[%get3A_438, %get3A_439] {strides = array<i32>} : memref<128x128xf32, #tpu.memory_space<vmem>>, vector<1x16xf32>,
        %get3A_441 = vector.shape_cast %get3A_440 : vector<1x16xf32> to vector<16xf32>
        %mul3A_442 = vector.broadcast %squeeze3A_433 : f32 to vector<16xf32>
        %mul3A_443 = arith.mulf %get3A_441, %mul3A_442 : vector<16xf32>
        %swap3A_444 = arith.index_cast %add3A_437 : i32 to index
        %swap3A_445 = arith.constant 0 : index
        %swap3A_446 = tpu.vector_load %arg10[%swap3A_444, %swap3A_445] {strides = array<i32>} : memref<128x128xf32, #tpu.memory_space<vmem>>, vector<1x16xf32>,
        %swap3A_447 = vector.shape_cast %swap3A_446 : vector<1x16xf32> to vector<16xf32>
        %swap3A_448 = vector.shape_cast %mul3A_443 : vector<16xf32> to vector<1x16xf32>
        tpu.vector_store %arg10[%swap3A_444, %swap3A_445], %swap3A_448 {strides = array<i32>} : memref<128x128xf32, #tpu.memory_space<vmem>>, vector<1x16xf32>,
        %get3A_449 = arith.index_cast %add3A_437 : i32 to index
        %get3A_450 = arith.constant 16 : index
        %get3A_451 = tpu.vector_load %arg10[%get3A_449, %get3A_450] {strides = array<i32>} : memref<128x128xf32, #tpu.memory_space<vmem>>, vector<1x16xf32>,
        %get3A_452 = vector.shape_cast %get3A_451 : vector<1x16xf32> to vector<16xf32>
        %mul3A_453 = vector.broadcast %squeeze3A_433 : f32 to vector<16xf32>
        %mul3A_454 = arith.mulf %get3A_452, %mul3A_453 : vector<16xf32>
        %swap3A_455 = arith.index_cast %add3A_437 : i32 to index
        %swap3A_456 = arith.constant 16 : index
        %swap3A_457 = tpu.vector_load %arg10[%swap3A_455, %swap3A_456] {strides = array<i32>} : memref<128x128xf32, #tpu.memory_space<vmem>>, vector<1x16xf32>,
        %swap3A_458 = vector.shape_cast %swap3A_457 : vector<1x16xf32> to vector<16xf32>
        %swap3A_459 = vector.shape_cast %mul3A_454 : vector<16xf32> to vector<1x16xf32>
        tpu.vector_store %arg10[%swap3A_455, %swap3A_456], %swap3A_459 {strides = array<i32>} : memref<128x128xf32, #tpu.memory_space<vmem>>, vector<1x16xf32>,
        %get3A_460 = arith.index_cast %add3A_437 : i32 to index
        %get3A_461 = arith.constant 32 : index
        %get3A_462 = tpu.vector_load %arg10[%get3A_460, %get3A_461] {strides = array<i32>} : memref<128x128xf32, #tpu.memory_space<vmem>>, vector<1x16xf32>,
        %get3A_463 = vector.shape_cast %get3A_462 : vector<1x16xf32> to vector<16xf32>
        %mul3A_464 = vector.broadcast %squeeze3A_433 : f32 to vector<16xf32>
        %mul3A_465 = arith.mulf %get3A_463, %mul3A_464 : vector<16xf32>
        %swap3A_466 = arith.index_cast %add3A_437 : i32 to index
        %swap3A_467 = arith.constant 32 : index
        %swap3A_468 = tpu.vector_load %arg10[%swap3A_466, %swap3A_467] {strides = array<i32>} : memref<128x128xf32, #tpu.memory_space<vmem>>, vector<1x16xf32>,
        %swap3A_469 = vector.shape_cast %swap3A_468 : vector<1x16xf32> to vector<16xf32>
        %swap3A_470 = vector.shape_cast %mul3A_465 : vector<16xf32> to vector<1x16xf32>
        tpu.vector_store %arg10[%swap3A_466, %swap3A_467], %swap3A_470 {strides = array<i32>} : memref<128x128xf32, #tpu.memory_space<vmem>>, vector<1x16xf32>,
        %get3A_471 = arith.index_cast %add3A_437 : i32 to index
        %get3A_472 = arith.constant 48 : index
        %get3A_473 = tpu.vector_load %arg10[%get3A_471, %get3A_472] {strides = array<i32>} : memref<128x128xf32, #tpu.memory_space<vmem>>, vector<1x16xf32>,
        %get3A_474 = vector.shape_cast %get3A_473 : vector<1x16xf32> to vector<16xf32>
        %mul3A_475 = vector.broadcast %squeeze3A_433 : f32 to vector<16xf32>
        %mul3A_476 = arith.mulf %get3A_474, %mul3A_475 : vector<16xf32>
        %swap3A_477 = arith.index_cast %add3A_437 : i32 to index
        %swap3A_478 = arith.constant 48 : index
        %swap3A_479 = tpu.vector_load %arg10[%swap3A_477, %swap3A_478] {strides = array<i32>} : memref<128x128xf32, #tpu.memory_space<vmem>>, vector<1x16xf32>,
        %swap3A_480 = vector.shape_cast %swap3A_479 : vector<1x16xf32> to vector<16xf32>
        %swap3A_481 = vector.shape_cast %mul3A_476 : vector<16xf32> to vector<1x16xf32>
        tpu.vector_store %arg10[%swap3A_477, %swap3A_478], %swap3A_481 {strides = array<i32>} : memref<128x128xf32, #tpu.memory_space<vmem>>, vector<1x16xf32>,
        %get3A_482 = arith.index_cast %add3A_437 : i32 to index
        %get3A_483 = arith.constant 64 : index
        %get3A_484 = tpu.vector_load %arg10[%get3A_482, %get3A_483] {strides = array<i32>} : memref<128x128xf32, #tpu.memory_space<vmem>>, vector<1x16xf32>,
        %get3A_485 = vector.shape_cast %get3A_484 : vector<1x16xf32> to vector<16xf32>
        %mul3A_486 = vector.broadcast %squeeze3A_433 : f32 to vector<16xf32>
        %mul3A_487 = arith.mulf %get3A_485, %mul3A_486 : vector<16xf32>
        %swap3A_488 = arith.index_cast %add3A_437 : i32 to index
        %swap3A_489 = arith.constant 64 : index
        %swap3A_490 = tpu.vector_load %arg10[%swap3A_488, %swap3A_489] {strides = array<i32>} : memref<128x128xf32, #tpu.memory_space<vmem>>, vector<1x16xf32>,
        %swap3A_491 = vector.shape_cast %swap3A_490 : vector<1x16xf32> to vector<16xf32>
        %swap3A_492 = vector.shape_cast %mul3A_487 : vector<16xf32> to vector<1x16xf32>
        tpu.vector_store %arg10[%swap3A_488, %swap3A_489], %swap3A_492 {strides = array<i32>} : memref<128x128xf32, #tpu.memory_space<vmem>>, vector<1x16xf32>,
        %get3A_493 = arith.index_cast %add3A_437 : i32 to index
        %get3A_494 = arith.constant 80 : index
        %get3A_495 = tpu.vector_load %arg10[%get3A_493, %get3A_494] {strides = array<i32>} : memref<128x128xf32, #tpu.memory_space<vmem>>, vector<1x16xf32>,
        %get3A_496 = vector.shape_cast %get3A_495 : vector<1x16xf32> to vector<16xf32>
        %mul3A_497 = vector.broadcast %squeeze3A_433 : f32 to vector<16xf32>
        %mul3A_498 = arith.mulf %get3A_496, %mul3A_497 : vector<16xf32>
        %swap3A_499 = arith.index_cast %add3A_437 : i32 to index
        %swap3A_500 = arith.constant 80 : index
        %swap3A_501 = tpu.vector_load %arg10[%swap3A_499, %swap3A_500] {strides = array<i32>} : memref<128x128xf32, #tpu.memory_space<vmem>>, vector<1x16xf32>,
        %swap3A_502 = vector.shape_cast %swap3A_501 : vector<1x16xf32> to vector<16xf32>
        %swap3A_503 = vector.shape_cast %mul3A_498 : vector<16xf32> to vector<1x16xf32>
        tpu.vector_store %arg10[%swap3A_499, %swap3A_500], %swap3A_503 {strides = array<i32>} : memref<128x128xf32, #tpu.memory_space<vmem>>, vector<1x16xf32>,
        %get3A_504 = arith.index_cast %add3A_437 : i32 to index
        %get3A_505 = arith.constant 96 : index
        %get3A_506 = tpu.vector_load %arg10[%get3A_504, %get3A_505] {strides = array<i32>} : memref<128x128xf32, #tpu.memory_space<vmem>>, vector<1x16xf32>,
        %get3A_507 = vector.shape_cast %get3A_506 : vector<1x16xf32> to vector<16xf32>
        %mul3A_508 = vector.broadcast %squeeze3A_433 : f32 to vector<16xf32>
        %mul3A_509 = arith.mulf %get3A_507, %mul3A_508 : vector<16xf32>
        %swap3A_510 = arith.index_cast %add3A_437 : i32 to index
        %swap3A_511 = arith.constant 96 : index
        %swap3A_512 = tpu.vector_load %arg10[%swap3A_510, %swap3A_511] {strides = array<i32>} : memref<128x128xf32, #tpu.memory_space<vmem>>, vector<1x16xf32>,
        %swap3A_513 = vector.shape_cast %swap3A_512 : vector<1x16xf32> to vector<16xf32>
        %swap3A_514 = vector.shape_cast %mul3A_509 : vector<16xf32> to vector<1x16xf32>
        tpu.vector_store %arg10[%swap3A_510, %swap3A_511], %swap3A_514 {strides = array<i32>} : memref<128x128xf32, #tpu.memory_space<vmem>>, vector<1x16xf32>,
        %get3A_515 = arith.index_cast %add3A_437 : i32 to index
        %get3A_516 = arith.constant 112 : index
        %get3A_517 = tpu.vector_load %arg10[%get3A_515, %get3A_516] {strides = array<i32>} : memref<128x128xf32, #tpu.memory_space<vmem>>, vector<1x16xf32>,
        %get3A_518 = vector.shape_cast %get3A_517 : vector<1x16xf32> to vector<16xf32>
        %mul3A_519 = vector.broadcast %squeeze3A_433 : f32 to vector<16xf32>
        %mul3A_520 = arith.mulf %get3A_518, %mul3A_519 : vector<16xf32>
        %swap3A_521 = arith.index_cast %add3A_437 : i32 to index
        %swap3A_522 = arith.constant 112 : index
        %swap3A_523 = tpu.vector_load %arg10[%swap3A_521, %swap3A_522] {strides = array<i32>} : memref<128x128xf32, #tpu.memory_space<vmem>>, vector<1x16xf32>,
        %swap3A_524 = vector.shape_cast %swap3A_523 : vector<1x16xf32> to vector<16xf32>
        %swap3A_525 = vector.shape_cast %mul3A_520 : vector<16xf32> to vector<1x16xf32>
        tpu.vector_store %arg10[%swap3A_521, %swap3A_522], %swap3A_525 {strides = array<i32>} : memref<128x128xf32, #tpu.memory_space<vmem>>, vector<1x16xf32>,
        %slice3A_526 = vector.extract_strided_slice %get3A_58 {offsets = [5], sizes = [1], strides = [1]} : vector<16xf32> to vector<1xf32>
        %squeeze3A_527 = vector.extract %slice3A_526[0] : f32 from vector<1xf32>
        %mul3A_528 = arith.constant 16 : i32
        %mul3A_529 = arith.muli %scan3A_54, %mul3A_528 : i32
        %add3A_530 = arith.constant 5 : i32
        %add3A_531 = arith.addi %mul3A_529, %add3A_530 : i32
        %get3A_532 = arith.index_cast %add3A_531 : i32 to index
        %get3A_533 = arith.constant 0 : index
        %get3A_534 = tpu.vector_load %arg10[%get3A_532, %get3A_533] {strides = array<i32>} : memref<128x128xf32, #tpu.memory_space<vmem>>, vector<1x16xf32>,
        %get3A_535 = vector.shape_cast %get3A_534 : vector<1x16xf32> to vector<16xf32>
        %mul3A_536 = vector.broadcast %squeeze3A_527 : f32 to vector<16xf32>
        %mul3A_537 = arith.mulf %get3A_535, %mul3A_536 : vector<16xf32>
        %swap3A_538 = arith.index_cast %add3A_531 : i32 to index
        %swap3A_539 = arith.constant 0 : index
        %swap3A_540 = tpu.vector_load %arg10[%swap3A_538, %swap3A_539] {strides = array<i32>} : memref<128x128xf32, #tpu.memory_space<vmem>>, vector<1x16xf32>,
        %swap3A_541 = vector.shape_cast %swap3A_540 : vector<1x16xf32> to vector<16xf32>
        %swap3A_542 = vector.shape_cast %mul3A_537 : vector<16xf32> to vector<1x16xf32>
        tpu.vector_store %arg10[%swap3A_538, %swap3A_539], %swap3A_542 {strides = array<i32>} : memref<128x128xf32, #tpu.memory_space<vmem>>, vector<1x16xf32>,
        %get3A_543 = arith.index_cast %add3A_531 : i32 to index
        %get3A_544 = arith.constant 16 : index
        %get3A_545 = tpu.vector_load %arg10[%get3A_543, %get3A_544] {strides = array<i32>} : memref<128x128xf32, #tpu.memory_space<vmem>>, vector<1x16xf32>,
        %get3A_546 = vector.shape_cast %get3A_545 : vector<1x16xf32> to vector<16xf32>
        %mul3A_547 = vector.broadcast %squeeze3A_527 : f32 to vector<16xf32>
        %mul3A_548 = arith.mulf %get3A_546, %mul3A_547 : vector<16xf32>
        %swap3A_549 = arith.index_cast %add3A_531 : i32 to index
        %swap3A_550 = arith.constant 16 : index
        %swap3A_551 = tpu.vector_load %arg10[%swap3A_549, %swap3A_550] {strides = array<i32>} : memref<128x128xf32, #tpu.memory_space<vmem>>, vector<1x16xf32>,
        %swap3A_552 = vector.shape_cast %swap3A_551 : vector<1x16xf32> to vector<16xf32>
        %swap3A_553 = vector.shape_cast %mul3A_548 : vector<16xf32> to vector<1x16xf32>
        tpu.vector_store %arg10[%swap3A_549, %swap3A_550], %swap3A_553 {strides = array<i32>} : memref<128x128xf32, #tpu.memory_space<vmem>>, vector<1x16xf32>,
        %get3A_554 = arith.index_cast %add3A_531 : i32 to index
        %get3A_555 = arith.constant 32 : index
        %get3A_556 = tpu.vector_load %arg10[%get3A_554, %get3A_555] {strides = array<i32>} : memref<128x128xf32, #tpu.memory_space<vmem>>, vector<1x16xf32>,
        %get3A_557 = vector.shape_cast %get3A_556 : vector<1x16xf32> to vector<16xf32>
        %mul3A_558 = vector.broadcast %squeeze3A_527 : f32 to vector<16xf32>
        %mul3A_559 = arith.mulf %get3A_557, %mul3A_558 : vector<16xf32>
        %swap3A_560 = arith.index_cast %add3A_531 : i32 to index
        %swap3A_561 = arith.constant 32 : index
        %swap3A_562 = tpu.vector_load %arg10[%swap3A_560, %swap3A_561] {strides = array<i32>} : memref<128x128xf32, #tpu.memory_space<vmem>>, vector<1x16xf32>,
        %swap3A_563 = vector.shape_cast %swap3A_562 : vector<1x16xf32> to vector<16xf32>
        %swap3A_564 = vector.shape_cast %mul3A_559 : vector<16xf32> to vector<1x16xf32>
        tpu.vector_store %arg10[%swap3A_560, %swap3A_561], %swap3A_564 {strides = array<i32>} : memref<128x128xf32, #tpu.memory_space<vmem>>, vector<1x16xf32>,
        %get3A_565 = arith.index_cast %add3A_531 : i32 to index
        %get3A_566 = arith.constant 48 : index
        %get3A_567 = tpu.vector_load %arg10[%get3A_565, %get3A_566] {strides = array<i32>} : memref<128x128xf32, #tpu.memory_space<vmem>>, vector<1x16xf32>,
        %get3A_568 = vector.shape_cast %get3A_567 : vector<1x16xf32> to vector<16xf32>
        %mul3A_569 = vector.broadcast %squeeze3A_527 : f32 to vector<16xf32>
        %mul3A_570 = arith.mulf %get3A_568, %mul3A_569 : vector<16xf32>
        %swap3A_571 = arith.index_cast %add3A_531 : i32 to index
        %swap3A_572 = arith.constant 48 : index
        %swap3A_573 = tpu.vector_load %arg10[%swap3A_571, %swap3A_572] {strides = array<i32>} : memref<128x128xf32, #tpu.memory_space<vmem>>, vector<1x16xf32>,
        %swap3A_574 = vector.shape_cast %swap3A_573 : vector<1x16xf32> to vector<16xf32>
        %swap3A_575 = vector.shape_cast %mul3A_570 : vector<16xf32> to vector<1x16xf32>
        tpu.vector_store %arg10[%swap3A_571, %swap3A_572], %swap3A_575 {strides = array<i32>} : memref<128x128xf32, #tpu.memory_space<vmem>>, vector<1x16xf32>,
        %get3A_576 = arith.index_cast %add3A_531 : i32 to index
        %get3A_577 = arith.constant 64 : index
        %get3A_578 = tpu.vector_load %arg10[%get3A_576, %get3A_577] {strides = array<i32>} : memref<128x128xf32, #tpu.memory_space<vmem>>, vector<1x16xf32>,
        %get3A_579 = vector.shape_cast %get3A_578 : vector<1x16xf32> to vector<16xf32>
        %mul3A_580 = vector.broadcast %squeeze3A_527 : f32 to vector<16xf32>
        %mul3A_581 = arith.mulf %get3A_579, %mul3A_580 : vector<16xf32>
        %swap3A_582 = arith.index_cast %add3A_531 : i32 to index
        %swap3A_583 = arith.constant 64 : index
        %swap3A_584 = tpu.vector_load %arg10[%swap3A_582, %swap3A_583] {strides = array<i32>} : memref<128x128xf32, #tpu.memory_space<vmem>>, vector<1x16xf32>,
        %swap3A_585 = vector.shape_cast %swap3A_584 : vector<1x16xf32> to vector<16xf32>
        %swap3A_586 = vector.shape_cast %mul3A_581 : vector<16xf32> to vector<1x16xf32>
        tpu.vector_store %arg10[%swap3A_582, %swap3A_583], %swap3A_586 {strides = array<i32>} : memref<128x128xf32, #tpu.memory_space<vmem>>, vector<1x16xf32>,
        %get3A_587 = arith.index_cast %add3A_531 : i32 to index
        %get3A_588 = arith.constant 80 : index
        %get3A_589 = tpu.vector_load %arg10[%get3A_587, %get3A_588] {strides = array<i32>} : memref<128x128xf32, #tpu.memory_space<vmem>>, vector<1x16xf32>,
        %get3A_590 = vector.shape_cast %get3A_589 : vector<1x16xf32> to vector<16xf32>
        %mul3A_591 = vector.broadcast %squeeze3A_527 : f32 to vector<16xf32>
        %mul3A_592 = arith.mulf %get3A_590, %mul3A_591 : vector<16xf32>
        %swap3A_593 = arith.index_cast %add3A_531 : i32 to index
        %swap3A_594 = arith.constant 80 : index
        %swap3A_595 = tpu.vector_load %arg10[%swap3A_593, %swap3A_594] {strides = array<i32>} : memref<128x128xf32, #tpu.memory_space<vmem>>, vector<1x16xf32>,
        %swap3A_596 = vector.shape_cast %swap3A_595 : vector<1x16xf32> to vector<16xf32>
        %swap3A_597 = vector.shape_cast %mul3A_592 : vector<16xf32> to vector<1x16xf32>
        tpu.vector_store %arg10[%swap3A_593, %swap3A_594], %swap3A_597 {strides = array<i32>} : memref<128x128xf32, #tpu.memory_space<vmem>>, vector<1x16xf32>,
        %get3A_598 = arith.index_cast %add3A_531 : i32 to index
        %get3A_599 = arith.constant 96 : index
        %get3A_600 = tpu.vector_load %arg10[%get3A_598, %get3A_599] {strides = array<i32>} : memref<128x128xf32, #tpu.memory_space<vmem>>, vector<1x16xf32>,
        %get3A_601 = vector.shape_cast %get3A_600 : vector<1x16xf32> to vector<16xf32>
        %mul3A_602 = vector.broadcast %squeeze3A_527 : f32 to vector<16xf32>
        %mul3A_603 = arith.mulf %get3A_601, %mul3A_602 : vector<16xf32>
        %swap3A_604 = arith.index_cast %add3A_531 : i32 to index
        %swap3A_605 = arith.constant 96 : index
        %swap3A_606 = tpu.vector_load %arg10[%swap3A_604, %swap3A_605] {strides = array<i32>} : memref<128x128xf32, #tpu.memory_space<vmem>>, vector<1x16xf32>,
        %swap3A_607 = vector.shape_cast %swap3A_606 : vector<1x16xf32> to vector<16xf32>
        %swap3A_608 = vector.shape_cast %mul3A_603 : vector<16xf32> to vector<1x16xf32>
        tpu.vector_store %arg10[%swap3A_604, %swap3A_605], %swap3A_608 {strides = array<i32>} : memref<128x128xf32, #tpu.memory_space<vmem>>, vector<1x16xf32>,
        %get3A_609 = arith.index_cast %add3A_531 : i32 to index
        %get3A_610 = arith.constant 112 : index
        %get3A_611 = tpu.vector_load %arg10[%get3A_609, %get3A_610] {strides = array<i32>} : memref<128x128xf32, #tpu.memory_space<vmem>>, vector<1x16xf32>,
        %get3A_612 = vector.shape_cast %get3A_611 : vector<1x16xf32> to vector<16xf32>
        %mul3A_613 = vector.broadcast %squeeze3A_527 : f32 to vector<16xf32>
        %mul3A_614 = arith.mulf %get3A_612, %mul3A_613 : vector<16xf32>
        %swap3A_615 = arith.index_cast %add3A_531 : i32 to index
        %swap3A_616 = arith.constant 112 : index
        %swap3A_617 = tpu.vector_load %arg10[%swap3A_615, %swap3A_616] {strides = array<i32>} : memref<128x128xf32, #tpu.memory_space<vmem>>, vector<1x16xf32>,
        %swap3A_618 = vector.shape_cast %swap3A_617 : vector<1x16xf32> to vector<16xf32>
        %swap3A_619 = vector.shape_cast %mul3A_614 : vector<16xf32> to vector<1x16xf32>
        tpu.vector_store %arg10[%swap3A_615, %swap3A_616], %swap3A_619 {strides = array<i32>} : memref<128x128xf32, #tpu.memory_space<vmem>>, vector<1x16xf32>,
        %slice3A_620 = vector.extract_strided_slice %get3A_58 {offsets = [6], sizes = [1], strides = [1]} : vector<16xf32> to vector<1xf32>
        %squeeze3A_621 = vector.extract %slice3A_620[0] : f32 from vector<1xf32>
        %mul3A_622 = arith.constant 16 : i32
        %mul3A_623 = arith.muli %scan3A_54, %mul3A_622 : i32
        %add3A_624 = arith.constant 6 : i32
        %add3A_625 = arith.addi %mul3A_623, %add3A_624 : i32
        %get3A_626 = arith.index_cast %add3A_625 : i32 to index
        %get3A_627 = arith.constant 0 : index
        %get3A_628 = tpu.vector_load %arg10[%get3A_626, %get3A_627] {strides = array<i32>} : memref<128x128xf32, #tpu.memory_space<vmem>>, vector<1x16xf32>,
        %get3A_629 = vector.shape_cast %get3A_628 : vector<1x16xf32> to vector<16xf32>
        %mul3A_630 = vector.broadcast %squeeze3A_621 : f32 to vector<16xf32>
        %mul3A_631 = arith.mulf %get3A_629, %mul3A_630 : vector<16xf32>
        %swap3A_632 = arith.index_cast %add3A_625 : i32 to index
        %swap3A_633 = arith.constant 0 : index
        %swap3A_634 = tpu.vector_load %arg10[%swap3A_632, %swap3A_633] {strides = array<i32>} : memref<128x128xf32, #tpu.memory_space<vmem>>, vector<1x16xf32>,
        %swap3A_635 = vector.shape_cast %swap3A_634 : vector<1x16xf32> to vector<16xf32>
        %swap3A_636 = vector.shape_cast %mul3A_631 : vector<16xf32> to vector<1x16xf32>
        tpu.vector_store %arg10[%swap3A_632, %swap3A_633], %swap3A_636 {strides = array<i32>} : memref<128x128xf32, #tpu.memory_space<vmem>>, vector<1x16xf32>,
        %get3A_637 = arith.index_cast %add3A_625 : i32 to index
        %get3A_638 = arith.constant 16 : index
        %get3A_639 = tpu.vector_load %arg10[%get3A_637, %get3A_638] {strides = array<i32>} : memref<128x128xf32, #tpu.memory_space<vmem>>, vector<1x16xf32>,
        %get3A_640 = vector.shape_cast %get3A_639 : vector<1x16xf32> to vector<16xf32>
        %mul3A_641 = vector.broadcast %squeeze3A_621 : f32 to vector<16xf32>
        %mul3A_642 = arith.mulf %get3A_640, %mul3A_641 : vector<16xf32>
        %swap3A_643 = arith.index_cast %add3A_625 : i32 to index
        %swap3A_644 = arith.constant 16 : index
        %swap3A_645 = tpu.vector_load %arg10[%swap3A_643, %swap3A_644] {strides = array<i32>} : memref<128x128xf32, #tpu.memory_space<vmem>>, vector<1x16xf32>,
        %swap3A_646 = vector.shape_cast %swap3A_645 : vector<1x16xf32> to vector<16xf32>
        %swap3A_647 = vector.shape_cast %mul3A_642 : vector<16xf32> to vector<1x16xf32>
        tpu.vector_store %arg10[%swap3A_643, %swap3A_644], %swap3A_647 {strides = array<i32>} : memref<128x128xf32, #tpu.memory_space<vmem>>, vector<1x16xf32>,
        %get3A_648 = arith.index_cast %add3A_625 : i32 to index
        %get3A_649 = arith.constant 32 : index
        %get3A_650 = tpu.vector_load %arg10[%get3A_648, %get3A_649] {strides = array<i32>} : memref<128x128xf32, #tpu.memory_space<vmem>>, vector<1x16xf32>,
        %get3A_651 = vector.shape_cast %get3A_650 : vector<1x16xf32> to vector<16xf32>
        %mul3A_652 = vector.broadcast %squeeze3A_621 : f32 to vector<16xf32>
        %mul3A_653 = arith.mulf %get3A_651, %mul3A_652 : vector<16xf32>
        %swap3A_654 = arith.index_cast %add3A_625 : i32 to index
        %swap3A_655 = arith.constant 32 : index
        %swap3A_656 = tpu.vector_load %arg10[%swap3A_654, %swap3A_655] {strides = array<i32>} : memref<128x128xf32, #tpu.memory_space<vmem>>, vector<1x16xf32>,
        %swap3A_657 = vector.shape_cast %swap3A_656 : vector<1x16xf32> to vector<16xf32>
        %swap3A_658 = vector.shape_cast %mul3A_653 : vector<16xf32> to vector<1x16xf32>
        tpu.vector_store %arg10[%swap3A_654, %swap3A_655], %swap3A_658 {strides = array<i32>} : memref<128x128xf32, #tpu.memory_space<vmem>>, vector<1x16xf32>,
        %get3A_659 = arith.index_cast %add3A_625 : i32 to index
        %get3A_660 = arith.constant 48 : index
        %get3A_661 = tpu.vector_load %arg10[%get3A_659, %get3A_660] {strides = array<i32>} : memref<128x128xf32, #tpu.memory_space<vmem>>, vector<1x16xf32>,
        %get3A_662 = vector.shape_cast %get3A_661 : vector<1x16xf32> to vector<16xf32>
        %mul3A_663 = vector.broadcast %squeeze3A_621 : f32 to vector<16xf32>
        %mul3A_664 = arith.mulf %get3A_662, %mul3A_663 : vector<16xf32>
        %swap3A_665 = arith.index_cast %add3A_625 : i32 to index
        %swap3A_666 = arith.constant 48 : index
        %swap3A_667 = tpu.vector_load %arg10[%swap3A_665, %swap3A_666] {strides = array<i32>} : memref<128x128xf32, #tpu.memory_space<vmem>>, vector<1x16xf32>,
        %swap3A_668 = vector.shape_cast %swap3A_667 : vector<1x16xf32> to vector<16xf32>
        %swap3A_669 = vector.shape_cast %mul3A_664 : vector<16xf32> to vector<1x16xf32>
        tpu.vector_store %arg10[%swap3A_665, %swap3A_666], %swap3A_669 {strides = array<i32>} : memref<128x128xf32, #tpu.memory_space<vmem>>, vector<1x16xf32>,
        %get3A_670 = arith.index_cast %add3A_625 : i32 to index
        %get3A_671 = arith.constant 64 : index
        %get3A_672 = tpu.vector_load %arg10[%get3A_670, %get3A_671] {strides = array<i32>} : memref<128x128xf32, #tpu.memory_space<vmem>>, vector<1x16xf32>,
        %get3A_673 = vector.shape_cast %get3A_672 : vector<1x16xf32> to vector<16xf32>
        %mul3A_674 = vector.broadcast %squeeze3A_621 : f32 to vector<16xf32>
        %mul3A_675 = arith.mulf %get3A_673, %mul3A_674 : vector<16xf32>
        %swap3A_676 = arith.index_cast %add3A_625 : i32 to index
        %swap3A_677 = arith.constant 64 : index
        %swap3A_678 = tpu.vector_load %arg10[%swap3A_676, %swap3A_677] {strides = array<i32>} : memref<128x128xf32, #tpu.memory_space<vmem>>, vector<1x16xf32>,
        %swap3A_679 = vector.shape_cast %swap3A_678 : vector<1x16xf32> to vector<16xf32>
        %swap3A_680 = vector.shape_cast %mul3A_675 : vector<16xf32> to vector<1x16xf32>
        tpu.vector_store %arg10[%swap3A_676, %swap3A_677], %swap3A_680 {strides = array<i32>} : memref<128x128xf32, #tpu.memory_space<vmem>>, vector<1x16xf32>,
        %get3A_681 = arith.index_cast %add3A_625 : i32 to index
        %get3A_682 = arith.constant 80 : index
        %get3A_683 = tpu.vector_load %arg10[%get3A_681, %get3A_682] {strides = array<i32>} : memref<128x128xf32, #tpu.memory_space<vmem>>, vector<1x16xf32>,
        %get3A_684 = vector.shape_cast %get3A_683 : vector<1x16xf32> to vector<16xf32>
        %mul3A_685 = vector.broadcast %squeeze3A_621 : f32 to vector<16xf32>
        %mul3A_686 = arith.mulf %get3A_684, %mul3A_685 : vector<16xf32>
        %swap3A_687 = arith.index_cast %add3A_625 : i32 to index
        %swap3A_688 = arith.constant 80 : index
        %swap3A_689 = tpu.vector_load %arg10[%swap3A_687, %swap3A_688] {strides = array<i32>} : memref<128x128xf32, #tpu.memory_space<vmem>>, vector<1x16xf32>,
        %swap3A_690 = vector.shape_cast %swap3A_689 : vector<1x16xf32> to vector<16xf32>
        %swap3A_691 = vector.shape_cast %mul3A_686 : vector<16xf32> to vector<1x16xf32>
        tpu.vector_store %arg10[%swap3A_687, %swap3A_688], %swap3A_691 {strides = array<i32>} : memref<128x128xf32, #tpu.memory_space<vmem>>, vector<1x16xf32>,
        %get3A_692 = arith.index_cast %add3A_625 : i32 to index
        %get3A_693 = arith.constant 96 : index
        %get3A_694 = tpu.vector_load %arg10[%get3A_692, %get3A_693] {strides = array<i32>} : memref<128x128xf32, #tpu.memory_space<vmem>>, vector<1x16xf32>,
        %get3A_695 = vector.shape_cast %get3A_694 : vector<1x16xf32> to vector<16xf32>
        %mul3A_696 = vector.broadcast %squeeze3A_621 : f32 to vector<16xf32>
        %mul3A_697 = arith.mulf %get3A_695, %mul3A_696 : vector<16xf32>
        %swap3A_698 = arith.index_cast %add3A_625 : i32 to index
        %swap3A_699 = arith.constant 96 : index
        %swap3A_700 = tpu.vector_load %arg10[%swap3A_698, %swap3A_699] {strides = array<i32>} : memref<128x128xf32, #tpu.memory_space<vmem>>, vector<1x16xf32>,
        %swap3A_701 = vector.shape_cast %swap3A_700 : vector<1x16xf32> to vector<16xf32>
        %swap3A_702 = vector.shape_cast %mul3A_697 : vector<16xf32> to vector<1x16xf32>
        tpu.vector_store %arg10[%swap3A_698, %swap3A_699], %swap3A_702 {strides = array<i32>} : memref<128x128xf32, #tpu.memory_space<vmem>>, vector<1x16xf32>,
        %get3A_703 = arith.index_cast %add3A_625 : i32 to index
        %get3A_704 = arith.constant 112 : index
        %get3A_705 = tpu.vector_load %arg10[%get3A_703, %get3A_704] {strides = array<i32>} : memref<128x128xf32, #tpu.memory_space<vmem>>, vector<1x16xf32>,
        %get3A_706 = vector.shape_cast %get3A_705 : vector<1x16xf32> to vector<16xf32>
        %mul3A_707 = vector.broadcast %squeeze3A_621 : f32 to vector<16xf32>
        %mul3A_708 = arith.mulf %get3A_706, %mul3A_707 : vector<16xf32>
        %swap3A_709 = arith.index_cast %add3A_625 : i32 to index
        %swap3A_710 = arith.constant 112 : index
        %swap3A_711 = tpu.vector_load %arg10[%swap3A_709, %swap3A_710] {strides = array<i32>} : memref<128x128xf32, #tpu.memory_space<vmem>>, vector<1x16xf32>,
        %swap3A_712 = vector.shape_cast %swap3A_711 : vector<1x16xf32> to vector<16xf32>
        %swap3A_713 = vector.shape_cast %mul3A_708 : vector<16xf32> to vector<1x16xf32>
        tpu.vector_store %arg10[%swap3A_709, %swap3A_710], %swap3A_713 {strides = array<i32>} : memref<128x128xf32, #tpu.memory_space<vmem>>, vector<1x16xf32>,
        %slice3A_714 = vector.extract_strided_slice %get3A_58 {offsets = [7], sizes = [1], strides = [1]} : vector<16xf32> to vector<1xf32>
        %squeeze3A_715 = vector.extract %slice3A_714[0] : f32 from vector<1xf32>
        %mul3A_716 = arith.constant 16 : i32
        %mul3A_717 = arith.muli %scan3A_54, %mul3A_716 : i32
        %add3A_718 = arith.constant 7 : i32
        %add3A_719 = arith.addi %mul3A_717, %add3A_718 : i32
        %get3A_720 = arith.index_cast %add3A_719 : i32 to index
        %get3A_721 = arith.constant 0 : index
        %get3A_722 = tpu.vector_load %arg10[%get3A_720, %get3A_721] {strides = array<i32>} : memref<128x128xf32, #tpu.memory_space<vmem>>, vector<1x16xf32>,
        %get3A_723 = vector.shape_cast %get3A_722 : vector<1x16xf32> to vector<16xf32>
        %mul3A_724 = vector.broadcast %squeeze3A_715 : f32 to vector<16xf32>
        %mul3A_725 = arith.mulf %get3A_723, %mul3A_724 : vector<16xf32>
        %swap3A_726 = arith.index_cast %add3A_719 : i32 to index
        %swap3A_727 = arith.constant 0 : index
        %swap3A_728 = tpu.vector_load %arg10[%swap3A_726, %swap3A_727] {strides = array<i32>} : memref<128x128xf32, #tpu.memory_space<vmem>>, vector<1x16xf32>,
        %swap3A_729 = vector.shape_cast %swap3A_728 : vector<1x16xf32> to vector<16xf32>
        %swap3A_730 = vector.shape_cast %mul3A_725 : vector<16xf32> to vector<1x16xf32>
        tpu.vector_store %arg10[%swap3A_726, %swap3A_727], %swap3A_730 {strides = array<i32>} : memref<128x128xf32, #tpu.memory_space<vmem>>, vector<1x16xf32>,
        %get3A_731 = arith.index_cast %add3A_719 : i32 to index
        %get3A_732 = arith.constant 16 : index
        %get3A_733 = tpu.vector_load %arg10[%get3A_731, %get3A_732] {strides = array<i32>} : memref<128x128xf32, #tpu.memory_space<vmem>>, vector<1x16xf32>,
        %get3A_734 = vector.shape_cast %get3A_733 : vector<1x16xf32> to vector<16xf32>
        %mul3A_735 = vector.broadcast %squeeze3A_715 : f32 to vector<16xf32>
        %mul3A_736 = arith.mulf %get3A_734, %mul3A_735 : vector<16xf32>
        %swap3A_737 = arith.index_cast %add3A_719 : i32 to index
        %swap3A_738 = arith.constant 16 : index
        %swap3A_739 = tpu.vector_load %arg10[%swap3A_737, %swap3A_738] {strides = array<i32>} : memref<128x128xf32, #tpu.memory_space<vmem>>, vector<1x16xf32>,
        %swap3A_740 = vector.shape_cast %swap3A_739 : vector<1x16xf32> to vector<16xf32>
        %swap3A_741 = vector.shape_cast %mul3A_736 : vector<16xf32> to vector<1x16xf32>
        tpu.vector_store %arg10[%swap3A_737, %swap3A_738], %swap3A_741 {strides = array<i32>} : memref<128x128xf32, #tpu.memory_space<vmem>>, vector<1x16xf32>,
        %get3A_742 = arith.index_cast %add3A_719 : i32 to index
        %get3A_743 = arith.constant 32 : index
        %get3A_744 = tpu.vector_load %arg10[%get3A_742, %get3A_743] {strides = array<i32>} : memref<128x128xf32, #tpu.memory_space<vmem>>, vector<1x16xf32>,
        %get3A_745 = vector.shape_cast %get3A_744 : vector<1x16xf32> to vector<16xf32>
        %mul3A_746 = vector.broadcast %squeeze3A_715 : f32 to vector<16xf32>
        %mul3A_747 = arith.mulf %get3A_745, %mul3A_746 : vector<16xf32>
        %swap3A_748 = arith.index_cast %add3A_719 : i32 to index
        %swap3A_749 = arith.constant 32 : index
        %swap3A_750 = tpu.vector_load %arg10[%swap3A_748, %swap3A_749] {strides = array<i32>} : memref<128x128xf32, #tpu.memory_space<vmem>>, vector<1x16xf32>,
        %swap3A_751 = vector.shape_cast %swap3A_750 : vector<1x16xf32> to vector<16xf32>
        %swap3A_752 = vector.shape_cast %mul3A_747 : vector<16xf32> to vector<1x16xf32>
        tpu.vector_store %arg10[%swap3A_748, %swap3A_749], %swap3A_752 {strides = array<i32>} : memref<128x128xf32, #tpu.memory_space<vmem>>, vector<1x16xf32>,
        %get3A_753 = arith.index_cast %add3A_719 : i32 to index
        %get3A_754 = arith.constant 48 : index
        %get3A_755 = tpu.vector_load %arg10[%get3A_753, %get3A_754] {strides = array<i32>} : memref<128x128xf32, #tpu.memory_space<vmem>>, vector<1x16xf32>,
        %get3A_756 = vector.shape_cast %get3A_755 : vector<1x16xf32> to vector<16xf32>
        %mul3A_757 = vector.broadcast %squeeze3A_715 : f32 to vector<16xf32>
        %mul3A_758 = arith.mulf %get3A_756, %mul3A_757 : vector<16xf32>
        %swap3A_759 = arith.index_cast %add3A_719 : i32 to index
        %swap3A_760 = arith.constant 48 : index
        %swap3A_761 = tpu.vector_load %arg10[%swap3A_759, %swap3A_760] {strides = array<i32>} : memref<128x128xf32, #tpu.memory_space<vmem>>, vector<1x16xf32>,
        %swap3A_762 = vector.shape_cast %swap3A_761 : vector<1x16xf32> to vector<16xf32>
        %swap3A_763 = vector.shape_cast %mul3A_758 : vector<16xf32> to vector<1x16xf32>
        tpu.vector_store %arg10[%swap3A_759, %swap3A_760], %swap3A_763 {strides = array<i32>} : memref<128x128xf32, #tpu.memory_space<vmem>>, vector<1x16xf32>,
        %get3A_764 = arith.index_cast %add3A_719 : i32 to index
        %get3A_765 = arith.constant 64 : index
        %get3A_766 = tpu.vector_load %arg10[%get3A_764, %get3A_765] {strides = array<i32>} : memref<128x128xf32, #tpu.memory_space<vmem>>, vector<1x16xf32>,
        %get3A_767 = vector.shape_cast %get3A_766 : vector<1x16xf32> to vector<16xf32>
        %mul3A_768 = vector.broadcast %squeeze3A_715 : f32 to vector<16xf32>
        %mul3A_769 = arith.mulf %get3A_767, %mul3A_768 : vector<16xf32>
        %swap3A_770 = arith.index_cast %add3A_719 : i32 to index
        %swap3A_771 = arith.constant 64 : index
        %swap3A_772 = tpu.vector_load %arg10[%swap3A_770, %swap3A_771] {strides = array<i32>} : memref<128x128xf32, #tpu.memory_space<vmem>>, vector<1x16xf32>,
        %swap3A_773 = vector.shape_cast %swap3A_772 : vector<1x16xf32> to vector<16xf32>
        %swap3A_774 = vector.shape_cast %mul3A_769 : vector<16xf32> to vector<1x16xf32>
        tpu.vector_store %arg10[%swap3A_770, %swap3A_771], %swap3A_774 {strides = array<i32>} : memref<128x128xf32, #tpu.memory_space<vmem>>, vector<1x16xf32>,
        %get3A_775 = arith.index_cast %add3A_719 : i32 to index
        %get3A_776 = arith.constant 80 : index
        %get3A_777 = tpu.vector_load %arg10[%get3A_775, %get3A_776] {strides = array<i32>} : memref<128x128xf32, #tpu.memory_space<vmem>>, vector<1x16xf32>,
        %get3A_778 = vector.shape_cast %get3A_777 : vector<1x16xf32> to vector<16xf32>
        %mul3A_779 = vector.broadcast %squeeze3A_715 : f32 to vector<16xf32>
        %mul3A_780 = arith.mulf %get3A_778, %mul3A_779 : vector<16xf32>
        %swap3A_781 = arith.index_cast %add3A_719 : i32 to index
        %swap3A_782 = arith.constant 80 : index
        %swap3A_783 = tpu.vector_load %arg10[%swap3A_781, %swap3A_782] {strides = array<i32>} : memref<128x128xf32, #tpu.memory_space<vmem>>, vector<1x16xf32>,
        %swap3A_784 = vector.shape_cast %swap3A_783 : vector<1x16xf32> to vector<16xf32>
        %swap3A_785 = vector.shape_cast %mul3A_780 : vector<16xf32> to vector<1x16xf32>
        tpu.vector_store %arg10[%swap3A_781, %swap3A_782], %swap3A_785 {strides = array<i32>} : memref<128x128xf32, #tpu.memory_space<vmem>>, vector<1x16xf32>,
        %get3A_786 = arith.index_cast %add3A_719 : i32 to index
        %get3A_787 = arith.constant 96 : index
        %get3A_788 = tpu.vector_load %arg10[%get3A_786, %get3A_787] {strides = array<i32>} : memref<128x128xf32, #tpu.memory_space<vmem>>, vector<1x16xf32>,
        %get3A_789 = vector.shape_cast %get3A_788 : vector<1x16xf32> to vector<16xf32>
        %mul3A_790 = vector.broadcast %squeeze3A_715 : f32 to vector<16xf32>
        %mul3A_791 = arith.mulf %get3A_789, %mul3A_790 : vector<16xf32>
        %swap3A_792 = arith.index_cast %add3A_719 : i32 to index
        %swap3A_793 = arith.constant 96 : index
        %swap3A_794 = tpu.vector_load %arg10[%swap3A_792, %swap3A_793] {strides = array<i32>} : memref<128x128xf32, #tpu.memory_space<vmem>>, vector<1x16xf32>,
        %swap3A_795 = vector.shape_cast %swap3A_794 : vector<1x16xf32> to vector<16xf32>
        %swap3A_796 = vector.shape_cast %mul3A_791 : vector<16xf32> to vector<1x16xf32>
        tpu.vector_store %arg10[%swap3A_792, %swap3A_793], %swap3A_796 {strides = array<i32>} : memref<128x128xf32, #tpu.memory_space<vmem>>, vector<1x16xf32>,
        %get3A_797 = arith.index_cast %add3A_719 : i32 to index
        %get3A_798 = arith.constant 112 : index
        %get3A_799 = tpu.vector_load %arg10[%get3A_797, %get3A_798] {strides = array<i32>} : memref<128x128xf32, #tpu.memory_space<vmem>>, vector<1x16xf32>,
        %get3A_800 = vector.shape_cast %get3A_799 : vector<1x16xf32> to vector<16xf32>
        %mul3A_801 = vector.broadcast %squeeze3A_715 : f32 to vector<16xf32>
        %mul3A_802 = arith.mulf %get3A_800, %mul3A_801 : vector<16xf32>
        %swap3A_803 = arith.index_cast %add3A_719 : i32 to index
        %swap3A_804 = arith.constant 112 : index
        %swap3A_805 = tpu.vector_load %arg10[%swap3A_803, %swap3A_804] {strides = array<i32>} : memref<128x128xf32, #tpu.memory_space<vmem>>, vector<1x16xf32>,
        %swap3A_806 = vector.shape_cast %swap3A_805 : vector<1x16xf32> to vector<16xf32>
        %swap3A_807 = vector.shape_cast %mul3A_802 : vector<16xf32> to vector<1x16xf32>
        tpu.vector_store %arg10[%swap3A_803, %swap3A_804], %swap3A_807 {strides = array<i32>} : memref<128x128xf32, #tpu.memory_space<vmem>>, vector<1x16xf32>,
        %slice3A_808 = vector.extract_strided_slice %get3A_58 {offsets = [8], sizes = [1], strides = [1]} : vector<16xf32> to vector<1xf32>
        %squeeze3A_809 = vector.extract %slice3A_808[0] : f32 from vector<1xf32>
        %mul3A_810 = arith.constant 16 : i32
        %mul3A_811 = arith.muli %scan3A_54, %mul3A_810 : i32
        %add3A_812 = arith.constant 8 : i32
        %add3A_813 = arith.addi %mul3A_811, %add3A_812 : i32
        %get3A_814 = arith.index_cast %add3A_813 : i32 to index
        %get3A_815 = arith.constant 0 : index
        %get3A_816 = tpu.vector_load %arg10[%get3A_814, %get3A_815] {strides = array<i32>} : memref<128x128xf32, #tpu.memory_space<vmem>>, vector<1x16xf32>,
        %get3A_817 = vector.shape_cast %get3A_816 : vector<1x16xf32> to vector<16xf32>
        %mul3A_818 = vector.broadcast %squeeze3A_809 : f32 to vector<16xf32>
        %mul3A_819 = arith.mulf %get3A_817, %mul3A_818 : vector<16xf32>
        %swap3A_820 = arith.index_cast %add3A_813 : i32 to index
        %swap3A_821 = arith.constant 0 : index
        %swap3A_822 = tpu.vector_load %arg10[%swap3A_820, %swap3A_821] {strides = array<i32>} : memref<128x128xf32, #tpu.memory_space<vmem>>, vector<1x16xf32>,
        %swap3A_823 = vector.shape_cast %swap3A_822 : vector<1x16xf32> to vector<16xf32>
        %swap3A_824 = vector.shape_cast %mul3A_819 : vector<16xf32> to vector<1x16xf32>
        tpu.vector_store %arg10[%swap3A_820, %swap3A_821], %swap3A_824 {strides = array<i32>} : memref<128x128xf32, #tpu.memory_space<vmem>>, vector<1x16xf32>,
        %get3A_825 = arith.index_cast %add3A_813 : i32 to index
        %get3A_826 = arith.constant 16 : index
        %get3A_827 = tpu.vector_load %arg10[%get3A_825, %get3A_826] {strides = array<i32>} : memref<128x128xf32, #tpu.memory_space<vmem>>, vector<1x16xf32>,
        %get3A_828 = vector.shape_cast %get3A_827 : vector<1x16xf32> to vector<16xf32>
        %mul3A_829 = vector.broadcast %squeeze3A_809 : f32 to vector<16xf32>
        %mul3A_830 = arith.mulf %get3A_828, %mul3A_829 : vector<16xf32>
        %swap3A_831 = arith.index_cast %add3A_813 : i32 to index
        %swap3A_832 = arith.constant 16 : index
        %swap3A_833 = tpu.vector_load %arg10[%swap3A_831, %swap3A_832] {strides = array<i32>} : memref<128x128xf32, #tpu.memory_space<vmem>>, vector<1x16xf32>,
        %swap3A_834 = vector.shape_cast %swap3A_833 : vector<1x16xf32> to vector<16xf32>
        %swap3A_835 = vector.shape_cast %mul3A_830 : vector<16xf32> to vector<1x16xf32>
        tpu.vector_store %arg10[%swap3A_831, %swap3A_832], %swap3A_835 {strides = array<i32>} : memref<128x128xf32, #tpu.memory_space<vmem>>, vector<1x16xf32>,
        %get3A_836 = arith.index_cast %add3A_813 : i32 to index
        %get3A_837 = arith.constant 32 : index
        %get3A_838 = tpu.vector_load %arg10[%get3A_836, %get3A_837] {strides = array<i32>} : memref<128x128xf32, #tpu.memory_space<vmem>>, vector<1x16xf32>,
        %get3A_839 = vector.shape_cast %get3A_838 : vector<1x16xf32> to vector<16xf32>
        %mul3A_840 = vector.broadcast %squeeze3A_809 : f32 to vector<16xf32>
        %mul3A_841 = arith.mulf %get3A_839, %mul3A_840 : vector<16xf32>
        %swap3A_842 = arith.index_cast %add3A_813 : i32 to index
        %swap3A_843 = arith.constant 32 : index
        %swap3A_844 = tpu.vector_load %arg10[%swap3A_842, %swap3A_843] {strides = array<i32>} : memref<128x128xf32, #tpu.memory_space<vmem>>, vector<1x16xf32>,
        %swap3A_845 = vector.shape_cast %swap3A_844 : vector<1x16xf32> to vector<16xf32>
        %swap3A_846 = vector.shape_cast %mul3A_841 : vector<16xf32> to vector<1x16xf32>
        tpu.vector_store %arg10[%swap3A_842, %swap3A_843], %swap3A_846 {strides = array<i32>} : memref<128x128xf32, #tpu.memory_space<vmem>>, vector<1x16xf32>,
        %get3A_847 = arith.index_cast %add3A_813 : i32 to index
        %get3A_848 = arith.constant 48 : index
        %get3A_849 = tpu.vector_load %arg10[%get3A_847, %get3A_848] {strides = array<i32>} : memref<128x128xf32, #tpu.memory_space<vmem>>, vector<1x16xf32>,
        %get3A_850 = vector.shape_cast %get3A_849 : vector<1x16xf32> to vector<16xf32>
        %mul3A_851 = vector.broadcast %squeeze3A_809 : f32 to vector<16xf32>
        %mul3A_852 = arith.mulf %get3A_850, %mul3A_851 : vector<16xf32>
        %swap3A_853 = arith.index_cast %add3A_813 : i32 to index
        %swap3A_854 = arith.constant 48 : index
        %swap3A_855 = tpu.vector_load %arg10[%swap3A_853, %swap3A_854] {strides = array<i32>} : memref<128x128xf32, #tpu.memory_space<vmem>>, vector<1x16xf32>,
        %swap3A_856 = vector.shape_cast %swap3A_855 : vector<1x16xf32> to vector<16xf32>
        %swap3A_857 = vector.shape_cast %mul3A_852 : vector<16xf32> to vector<1x16xf32>
        tpu.vector_store %arg10[%swap3A_853, %swap3A_854], %swap3A_857 {strides = array<i32>} : memref<128x128xf32, #tpu.memory_space<vmem>>, vector<1x16xf32>,
        %get3A_858 = arith.index_cast %add3A_813 : i32 to index
        %get3A_859 = arith.constant 64 : index
        %get3A_860 = tpu.vector_load %arg10[%get3A_858, %get3A_859] {strides = array<i32>} : memref<128x128xf32, #tpu.memory_space<vmem>>, vector<1x16xf32>,
        %get3A_861 = vector.shape_cast %get3A_860 : vector<1x16xf32> to vector<16xf32>
        %mul3A_862 = vector.broadcast %squeeze3A_809 : f32 to vector<16xf32>
        %mul3A_863 = arith.mulf %get3A_861, %mul3A_862 : vector<16xf32>
        %swap3A_864 = arith.index_cast %add3A_813 : i32 to index
        %swap3A_865 = arith.constant 64 : index
        %swap3A_866 = tpu.vector_load %arg10[%swap3A_864, %swap3A_865] {strides = array<i32>} : memref<128x128xf32, #tpu.memory_space<vmem>>, vector<1x16xf32>,
        %swap3A_867 = vector.shape_cast %swap3A_866 : vector<1x16xf32> to vector<16xf32>
        %swap3A_868 = vector.shape_cast %mul3A_863 : vector<16xf32> to vector<1x16xf32>
        tpu.vector_store %arg10[%swap3A_864, %swap3A_865], %swap3A_868 {strides = array<i32>} : memref<128x128xf32, #tpu.memory_space<vmem>>, vector<1x16xf32>,
        %get3A_869 = arith.index_cast %add3A_813 : i32 to index
        %get3A_870 = arith.constant 80 : index
        %get3A_871 = tpu.vector_load %arg10[%get3A_869, %get3A_870] {strides = array<i32>} : memref<128x128xf32, #tpu.memory_space<vmem>>, vector<1x16xf32>,
        %get3A_872 = vector.shape_cast %get3A_871 : vector<1x16xf32> to vector<16xf32>
        %mul3A_873 = vector.broadcast %squeeze3A_809 : f32 to vector<16xf32>
        %mul3A_874 = arith.mulf %get3A_872, %mul3A_873 : vector<16xf32>
        %swap3A_875 = arith.index_cast %add3A_813 : i32 to index
        %swap3A_876 = arith.constant 80 : index
        %swap3A_877 = tpu.vector_load %arg10[%swap3A_875, %swap3A_876] {strides = array<i32>} : memref<128x128xf32, #tpu.memory_space<vmem>>, vector<1x16xf32>,
        %swap3A_878 = vector.shape_cast %swap3A_877 : vector<1x16xf32> to vector<16xf32>
        %swap3A_879 = vector.shape_cast %mul3A_874 : vector<16xf32> to vector<1x16xf32>
        tpu.vector_store %arg10[%swap3A_875, %swap3A_876], %swap3A_879 {strides = array<i32>} : memref<128x128xf32, #tpu.memory_space<vmem>>, vector<1x16xf32>,
        %get3A_880 = arith.index_cast %add3A_813 : i32 to index
        %get3A_881 = arith.constant 96 : index
        %get3A_882 = tpu.vector_load %arg10[%get3A_880, %get3A_881] {strides = array<i32>} : memref<128x128xf32, #tpu.memory_space<vmem>>, vector<1x16xf32>,
        %get3A_883 = vector.shape_cast %get3A_882 : vector<1x16xf32> to vector<16xf32>
        %mul3A_884 = vector.broadcast %squeeze3A_809 : f32 to vector<16xf32>
        %mul3A_885 = arith.mulf %get3A_883, %mul3A_884 : vector<16xf32>
        %swap3A_886 = arith.index_cast %add3A_813 : i32 to index
        %swap3A_887 = arith.constant 96 : index
        %swap3A_888 = tpu.vector_load %arg10[%swap3A_886, %swap3A_887] {strides = array<i32>} : memref<128x128xf32, #tpu.memory_space<vmem>>, vector<1x16xf32>,
        %swap3A_889 = vector.shape_cast %swap3A_888 : vector<1x16xf32> to vector<16xf32>
        %swap3A_890 = vector.shape_cast %mul3A_885 : vector<16xf32> to vector<1x16xf32>
        tpu.vector_store %arg10[%swap3A_886, %swap3A_887], %swap3A_890 {strides = array<i32>} : memref<128x128xf32, #tpu.memory_space<vmem>>, vector<1x16xf32>,
        %get3A_891 = arith.index_cast %add3A_813 : i32 to index
        %get3A_892 = arith.constant 112 : index
        %get3A_893 = tpu.vector_load %arg10[%get3A_891, %get3A_892] {strides = array<i32>} : memref<128x128xf32, #tpu.memory_space<vmem>>, vector<1x16xf32>,
        %get3A_894 = vector.shape_cast %get3A_893 : vector<1x16xf32> to vector<16xf32>
        %mul3A_895 = vector.broadcast %squeeze3A_809 : f32 to vector<16xf32>
        %mul3A_896 = arith.mulf %get3A_894, %mul3A_895 : vector<16xf32>
        %swap3A_897 = arith.index_cast %add3A_813 : i32 to index
        %swap3A_898 = arith.constant 112 : index
        %swap3A_899 = tpu.vector_load %arg10[%swap3A_897, %swap3A_898] {strides = array<i32>} : memref<128x128xf32, #tpu.memory_space<vmem>>, vector<1x16xf32>,
        %swap3A_900 = vector.shape_cast %swap3A_899 : vector<1x16xf32> to vector<16xf32>
        %swap3A_901 = vector.shape_cast %mul3A_896 : vector<16xf32> to vector<1x16xf32>
        tpu.vector_store %arg10[%swap3A_897, %swap3A_898], %swap3A_901 {strides = array<i32>} : memref<128x128xf32, #tpu.memory_space<vmem>>, vector<1x16xf32>,
        %slice3A_902 = vector.extract_strided_slice %get3A_58 {offsets = [9], sizes = [1], strides = [1]} : vector<16xf32> to vector<1xf32>
        %squeeze3A_903 = vector.extract %slice3A_902[0] : f32 from vector<1xf32>
        %mul3A_904 = arith.constant 16 : i32
        %mul3A_905 = arith.muli %scan3A_54, %mul3A_904 : i32
        %add3A_906 = arith.constant 9 : i32
        %add3A_907 = arith.addi %mul3A_905, %add3A_906 : i32
        %get3A_908 = arith.index_cast %add3A_907 : i32 to index
        %get3A_909 = arith.constant 0 : index
        %get3A_910 = tpu.vector_load %arg10[%get3A_908, %get3A_909] {strides = array<i32>} : memref<128x128xf32, #tpu.memory_space<vmem>>, vector<1x16xf32>,
        %get3A_911 = vector.shape_cast %get3A_910 : vector<1x16xf32> to vector<16xf32>
        %mul3A_912 = vector.broadcast %squeeze3A_903 : f32 to vector<16xf32>
        %mul3A_913 = arith.mulf %get3A_911, %mul3A_912 : vector<16xf32>
        %swap3A_914 = arith.index_cast %add3A_907 : i32 to index
        %swap3A_915 = arith.constant 0 : index
        %swap3A_916 = tpu.vector_load %arg10[%swap3A_914, %swap3A_915] {strides = array<i32>} : memref<128x128xf32, #tpu.memory_space<vmem>>, vector<1x16xf32>,
        %swap3A_917 = vector.shape_cast %swap3A_916 : vector<1x16xf32> to vector<16xf32>
        %swap3A_918 = vector.shape_cast %mul3A_913 : vector<16xf32> to vector<1x16xf32>
        tpu.vector_store %arg10[%swap3A_914, %swap3A_915], %swap3A_918 {strides = array<i32>} : memref<128x128xf32, #tpu.memory_space<vmem>>, vector<1x16xf32>,
        %get3A_919 = arith.index_cast %add3A_907 : i32 to index
        %get3A_920 = arith.constant 16 : index
        %get3A_921 = tpu.vector_load %arg10[%get3A_919, %get3A_920] {strides = array<i32>} : memref<128x128xf32, #tpu.memory_space<vmem>>, vector<1x16xf32>,
        %get3A_922 = vector.shape_cast %get3A_921 : vector<1x16xf32> to vector<16xf32>
        %mul3A_923 = vector.broadcast %squeeze3A_903 : f32 to vector<16xf32>
        %mul3A_924 = arith.mulf %get3A_922, %mul3A_923 : vector<16xf32>
        %swap3A_925 = arith.index_cast %add3A_907 : i32 to index
        %swap3A_926 = arith.constant 16 : index
        %swap3A_927 = tpu.vector_load %arg10[%swap3A_925, %swap3A_926] {strides = array<i32>} : memref<128x128xf32, #tpu.memory_space<vmem>>, vector<1x16xf32>,
        %swap3A_928 = vector.shape_cast %swap3A_927 : vector<1x16xf32> to vector<16xf32>
        %swap3A_929 = vector.shape_cast %mul3A_924 : vector<16xf32> to vector<1x16xf32>
        tpu.vector_store %arg10[%swap3A_925, %swap3A_926], %swap3A_929 {strides = array<i32>} : memref<128x128xf32, #tpu.memory_space<vmem>>, vector<1x16xf32>,
        %get3A_930 = arith.index_cast %add3A_907 : i32 to index
        %get3A_931 = arith.constant 32 : index
        %get3A_932 = tpu.vector_load %arg10[%get3A_930, %get3A_931] {strides = array<i32>} : memref<128x128xf32, #tpu.memory_space<vmem>>, vector<1x16xf32>,
        %get3A_933 = vector.shape_cast %get3A_932 : vector<1x16xf32> to vector<16xf32>
        %mul3A_934 = vector.broadcast %squeeze3A_903 : f32 to vector<16xf32>
        %mul3A_935 = arith.mulf %get3A_933, %mul3A_934 : vector<16xf32>
        %swap3A_936 = arith.index_cast %add3A_907 : i32 to index
        %swap3A_937 = arith.constant 32 : index
        %swap3A_938 = tpu.vector_load %arg10[%swap3A_936, %swap3A_937] {strides = array<i32>} : memref<128x128xf32, #tpu.memory_space<vmem>>, vector<1x16xf32>,
        %swap3A_939 = vector.shape_cast %swap3A_938 : vector<1x16xf32> to vector<16xf32>
        %swap3A_940 = vector.shape_cast %mul3A_935 : vector<16xf32> to vector<1x16xf32>
        tpu.vector_store %arg10[%swap3A_936, %swap3A_937], %swap3A_940 {strides = array<i32>} : memref<128x128xf32, #tpu.memory_space<vmem>>, vector<1x16xf32>,
        %get3A_941 = arith.index_cast %add3A_907 : i32 to index
        %get3A_942 = arith.constant 48 : index
        %get3A_943 = tpu.vector_load %arg10[%get3A_941, %get3A_942] {strides = array<i32>} : memref<128x128xf32, #tpu.memory_space<vmem>>, vector<1x16xf32>,
        %get3A_944 = vector.shape_cast %get3A_943 : vector<1x16xf32> to vector<16xf32>
        %mul3A_945 = vector.broadcast %squeeze3A_903 : f32 to vector<16xf32>
        %mul3A_946 = arith.mulf %get3A_944, %mul3A_945 : vector<16xf32>
        %swap3A_947 = arith.index_cast %add3A_907 : i32 to index
        %swap3A_948 = arith.constant 48 : index
        %swap3A_949 = tpu.vector_load %arg10[%swap3A_947, %swap3A_948] {strides = array<i32>} : memref<128x128xf32, #tpu.memory_space<vmem>>, vector<1x16xf32>,
        %swap3A_950 = vector.shape_cast %swap3A_949 : vector<1x16xf32> to vector<16xf32>
        %swap3A_951 = vector.shape_cast %mul3A_946 : vector<16xf32> to vector<1x16xf32>
        tpu.vector_store %arg10[%swap3A_947, %swap3A_948], %swap3A_951 {strides = array<i32>} : memref<128x128xf32, #tpu.memory_space<vmem>>, vector<1x16xf32>,
        %get3A_952 = arith.index_cast %add3A_907 : i32 to index
        %get3A_953 = arith.constant 64 : index
        %get3A_954 = tpu.vector_load %arg10[%get3A_952, %get3A_953] {strides = array<i32>} : memref<128x128xf32, #tpu.memory_space<vmem>>, vector<1x16xf32>,
        %get3A_955 = vector.shape_cast %get3A_954 : vector<1x16xf32> to vector<16xf32>
        %mul3A_956 = vector.broadcast %squeeze3A_903 : f32 to vector<16xf32>
        %mul3A_957 = arith.mulf %get3A_955, %mul3A_956 : vector<16xf32>
        %swap3A_958 = arith.index_cast %add3A_907 : i32 to index
        %swap3A_959 = arith.constant 64 : index
        %swap3A_960 = tpu.vector_load %arg10[%swap3A_958, %swap3A_959] {strides = array<i32>} : memref<128x128xf32, #tpu.memory_space<vmem>>, vector<1x16xf32>,
        %swap3A_961 = vector.shape_cast %swap3A_960 : vector<1x16xf32> to vector<16xf32>
        %swap3A_962 = vector.shape_cast %mul3A_957 : vector<16xf32> to vector<1x16xf32>
        tpu.vector_store %arg10[%swap3A_958, %swap3A_959], %swap3A_962 {strides = array<i32>} : memref<128x128xf32, #tpu.memory_space<vmem>>, vector<1x16xf32>,
        %get3A_963 = arith.index_cast %add3A_907 : i32 to index
        %get3A_964 = arith.constant 80 : index
        %get3A_965 = tpu.vector_load %arg10[%get3A_963, %get3A_964] {strides = array<i32>} : memref<128x128xf32, #tpu.memory_space<vmem>>, vector<1x16xf32>,
        %get3A_966 = vector.shape_cast %get3A_965 : vector<1x16xf32> to vector<16xf32>
        %mul3A_967 = vector.broadcast %squeeze3A_903 : f32 to vector<16xf32>
        %mul3A_968 = arith.mulf %get3A_966, %mul3A_967 : vector<16xf32>
        %swap3A_969 = arith.index_cast %add3A_907 : i32 to index
        %swap3A_970 = arith.constant 80 : index
        %swap3A_971 = tpu.vector_load %arg10[%swap3A_969, %swap3A_970] {strides = array<i32>} : memref<128x128xf32, #tpu.memory_space<vmem>>, vector<1x16xf32>,
        %swap3A_972 = vector.shape_cast %swap3A_971 : vector<1x16xf32> to vector<16xf32>
        %swap3A_973 = vector.shape_cast %mul3A_968 : vector<16xf32> to vector<1x16xf32>
        tpu.vector_store %arg10[%swap3A_969, %swap3A_970], %swap3A_973 {strides = array<i32>} : memref<128x128xf32, #tpu.memory_space<vmem>>, vector<1x16xf32>,
        %get3A_974 = arith.index_cast %add3A_907 : i32 to index
        %get3A_975 = arith.constant 96 : index
        %get3A_976 = tpu.vector_load %arg10[%get3A_974, %get3A_975] {strides = array<i32>} : memref<128x128xf32, #tpu.memory_space<vmem>>, vector<1x16xf32>,
        %get3A_977 = vector.shape_cast %get3A_976 : vector<1x16xf32> to vector<16xf32>
        %mul3A_978 = vector.broadcast %squeeze3A_903 : f32 to vector<16xf32>
        %mul3A_979 = arith.mulf %get3A_977, %mul3A_978 : vector<16xf32>
        %swap3A_980 = arith.index_cast %add3A_907 : i32 to index
        %swap3A_981 = arith.constant 96 : index
        %swap3A_982 = tpu.vector_load %arg10[%swap3A_980, %swap3A_981] {strides = array<i32>} : memref<128x128xf32, #tpu.memory_space<vmem>>, vector<1x16xf32>,
        %swap3A_983 = vector.shape_cast %swap3A_982 : vector<1x16xf32> to vector<16xf32>
        %swap3A_984 = vector.shape_cast %mul3A_979 : vector<16xf32> to vector<1x16xf32>
        tpu.vector_store %arg10[%swap3A_980, %swap3A_981], %swap3A_984 {strides = array<i32>} : memref<128x128xf32, #tpu.memory_space<vmem>>, vector<1x16xf32>,
        %get3A_985 = arith.index_cast %add3A_907 : i32 to index
        %get3A_986 = arith.constant 112 : index
        %get3A_987 = tpu.vector_load %arg10[%get3A_985, %get3A_986] {strides = array<i32>} : memref<128x128xf32, #tpu.memory_space<vmem>>, vector<1x16xf32>,
        %get3A_988 = vector.shape_cast %get3A_987 : vector<1x16xf32> to vector<16xf32>
        %mul3A_989 = vector.broadcast %squeeze3A_903 : f32 to vector<16xf32>
        %mul3A_990 = arith.mulf %get3A_988, %mul3A_989 : vector<16xf32>
        %swap3A_991 = arith.index_cast %add3A_907 : i32 to index
        %swap3A_992 = arith.constant 112 : index
        %swap3A_993 = tpu.vector_load %arg10[%swap3A_991, %swap3A_992] {strides = array<i32>} : memref<128x128xf32, #tpu.memory_space<vmem>>, vector<1x16xf32>,
        %swap3A_994 = vector.shape_cast %swap3A_993 : vector<1x16xf32> to vector<16xf32>
        %swap3A_995 = vector.shape_cast %mul3A_990 : vector<16xf32> to vector<1x16xf32>
        tpu.vector_store %arg10[%swap3A_991, %swap3A_992], %swap3A_995 {strides = array<i32>} : memref<128x128xf32, #tpu.memory_space<vmem>>, vector<1x16xf32>,
        %slice3A_996 = vector.extract_strided_slice %get3A_58 {offsets = [10], sizes = [1], strides = [1]} : vector<16xf32> to vector<1xf32>
        %squeeze3A_997 = vector.extract %slice3A_996[0] : f32 from vector<1xf32>
        %mul3A_998 = arith.constant 16 : i32
        %mul3A_999 = arith.muli %scan3A_54, %mul3A_998 : i32
        %add3A_1000 = arith.constant 10 : i32
        %add3A_1001 = arith.addi %mul3A_999, %add3A_1000 : i32
        %get3A_1002 = arith.index_cast %add3A_1001 : i32 to index
        %get3A_1003 = arith.constant 0 : index
        %get3A_1004 = tpu.vector_load %arg10[%get3A_1002, %get3A_1003] {strides = array<i32>} : memref<128x128xf32, #tpu.memory_space<vmem>>, vector<1x16xf32>,
        %get3A_1005 = vector.shape_cast %get3A_1004 : vector<1x16xf32> to vector<16xf32>
        %mul3A_1006 = vector.broadcast %squeeze3A_997 : f32 to vector<16xf32>
        %mul3A_1007 = arith.mulf %get3A_1005, %mul3A_1006 : vector<16xf32>
        %swap3A_1008 = arith.index_cast %add3A_1001 : i32 to index
        %swap3A_1009 = arith.constant 0 : index
        %swap3A_1010 = tpu.vector_load %arg10[%swap3A_1008, %swap3A_1009] {strides = array<i32>} : memref<128x128xf32, #tpu.memory_space<vmem>>, vector<1x16xf32>,
        %swap3A_1011 = vector.shape_cast %swap3A_1010 : vector<1x16xf32> to vector<16xf32>
        %swap3A_1012 = vector.shape_cast %mul3A_1007 : vector<16xf32> to vector<1x16xf32>
        tpu.vector_store %arg10[%swap3A_1008, %swap3A_1009], %swap3A_1012 {strides = array<i32>} : memref<128x128xf32, #tpu.memory_space<vmem>>, vector<1x16xf32>,
        %get3A_1013 = arith.index_cast %add3A_1001 : i32 to index
        %get3A_1014 = arith.constant 16 : index
        %get3A_1015 = tpu.vector_load %arg10[%get3A_1013, %get3A_1014] {strides = array<i32>} : memref<128x128xf32, #tpu.memory_space<vmem>>, vector<1x16xf32>,
        %get3A_1016 = vector.shape_cast %get3A_1015 : vector<1x16xf32> to vector<16xf32>
        %mul3A_1017 = vector.broadcast %squeeze3A_997 : f32 to vector<16xf32>
        %mul3A_1018 = arith.mulf %get3A_1016, %mul3A_1017 : vector<16xf32>
        %swap3A_1019 = arith.index_cast %add3A_1001 : i32 to index
        %swap3A_1020 = arith.constant 16 : index
        %swap3A_1021 = tpu.vector_load %arg10[%swap3A_1019, %swap3A_1020] {strides = array<i32>} : memref<128x128xf32, #tpu.memory_space<vmem>>, vector<1x16xf32>,
        %swap3A_1022 = vector.shape_cast %swap3A_1021 : vector<1x16xf32> to vector<16xf32>
        %swap3A_1023 = vector.shape_cast %mul3A_1018 : vector<16xf32> to vector<1x16xf32>
        tpu.vector_store %arg10[%swap3A_1019, %swap3A_1020], %swap3A_1023 {strides = array<i32>} : memref<128x128xf32, #tpu.memory_space<vmem>>, vector<1x16xf32>,
        %get3A_1024 = arith.index_cast %add3A_1001 : i32 to index
        %get3A_1025 = arith.constant 32 : index
        %get3A_1026 = tpu.vector_load %arg10[%get3A_1024, %get3A_1025] {strides = array<i32>} : memref<128x128xf32, #tpu.memory_space<vmem>>, vector<1x16xf32>,
        %get3A_1027 = vector.shape_cast %get3A_1026 : vector<1x16xf32> to vector<16xf32>
        %mul3A_1028 = vector.broadcast %squeeze3A_997 : f32 to vector<16xf32>
        %mul3A_1029 = arith.mulf %get3A_1027, %mul3A_1028 : vector<16xf32>
        %swap3A_1030 = arith.index_cast %add3A_1001 : i32 to index
        %swap3A_1031 = arith.constant 32 : index
        %swap3A_1032 = tpu.vector_load %arg10[%swap3A_1030, %swap3A_1031] {strides = array<i32>} : memref<128x128xf32, #tpu.memory_space<vmem>>, vector<1x16xf32>,
        %swap3A_1033 = vector.shape_cast %swap3A_1032 : vector<1x16xf32> to vector<16xf32>
        %swap3A_1034 = vector.shape_cast %mul3A_1029 : vector<16xf32> to vector<1x16xf32>
        tpu.vector_store %arg10[%swap3A_1030, %swap3A_1031], %swap3A_1034 {strides = array<i32>} : memref<128x128xf32, #tpu.memory_space<vmem>>, vector<1x16xf32>,
        %get3A_1035 = arith.index_cast %add3A_1001 : i32 to index
        %get3A_1036 = arith.constant 48 : index
        %get3A_1037 = tpu.vector_load %arg10[%get3A_1035, %get3A_1036] {strides = array<i32>} : memref<128x128xf32, #tpu.memory_space<vmem>>, vector<1x16xf32>,
        %get3A_1038 = vector.shape_cast %get3A_1037 : vector<1x16xf32> to vector<16xf32>
        %mul3A_1039 = vector.broadcast %squeeze3A_997 : f32 to vector<16xf32>
        %mul3A_1040 = arith.mulf %get3A_1038, %mul3A_1039 : vector<16xf32>
        %swap3A_1041 = arith.index_cast %add3A_1001 : i32 to index
        %swap3A_1042 = arith.constant 48 : index
        %swap3A_1043 = tpu.vector_load %arg10[%swap3A_1041, %swap3A_1042] {strides = array<i32>} : memref<128x128xf32, #tpu.memory_space<vmem>>, vector<1x16xf32>,
        %swap3A_1044 = vector.shape_cast %swap3A_1043 : vector<1x16xf32> to vector<16xf32>
        %swap3A_1045 = vector.shape_cast %mul3A_1040 : vector<16xf32> to vector<1x16xf32>
        tpu.vector_store %arg10[%swap3A_1041, %swap3A_1042], %swap3A_1045 {strides = array<i32>} : memref<128x128xf32, #tpu.memory_space<vmem>>, vector<1x16xf32>,
        %get3A_1046 = arith.index_cast %add3A_1001 : i32 to index
        %get3A_1047 = arith.constant 64 : index
        %get3A_1048 = tpu.vector_load %arg10[%get3A_1046, %get3A_1047] {strides = array<i32>} : memref<128x128xf32, #tpu.memory_space<vmem>>, vector<1x16xf32>,
        %get3A_1049 = vector.shape_cast %get3A_1048 : vector<1x16xf32> to vector<16xf32>
        %mul3A_1050 = vector.broadcast %squeeze3A_997 : f32 to vector<16xf32>
        %mul3A_1051 = arith.mulf %get3A_1049, %mul3A_1050 : vector<16xf32>
        %swap3A_1052 = arith.index_cast %add3A_1001 : i32 to index
        %swap3A_1053 = arith.constant 64 : index
        %swap3A_1054 = tpu.vector_load %arg10[%swap3A_1052, %swap3A_1053] {strides = array<i32>} : memref<128x128xf32, #tpu.memory_space<vmem>>, vector<1x16xf32>,
        %swap3A_1055 = vector.shape_cast %swap3A_1054 : vector<1x16xf32> to vector<16xf32>
        %swap3A_1056 = vector.shape_cast %mul3A_1051 : vector<16xf32> to vector<1x16xf32>
        tpu.vector_store %arg10[%swap3A_1052, %swap3A_1053], %swap3A_1056 {strides = array<i32>} : memref<128x128xf32, #tpu.memory_space<vmem>>, vector<1x16xf32>,
        %get3A_1057 = arith.index_cast %add3A_1001 : i32 to index
        %get3A_1058 = arith.constant 80 : index
        %get3A_1059 = tpu.vector_load %arg10[%get3A_1057, %get3A_1058] {strides = array<i32>} : memref<128x128xf32, #tpu.memory_space<vmem>>, vector<1x16xf32>,
        %get3A_1060 = vector.shape_cast %get3A_1059 : vector<1x16xf32> to vector<16xf32>
        %mul3A_1061 = vector.broadcast %squeeze3A_997 : f32 to vector<16xf32>
        %mul3A_1062 = arith.mulf %get3A_1060, %mul3A_1061 : vector<16xf32>
        %swap3A_1063 = arith.index_cast %add3A_1001 : i32 to index
        %swap3A_1064 = arith.constant 80 : index
        %swap3A_1065 = tpu.vector_load %arg10[%swap3A_1063, %swap3A_1064] {strides = array<i32>} : memref<128x128xf32, #tpu.memory_space<vmem>>, vector<1x16xf32>,
        %swap3A_1066 = vector.shape_cast %swap3A_1065 : vector<1x16xf32> to vector<16xf32>
        %swap3A_1067 = vector.shape_cast %mul3A_1062 : vector<16xf32> to vector<1x16xf32>
        tpu.vector_store %arg10[%swap3A_1063, %swap3A_1064], %swap3A_1067 {strides = array<i32>} : memref<128x128xf32, #tpu.memory_space<vmem>>, vector<1x16xf32>,
        %get3A_1068 = arith.index_cast %add3A_1001 : i32 to index
        %get3A_1069 = arith.constant 96 : index
        %get3A_1070 = tpu.vector_load %arg10[%get3A_1068, %get3A_1069] {strides = array<i32>} : memref<128x128xf32, #tpu.memory_space<vmem>>, vector<1x16xf32>,
        %get3A_1071 = vector.shape_cast %get3A_1070 : vector<1x16xf32> to vector<16xf32>
        %mul3A_1072 = vector.broadcast %squeeze3A_997 : f32 to vector<16xf32>
        %mul3A_1073 = arith.mulf %get3A_1071, %mul3A_1072 : vector<16xf32>
        %swap3A_1074 = arith.index_cast %add3A_1001 : i32 to index
        %swap3A_1075 = arith.constant 96 : index
        %swap3A_1076 = tpu.vector_load %arg10[%swap3A_1074, %swap3A_1075] {strides = array<i32>} : memref<128x128xf32, #tpu.memory_space<vmem>>, vector<1x16xf32>,
        %swap3A_1077 = vector.shape_cast %swap3A_1076 : vector<1x16xf32> to vector<16xf32>
        %swap3A_1078 = vector.shape_cast %mul3A_1073 : vector<16xf32> to vector<1x16xf32>
        tpu.vector_store %arg10[%swap3A_1074, %swap3A_1075], %swap3A_1078 {strides = array<i32>} : memref<128x128xf32, #tpu.memory_space<vmem>>, vector<1x16xf32>,
        %get3A_1079 = arith.index_cast %add3A_1001 : i32 to index
        %get3A_1080 = arith.constant 112 : index
        %get3A_1081 = tpu.vector_load %arg10[%get3A_1079, %get3A_1080] {strides = array<i32>} : memref<128x128xf32, #tpu.memory_space<vmem>>, vector<1x16xf32>,
        %get3A_1082 = vector.shape_cast %get3A_1081 : vector<1x16xf32> to vector<16xf32>
        %mul3A_1083 = vector.broadcast %squeeze3A_997 : f32 to vector<16xf32>
        %mul3A_1084 = arith.mulf %get3A_1082, %mul3A_1083 : vector<16xf32>
        %swap3A_1085 = arith.index_cast %add3A_1001 : i32 to index
        %swap3A_1086 = arith.constant 112 : index
        %swap3A_1087 = tpu.vector_load %arg10[%swap3A_1085, %swap3A_1086] {strides = array<i32>} : memref<128x128xf32, #tpu.memory_space<vmem>>, vector<1x16xf32>,
        %swap3A_1088 = vector.shape_cast %swap3A_1087 : vector<1x16xf32> to vector<16xf32>
        %swap3A_1089 = vector.shape_cast %mul3A_1084 : vector<16xf32> to vector<1x16xf32>
        tpu.vector_store %arg10[%swap3A_1085, %swap3A_1086], %swap3A_1089 {strides = array<i32>} : memref<128x128xf32, #tpu.memory_space<vmem>>, vector<1x16xf32>,
        %slice3A_1090 = vector.extract_strided_slice %get3A_58 {offsets = [11], sizes = [1], strides = [1]} : vector<16xf32> to vector<1xf32>
        %squeeze3A_1091 = vector.extract %slice3A_1090[0] : f32 from vector<1xf32>
        %mul3A_1092 = arith.constant 16 : i32
        %mul3A_1093 = arith.muli %scan3A_54, %mul3A_1092 : i32
        %add3A_1094 = arith.constant 11 : i32
        %add3A_1095 = arith.addi %mul3A_1093, %add3A_1094 : i32
        %get3A_1096 = arith.index_cast %add3A_1095 : i32 to index
        %get3A_1097 = arith.constant 0 : index
        %get3A_1098 = tpu.vector_load %arg10[%get3A_1096, %get3A_1097] {strides = array<i32>} : memref<128x128xf32, #tpu.memory_space<vmem>>, vector<1x16xf32>,
        %get3A_1099 = vector.shape_cast %get3A_1098 : vector<1x16xf32> to vector<16xf32>
        %mul3A_1100 = vector.broadcast %squeeze3A_1091 : f32 to vector<16xf32>
        %mul3A_1101 = arith.mulf %get3A_1099, %mul3A_1100 : vector<16xf32>
        %swap3A_1102 = arith.index_cast %add3A_1095 : i32 to index
        %swap3A_1103 = arith.constant 0 : index
        %swap3A_1104 = tpu.vector_load %arg10[%swap3A_1102, %swap3A_1103] {strides = array<i32>} : memref<128x128xf32, #tpu.memory_space<vmem>>, vector<1x16xf32>,
        %swap3A_1105 = vector.shape_cast %swap3A_1104 : vector<1x16xf32> to vector<16xf32>
        %swap3A_1106 = vector.shape_cast %mul3A_1101 : vector<16xf32> to vector<1x16xf32>
        tpu.vector_store %arg10[%swap3A_1102, %swap3A_1103], %swap3A_1106 {strides = array<i32>} : memref<128x128xf32, #tpu.memory_space<vmem>>, vector<1x16xf32>,
        %get3A_1107 = arith.index_cast %add3A_1095 : i32 to index
        %get3A_1108 = arith.constant 16 : index
        %get3A_1109 = tpu.vector_load %arg10[%get3A_1107, %get3A_1108] {strides = array<i32>} : memref<128x128xf32, #tpu.memory_space<vmem>>, vector<1x16xf32>,
        %get3A_1110 = vector.shape_cast %get3A_1109 : vector<1x16xf32> to vector<16xf32>
        %mul3A_1111 = vector.broadcast %squeeze3A_1091 : f32 to vector<16xf32>
        %mul3A_1112 = arith.mulf %get3A_1110, %mul3A_1111 : vector<16xf32>
        %swap3A_1113 = arith.index_cast %add3A_1095 : i32 to index
        %swap3A_1114 = arith.constant 16 : index
        %swap3A_1115 = tpu.vector_load %arg10[%swap3A_1113, %swap3A_1114] {strides = array<i32>} : memref<128x128xf32, #tpu.memory_space<vmem>>, vector<1x16xf32>,
        %swap3A_1116 = vector.shape_cast %swap3A_1115 : vector<1x16xf32> to vector<16xf32>
        %swap3A_1117 = vector.shape_cast %mul3A_1112 : vector<16xf32> to vector<1x16xf32>
        tpu.vector_store %arg10[%swap3A_1113, %swap3A_1114], %swap3A_1117 {strides = array<i32>} : memref<128x128xf32, #tpu.memory_space<vmem>>, vector<1x16xf32>,
        %get3A_1118 = arith.index_cast %add3A_1095 : i32 to index
        %get3A_1119 = arith.constant 32 : index
        %get3A_1120 = tpu.vector_load %arg10[%get3A_1118, %get3A_1119] {strides = array<i32>} : memref<128x128xf32, #tpu.memory_space<vmem>>, vector<1x16xf32>,
        %get3A_1121 = vector.shape_cast %get3A_1120 : vector<1x16xf32> to vector<16xf32>
        %mul3A_1122 = vector.broadcast %squeeze3A_1091 : f32 to vector<16xf32>
        %mul3A_1123 = arith.mulf %get3A_1121, %mul3A_1122 : vector<16xf32>
        %swap3A_1124 = arith.index_cast %add3A_1095 : i32 to index
        %swap3A_1125 = arith.constant 32 : index
        %swap3A_1126 = tpu.vector_load %arg10[%swap3A_1124, %swap3A_1125] {strides = array<i32>} : memref<128x128xf32, #tpu.memory_space<vmem>>, vector<1x16xf32>,
        %swap3A_1127 = vector.shape_cast %swap3A_1126 : vector<1x16xf32> to vector<16xf32>
        %swap3A_1128 = vector.shape_cast %mul3A_1123 : vector<16xf32> to vector<1x16xf32>
        tpu.vector_store %arg10[%swap3A_1124, %swap3A_1125], %swap3A_1128 {strides = array<i32>} : memref<128x128xf32, #tpu.memory_space<vmem>>, vector<1x16xf32>,
        %get3A_1129 = arith.index_cast %add3A_1095 : i32 to index
        %get3A_1130 = arith.constant 48 : index
        %get3A_1131 = tpu.vector_load %arg10[%get3A_1129, %get3A_1130] {strides = array<i32>} : memref<128x128xf32, #tpu.memory_space<vmem>>, vector<1x16xf32>,
        %get3A_1132 = vector.shape_cast %get3A_1131 : vector<1x16xf32> to vector<16xf32>
        %mul3A_1133 = vector.broadcast %squeeze3A_1091 : f32 to vector<16xf32>
        %mul3A_1134 = arith.mulf %get3A_1132, %mul3A_1133 : vector<16xf32>
        %swap3A_1135 = arith.index_cast %add3A_1095 : i32 to index
        %swap3A_1136 = arith.constant 48 : index
        %swap3A_1137 = tpu.vector_load %arg10[%swap3A_1135, %swap3A_1136] {strides = array<i32>} : memref<128x128xf32, #tpu.memory_space<vmem>>, vector<1x16xf32>,
        %swap3A_1138 = vector.shape_cast %swap3A_1137 : vector<1x16xf32> to vector<16xf32>
        %swap3A_1139 = vector.shape_cast %mul3A_1134 : vector<16xf32> to vector<1x16xf32>
        tpu.vector_store %arg10[%swap3A_1135, %swap3A_1136], %swap3A_1139 {strides = array<i32>} : memref<128x128xf32, #tpu.memory_space<vmem>>, vector<1x16xf32>,
        %get3A_1140 = arith.index_cast %add3A_1095 : i32 to index
        %get3A_1141 = arith.constant 64 : index
        %get3A_1142 = tpu.vector_load %arg10[%get3A_1140, %get3A_1141] {strides = array<i32>} : memref<128x128xf32, #tpu.memory_space<vmem>>, vector<1x16xf32>,
        %get3A_1143 = vector.shape_cast %get3A_1142 : vector<1x16xf32> to vector<16xf32>
        %mul3A_1144 = vector.broadcast %squeeze3A_1091 : f32 to vector<16xf32>
        %mul3A_1145 = arith.mulf %get3A_1143, %mul3A_1144 : vector<16xf32>
        %swap3A_1146 = arith.index_cast %add3A_1095 : i32 to index
        %swap3A_1147 = arith.constant 64 : index
        %swap3A_1148 = tpu.vector_load %arg10[%swap3A_1146, %swap3A_1147] {strides = array<i32>} : memref<128x128xf32, #tpu.memory_space<vmem>>, vector<1x16xf32>,
        %swap3A_1149 = vector.shape_cast %swap3A_1148 : vector<1x16xf32> to vector<16xf32>
        %swap3A_1150 = vector.shape_cast %mul3A_1145 : vector<16xf32> to vector<1x16xf32>
        tpu.vector_store %arg10[%swap3A_1146, %swap3A_1147], %swap3A_1150 {strides = array<i32>} : memref<128x128xf32, #tpu.memory_space<vmem>>, vector<1x16xf32>,
        %get3A_1151 = arith.index_cast %add3A_1095 : i32 to index
        %get3A_1152 = arith.constant 80 : index
        %get3A_1153 = tpu.vector_load %arg10[%get3A_1151, %get3A_1152] {strides = array<i32>} : memref<128x128xf32, #tpu.memory_space<vmem>>, vector<1x16xf32>,
        %get3A_1154 = vector.shape_cast %get3A_1153 : vector<1x16xf32> to vector<16xf32>
        %mul3A_1155 = vector.broadcast %squeeze3A_1091 : f32 to vector<16xf32>
        %mul3A_1156 = arith.mulf %get3A_1154, %mul3A_1155 : vector<16xf32>
        %swap3A_1157 = arith.index_cast %add3A_1095 : i32 to index
        %swap3A_1158 = arith.constant 80 : index
        %swap3A_1159 = tpu.vector_load %arg10[%swap3A_1157, %swap3A_1158] {strides = array<i32>} : memref<128x128xf32, #tpu.memory_space<vmem>>, vector<1x16xf32>,
        %swap3A_1160 = vector.shape_cast %swap3A_1159 : vector<1x16xf32> to vector<16xf32>
        %swap3A_1161 = vector.shape_cast %mul3A_1156 : vector<16xf32> to vector<1x16xf32>
        tpu.vector_store %arg10[%swap3A_1157, %swap3A_1158], %swap3A_1161 {strides = array<i32>} : memref<128x128xf32, #tpu.memory_space<vmem>>, vector<1x16xf32>,
        %get3A_1162 = arith.index_cast %add3A_1095 : i32 to index
        %get3A_1163 = arith.constant 96 : index
        %get3A_1164 = tpu.vector_load %arg10[%get3A_1162, %get3A_1163] {strides = array<i32>} : memref<128x128xf32, #tpu.memory_space<vmem>>, vector<1x16xf32>,
        %get3A_1165 = vector.shape_cast %get3A_1164 : vector<1x16xf32> to vector<16xf32>
        %mul3A_1166 = vector.broadcast %squeeze3A_1091 : f32 to vector<16xf32>
        %mul3A_1167 = arith.mulf %get3A_1165, %mul3A_1166 : vector<16xf32>
        %swap3A_1168 = arith.index_cast %add3A_1095 : i32 to index
        %swap3A_1169 = arith.constant 96 : index
        %swap3A_1170 = tpu.vector_load %arg10[%swap3A_1168, %swap3A_1169] {strides = array<i32>} : memref<128x128xf32, #tpu.memory_space<vmem>>, vector<1x16xf32>,
        %swap3A_1171 = vector.shape_cast %swap3A_1170 : vector<1x16xf32> to vector<16xf32>
        %swap3A_1172 = vector.shape_cast %mul3A_1167 : vector<16xf32> to vector<1x16xf32>
        tpu.vector_store %arg10[%swap3A_1168, %swap3A_1169], %swap3A_1172 {strides = array<i32>} : memref<128x128xf32, #tpu.memory_space<vmem>>, vector<1x16xf32>,
        %get3A_1173 = arith.index_cast %add3A_1095 : i32 to index
        %get3A_1174 = arith.constant 112 : index
        %get3A_1175 = tpu.vector_load %arg10[%get3A_1173, %get3A_1174] {strides = array<i32>} : memref<128x128xf32, #tpu.memory_space<vmem>>, vector<1x16xf32>,
        %get3A_1176 = vector.shape_cast %get3A_1175 : vector<1x16xf32> to vector<16xf32>
        %mul3A_1177 = vector.broadcast %squeeze3A_1091 : f32 to vector<16xf32>
        %mul3A_1178 = arith.mulf %get3A_1176, %mul3A_1177 : vector<16xf32>
        %swap3A_1179 = arith.index_cast %add3A_1095 : i32 to index
        %swap3A_1180 = arith.constant 112 : index
        %swap3A_1181 = tpu.vector_load %arg10[%swap3A_1179, %swap3A_1180] {strides = array<i32>} : memref<128x128xf32, #tpu.memory_space<vmem>>, vector<1x16xf32>,
        %swap3A_1182 = vector.shape_cast %swap3A_1181 : vector<1x16xf32> to vector<16xf32>
        %swap3A_1183 = vector.shape_cast %mul3A_1178 : vector<16xf32> to vector<1x16xf32>
        tpu.vector_store %arg10[%swap3A_1179, %swap3A_1180], %swap3A_1183 {strides = array<i32>} : memref<128x128xf32, #tpu.memory_space<vmem>>, vector<1x16xf32>,
        %slice3A_1184 = vector.extract_strided_slice %get3A_58 {offsets = [12], sizes = [1], strides = [1]} : vector<16xf32> to vector<1xf32>
        %squeeze3A_1185 = vector.extract %slice3A_1184[0] : f32 from vector<1xf32>
        %mul3A_1186 = arith.constant 16 : i32
        %mul3A_1187 = arith.muli %scan3A_54, %mul3A_1186 : i32
        %add3A_1188 = arith.constant 12 : i32
        %add3A_1189 = arith.addi %mul3A_1187, %add3A_1188 : i32
        %get3A_1190 = arith.index_cast %add3A_1189 : i32 to index
        %get3A_1191 = arith.constant 0 : index
        %get3A_1192 = tpu.vector_load %arg10[%get3A_1190, %get3A_1191] {strides = array<i32>} : memref<128x128xf32, #tpu.memory_space<vmem>>, vector<1x16xf32>,
        %get3A_1193 = vector.shape_cast %get3A_1192 : vector<1x16xf32> to vector<16xf32>
        %mul3A_1194 = vector.broadcast %squeeze3A_1185 : f32 to vector<16xf32>
        %mul3A_1195 = arith.mulf %get3A_1193, %mul3A_1194 : vector<16xf32>
        %swap3A_1196 = arith.index_cast %add3A_1189 : i32 to index
        %swap3A_1197 = arith.constant 0 : index
        %swap3A_1198 = tpu.vector_load %arg10[%swap3A_1196, %swap3A_1197] {strides = array<i32>} : memref<128x128xf32, #tpu.memory_space<vmem>>, vector<1x16xf32>,
        %swap3A_1199 = vector.shape_cast %swap3A_1198 : vector<1x16xf32> to vector<16xf32>
        %swap3A_1200 = vector.shape_cast %mul3A_1195 : vector<16xf32> to vector<1x16xf32>
        tpu.vector_store %arg10[%swap3A_1196, %swap3A_1197], %swap3A_1200 {strides = array<i32>} : memref<128x128xf32, #tpu.memory_space<vmem>>, vector<1x16xf32>,
        %get3A_1201 = arith.index_cast %add3A_1189 : i32 to index
        %get3A_1202 = arith.constant 16 : index
        %get3A_1203 = tpu.vector_load %arg10[%get3A_1201, %get3A_1202] {strides = array<i32>} : memref<128x128xf32, #tpu.memory_space<vmem>>, vector<1x16xf32>,
        %get3A_1204 = vector.shape_cast %get3A_1203 : vector<1x16xf32> to vector<16xf32>
        %mul3A_1205 = vector.broadcast %squeeze3A_1185 : f32 to vector<16xf32>
        %mul3A_1206 = arith.mulf %get3A_1204, %mul3A_1205 : vector<16xf32>
        %swap3A_1207 = arith.index_cast %add3A_1189 : i32 to index
        %swap3A_1208 = arith.constant 16 : index
        %swap3A_1209 = tpu.vector_load %arg10[%swap3A_1207, %swap3A_1208] {strides = array<i32>} : memref<128x128xf32, #tpu.memory_space<vmem>>, vector<1x16xf32>,
        %swap3A_1210 = vector.shape_cast %swap3A_1209 : vector<1x16xf32> to vector<16xf32>
        %swap3A_1211 = vector.shape_cast %mul3A_1206 : vector<16xf32> to vector<1x16xf32>
        tpu.vector_store %arg10[%swap3A_1207, %swap3A_1208], %swap3A_1211 {strides = array<i32>} : memref<128x128xf32, #tpu.memory_space<vmem>>, vector<1x16xf32>,
        %get3A_1212 = arith.index_cast %add3A_1189 : i32 to index
        %get3A_1213 = arith.constant 32 : index
        %get3A_1214 = tpu.vector_load %arg10[%get3A_1212, %get3A_1213] {strides = array<i32>} : memref<128x128xf32, #tpu.memory_space<vmem>>, vector<1x16xf32>,
        %get3A_1215 = vector.shape_cast %get3A_1214 : vector<1x16xf32> to vector<16xf32>
        %mul3A_1216 = vector.broadcast %squeeze3A_1185 : f32 to vector<16xf32>
        %mul3A_1217 = arith.mulf %get3A_1215, %mul3A_1216 : vector<16xf32>
        %swap3A_1218 = arith.index_cast %add3A_1189 : i32 to index
        %swap3A_1219 = arith.constant 32 : index
        %swap3A_1220 = tpu.vector_load %arg10[%swap3A_1218, %swap3A_1219] {strides = array<i32>} : memref<128x128xf32, #tpu.memory_space<vmem>>, vector<1x16xf32>,
        %swap3A_1221 = vector.shape_cast %swap3A_1220 : vector<1x16xf32> to vector<16xf32>
        %swap3A_1222 = vector.shape_cast %mul3A_1217 : vector<16xf32> to vector<1x16xf32>
        tpu.vector_store %arg10[%swap3A_1218, %swap3A_1219], %swap3A_1222 {strides = array<i32>} : memref<128x128xf32, #tpu.memory_space<vmem>>, vector<1x16xf32>,
        %get3A_1223 = arith.index_cast %add3A_1189 : i32 to index
        %get3A_1224 = arith.constant 48 : index
        %get3A_1225 = tpu.vector_load %arg10[%get3A_1223, %get3A_1224] {strides = array<i32>} : memref<128x128xf32, #tpu.memory_space<vmem>>, vector<1x16xf32>,
        %get3A_1226 = vector.shape_cast %get3A_1225 : vector<1x16xf32> to vector<16xf32>
        %mul3A_1227 = vector.broadcast %squeeze3A_1185 : f32 to vector<16xf32>
        %mul3A_1228 = arith.mulf %get3A_1226, %mul3A_1227 : vector<16xf32>
        %swap3A_1229 = arith.index_cast %add3A_1189 : i32 to index
        %swap3A_1230 = arith.constant 48 : index
        %swap3A_1231 = tpu.vector_load %arg10[%swap3A_1229, %swap3A_1230] {strides = array<i32>} : memref<128x128xf32, #tpu.memory_space<vmem>>, vector<1x16xf32>,
        %swap3A_1232 = vector.shape_cast %swap3A_1231 : vector<1x16xf32> to vector<16xf32>
        %swap3A_1233 = vector.shape_cast %mul3A_1228 : vector<16xf32> to vector<1x16xf32>
        tpu.vector_store %arg10[%swap3A_1229, %swap3A_1230], %swap3A_1233 {strides = array<i32>} : memref<128x128xf32, #tpu.memory_space<vmem>>, vector<1x16xf32>,
        %get3A_1234 = arith.index_cast %add3A_1189 : i32 to index
        %get3A_1235 = arith.constant 64 : index
        %get3A_1236 = tpu.vector_load %arg10[%get3A_1234, %get3A_1235] {strides = array<i32>} : memref<128x128xf32, #tpu.memory_space<vmem>>, vector<1x16xf32>,
        %get3A_1237 = vector.shape_cast %get3A_1236 : vector<1x16xf32> to vector<16xf32>
        %mul3A_1238 = vector.broadcast %squeeze3A_1185 : f32 to vector<16xf32>
        %mul3A_1239 = arith.mulf %get3A_1237, %mul3A_1238 : vector<16xf32>
        %swap3A_1240 = arith.index_cast %add3A_1189 : i32 to index
        %swap3A_1241 = arith.constant 64 : index
        %swap3A_1242 = tpu.vector_load %arg10[%swap3A_1240, %swap3A_1241] {strides = array<i32>} : memref<128x128xf32, #tpu.memory_space<vmem>>, vector<1x16xf32>,
        %swap3A_1243 = vector.shape_cast %swap3A_1242 : vector<1x16xf32> to vector<16xf32>
        %swap3A_1244 = vector.shape_cast %mul3A_1239 : vector<16xf32> to vector<1x16xf32>
        tpu.vector_store %arg10[%swap3A_1240, %swap3A_1241], %swap3A_1244 {strides = array<i32>} : memref<128x128xf32, #tpu.memory_space<vmem>>, vector<1x16xf32>,
        %get3A_1245 = arith.index_cast %add3A_1189 : i32 to index
        %get3A_1246 = arith.constant 80 : index
        %get3A_1247 = tpu.vector_load %arg10[%get3A_1245, %get3A_1246] {strides = array<i32>} : memref<128x128xf32, #tpu.memory_space<vmem>>, vector<1x16xf32>,
        %get3A_1248 = vector.shape_cast %get3A_1247 : vector<1x16xf32> to vector<16xf32>
        %mul3A_1249 = vector.broadcast %squeeze3A_1185 : f32 to vector<16xf32>
        %mul3A_1250 = arith.mulf %get3A_1248, %mul3A_1249 : vector<16xf32>
        %swap3A_1251 = arith.index_cast %add3A_1189 : i32 to index
        %swap3A_1252 = arith.constant 80 : index
        %swap3A_1253 = tpu.vector_load %arg10[%swap3A_1251, %swap3A_1252] {strides = array<i32>} : memref<128x128xf32, #tpu.memory_space<vmem>>, vector<1x16xf32>,
        %swap3A_1254 = vector.shape_cast %swap3A_1253 : vector<1x16xf32> to vector<16xf32>
        %swap3A_1255 = vector.shape_cast %mul3A_1250 : vector<16xf32> to vector<1x16xf32>
        tpu.vector_store %arg10[%swap3A_1251, %swap3A_1252], %swap3A_1255 {strides = array<i32>} : memref<128x128xf32, #tpu.memory_space<vmem>>, vector<1x16xf32>,
        %get3A_1256 = arith.index_cast %add3A_1189 : i32 to index
        %get3A_1257 = arith.constant 96 : index
        %get3A_1258 = tpu.vector_load %arg10[%get3A_1256, %get3A_1257] {strides = array<i32>} : memref<128x128xf32, #tpu.memory_space<vmem>>, vector<1x16xf32>,
        %get3A_1259 = vector.shape_cast %get3A_1258 : vector<1x16xf32> to vector<16xf32>
        %mul3A_1260 = vector.broadcast %squeeze3A_1185 : f32 to vector<16xf32>
        %mul3A_1261 = arith.mulf %get3A_1259, %mul3A_1260 : vector<16xf32>
        %swap3A_1262 = arith.index_cast %add3A_1189 : i32 to index
        %swap3A_1263 = arith.constant 96 : index
        %swap3A_1264 = tpu.vector_load %arg10[%swap3A_1262, %swap3A_1263] {strides = array<i32>} : memref<128x128xf32, #tpu.memory_space<vmem>>, vector<1x16xf32>,
        %swap3A_1265 = vector.shape_cast %swap3A_1264 : vector<1x16xf32> to vector<16xf32>
        %swap3A_1266 = vector.shape_cast %mul3A_1261 : vector<16xf32> to vector<1x16xf32>
        tpu.vector_store %arg10[%swap3A_1262, %swap3A_1263], %swap3A_1266 {strides = array<i32>} : memref<128x128xf32, #tpu.memory_space<vmem>>, vector<1x16xf32>,
        %get3A_1267 = arith.index_cast %add3A_1189 : i32 to index
        %get3A_1268 = arith.constant 112 : index
        %get3A_1269 = tpu.vector_load %arg10[%get3A_1267, %get3A_1268] {strides = array<i32>} : memref<128x128xf32, #tpu.memory_space<vmem>>, vector<1x16xf32>,
        %get3A_1270 = vector.shape_cast %get3A_1269 : vector<1x16xf32> to vector<16xf32>
        %mul3A_1271 = vector.broadcast %squeeze3A_1185 : f32 to vector<16xf32>
        %mul3A_1272 = arith.mulf %get3A_1270, %mul3A_1271 : vector<16xf32>
        %swap3A_1273 = arith.index_cast %add3A_1189 : i32 to index
        %swap3A_1274 = arith.constant 112 : index
        %swap3A_1275 = tpu.vector_load %arg10[%swap3A_1273, %swap3A_1274] {strides = array<i32>} : memref<128x128xf32, #tpu.memory_space<vmem>>, vector<1x16xf32>,
        %swap3A_1276 = vector.shape_cast %swap3A_1275 : vector<1x16xf32> to vector<16xf32>
        %swap3A_1277 = vector.shape_cast %mul3A_1272 : vector<16xf32> to vector<1x16xf32>
        tpu.vector_store %arg10[%swap3A_1273, %swap3A_1274], %swap3A_1277 {strides = array<i32>} : memref<128x128xf32, #tpu.memory_space<vmem>>, vector<1x16xf32>,
        %slice3A_1278 = vector.extract_strided_slice %get3A_58 {offsets = [13], sizes = [1], strides = [1]} : vector<16xf32> to vector<1xf32>
        %squeeze3A_1279 = vector.extract %slice3A_1278[0] : f32 from vector<1xf32>
        %mul3A_1280 = arith.constant 16 : i32
        %mul3A_1281 = arith.muli %scan3A_54, %mul3A_1280 : i32
        %add3A_1282 = arith.constant 13 : i32
        %add3A_1283 = arith.addi %mul3A_1281, %add3A_1282 : i32
        %get3A_1284 = arith.index_cast %add3A_1283 : i32 to index
        %get3A_1285 = arith.constant 0 : index
        %get3A_1286 = tpu.vector_load %arg10[%get3A_1284, %get3A_1285] {strides = array<i32>} : memref<128x128xf32, #tpu.memory_space<vmem>>, vector<1x16xf32>,
        %get3A_1287 = vector.shape_cast %get3A_1286 : vector<1x16xf32> to vector<16xf32>
        %mul3A_1288 = vector.broadcast %squeeze3A_1279 : f32 to vector<16xf32>
        %mul3A_1289 = arith.mulf %get3A_1287, %mul3A_1288 : vector<16xf32>
        %swap3A_1290 = arith.index_cast %add3A_1283 : i32 to index
        %swap3A_1291 = arith.constant 0 : index
        %swap3A_1292 = tpu.vector_load %arg10[%swap3A_1290, %swap3A_1291] {strides = array<i32>} : memref<128x128xf32, #tpu.memory_space<vmem>>, vector<1x16xf32>,
        %swap3A_1293 = vector.shape_cast %swap3A_1292 : vector<1x16xf32> to vector<16xf32>
        %swap3A_1294 = vector.shape_cast %mul3A_1289 : vector<16xf32> to vector<1x16xf32>
        tpu.vector_store %arg10[%swap3A_1290, %swap3A_1291], %swap3A_1294 {strides = array<i32>} : memref<128x128xf32, #tpu.memory_space<vmem>>, vector<1x16xf32>,
        %get3A_1295 = arith.index_cast %add3A_1283 : i32 to index
        %get3A_1296 = arith.constant 16 : index
        %get3A_1297 = tpu.vector_load %arg10[%get3A_1295, %get3A_1296] {strides = array<i32>} : memref<128x128xf32, #tpu.memory_space<vmem>>, vector<1x16xf32>,
        %get3A_1298 = vector.shape_cast %get3A_1297 : vector<1x16xf32> to vector<16xf32>
        %mul3A_1299 = vector.broadcast %squeeze3A_1279 : f32 to vector<16xf32>
        %mul3A_1300 = arith.mulf %get3A_1298, %mul3A_1299 : vector<16xf32>
        %swap3A_1301 = arith.index_cast %add3A_1283 : i32 to index
        %swap3A_1302 = arith.constant 16 : index
        %swap3A_1303 = tpu.vector_load %arg10[%swap3A_1301, %swap3A_1302] {strides = array<i32>} : memref<128x128xf32, #tpu.memory_space<vmem>>, vector<1x16xf32>,
        %swap3A_1304 = vector.shape_cast %swap3A_1303 : vector<1x16xf32> to vector<16xf32>
        %swap3A_1305 = vector.shape_cast %mul3A_1300 : vector<16xf32> to vector<1x16xf32>
        tpu.vector_store %arg10[%swap3A_1301, %swap3A_1302], %swap3A_1305 {strides = array<i32>} : memref<128x128xf32, #tpu.memory_space<vmem>>, vector<1x16xf32>,
        %get3A_1306 = arith.index_cast %add3A_1283 : i32 to index
        %get3A_1307 = arith.constant 32 : index
        %get3A_1308 = tpu.vector_load %arg10[%get3A_1306, %get3A_1307] {strides = array<i32>} : memref<128x128xf32, #tpu.memory_space<vmem>>, vector<1x16xf32>,
        %get3A_1309 = vector.shape_cast %get3A_1308 : vector<1x16xf32> to vector<16xf32>
        %mul3A_1310 = vector.broadcast %squeeze3A_1279 : f32 to vector<16xf32>
        %mul3A_1311 = arith.mulf %get3A_1309, %mul3A_1310 : vector<16xf32>
        %swap3A_1312 = arith.index_cast %add3A_1283 : i32 to index
        %swap3A_1313 = arith.constant 32 : index
        %swap3A_1314 = tpu.vector_load %arg10[%swap3A_1312, %swap3A_1313] {strides = array<i32>} : memref<128x128xf32, #tpu.memory_space<vmem>>, vector<1x16xf32>,
        %swap3A_1315 = vector.shape_cast %swap3A_1314 : vector<1x16xf32> to vector<16xf32>
        %swap3A_1316 = vector.shape_cast %mul3A_1311 : vector<16xf32> to vector<1x16xf32>
        tpu.vector_store %arg10[%swap3A_1312, %swap3A_1313], %swap3A_1316 {strides = array<i32>} : memref<128x128xf32, #tpu.memory_space<vmem>>, vector<1x16xf32>,
        %get3A_1317 = arith.index_cast %add3A_1283 : i32 to index
        %get3A_1318 = arith.constant 48 : index
        %get3A_1319 = tpu.vector_load %arg10[%get3A_1317, %get3A_1318] {strides = array<i32>} : memref<128x128xf32, #tpu.memory_space<vmem>>, vector<1x16xf32>,
        %get3A_1320 = vector.shape_cast %get3A_1319 : vector<1x16xf32> to vector<16xf32>
        %mul3A_1321 = vector.broadcast %squeeze3A_1279 : f32 to vector<16xf32>
        %mul3A_1322 = arith.mulf %get3A_1320, %mul3A_1321 : vector<16xf32>
        %swap3A_1323 = arith.index_cast %add3A_1283 : i32 to index
        %swap3A_1324 = arith.constant 48 : index
        %swap3A_1325 = tpu.vector_load %arg10[%swap3A_1323, %swap3A_1324] {strides = array<i32>} : memref<128x128xf32, #tpu.memory_space<vmem>>, vector<1x16xf32>,
        %swap3A_1326 = vector.shape_cast %swap3A_1325 : vector<1x16xf32> to vector<16xf32>
        %swap3A_1327 = vector.shape_cast %mul3A_1322 : vector<16xf32> to vector<1x16xf32>
        tpu.vector_store %arg10[%swap3A_1323, %swap3A_1324], %swap3A_1327 {strides = array<i32>} : memref<128x128xf32, #tpu.memory_space<vmem>>, vector<1x16xf32>,
        %get3A_1328 = arith.index_cast %add3A_1283 : i32 to index
        %get3A_1329 = arith.constant 64 : index
        %get3A_1330 = tpu.vector_load %arg10[%get3A_1328, %get3A_1329] {strides = array<i32>} : memref<128x128xf32, #tpu.memory_space<vmem>>, vector<1x16xf32>,
        %get3A_1331 = vector.shape_cast %get3A_1330 : vector<1x16xf32> to vector<16xf32>
        %mul3A_1332 = vector.broadcast %squeeze3A_1279 : f32 to vector<16xf32>
        %mul3A_1333 = arith.mulf %get3A_1331, %mul3A_1332 : vector<16xf32>
        %swap3A_1334 = arith.index_cast %add3A_1283 : i32 to index
        %swap3A_1335 = arith.constant 64 : index
        %swap3A_1336 = tpu.vector_load %arg10[%swap3A_1334, %swap3A_1335] {strides = array<i32>} : memref<128x128xf32, #tpu.memory_space<vmem>>, vector<1x16xf32>,
        %swap3A_1337 = vector.shape_cast %swap3A_1336 : vector<1x16xf32> to vector<16xf32>
        %swap3A_1338 = vector.shape_cast %mul3A_1333 : vector<16xf32> to vector<1x16xf32>
        tpu.vector_store %arg10[%swap3A_1334, %swap3A_1335], %swap3A_1338 {strides = array<i32>} : memref<128x128xf32, #tpu.memory_space<vmem>>, vector<1x16xf32>,
        %get3A_1339 = arith.index_cast %add3A_1283 : i32 to index
        %get3A_1340 = arith.constant 80 : index
        %get3A_1341 = tpu.vector_load %arg10[%get3A_1339, %get3A_1340] {strides = array<i32>} : memref<128x128xf32, #tpu.memory_space<vmem>>, vector<1x16xf32>,
        %get3A_1342 = vector.shape_cast %get3A_1341 : vector<1x16xf32> to vector<16xf32>
        %mul3A_1343 = vector.broadcast %squeeze3A_1279 : f32 to vector<16xf32>
        %mul3A_1344 = arith.mulf %get3A_1342, %mul3A_1343 : vector<16xf32>
        %swap3A_1345 = arith.index_cast %add3A_1283 : i32 to index
        %swap3A_1346 = arith.constant 80 : index
        %swap3A_1347 = tpu.vector_load %arg10[%swap3A_1345, %swap3A_1346] {strides = array<i32>} : memref<128x128xf32, #tpu.memory_space<vmem>>, vector<1x16xf32>,
        %swap3A_1348 = vector.shape_cast %swap3A_1347 : vector<1x16xf32> to vector<16xf32>
        %swap3A_1349 = vector.shape_cast %mul3A_1344 : vector<16xf32> to vector<1x16xf32>
        tpu.vector_store %arg10[%swap3A_1345, %swap3A_1346], %swap3A_1349 {strides = array<i32>} : memref<128x128xf32, #tpu.memory_space<vmem>>, vector<1x16xf32>,
        %get3A_1350 = arith.index_cast %add3A_1283 : i32 to index
        %get3A_1351 = arith.constant 96 : index
        %get3A_1352 = tpu.vector_load %arg10[%get3A_1350, %get3A_1351] {strides = array<i32>} : memref<128x128xf32, #tpu.memory_space<vmem>>, vector<1x16xf32>,
        %get3A_1353 = vector.shape_cast %get3A_1352 : vector<1x16xf32> to vector<16xf32>
        %mul3A_1354 = vector.broadcast %squeeze3A_1279 : f32 to vector<16xf32>
        %mul3A_1355 = arith.mulf %get3A_1353, %mul3A_1354 : vector<16xf32>
        %swap3A_1356 = arith.index_cast %add3A_1283 : i32 to index
        %swap3A_1357 = arith.constant 96 : index
        %swap3A_1358 = tpu.vector_load %arg10[%swap3A_1356, %swap3A_1357] {strides = array<i32>} : memref<128x128xf32, #tpu.memory_space<vmem>>, vector<1x16xf32>,
        %swap3A_1359 = vector.shape_cast %swap3A_1358 : vector<1x16xf32> to vector<16xf32>
        %swap3A_1360 = vector.shape_cast %mul3A_1355 : vector<16xf32> to vector<1x16xf32>
        tpu.vector_store %arg10[%swap3A_1356, %swap3A_1357], %swap3A_1360 {strides = array<i32>} : memref<128x128xf32, #tpu.memory_space<vmem>>, vector<1x16xf32>,
        %get3A_1361 = arith.index_cast %add3A_1283 : i32 to index
        %get3A_1362 = arith.constant 112 : index
        %get3A_1363 = tpu.vector_load %arg10[%get3A_1361, %get3A_1362] {strides = array<i32>} : memref<128x128xf32, #tpu.memory_space<vmem>>, vector<1x16xf32>,
        %get3A_1364 = vector.shape_cast %get3A_1363 : vector<1x16xf32> to vector<16xf32>
        %mul3A_1365 = vector.broadcast %squeeze3A_1279 : f32 to vector<16xf32>
        %mul3A_1366 = arith.mulf %get3A_1364, %mul3A_1365 : vector<16xf32>
        %swap3A_1367 = arith.index_cast %add3A_1283 : i32 to index
        %swap3A_1368 = arith.constant 112 : index
        %swap3A_1369 = tpu.vector_load %arg10[%swap3A_1367, %swap3A_1368] {strides = array<i32>} : memref<128x128xf32, #tpu.memory_space<vmem>>, vector<1x16xf32>,
        %swap3A_1370 = vector.shape_cast %swap3A_1369 : vector<1x16xf32> to vector<16xf32>
        %swap3A_1371 = vector.shape_cast %mul3A_1366 : vector<16xf32> to vector<1x16xf32>
        tpu.vector_store %arg10[%swap3A_1367, %swap3A_1368], %swap3A_1371 {strides = array<i32>} : memref<128x128xf32, #tpu.memory_space<vmem>>, vector<1x16xf32>,
        %slice3A_1372 = vector.extract_strided_slice %get3A_58 {offsets = [14], sizes = [1], strides = [1]} : vector<16xf32> to vector<1xf32>
        %squeeze3A_1373 = vector.extract %slice3A_1372[0] : f32 from vector<1xf32>
        %mul3A_1374 = arith.constant 16 : i32
        %mul3A_1375 = arith.muli %scan3A_54, %mul3A_1374 : i32
        %add3A_1376 = arith.constant 14 : i32
        %add3A_1377 = arith.addi %mul3A_1375, %add3A_1376 : i32
        %get3A_1378 = arith.index_cast %add3A_1377 : i32 to index
        %get3A_1379 = arith.constant 0 : index
        %get3A_1380 = tpu.vector_load %arg10[%get3A_1378, %get3A_1379] {strides = array<i32>} : memref<128x128xf32, #tpu.memory_space<vmem>>, vector<1x16xf32>,
        %get3A_1381 = vector.shape_cast %get3A_1380 : vector<1x16xf32> to vector<16xf32>
        %mul3A_1382 = vector.broadcast %squeeze3A_1373 : f32 to vector<16xf32>
        %mul3A_1383 = arith.mulf %get3A_1381, %mul3A_1382 : vector<16xf32>
        %swap3A_1384 = arith.index_cast %add3A_1377 : i32 to index
        %swap3A_1385 = arith.constant 0 : index
        %swap3A_1386 = tpu.vector_load %arg10[%swap3A_1384, %swap3A_1385] {strides = array<i32>} : memref<128x128xf32, #tpu.memory_space<vmem>>, vector<1x16xf32>,
        %swap3A_1387 = vector.shape_cast %swap3A_1386 : vector<1x16xf32> to vector<16xf32>
        %swap3A_1388 = vector.shape_cast %mul3A_1383 : vector<16xf32> to vector<1x16xf32>
        tpu.vector_store %arg10[%swap3A_1384, %swap3A_1385], %swap3A_1388 {strides = array<i32>} : memref<128x128xf32, #tpu.memory_space<vmem>>, vector<1x16xf32>,
        %get3A_1389 = arith.index_cast %add3A_1377 : i32 to index
        %get3A_1390 = arith.constant 16 : index
        %get3A_1391 = tpu.vector_load %arg10[%get3A_1389, %get3A_1390] {strides = array<i32>} : memref<128x128xf32, #tpu.memory_space<vmem>>, vector<1x16xf32>,
        %get3A_1392 = vector.shape_cast %get3A_1391 : vector<1x16xf32> to vector<16xf32>
        %mul3A_1393 = vector.broadcast %squeeze3A_1373 : f32 to vector<16xf32>
        %mul3A_1394 = arith.mulf %get3A_1392, %mul3A_1393 : vector<16xf32>
        %swap3A_1395 = arith.index_cast %add3A_1377 : i32 to index
        %swap3A_1396 = arith.constant 16 : index
        %swap3A_1397 = tpu.vector_load %arg10[%swap3A_1395, %swap3A_1396] {strides = array<i32>} : memref<128x128xf32, #tpu.memory_space<vmem>>, vector<1x16xf32>,
        %swap3A_1398 = vector.shape_cast %swap3A_1397 : vector<1x16xf32> to vector<16xf32>
        %swap3A_1399 = vector.shape_cast %mul3A_1394 : vector<16xf32> to vector<1x16xf32>
        tpu.vector_store %arg10[%swap3A_1395, %swap3A_1396], %swap3A_1399 {strides = array<i32>} : memref<128x128xf32, #tpu.memory_space<vmem>>, vector<1x16xf32>,
        %get3A_1400 = arith.index_cast %add3A_1377 : i32 to index
        %get3A_1401 = arith.constant 32 : index
        %get3A_1402 = tpu.vector_load %arg10[%get3A_1400, %get3A_1401] {strides = array<i32>} : memref<128x128xf32, #tpu.memory_space<vmem>>, vector<1x16xf32>,
        %get3A_1403 = vector.shape_cast %get3A_1402 : vector<1x16xf32> to vector<16xf32>
        %mul3A_1404 = vector.broadcast %squeeze3A_1373 : f32 to vector<16xf32>
        %mul3A_1405 = arith.mulf %get3A_1403, %mul3A_1404 : vector<16xf32>
        %swap3A_1406 = arith.index_cast %add3A_1377 : i32 to index
        %swap3A_1407 = arith.constant 32 : index
        %swap3A_1408 = tpu.vector_load %arg10[%swap3A_1406, %swap3A_1407] {strides = array<i32>} : memref<128x128xf32, #tpu.memory_space<vmem>>, vector<1x16xf32>,
        %swap3A_1409 = vector.shape_cast %swap3A_1408 : vector<1x16xf32> to vector<16xf32>
        %swap3A_1410 = vector.shape_cast %mul3A_1405 : vector<16xf32> to vector<1x16xf32>
        tpu.vector_store %arg10[%swap3A_1406, %swap3A_1407], %swap3A_1410 {strides = array<i32>} : memref<128x128xf32, #tpu.memory_space<vmem>>, vector<1x16xf32>,
        %get3A_1411 = arith.index_cast %add3A_1377 : i32 to index
        %get3A_1412 = arith.constant 48 : index
        %get3A_1413 = tpu.vector_load %arg10[%get3A_1411, %get3A_1412] {strides = array<i32>} : memref<128x128xf32, #tpu.memory_space<vmem>>, vector<1x16xf32>,
        %get3A_1414 = vector.shape_cast %get3A_1413 : vector<1x16xf32> to vector<16xf32>
        %mul3A_1415 = vector.broadcast %squeeze3A_1373 : f32 to vector<16xf32>
        %mul3A_1416 = arith.mulf %get3A_1414, %mul3A_1415 : vector<16xf32>
        %swap3A_1417 = arith.index_cast %add3A_1377 : i32 to index
        %swap3A_1418 = arith.constant 48 : index
        %swap3A_1419 = tpu.vector_load %arg10[%swap3A_1417, %swap3A_1418] {strides = array<i32>} : memref<128x128xf32, #tpu.memory_space<vmem>>, vector<1x16xf32>,
        %swap3A_1420 = vector.shape_cast %swap3A_1419 : vector<1x16xf32> to vector<16xf32>
        %swap3A_1421 = vector.shape_cast %mul3A_1416 : vector<16xf32> to vector<1x16xf32>
        tpu.vector_store %arg10[%swap3A_1417, %swap3A_1418], %swap3A_1421 {strides = array<i32>} : memref<128x128xf32, #tpu.memory_space<vmem>>, vector<1x16xf32>,
        %get3A_1422 = arith.index_cast %add3A_1377 : i32 to index
        %get3A_1423 = arith.constant 64 : index
        %get3A_1424 = tpu.vector_load %arg10[%get3A_1422, %get3A_1423] {strides = array<i32>} : memref<128x128xf32, #tpu.memory_space<vmem>>, vector<1x16xf32>,
        %get3A_1425 = vector.shape_cast %get3A_1424 : vector<1x16xf32> to vector<16xf32>
        %mul3A_1426 = vector.broadcast %squeeze3A_1373 : f32 to vector<16xf32>
        %mul3A_1427 = arith.mulf %get3A_1425, %mul3A_1426 : vector<16xf32>
        %swap3A_1428 = arith.index_cast %add3A_1377 : i32 to index
        %swap3A_1429 = arith.constant 64 : index
        %swap3A_1430 = tpu.vector_load %arg10[%swap3A_1428, %swap3A_1429] {strides = array<i32>} : memref<128x128xf32, #tpu.memory_space<vmem>>, vector<1x16xf32>,
        %swap3A_1431 = vector.shape_cast %swap3A_1430 : vector<1x16xf32> to vector<16xf32>
        %swap3A_1432 = vector.shape_cast %mul3A_1427 : vector<16xf32> to vector<1x16xf32>
        tpu.vector_store %arg10[%swap3A_1428, %swap3A_1429], %swap3A_1432 {strides = array<i32>} : memref<128x128xf32, #tpu.memory_space<vmem>>, vector<1x16xf32>,
        %get3A_1433 = arith.index_cast %add3A_1377 : i32 to index
        %get3A_1434 = arith.constant 80 : index
        %get3A_1435 = tpu.vector_load %arg10[%get3A_1433, %get3A_1434] {strides = array<i32>} : memref<128x128xf32, #tpu.memory_space<vmem>>, vector<1x16xf32>,
        %get3A_1436 = vector.shape_cast %get3A_1435 : vector<1x16xf32> to vector<16xf32>
        %mul3A_1437 = vector.broadcast %squeeze3A_1373 : f32 to vector<16xf32>
        %mul3A_1438 = arith.mulf %get3A_1436, %mul3A_1437 : vector<16xf32>
        %swap3A_1439 = arith.index_cast %add3A_1377 : i32 to index
        %swap3A_1440 = arith.constant 80 : index
        %swap3A_1441 = tpu.vector_load %arg10[%swap3A_1439, %swap3A_1440] {strides = array<i32>} : memref<128x128xf32, #tpu.memory_space<vmem>>, vector<1x16xf32>,
        %swap3A_1442 = vector.shape_cast %swap3A_1441 : vector<1x16xf32> to vector<16xf32>
        %swap3A_1443 = vector.shape_cast %mul3A_1438 : vector<16xf32> to vector<1x16xf32>
        tpu.vector_store %arg10[%swap3A_1439, %swap3A_1440], %swap3A_1443 {strides = array<i32>} : memref<128x128xf32, #tpu.memory_space<vmem>>, vector<1x16xf32>,
        %get3A_1444 = arith.index_cast %add3A_1377 : i32 to index
        %get3A_1445 = arith.constant 96 : index
        %get3A_1446 = tpu.vector_load %arg10[%get3A_1444, %get3A_1445] {strides = array<i32>} : memref<128x128xf32, #tpu.memory_space<vmem>>, vector<1x16xf32>,
        %get3A_1447 = vector.shape_cast %get3A_1446 : vector<1x16xf32> to vector<16xf32>
        %mul3A_1448 = vector.broadcast %squeeze3A_1373 : f32 to vector<16xf32>
        %mul3A_1449 = arith.mulf %get3A_1447, %mul3A_1448 : vector<16xf32>
        %swap3A_1450 = arith.index_cast %add3A_1377 : i32 to index
        %swap3A_1451 = arith.constant 96 : index
        %swap3A_1452 = tpu.vector_load %arg10[%swap3A_1450, %swap3A_1451] {strides = array<i32>} : memref<128x128xf32, #tpu.memory_space<vmem>>, vector<1x16xf32>,
        %swap3A_1453 = vector.shape_cast %swap3A_1452 : vector<1x16xf32> to vector<16xf32>
        %swap3A_1454 = vector.shape_cast %mul3A_1449 : vector<16xf32> to vector<1x16xf32>
        tpu.vector_store %arg10[%swap3A_1450, %swap3A_1451], %swap3A_1454 {strides = array<i32>} : memref<128x128xf32, #tpu.memory_space<vmem>>, vector<1x16xf32>,
        %get3A_1455 = arith.index_cast %add3A_1377 : i32 to index
        %get3A_1456 = arith.constant 112 : index
        %get3A_1457 = tpu.vector_load %arg10[%get3A_1455, %get3A_1456] {strides = array<i32>} : memref<128x128xf32, #tpu.memory_space<vmem>>, vector<1x16xf32>,
        %get3A_1458 = vector.shape_cast %get3A_1457 : vector<1x16xf32> to vector<16xf32>
        %mul3A_1459 = vector.broadcast %squeeze3A_1373 : f32 to vector<16xf32>
        %mul3A_1460 = arith.mulf %get3A_1458, %mul3A_1459 : vector<16xf32>
        %swap3A_1461 = arith.index_cast %add3A_1377 : i32 to index
        %swap3A_1462 = arith.constant 112 : index
        %swap3A_1463 = tpu.vector_load %arg10[%swap3A_1461, %swap3A_1462] {strides = array<i32>} : memref<128x128xf32, #tpu.memory_space<vmem>>, vector<1x16xf32>,
        %swap3A_1464 = vector.shape_cast %swap3A_1463 : vector<1x16xf32> to vector<16xf32>
        %swap3A_1465 = vector.shape_cast %mul3A_1460 : vector<16xf32> to vector<1x16xf32>
        tpu.vector_store %arg10[%swap3A_1461, %swap3A_1462], %swap3A_1465 {strides = array<i32>} : memref<128x128xf32, #tpu.memory_space<vmem>>, vector<1x16xf32>,
        %slice3A_1466 = vector.extract_strided_slice %get3A_58 {offsets = [15], sizes = [1], strides = [1]} : vector<16xf32> to vector<1xf32>
        %squeeze3A_1467 = vector.extract %slice3A_1466[0] : f32 from vector<1xf32>
        %mul3A_1468 = arith.constant 16 : i32
        %mul3A_1469 = arith.muli %scan3A_54, %mul3A_1468 : i32
        %add3A_1470 = arith.constant 15 : i32
        %add3A_1471 = arith.addi %mul3A_1469, %add3A_1470 : i32
        %get3A_1472 = arith.index_cast %add3A_1471 : i32 to index
        %get3A_1473 = arith.constant 0 : index
        %get3A_1474 = tpu.vector_load %arg10[%get3A_1472, %get3A_1473] {strides = array<i32>} : memref<128x128xf32, #tpu.memory_space<vmem>>, vector<1x16xf32>,
        %get3A_1475 = vector.shape_cast %get3A_1474 : vector<1x16xf32> to vector<16xf32>
        %mul3A_1476 = vector.broadcast %squeeze3A_1467 : f32 to vector<16xf32>
        %mul3A_1477 = arith.mulf %get3A_1475, %mul3A_1476 : vector<16xf32>
        %swap3A_1478 = arith.index_cast %add3A_1471 : i32 to index
        %swap3A_1479 = arith.constant 0 : index
        %swap3A_1480 = tpu.vector_load %arg10[%swap3A_1478, %swap3A_1479] {strides = array<i32>} : memref<128x128xf32, #tpu.memory_space<vmem>>, vector<1x16xf32>,
        %swap3A_1481 = vector.shape_cast %swap3A_1480 : vector<1x16xf32> to vector<16xf32>
        %swap3A_1482 = vector.shape_cast %mul3A_1477 : vector<16xf32> to vector<1x16xf32>
        tpu.vector_store %arg10[%swap3A_1478, %swap3A_1479], %swap3A_1482 {strides = array<i32>} : memref<128x128xf32, #tpu.memory_space<vmem>>, vector<1x16xf32>,
        %get3A_1483 = arith.index_cast %add3A_1471 : i32 to index
        %get3A_1484 = arith.constant 16 : index
        %get3A_1485 = tpu.vector_load %arg10[%get3A_1483, %get3A_1484] {strides = array<i32>} : memref<128x128xf32, #tpu.memory_space<vmem>>, vector<1x16xf32>,
        %get3A_1486 = vector.shape_cast %get3A_1485 : vector<1x16xf32> to vector<16xf32>
        %mul3A_1487 = vector.broadcast %squeeze3A_1467 : f32 to vector<16xf32>
        %mul3A_1488 = arith.mulf %get3A_1486, %mul3A_1487 : vector<16xf32>
        %swap3A_1489 = arith.index_cast %add3A_1471 : i32 to index
        %swap3A_1490 = arith.constant 16 : index
        %swap3A_1491 = tpu.vector_load %arg10[%swap3A_1489, %swap3A_1490] {strides = array<i32>} : memref<128x128xf32, #tpu.memory_space<vmem>>, vector<1x16xf32>,
        %swap3A_1492 = vector.shape_cast %swap3A_1491 : vector<1x16xf32> to vector<16xf32>
        %swap3A_1493 = vector.shape_cast %mul3A_1488 : vector<16xf32> to vector<1x16xf32>
        tpu.vector_store %arg10[%swap3A_1489, %swap3A_1490], %swap3A_1493 {strides = array<i32>} : memref<128x128xf32, #tpu.memory_space<vmem>>, vector<1x16xf32>,
        %get3A_1494 = arith.index_cast %add3A_1471 : i32 to index
        %get3A_1495 = arith.constant 32 : index
        %get3A_1496 = tpu.vector_load %arg10[%get3A_1494, %get3A_1495] {strides = array<i32>} : memref<128x128xf32, #tpu.memory_space<vmem>>, vector<1x16xf32>,
        %get3A_1497 = vector.shape_cast %get3A_1496 : vector<1x16xf32> to vector<16xf32>
        %mul3A_1498 = vector.broadcast %squeeze3A_1467 : f32 to vector<16xf32>
        %mul3A_1499 = arith.mulf %get3A_1497, %mul3A_1498 : vector<16xf32>
        %swap3A_1500 = arith.index_cast %add3A_1471 : i32 to index
        %swap3A_1501 = arith.constant 32 : index
        %swap3A_1502 = tpu.vector_load %arg10[%swap3A_1500, %swap3A_1501] {strides = array<i32>} : memref<128x128xf32, #tpu.memory_space<vmem>>, vector<1x16xf32>,
        %swap3A_1503 = vector.shape_cast %swap3A_1502 : vector<1x16xf32> to vector<16xf32>
        %swap3A_1504 = vector.shape_cast %mul3A_1499 : vector<16xf32> to vector<1x16xf32>
        tpu.vector_store %arg10[%swap3A_1500, %swap3A_1501], %swap3A_1504 {strides = array<i32>} : memref<128x128xf32, #tpu.memory_space<vmem>>, vector<1x16xf32>,
        %get3A_1505 = arith.index_cast %add3A_1471 : i32 to index
        %get3A_1506 = arith.constant 48 : index
        %get3A_1507 = tpu.vector_load %arg10[%get3A_1505, %get3A_1506] {strides = array<i32>} : memref<128x128xf32, #tpu.memory_space<vmem>>, vector<1x16xf32>,
        %get3A_1508 = vector.shape_cast %get3A_1507 : vector<1x16xf32> to vector<16xf32>
        %mul3A_1509 = vector.broadcast %squeeze3A_1467 : f32 to vector<16xf32>
        %mul3A_1510 = arith.mulf %get3A_1508, %mul3A_1509 : vector<16xf32>
        %swap3A_1511 = arith.index_cast %add3A_1471 : i32 to index
        %swap3A_1512 = arith.constant 48 : index
        %swap3A_1513 = tpu.vector_load %arg10[%swap3A_1511, %swap3A_1512] {strides = array<i32>} : memref<128x128xf32, #tpu.memory_space<vmem>>, vector<1x16xf32>,
        %swap3A_1514 = vector.shape_cast %swap3A_1513 : vector<1x16xf32> to vector<16xf32>
        %swap3A_1515 = vector.shape_cast %mul3A_1510 : vector<16xf32> to vector<1x16xf32>
        tpu.vector_store %arg10[%swap3A_1511, %swap3A_1512], %swap3A_1515 {strides = array<i32>} : memref<128x128xf32, #tpu.memory_space<vmem>>, vector<1x16xf32>,
        %get3A_1516 = arith.index_cast %add3A_1471 : i32 to index
        %get3A_1517 = arith.constant 64 : index
        %get3A_1518 = tpu.vector_load %arg10[%get3A_1516, %get3A_1517] {strides = array<i32>} : memref<128x128xf32, #tpu.memory_space<vmem>>, vector<1x16xf32>,
        %get3A_1519 = vector.shape_cast %get3A_1518 : vector<1x16xf32> to vector<16xf32>
        %mul3A_1520 = vector.broadcast %squeeze3A_1467 : f32 to vector<16xf32>
        %mul3A_1521 = arith.mulf %get3A_1519, %mul3A_1520 : vector<16xf32>
        %swap3A_1522 = arith.index_cast %add3A_1471 : i32 to index
        %swap3A_1523 = arith.constant 64 : index
        %swap3A_1524 = tpu.vector_load %arg10[%swap3A_1522, %swap3A_1523] {strides = array<i32>} : memref<128x128xf32, #tpu.memory_space<vmem>>, vector<1x16xf32>,
        %swap3A_1525 = vector.shape_cast %swap3A_1524 : vector<1x16xf32> to vector<16xf32>
        %swap3A_1526 = vector.shape_cast %mul3A_1521 : vector<16xf32> to vector<1x16xf32>
        tpu.vector_store %arg10[%swap3A_1522, %swap3A_1523], %swap3A_1526 {strides = array<i32>} : memref<128x128xf32, #tpu.memory_space<vmem>>, vector<1x16xf32>,
        %get3A_1527 = arith.index_cast %add3A_1471 : i32 to index
        %get3A_1528 = arith.constant 80 : index
        %get3A_1529 = tpu.vector_load %arg10[%get3A_1527, %get3A_1528] {strides = array<i32>} : memref<128x128xf32, #tpu.memory_space<vmem>>, vector<1x16xf32>,
        %get3A_1530 = vector.shape_cast %get3A_1529 : vector<1x16xf32> to vector<16xf32>
        %mul3A_1531 = vector.broadcast %squeeze3A_1467 : f32 to vector<16xf32>
        %mul3A_1532 = arith.mulf %get3A_1530, %mul3A_1531 : vector<16xf32>
        %swap3A_1533 = arith.index_cast %add3A_1471 : i32 to index
        %swap3A_1534 = arith.constant 80 : index
        %swap3A_1535 = tpu.vector_load %arg10[%swap3A_1533, %swap3A_1534] {strides = array<i32>} : memref<128x128xf32, #tpu.memory_space<vmem>>, vector<1x16xf32>,
        %swap3A_1536 = vector.shape_cast %swap3A_1535 : vector<1x16xf32> to vector<16xf32>
        %swap3A_1537 = vector.shape_cast %mul3A_1532 : vector<16xf32> to vector<1x16xf32>
        tpu.vector_store %arg10[%swap3A_1533, %swap3A_1534], %swap3A_1537 {strides = array<i32>} : memref<128x128xf32, #tpu.memory_space<vmem>>, vector<1x16xf32>,
        %get3A_1538 = arith.index_cast %add3A_1471 : i32 to index
        %get3A_1539 = arith.constant 96 : index
        %get3A_1540 = tpu.vector_load %arg10[%get3A_1538, %get3A_1539] {strides = array<i32>} : memref<128x128xf32, #tpu.memory_space<vmem>>, vector<1x16xf32>,
        %get3A_1541 = vector.shape_cast %get3A_1540 : vector<1x16xf32> to vector<16xf32>
        %mul3A_1542 = vector.broadcast %squeeze3A_1467 : f32 to vector<16xf32>
        %mul3A_1543 = arith.mulf %get3A_1541, %mul3A_1542 : vector<16xf32>
        %swap3A_1544 = arith.index_cast %add3A_1471 : i32 to index
        %swap3A_1545 = arith.constant 96 : index
        %swap3A_1546 = tpu.vector_load %arg10[%swap3A_1544, %swap3A_1545] {strides = array<i32>} : memref<128x128xf32, #tpu.memory_space<vmem>>, vector<1x16xf32>,
        %swap3A_1547 = vector.shape_cast %swap3A_1546 : vector<1x16xf32> to vector<16xf32>
        %swap3A_1548 = vector.shape_cast %mul3A_1543 : vector<16xf32> to vector<1x16xf32>
        tpu.vector_store %arg10[%swap3A_1544, %swap3A_1545], %swap3A_1548 {strides = array<i32>} : memref<128x128xf32, #tpu.memory_space<vmem>>, vector<1x16xf32>,
        %get3A_1549 = arith.index_cast %add3A_1471 : i32 to index
        %get3A_1550 = arith.constant 112 : index
        %get3A_1551 = tpu.vector_load %arg10[%get3A_1549, %get3A_1550] {strides = array<i32>} : memref<128x128xf32, #tpu.memory_space<vmem>>, vector<1x16xf32>,
        %get3A_1552 = vector.shape_cast %get3A_1551 : vector<1x16xf32> to vector<16xf32>
        %mul3A_1553 = vector.broadcast %squeeze3A_1467 : f32 to vector<16xf32>
        %mul3A_1554 = arith.mulf %get3A_1552, %mul3A_1553 : vector<16xf32>
        %swap3A_1555 = arith.index_cast %add3A_1471 : i32 to index
        %swap3A_1556 = arith.constant 112 : index
        %swap3A_1557 = tpu.vector_load %arg10[%swap3A_1555, %swap3A_1556] {strides = array<i32>} : memref<128x128xf32, #tpu.memory_space<vmem>>, vector<1x16xf32>,
        %swap3A_1558 = vector.shape_cast %swap3A_1557 : vector<1x16xf32> to vector<16xf32>
        %swap3A_1559 = vector.shape_cast %mul3A_1554 : vector<16xf32> to vector<1x16xf32>
        tpu.vector_store %arg10[%swap3A_1555, %swap3A_1556], %swap3A_1559 {strides = array<i32>} : memref<128x128xf32, #tpu.memory_space<vmem>>, vector<1x16xf32>,
      }
      %scan3A_53 = arith.constant 8 : i32
      "tpu.region"() ({
        %run_scoped3A = tpu.sem_alloc : memref<!tpu.dma_semaphore, #tpu.memory_space<semaphore_mem>>
        %dma_start3A_54 = arith.constant 0 : i32
        %dma_start3A_55 = arith.constant 0 : i32
        %dma_start3A_56 = tpu.memref_slice %arg11[%dma_start3A_54, %dma_start3A_55] : memref<10240x128xf32, #tpu.memory_space<vmem_shared>> -> memref<10240x128xf32, #tpu.memory_space<vmem_shared>>
        tpu.enqueue_indirect_dma source(%arg10 : memref<128x128xf32, #tpu.memory_space<vmem>>) target(%dma_start3A_56 : memref<10240x128xf32, #tpu.memory_space<vmem_shared>>) offsets(%arg8 : memref<128xi32, #tpu.memory_space<vmem>>) semaphore(%run_scoped3A : memref<!tpu.dma_semaphore, #tpu.memory_space<semaphore_mem>>) {add = true}
        %dma_wait3A_57 = arith.constant 0 : i32
        %dma_wait3A_58 = arith.constant 0 : i32
        %dma_wait3A_59 = tpu.memref_slice %arg11[%dma_wait3A_57, %dma_wait3A_58] : memref<10240x128xf32, #tpu.memory_space<vmem_shared>> -> memref<10240x128xf32, #tpu.memory_space<vmem_shared>>
        tpu.wait_indirect_dma semaphore(%run_scoped3A : memref<!tpu.dma_semaphore, #tpu.memory_space<semaphore_mem>>) src(%arg10 : memref<128x128xf32, #tpu.memory_space<vmem>>) dst(%dma_wait3A_59 : memref<10240x128xf32, #tpu.memory_space<vmem_shared>>)
        tpu.yield
      }) : () -> ()
    }
    %scan3A_32 = arith.constant 80 : i32
    %barrier3A_33 = arith.constant 0 : index
    tpu.barrier barrier_id(%barrier3A_33)
    %mul3A_34 = arith.constant 640 : i32
    %mul3A_35 = arith.muli %arg1, %mul3A_34 : i32
    %mul3A_36 = arith.constant 640 : i32
    %mul3A_37 = arith.muli %arg1, %mul3A_36 : i32
    "tpu.region"() ({
      %run_scoped3A = tpu.sem_alloc : memref<!tpu.dma_semaphore, #tpu.memory_space<semaphore_mem>>
      %dma_start3A = arith.constant 0 : i32
      %dma_start3A_38 = tpu.memref_slice %arg6[%arg0, %mul3A_37, %dma_start3A] : memref<2x10240x128xf32, #tpu.memory_space<hbm>> -> memref<1x640x128xf32, #tpu.memory_space<hbm>>
      %dma_start3A_39 = tpu.memref_squeeze %dma_start3A_38 : memref<1x640x128xf32, #tpu.memory_space<hbm>> -> memref<640x128xf32, #tpu.memory_space<hbm>>
      %dma_start3A_40 = arith.constant 0 : i32
      %dma_start3A_41 = tpu.memref_slice %arg11[%mul3A_35, %dma_start3A_40] : memref<10240x128xf32, #tpu.memory_space<vmem_shared>> -> memref<640x128xf32, #tpu.memory_space<vmem_shared>>
      tpu.enqueue_dma source(%dma_start3A_41 : memref<640x128xf32, #tpu.memory_space<vmem_shared>>) target(%dma_start3A_39 : memref<640x128xf32, #tpu.memory_space<hbm>>) target_semaphore(%run_scoped3A : memref<!tpu.dma_semaphore, #tpu.memory_space<semaphore_mem>>)
      %dma_wait3A = arith.constant 0 : i32
      %dma_wait3A_42 = tpu.memref_slice %arg6[%arg0, %mul3A_37, %dma_wait3A] : memref<2x10240x128xf32, #tpu.memory_space<hbm>> -> memref<1x640x128xf32, #tpu.memory_space<hbm>>
      %dma_wait3A_43 = tpu.memref_squeeze %dma_wait3A_42 : memref<1x640x128xf32, #tpu.memory_space<hbm>> -> memref<640x128xf32, #tpu.memory_space<hbm>>
      %dma_wait3A_44 = arith.constant 0 : i32
      %dma_wait3A_45 = tpu.memref_slice %arg11[%mul3A_35, %dma_wait3A_44] : memref<10240x128xf32, #tpu.memory_space<vmem_shared>> -> memref<640x128xf32, #tpu.memory_space<vmem_shared>>
      tpu.wait_dma2 semaphore(%run_scoped3A : memref<!tpu.dma_semaphore, #tpu.memory_space<semaphore_mem>>) src(%dma_wait3A_45 : memref<640x128xf32, #tpu.memory_space<vmem_shared>>) dst(%dma_wait3A_43 : memref<640x128xf32, #tpu.memory_space<hbm>>)
      tpu.yield
    }) : () -> ()
    return
  }
}

#map = affine_map<(d0, d1) -> (0, 0)>
#map1 = affine_map<(d0, d1) -> (0)>
#map2 = affine_map<(d0, d1) -> (0, 0, 0)>
module attributes {stable_mosaic.version = 14 : i64} {
  func.func @_agg_kernel(%arg0: i32, %arg1: i32, %arg2: memref<10240x128xf32, #tpu.memory_space<hbm>>, %arg3: memref<327680xi32, #tpu.memory_space<hbm>>, %arg4: memref<327680xi32, #tpu.memory_space<hbm>>, %arg5: memref<327680xf32, #tpu.memory_space<hbm>>, %arg6: memref<2x10240x128xf32, #tpu.memory_space<hbm>>, %arg7: memref<128xi32, #tpu.memory_space<vmem>>, %arg8: memref<128xi32, #tpu.memory_space<vmem>>, %arg9: memref<128xf32, #tpu.memory_space<vmem>>, %arg10: memref<128x128xf32, #tpu.memory_space<vmem>>, %arg11: memref<10240x128xf32, #tpu.memory_space<vmem_shared>>, %arg12: memref<!tpu.dma_semaphore, #tpu.memory_space<semaphore_mem>>) attributes {dimension_semantics = [#tpu.dimension_semantics<core_parallel>, #tpu.dimension_semantics<subcore_parallel>], iteration_bounds = array<i64: 2, 16>, scalar_prefetch = 0 : i64, scratch_operands = 6 : i64, tpu.core_type = #tpu.core_type<sc_vector_subcore>, window_params = [{transform_indices = #map}, {transform_indices = #map1}, {transform_indices = #map1}, {transform_indices = #map1}, {transform_indices = #map2}]} {
    %mul3A = arith.constant 16 : i32
    %mul3A_0 = arith.muli %arg0, %mul3A : i32
    %add3A = arith.addi %mul3A_0, %arg1 : i32
    %broadcast_in_dim3A = arith.constant 0.000000e+00 : f32
    %broadcast_in_dim3A_1 = vector.broadcast %broadcast_in_dim3A : f32 to vector<16xf32>
    %scan3A = arith.constant 0 : i32
    %scan3A_2 = arith.constant 0 : i32
    %scan3A_3 = arith.constant 128 : i32
    %scan3A_4 = arith.addi %scan3A_2, %scan3A_3 : i32
    %scan3A_5 = arith.constant 1 : i32
    scf.for %scan3A_38 = %scan3A_2 to %scan3A_4 step %scan3A_5  : i32 {
      %swap3A = arith.index_cast %scan3A_38 : i32 to index
      %swap3A_39 = arith.constant 0 : index
      %swap3A_40 = tpu.vector_load %arg10[%swap3A, %swap3A_39] {strides = array<i32>} : memref<128x128xf32, #tpu.memory_space<vmem>>, vector<1x16xf32>,
      %swap3A_41 = vector.shape_cast %swap3A_40 : vector<1x16xf32> to vector<16xf32>
      %swap3A_42 = vector.shape_cast %broadcast_in_dim3A_1 : vector<16xf32> to vector<1x16xf32>
      tpu.vector_store %arg10[%swap3A, %swap3A_39], %swap3A_42 {strides = array<i32>} : memref<128x128xf32, #tpu.memory_space<vmem>>, vector<1x16xf32>,
      %swap3A_43 = arith.index_cast %scan3A_38 : i32 to index
      %swap3A_44 = arith.constant 16 : index
      %swap3A_45 = tpu.vector_load %arg10[%swap3A_43, %swap3A_44] {strides = array<i32>} : memref<128x128xf32, #tpu.memory_space<vmem>>, vector<1x16xf32>,
      %swap3A_46 = vector.shape_cast %swap3A_45 : vector<1x16xf32> to vector<16xf32>
      %swap3A_47 = vector.shape_cast %broadcast_in_dim3A_1 : vector<16xf32> to vector<1x16xf32>
      tpu.vector_store %arg10[%swap3A_43, %swap3A_44], %swap3A_47 {strides = array<i32>} : memref<128x128xf32, #tpu.memory_space<vmem>>, vector<1x16xf32>,
      %swap3A_48 = arith.index_cast %scan3A_38 : i32 to index
      %swap3A_49 = arith.constant 32 : index
      %swap3A_50 = tpu.vector_load %arg10[%swap3A_48, %swap3A_49] {strides = array<i32>} : memref<128x128xf32, #tpu.memory_space<vmem>>, vector<1x16xf32>,
      %swap3A_51 = vector.shape_cast %swap3A_50 : vector<1x16xf32> to vector<16xf32>
      %swap3A_52 = vector.shape_cast %broadcast_in_dim3A_1 : vector<16xf32> to vector<1x16xf32>
      tpu.vector_store %arg10[%swap3A_48, %swap3A_49], %swap3A_52 {strides = array<i32>} : memref<128x128xf32, #tpu.memory_space<vmem>>, vector<1x16xf32>,
      %swap3A_53 = arith.index_cast %scan3A_38 : i32 to index
      %swap3A_54 = arith.constant 48 : index
      %swap3A_55 = tpu.vector_load %arg10[%swap3A_53, %swap3A_54] {strides = array<i32>} : memref<128x128xf32, #tpu.memory_space<vmem>>, vector<1x16xf32>,
      %swap3A_56 = vector.shape_cast %swap3A_55 : vector<1x16xf32> to vector<16xf32>
      %swap3A_57 = vector.shape_cast %broadcast_in_dim3A_1 : vector<16xf32> to vector<1x16xf32>
      tpu.vector_store %arg10[%swap3A_53, %swap3A_54], %swap3A_57 {strides = array<i32>} : memref<128x128xf32, #tpu.memory_space<vmem>>, vector<1x16xf32>,
      %swap3A_58 = arith.index_cast %scan3A_38 : i32 to index
      %swap3A_59 = arith.constant 64 : index
      %swap3A_60 = tpu.vector_load %arg10[%swap3A_58, %swap3A_59] {strides = array<i32>} : memref<128x128xf32, #tpu.memory_space<vmem>>, vector<1x16xf32>,
      %swap3A_61 = vector.shape_cast %swap3A_60 : vector<1x16xf32> to vector<16xf32>
      %swap3A_62 = vector.shape_cast %broadcast_in_dim3A_1 : vector<16xf32> to vector<1x16xf32>
      tpu.vector_store %arg10[%swap3A_58, %swap3A_59], %swap3A_62 {strides = array<i32>} : memref<128x128xf32, #tpu.memory_space<vmem>>, vector<1x16xf32>,
      %swap3A_63 = arith.index_cast %scan3A_38 : i32 to index
      %swap3A_64 = arith.constant 80 : index
      %swap3A_65 = tpu.vector_load %arg10[%swap3A_63, %swap3A_64] {strides = array<i32>} : memref<128x128xf32, #tpu.memory_space<vmem>>, vector<1x16xf32>,
      %swap3A_66 = vector.shape_cast %swap3A_65 : vector<1x16xf32> to vector<16xf32>
      %swap3A_67 = vector.shape_cast %broadcast_in_dim3A_1 : vector<16xf32> to vector<1x16xf32>
      tpu.vector_store %arg10[%swap3A_63, %swap3A_64], %swap3A_67 {strides = array<i32>} : memref<128x128xf32, #tpu.memory_space<vmem>>, vector<1x16xf32>,
      %swap3A_68 = arith.index_cast %scan3A_38 : i32 to index
      %swap3A_69 = arith.constant 96 : index
      %swap3A_70 = tpu.vector_load %arg10[%swap3A_68, %swap3A_69] {strides = array<i32>} : memref<128x128xf32, #tpu.memory_space<vmem>>, vector<1x16xf32>,
      %swap3A_71 = vector.shape_cast %swap3A_70 : vector<1x16xf32> to vector<16xf32>
      %swap3A_72 = vector.shape_cast %broadcast_in_dim3A_1 : vector<16xf32> to vector<1x16xf32>
      tpu.vector_store %arg10[%swap3A_68, %swap3A_69], %swap3A_72 {strides = array<i32>} : memref<128x128xf32, #tpu.memory_space<vmem>>, vector<1x16xf32>,
      %swap3A_73 = arith.index_cast %scan3A_38 : i32 to index
      %swap3A_74 = arith.constant 112 : index
      %swap3A_75 = tpu.vector_load %arg10[%swap3A_73, %swap3A_74] {strides = array<i32>} : memref<128x128xf32, #tpu.memory_space<vmem>>, vector<1x16xf32>,
      %swap3A_76 = vector.shape_cast %swap3A_75 : vector<1x16xf32> to vector<16xf32>
      %swap3A_77 = vector.shape_cast %broadcast_in_dim3A_1 : vector<16xf32> to vector<1x16xf32>
      tpu.vector_store %arg10[%swap3A_73, %swap3A_74], %swap3A_77 {strides = array<i32>} : memref<128x128xf32, #tpu.memory_space<vmem>>, vector<1x16xf32>,
    }
    %scan3A_6 = arith.constant 128 : i32
    %mul3A_7 = arith.constant 640 : i32
    %mul3A_8 = arith.muli %arg1, %mul3A_7 : i32
    %add3A_9 = arith.constant 0 : i32
    %add3A_10 = arith.addi %mul3A_8, %add3A_9 : i32
    "tpu.region"() ({
      %run_scoped3A = tpu.sem_alloc : memref<!tpu.dma_semaphore, #tpu.memory_space<semaphore_mem>>
      %dma_start3A = arith.constant 0 : i32
      %dma_start3A_38 = tpu.memref_slice %arg11[%add3A_10, %dma_start3A] : memref<10240x128xf32, #tpu.memory_space<vmem_shared>> -> memref<128x128xf32, #tpu.memory_space<vmem_shared>>
      %dma_start3A_39 = arith.constant 0 : i32
      %dma_start3A_40 = tpu.memref_slice %arg11[%add3A_10, %dma_start3A_39] : memref<10240x128xf32, #tpu.memory_space<vmem_shared>> -> memref<128x128xf32, #tpu.memory_space<vmem_shared>>
      tpu.enqueue_dma source(%arg10 : memref<128x128xf32, #tpu.memory_space<vmem>>) target(%dma_start3A_40 : memref<128x128xf32, #tpu.memory_space<vmem_shared>>) target_semaphore(%run_scoped3A : memref<!tpu.dma_semaphore, #tpu.memory_space<semaphore_mem>>)
      %dma_wait3A = arith.constant 0 : i32
      %dma_wait3A_41 = tpu.memref_slice %arg11[%add3A_10, %dma_wait3A] : memref<10240x128xf32, #tpu.memory_space<vmem_shared>> -> memref<128x128xf32, #tpu.memory_space<vmem_shared>>
      %dma_wait3A_42 = arith.constant 0 : i32
      %dma_wait3A_43 = tpu.memref_slice %arg11[%add3A_10, %dma_wait3A_42] : memref<10240x128xf32, #tpu.memory_space<vmem_shared>> -> memref<128x128xf32, #tpu.memory_space<vmem_shared>>
      tpu.wait_dma2 semaphore(%run_scoped3A : memref<!tpu.dma_semaphore, #tpu.memory_space<semaphore_mem>>) src(%arg10 : memref<128x128xf32, #tpu.memory_space<vmem>>) dst(%dma_wait3A_43 : memref<128x128xf32, #tpu.memory_space<vmem_shared>>)
      tpu.yield
    }) : () -> ()
    %mul3A_11 = arith.constant 640 : i32
    %mul3A_12 = arith.muli %arg1, %mul3A_11 : i32
    %add3A_13 = arith.constant 128 : i32
    %add3A_14 = arith.addi %mul3A_12, %add3A_13 : i32
    "tpu.region"() ({
      %run_scoped3A = tpu.sem_alloc : memref<!tpu.dma_semaphore, #tpu.memory_space<semaphore_mem>>
      %dma_start3A = arith.constant 0 : i32
      %dma_start3A_38 = tpu.memref_slice %arg11[%add3A_14, %dma_start3A] : memref<10240x128xf32, #tpu.memory_space<vmem_shared>> -> memref<128x128xf32, #tpu.memory_space<vmem_shared>>
      %dma_start3A_39 = arith.constant 0 : i32
      %dma_start3A_40 = tpu.memref_slice %arg11[%add3A_14, %dma_start3A_39] : memref<10240x128xf32, #tpu.memory_space<vmem_shared>> -> memref<128x128xf32, #tpu.memory_space<vmem_shared>>
      tpu.enqueue_dma source(%arg10 : memref<128x128xf32, #tpu.memory_space<vmem>>) target(%dma_start3A_40 : memref<128x128xf32, #tpu.memory_space<vmem_shared>>) target_semaphore(%run_scoped3A : memref<!tpu.dma_semaphore, #tpu.memory_space<semaphore_mem>>)
      %dma_wait3A = arith.constant 0 : i32
      %dma_wait3A_41 = tpu.memref_slice %arg11[%add3A_14, %dma_wait3A] : memref<10240x128xf32, #tpu.memory_space<vmem_shared>> -> memref<128x128xf32, #tpu.memory_space<vmem_shared>>
      %dma_wait3A_42 = arith.constant 0 : i32
      %dma_wait3A_43 = tpu.memref_slice %arg11[%add3A_14, %dma_wait3A_42] : memref<10240x128xf32, #tpu.memory_space<vmem_shared>> -> memref<128x128xf32, #tpu.memory_space<vmem_shared>>
      tpu.wait_dma2 semaphore(%run_scoped3A : memref<!tpu.dma_semaphore, #tpu.memory_space<semaphore_mem>>) src(%arg10 : memref<128x128xf32, #tpu.memory_space<vmem>>) dst(%dma_wait3A_43 : memref<128x128xf32, #tpu.memory_space<vmem_shared>>)
      tpu.yield
    }) : () -> ()
    %mul3A_15 = arith.constant 640 : i32
    %mul3A_16 = arith.muli %arg1, %mul3A_15 : i32
    %add3A_17 = arith.constant 256 : i32
    %add3A_18 = arith.addi %mul3A_16, %add3A_17 : i32
    "tpu.region"() ({
      %run_scoped3A = tpu.sem_alloc : memref<!tpu.dma_semaphore, #tpu.memory_space<semaphore_mem>>
      %dma_start3A = arith.constant 0 : i32
      %dma_start3A_38 = tpu.memref_slice %arg11[%add3A_18, %dma_start3A] : memref<10240x128xf32, #tpu.memory_space<vmem_shared>> -> memref<128x128xf32, #tpu.memory_space<vmem_shared>>
      %dma_start3A_39 = arith.constant 0 : i32
      %dma_start3A_40 = tpu.memref_slice %arg11[%add3A_18, %dma_start3A_39] : memref<10240x128xf32, #tpu.memory_space<vmem_shared>> -> memref<128x128xf32, #tpu.memory_space<vmem_shared>>
      tpu.enqueue_dma source(%arg10 : memref<128x128xf32, #tpu.memory_space<vmem>>) target(%dma_start3A_40 : memref<128x128xf32, #tpu.memory_space<vmem_shared>>) target_semaphore(%run_scoped3A : memref<!tpu.dma_semaphore, #tpu.memory_space<semaphore_mem>>)
      %dma_wait3A = arith.constant 0 : i32
      %dma_wait3A_41 = tpu.memref_slice %arg11[%add3A_18, %dma_wait3A] : memref<10240x128xf32, #tpu.memory_space<vmem_shared>> -> memref<128x128xf32, #tpu.memory_space<vmem_shared>>
      %dma_wait3A_42 = arith.constant 0 : i32
      %dma_wait3A_43 = tpu.memref_slice %arg11[%add3A_18, %dma_wait3A_42] : memref<10240x128xf32, #tpu.memory_space<vmem_shared>> -> memref<128x128xf32, #tpu.memory_space<vmem_shared>>
      tpu.wait_dma2 semaphore(%run_scoped3A : memref<!tpu.dma_semaphore, #tpu.memory_space<semaphore_mem>>) src(%arg10 : memref<128x128xf32, #tpu.memory_space<vmem>>) dst(%dma_wait3A_43 : memref<128x128xf32, #tpu.memory_space<vmem_shared>>)
      tpu.yield
    }) : () -> ()
    %mul3A_19 = arith.constant 640 : i32
    %mul3A_20 = arith.muli %arg1, %mul3A_19 : i32
    %add3A_21 = arith.constant 384 : i32
    %add3A_22 = arith.addi %mul3A_20, %add3A_21 : i32
    "tpu.region"() ({
      %run_scoped3A = tpu.sem_alloc : memref<!tpu.dma_semaphore, #tpu.memory_space<semaphore_mem>>
      %dma_start3A = arith.constant 0 : i32
      %dma_start3A_38 = tpu.memref_slice %arg11[%add3A_22, %dma_start3A] : memref<10240x128xf32, #tpu.memory_space<vmem_shared>> -> memref<128x128xf32, #tpu.memory_space<vmem_shared>>
      %dma_start3A_39 = arith.constant 0 : i32
      %dma_start3A_40 = tpu.memref_slice %arg11[%add3A_22, %dma_start3A_39] : memref<10240x128xf32, #tpu.memory_space<vmem_shared>> -> memref<128x128xf32, #tpu.memory_space<vmem_shared>>
      tpu.enqueue_dma source(%arg10 : memref<128x128xf32, #tpu.memory_space<vmem>>) target(%dma_start3A_40 : memref<128x128xf32, #tpu.memory_space<vmem_shared>>) target_semaphore(%run_scoped3A : memref<!tpu.dma_semaphore, #tpu.memory_space<semaphore_mem>>)
      %dma_wait3A = arith.constant 0 : i32
      %dma_wait3A_41 = tpu.memref_slice %arg11[%add3A_22, %dma_wait3A] : memref<10240x128xf32, #tpu.memory_space<vmem_shared>> -> memref<128x128xf32, #tpu.memory_space<vmem_shared>>
      %dma_wait3A_42 = arith.constant 0 : i32
      %dma_wait3A_43 = tpu.memref_slice %arg11[%add3A_22, %dma_wait3A_42] : memref<10240x128xf32, #tpu.memory_space<vmem_shared>> -> memref<128x128xf32, #tpu.memory_space<vmem_shared>>
      tpu.wait_dma2 semaphore(%run_scoped3A : memref<!tpu.dma_semaphore, #tpu.memory_space<semaphore_mem>>) src(%arg10 : memref<128x128xf32, #tpu.memory_space<vmem>>) dst(%dma_wait3A_43 : memref<128x128xf32, #tpu.memory_space<vmem_shared>>)
      tpu.yield
    }) : () -> ()
    %mul3A_23 = arith.constant 640 : i32
    %mul3A_24 = arith.muli %arg1, %mul3A_23 : i32
    %add3A_25 = arith.constant 512 : i32
    %add3A_26 = arith.addi %mul3A_24, %add3A_25 : i32
    "tpu.region"() ({
      %run_scoped3A = tpu.sem_alloc : memref<!tpu.dma_semaphore, #tpu.memory_space<semaphore_mem>>
      %dma_start3A = arith.constant 0 : i32
      %dma_start3A_38 = tpu.memref_slice %arg11[%add3A_26, %dma_start3A] : memref<10240x128xf32, #tpu.memory_space<vmem_shared>> -> memref<128x128xf32, #tpu.memory_space<vmem_shared>>
      %dma_start3A_39 = arith.constant 0 : i32
      %dma_start3A_40 = tpu.memref_slice %arg11[%add3A_26, %dma_start3A_39] : memref<10240x128xf32, #tpu.memory_space<vmem_shared>> -> memref<128x128xf32, #tpu.memory_space<vmem_shared>>
      tpu.enqueue_dma source(%arg10 : memref<128x128xf32, #tpu.memory_space<vmem>>) target(%dma_start3A_40 : memref<128x128xf32, #tpu.memory_space<vmem_shared>>) target_semaphore(%run_scoped3A : memref<!tpu.dma_semaphore, #tpu.memory_space<semaphore_mem>>)
      %dma_wait3A = arith.constant 0 : i32
      %dma_wait3A_41 = tpu.memref_slice %arg11[%add3A_26, %dma_wait3A] : memref<10240x128xf32, #tpu.memory_space<vmem_shared>> -> memref<128x128xf32, #tpu.memory_space<vmem_shared>>
      %dma_wait3A_42 = arith.constant 0 : i32
      %dma_wait3A_43 = tpu.memref_slice %arg11[%add3A_26, %dma_wait3A_42] : memref<10240x128xf32, #tpu.memory_space<vmem_shared>> -> memref<128x128xf32, #tpu.memory_space<vmem_shared>>
      tpu.wait_dma2 semaphore(%run_scoped3A : memref<!tpu.dma_semaphore, #tpu.memory_space<semaphore_mem>>) src(%arg10 : memref<128x128xf32, #tpu.memory_space<vmem>>) dst(%dma_wait3A_43 : memref<128x128xf32, #tpu.memory_space<vmem_shared>>)
      tpu.yield
    }) : () -> ()
    %barrier3A = arith.constant 0 : index
    tpu.barrier barrier_id(%barrier3A)
    %scan3A_27 = arith.constant 0 : i32
    %scan3A_28 = arith.constant 0 : i32
    %scan3A_29 = arith.constant 80 : i32
    %scan3A_30 = arith.addi %scan3A_28, %scan3A_29 : i32
    %scan3A_31 = arith.constant 1 : i32
    scf.for %scan3A_38 = %scan3A_28 to %scan3A_30 step %scan3A_31  : i32 {
      %mul3A_39 = arith.constant 10240 : i32
      %mul3A_40 = arith.muli %add3A, %mul3A_39 : i32
      %mul3A_41 = arith.constant 128 : i32
      %mul3A_42 = arith.muli %scan3A_38, %mul3A_41 : i32
      %add3A_43 = arith.addi %mul3A_40, %mul3A_42 : i32
      "tpu.region"() ({
        %run_scoped3A = tpu.sem_alloc : memref<!tpu.dma_semaphore, #tpu.memory_space<semaphore_mem>>
        %dma_start3A_54 = tpu.memref_slice %arg3[%add3A_43] : memref<327680xi32, #tpu.memory_space<hbm>> -> memref<128xi32, #tpu.memory_space<hbm>>
        %dma_start3A_55 = tpu.memref_slice %arg3[%add3A_43] : memref<327680xi32, #tpu.memory_space<hbm>> -> memref<128xi32, #tpu.memory_space<hbm>>
        tpu.enqueue_dma source(%dma_start3A_55 : memref<128xi32, #tpu.memory_space<hbm>>) target(%arg7 : memref<128xi32, #tpu.memory_space<vmem>>) target_semaphore(%run_scoped3A : memref<!tpu.dma_semaphore, #tpu.memory_space<semaphore_mem>>)
        %dma_wait3A_56 = tpu.memref_slice %arg3[%add3A_43] : memref<327680xi32, #tpu.memory_space<hbm>> -> memref<128xi32, #tpu.memory_space<hbm>>
        %dma_wait3A_57 = tpu.memref_slice %arg3[%add3A_43] : memref<327680xi32, #tpu.memory_space<hbm>> -> memref<128xi32, #tpu.memory_space<hbm>>
        tpu.wait_dma2 semaphore(%run_scoped3A : memref<!tpu.dma_semaphore, #tpu.memory_space<semaphore_mem>>) src(%dma_wait3A_57 : memref<128xi32, #tpu.memory_space<hbm>>) dst(%arg7 : memref<128xi32, #tpu.memory_space<vmem>>)
        tpu.yield
      }) : () -> ()
      "tpu.region"() ({
        %run_scoped3A = tpu.sem_alloc : memref<!tpu.dma_semaphore, #tpu.memory_space<semaphore_mem>>
        %dma_start3A_54 = tpu.memref_slice %arg4[%add3A_43] : memref<327680xi32, #tpu.memory_space<hbm>> -> memref<128xi32, #tpu.memory_space<hbm>>
        %dma_start3A_55 = tpu.memref_slice %arg4[%add3A_43] : memref<327680xi32, #tpu.memory_space<hbm>> -> memref<128xi32, #tpu.memory_space<hbm>>
        tpu.enqueue_dma source(%dma_start3A_55 : memref<128xi32, #tpu.memory_space<hbm>>) target(%arg8 : memref<128xi32, #tpu.memory_space<vmem>>) target_semaphore(%run_scoped3A : memref<!tpu.dma_semaphore, #tpu.memory_space<semaphore_mem>>)
        %dma_wait3A_56 = tpu.memref_slice %arg4[%add3A_43] : memref<327680xi32, #tpu.memory_space<hbm>> -> memref<128xi32, #tpu.memory_space<hbm>>
        %dma_wait3A_57 = tpu.memref_slice %arg4[%add3A_43] : memref<327680xi32, #tpu.memory_space<hbm>> -> memref<128xi32, #tpu.memory_space<hbm>>
        tpu.wait_dma2 semaphore(%run_scoped3A : memref<!tpu.dma_semaphore, #tpu.memory_space<semaphore_mem>>) src(%dma_wait3A_57 : memref<128xi32, #tpu.memory_space<hbm>>) dst(%arg8 : memref<128xi32, #tpu.memory_space<vmem>>)
        tpu.yield
      }) : () -> ()
      "tpu.region"() ({
        %run_scoped3A = tpu.sem_alloc : memref<!tpu.dma_semaphore, #tpu.memory_space<semaphore_mem>>
        %dma_start3A_54 = tpu.memref_slice %arg5[%add3A_43] : memref<327680xf32, #tpu.memory_space<hbm>> -> memref<128xf32, #tpu.memory_space<hbm>>
        %dma_start3A_55 = tpu.memref_slice %arg5[%add3A_43] : memref<327680xf32, #tpu.memory_space<hbm>> -> memref<128xf32, #tpu.memory_space<hbm>>
        tpu.enqueue_dma source(%dma_start3A_55 : memref<128xf32, #tpu.memory_space<hbm>>) target(%arg9 : memref<128xf32, #tpu.memory_space<vmem>>) target_semaphore(%run_scoped3A : memref<!tpu.dma_semaphore, #tpu.memory_space<semaphore_mem>>)
        %dma_wait3A_56 = tpu.memref_slice %arg5[%add3A_43] : memref<327680xf32, #tpu.memory_space<hbm>> -> memref<128xf32, #tpu.memory_space<hbm>>
        %dma_wait3A_57 = tpu.memref_slice %arg5[%add3A_43] : memref<327680xf32, #tpu.memory_space<hbm>> -> memref<128xf32, #tpu.memory_space<hbm>>
        tpu.wait_dma2 semaphore(%run_scoped3A : memref<!tpu.dma_semaphore, #tpu.memory_space<semaphore_mem>>) src(%dma_wait3A_57 : memref<128xf32, #tpu.memory_space<hbm>>) dst(%arg9 : memref<128xf32, #tpu.memory_space<vmem>>)
        tpu.yield
      }) : () -> ()
      %dma_start3A = arith.constant 0 : i32
      %dma_start3A_44 = arith.constant 0 : i32
      %dma_start3A_45 = tpu.memref_slice %arg2[%dma_start3A, %dma_start3A_44] : memref<10240x128xf32, #tpu.memory_space<hbm>> -> memref<10240x128xf32, #tpu.memory_space<hbm>>
      tpu.enqueue_indirect_dma source(%dma_start3A_45 : memref<10240x128xf32, #tpu.memory_space<hbm>>) target(%arg10 : memref<128x128xf32, #tpu.memory_space<vmem>>) offsets(%arg7 : memref<128xi32, #tpu.memory_space<vmem>>) semaphore(%arg12 : memref<!tpu.dma_semaphore, #tpu.memory_space<semaphore_mem>>)
      %dma_wait3A = arith.constant 0 : i32
      %dma_wait3A_46 = arith.constant 0 : i32
      %dma_wait3A_47 = tpu.memref_slice %arg2[%dma_wait3A, %dma_wait3A_46] : memref<10240x128xf32, #tpu.memory_space<hbm>> -> memref<10240x128xf32, #tpu.memory_space<hbm>>
      tpu.wait_indirect_dma semaphore(%arg12 : memref<!tpu.dma_semaphore, #tpu.memory_space<semaphore_mem>>) src(%dma_wait3A_47 : memref<10240x128xf32, #tpu.memory_space<hbm>>) dst(%arg10 : memref<128x128xf32, #tpu.memory_space<vmem>>)
      %scan3A_48 = arith.constant 0 : i32
      %scan3A_49 = arith.constant 0 : i32
      %scan3A_50 = arith.constant 8 : i32
      %scan3A_51 = arith.addi %scan3A_49, %scan3A_50 : i32
      %scan3A_52 = arith.constant 1 : i32
      scf.for %scan3A_54 = %scan3A_49 to %scan3A_51 step %scan3A_52  : i32 {
        %mul3A_55 = arith.constant 16 : i32
        %mul3A_56 = arith.muli %scan3A_54, %mul3A_55 : i32
        %get3A = arith.index_cast %mul3A_56 : i32 to index
        %get3A_57 = tpu.vector_load %arg9[%get3A] {strides = array<i32>} : memref<128xf32, #tpu.memory_space<vmem>>, vector<16xf32>,
        %get3A_58 = vector.shape_cast %get3A_57 : vector<16xf32> to vector<16xf32>
        %slice3A = vector.extract_strided_slice %get3A_58 {offsets = [0], sizes = [1], strides = [1]} : vector<16xf32> to vector<1xf32>
        %squeeze3A = vector.extract %slice3A[0] : f32 from vector<1xf32>
        %mul3A_59 = arith.constant 16 : i32
        %mul3A_60 = arith.muli %scan3A_54, %mul3A_59 : i32
        %add3A_61 = arith.constant 0 : i32
        %add3A_62 = arith.addi %mul3A_60, %add3A_61 : i32
        %get3A_63 = arith.index_cast %add3A_62 : i32 to index
        %get3A_64 = arith.constant 0 : index
        %get3A_65 = tpu.vector_load %arg10[%get3A_63, %get3A_64] {strides = array<i32>} : memref<128x128xf32, #tpu.memory_space<vmem>>, vector<1x16xf32>,
        %get3A_66 = vector.shape_cast %get3A_65 : vector<1x16xf32> to vector<16xf32>
        %mul3A_67 = vector.broadcast %squeeze3A : f32 to vector<16xf32>
        %mul3A_68 = arith.mulf %get3A_66, %mul3A_67 : vector<16xf32>
        %swap3A = arith.index_cast %add3A_62 : i32 to index
        %swap3A_69 = arith.constant 0 : index
        %swap3A_70 = tpu.vector_load %arg10[%swap3A, %swap3A_69] {strides = array<i32>} : memref<128x128xf32, #tpu.memory_space<vmem>>, vector<1x16xf32>,
        %swap3A_71 = vector.shape_cast %swap3A_70 : vector<1x16xf32> to vector<16xf32>
        %swap3A_72 = vector.shape_cast %mul3A_68 : vector<16xf32> to vector<1x16xf32>
        tpu.vector_store %arg10[%swap3A, %swap3A_69], %swap3A_72 {strides = array<i32>} : memref<128x128xf32, #tpu.memory_space<vmem>>, vector<1x16xf32>,
        %get3A_73 = arith.index_cast %add3A_62 : i32 to index
        %get3A_74 = arith.constant 16 : index
        %get3A_75 = tpu.vector_load %arg10[%get3A_73, %get3A_74] {strides = array<i32>} : memref<128x128xf32, #tpu.memory_space<vmem>>, vector<1x16xf32>,
        %get3A_76 = vector.shape_cast %get3A_75 : vector<1x16xf32> to vector<16xf32>
        %mul3A_77 = vector.broadcast %squeeze3A : f32 to vector<16xf32>
        %mul3A_78 = arith.mulf %get3A_76, %mul3A_77 : vector<16xf32>
        %swap3A_79 = arith.index_cast %add3A_62 : i32 to index
        %swap3A_80 = arith.constant 16 : index
        %swap3A_81 = tpu.vector_load %arg10[%swap3A_79, %swap3A_80] {strides = array<i32>} : memref<128x128xf32, #tpu.memory_space<vmem>>, vector<1x16xf32>,
        %swap3A_82 = vector.shape_cast %swap3A_81 : vector<1x16xf32> to vector<16xf32>
        %swap3A_83 = vector.shape_cast %mul3A_78 : vector<16xf32> to vector<1x16xf32>
        tpu.vector_store %arg10[%swap3A_79, %swap3A_80], %swap3A_83 {strides = array<i32>} : memref<128x128xf32, #tpu.memory_space<vmem>>, vector<1x16xf32>,
        %get3A_84 = arith.index_cast %add3A_62 : i32 to index
        %get3A_85 = arith.constant 32 : index
        %get3A_86 = tpu.vector_load %arg10[%get3A_84, %get3A_85] {strides = array<i32>} : memref<128x128xf32, #tpu.memory_space<vmem>>, vector<1x16xf32>,
        %get3A_87 = vector.shape_cast %get3A_86 : vector<1x16xf32> to vector<16xf32>
        %mul3A_88 = vector.broadcast %squeeze3A : f32 to vector<16xf32>
        %mul3A_89 = arith.mulf %get3A_87, %mul3A_88 : vector<16xf32>
        %swap3A_90 = arith.index_cast %add3A_62 : i32 to index
        %swap3A_91 = arith.constant 32 : index
        %swap3A_92 = tpu.vector_load %arg10[%swap3A_90, %swap3A_91] {strides = array<i32>} : memref<128x128xf32, #tpu.memory_space<vmem>>, vector<1x16xf32>,
        %swap3A_93 = vector.shape_cast %swap3A_92 : vector<1x16xf32> to vector<16xf32>
        %swap3A_94 = vector.shape_cast %mul3A_89 : vector<16xf32> to vector<1x16xf32>
        tpu.vector_store %arg10[%swap3A_90, %swap3A_91], %swap3A_94 {strides = array<i32>} : memref<128x128xf32, #tpu.memory_space<vmem>>, vector<1x16xf32>,
        %get3A_95 = arith.index_cast %add3A_62 : i32 to index
        %get3A_96 = arith.constant 48 : index
        %get3A_97 = tpu.vector_load %arg10[%get3A_95, %get3A_96] {strides = array<i32>} : memref<128x128xf32, #tpu.memory_space<vmem>>, vector<1x16xf32>,
        %get3A_98 = vector.shape_cast %get3A_97 : vector<1x16xf32> to vector<16xf32>
        %mul3A_99 = vector.broadcast %squeeze3A : f32 to vector<16xf32>
        %mul3A_100 = arith.mulf %get3A_98, %mul3A_99 : vector<16xf32>
        %swap3A_101 = arith.index_cast %add3A_62 : i32 to index
        %swap3A_102 = arith.constant 48 : index
        %swap3A_103 = tpu.vector_load %arg10[%swap3A_101, %swap3A_102] {strides = array<i32>} : memref<128x128xf32, #tpu.memory_space<vmem>>, vector<1x16xf32>,
        %swap3A_104 = vector.shape_cast %swap3A_103 : vector<1x16xf32> to vector<16xf32>
        %swap3A_105 = vector.shape_cast %mul3A_100 : vector<16xf32> to vector<1x16xf32>
        tpu.vector_store %arg10[%swap3A_101, %swap3A_102], %swap3A_105 {strides = array<i32>} : memref<128x128xf32, #tpu.memory_space<vmem>>, vector<1x16xf32>,
        %get3A_106 = arith.index_cast %add3A_62 : i32 to index
        %get3A_107 = arith.constant 64 : index
        %get3A_108 = tpu.vector_load %arg10[%get3A_106, %get3A_107] {strides = array<i32>} : memref<128x128xf32, #tpu.memory_space<vmem>>, vector<1x16xf32>,
        %get3A_109 = vector.shape_cast %get3A_108 : vector<1x16xf32> to vector<16xf32>
        %mul3A_110 = vector.broadcast %squeeze3A : f32 to vector<16xf32>
        %mul3A_111 = arith.mulf %get3A_109, %mul3A_110 : vector<16xf32>
        %swap3A_112 = arith.index_cast %add3A_62 : i32 to index
        %swap3A_113 = arith.constant 64 : index
        %swap3A_114 = tpu.vector_load %arg10[%swap3A_112, %swap3A_113] {strides = array<i32>} : memref<128x128xf32, #tpu.memory_space<vmem>>, vector<1x16xf32>,
        %swap3A_115 = vector.shape_cast %swap3A_114 : vector<1x16xf32> to vector<16xf32>
        %swap3A_116 = vector.shape_cast %mul3A_111 : vector<16xf32> to vector<1x16xf32>
        tpu.vector_store %arg10[%swap3A_112, %swap3A_113], %swap3A_116 {strides = array<i32>} : memref<128x128xf32, #tpu.memory_space<vmem>>, vector<1x16xf32>,
        %get3A_117 = arith.index_cast %add3A_62 : i32 to index
        %get3A_118 = arith.constant 80 : index
        %get3A_119 = tpu.vector_load %arg10[%get3A_117, %get3A_118] {strides = array<i32>} : memref<128x128xf32, #tpu.memory_space<vmem>>, vector<1x16xf32>,
        %get3A_120 = vector.shape_cast %get3A_119 : vector<1x16xf32> to vector<16xf32>
        %mul3A_121 = vector.broadcast %squeeze3A : f32 to vector<16xf32>
        %mul3A_122 = arith.mulf %get3A_120, %mul3A_121 : vector<16xf32>
        %swap3A_123 = arith.index_cast %add3A_62 : i32 to index
        %swap3A_124 = arith.constant 80 : index
        %swap3A_125 = tpu.vector_load %arg10[%swap3A_123, %swap3A_124] {strides = array<i32>} : memref<128x128xf32, #tpu.memory_space<vmem>>, vector<1x16xf32>,
        %swap3A_126 = vector.shape_cast %swap3A_125 : vector<1x16xf32> to vector<16xf32>
        %swap3A_127 = vector.shape_cast %mul3A_122 : vector<16xf32> to vector<1x16xf32>
        tpu.vector_store %arg10[%swap3A_123, %swap3A_124], %swap3A_127 {strides = array<i32>} : memref<128x128xf32, #tpu.memory_space<vmem>>, vector<1x16xf32>,
        %get3A_128 = arith.index_cast %add3A_62 : i32 to index
        %get3A_129 = arith.constant 96 : index
        %get3A_130 = tpu.vector_load %arg10[%get3A_128, %get3A_129] {strides = array<i32>} : memref<128x128xf32, #tpu.memory_space<vmem>>, vector<1x16xf32>,
        %get3A_131 = vector.shape_cast %get3A_130 : vector<1x16xf32> to vector<16xf32>
        %mul3A_132 = vector.broadcast %squeeze3A : f32 to vector<16xf32>
        %mul3A_133 = arith.mulf %get3A_131, %mul3A_132 : vector<16xf32>
        %swap3A_134 = arith.index_cast %add3A_62 : i32 to index
        %swap3A_135 = arith.constant 96 : index
        %swap3A_136 = tpu.vector_load %arg10[%swap3A_134, %swap3A_135] {strides = array<i32>} : memref<128x128xf32, #tpu.memory_space<vmem>>, vector<1x16xf32>,
        %swap3A_137 = vector.shape_cast %swap3A_136 : vector<1x16xf32> to vector<16xf32>
        %swap3A_138 = vector.shape_cast %mul3A_133 : vector<16xf32> to vector<1x16xf32>
        tpu.vector_store %arg10[%swap3A_134, %swap3A_135], %swap3A_138 {strides = array<i32>} : memref<128x128xf32, #tpu.memory_space<vmem>>, vector<1x16xf32>,
        %get3A_139 = arith.index_cast %add3A_62 : i32 to index
        %get3A_140 = arith.constant 112 : index
        %get3A_141 = tpu.vector_load %arg10[%get3A_139, %get3A_140] {strides = array<i32>} : memref<128x128xf32, #tpu.memory_space<vmem>>, vector<1x16xf32>,
        %get3A_142 = vector.shape_cast %get3A_141 : vector<1x16xf32> to vector<16xf32>
        %mul3A_143 = vector.broadcast %squeeze3A : f32 to vector<16xf32>
        %mul3A_144 = arith.mulf %get3A_142, %mul3A_143 : vector<16xf32>
        %swap3A_145 = arith.index_cast %add3A_62 : i32 to index
        %swap3A_146 = arith.constant 112 : index
        %swap3A_147 = tpu.vector_load %arg10[%swap3A_145, %swap3A_146] {strides = array<i32>} : memref<128x128xf32, #tpu.memory_space<vmem>>, vector<1x16xf32>,
        %swap3A_148 = vector.shape_cast %swap3A_147 : vector<1x16xf32> to vector<16xf32>
        %swap3A_149 = vector.shape_cast %mul3A_144 : vector<16xf32> to vector<1x16xf32>
        tpu.vector_store %arg10[%swap3A_145, %swap3A_146], %swap3A_149 {strides = array<i32>} : memref<128x128xf32, #tpu.memory_space<vmem>>, vector<1x16xf32>,
        %slice3A_150 = vector.extract_strided_slice %get3A_58 {offsets = [1], sizes = [1], strides = [1]} : vector<16xf32> to vector<1xf32>
        %squeeze3A_151 = vector.extract %slice3A_150[0] : f32 from vector<1xf32>
        %mul3A_152 = arith.constant 16 : i32
        %mul3A_153 = arith.muli %scan3A_54, %mul3A_152 : i32
        %add3A_154 = arith.constant 1 : i32
        %add3A_155 = arith.addi %mul3A_153, %add3A_154 : i32
        %get3A_156 = arith.index_cast %add3A_155 : i32 to index
        %get3A_157 = arith.constant 0 : index
        %get3A_158 = tpu.vector_load %arg10[%get3A_156, %get3A_157] {strides = array<i32>} : memref<128x128xf32, #tpu.memory_space<vmem>>, vector<1x16xf32>,
        %get3A_159 = vector.shape_cast %get3A_158 : vector<1x16xf32> to vector<16xf32>
        %mul3A_160 = vector.broadcast %squeeze3A_151 : f32 to vector<16xf32>
        %mul3A_161 = arith.mulf %get3A_159, %mul3A_160 : vector<16xf32>
        %swap3A_162 = arith.index_cast %add3A_155 : i32 to index
        %swap3A_163 = arith.constant 0 : index
        %swap3A_164 = tpu.vector_load %arg10[%swap3A_162, %swap3A_163] {strides = array<i32>} : memref<128x128xf32, #tpu.memory_space<vmem>>, vector<1x16xf32>,
        %swap3A_165 = vector.shape_cast %swap3A_164 : vector<1x16xf32> to vector<16xf32>
        %swap3A_166 = vector.shape_cast %mul3A_161 : vector<16xf32> to vector<1x16xf32>
        tpu.vector_store %arg10[%swap3A_162, %swap3A_163], %swap3A_166 {strides = array<i32>} : memref<128x128xf32, #tpu.memory_space<vmem>>, vector<1x16xf32>,
        %get3A_167 = arith.index_cast %add3A_155 : i32 to index
        %get3A_168 = arith.constant 16 : index
        %get3A_169 = tpu.vector_load %arg10[%get3A_167, %get3A_168] {strides = array<i32>} : memref<128x128xf32, #tpu.memory_space<vmem>>, vector<1x16xf32>,
        %get3A_170 = vector.shape_cast %get3A_169 : vector<1x16xf32> to vector<16xf32>
        %mul3A_171 = vector.broadcast %squeeze3A_151 : f32 to vector<16xf32>
        %mul3A_172 = arith.mulf %get3A_170, %mul3A_171 : vector<16xf32>
        %swap3A_173 = arith.index_cast %add3A_155 : i32 to index
        %swap3A_174 = arith.constant 16 : index
        %swap3A_175 = tpu.vector_load %arg10[%swap3A_173, %swap3A_174] {strides = array<i32>} : memref<128x128xf32, #tpu.memory_space<vmem>>, vector<1x16xf32>,
        %swap3A_176 = vector.shape_cast %swap3A_175 : vector<1x16xf32> to vector<16xf32>
        %swap3A_177 = vector.shape_cast %mul3A_172 : vector<16xf32> to vector<1x16xf32>
        tpu.vector_store %arg10[%swap3A_173, %swap3A_174], %swap3A_177 {strides = array<i32>} : memref<128x128xf32, #tpu.memory_space<vmem>>, vector<1x16xf32>,
        %get3A_178 = arith.index_cast %add3A_155 : i32 to index
        %get3A_179 = arith.constant 32 : index
        %get3A_180 = tpu.vector_load %arg10[%get3A_178, %get3A_179] {strides = array<i32>} : memref<128x128xf32, #tpu.memory_space<vmem>>, vector<1x16xf32>,
        %get3A_181 = vector.shape_cast %get3A_180 : vector<1x16xf32> to vector<16xf32>
        %mul3A_182 = vector.broadcast %squeeze3A_151 : f32 to vector<16xf32>
        %mul3A_183 = arith.mulf %get3A_181, %mul3A_182 : vector<16xf32>
        %swap3A_184 = arith.index_cast %add3A_155 : i32 to index
        %swap3A_185 = arith.constant 32 : index
        %swap3A_186 = tpu.vector_load %arg10[%swap3A_184, %swap3A_185] {strides = array<i32>} : memref<128x128xf32, #tpu.memory_space<vmem>>, vector<1x16xf32>,
        %swap3A_187 = vector.shape_cast %swap3A_186 : vector<1x16xf32> to vector<16xf32>
        %swap3A_188 = vector.shape_cast %mul3A_183 : vector<16xf32> to vector<1x16xf32>
        tpu.vector_store %arg10[%swap3A_184, %swap3A_185], %swap3A_188 {strides = array<i32>} : memref<128x128xf32, #tpu.memory_space<vmem>>, vector<1x16xf32>,
        %get3A_189 = arith.index_cast %add3A_155 : i32 to index
        %get3A_190 = arith.constant 48 : index
        %get3A_191 = tpu.vector_load %arg10[%get3A_189, %get3A_190] {strides = array<i32>} : memref<128x128xf32, #tpu.memory_space<vmem>>, vector<1x16xf32>,
        %get3A_192 = vector.shape_cast %get3A_191 : vector<1x16xf32> to vector<16xf32>
        %mul3A_193 = vector.broadcast %squeeze3A_151 : f32 to vector<16xf32>
        %mul3A_194 = arith.mulf %get3A_192, %mul3A_193 : vector<16xf32>
        %swap3A_195 = arith.index_cast %add3A_155 : i32 to index
        %swap3A_196 = arith.constant 48 : index
        %swap3A_197 = tpu.vector_load %arg10[%swap3A_195, %swap3A_196] {strides = array<i32>} : memref<128x128xf32, #tpu.memory_space<vmem>>, vector<1x16xf32>,
        %swap3A_198 = vector.shape_cast %swap3A_197 : vector<1x16xf32> to vector<16xf32>
        %swap3A_199 = vector.shape_cast %mul3A_194 : vector<16xf32> to vector<1x16xf32>
        tpu.vector_store %arg10[%swap3A_195, %swap3A_196], %swap3A_199 {strides = array<i32>} : memref<128x128xf32, #tpu.memory_space<vmem>>, vector<1x16xf32>,
        %get3A_200 = arith.index_cast %add3A_155 : i32 to index
        %get3A_201 = arith.constant 64 : index
        %get3A_202 = tpu.vector_load %arg10[%get3A_200, %get3A_201] {strides = array<i32>} : memref<128x128xf32, #tpu.memory_space<vmem>>, vector<1x16xf32>,
        %get3A_203 = vector.shape_cast %get3A_202 : vector<1x16xf32> to vector<16xf32>
        %mul3A_204 = vector.broadcast %squeeze3A_151 : f32 to vector<16xf32>
        %mul3A_205 = arith.mulf %get3A_203, %mul3A_204 : vector<16xf32>
        %swap3A_206 = arith.index_cast %add3A_155 : i32 to index
        %swap3A_207 = arith.constant 64 : index
        %swap3A_208 = tpu.vector_load %arg10[%swap3A_206, %swap3A_207] {strides = array<i32>} : memref<128x128xf32, #tpu.memory_space<vmem>>, vector<1x16xf32>,
        %swap3A_209 = vector.shape_cast %swap3A_208 : vector<1x16xf32> to vector<16xf32>
        %swap3A_210 = vector.shape_cast %mul3A_205 : vector<16xf32> to vector<1x16xf32>
        tpu.vector_store %arg10[%swap3A_206, %swap3A_207], %swap3A_210 {strides = array<i32>} : memref<128x128xf32, #tpu.memory_space<vmem>>, vector<1x16xf32>,
        %get3A_211 = arith.index_cast %add3A_155 : i32 to index
        %get3A_212 = arith.constant 80 : index
        %get3A_213 = tpu.vector_load %arg10[%get3A_211, %get3A_212] {strides = array<i32>} : memref<128x128xf32, #tpu.memory_space<vmem>>, vector<1x16xf32>,
        %get3A_214 = vector.shape_cast %get3A_213 : vector<1x16xf32> to vector<16xf32>
        %mul3A_215 = vector.broadcast %squeeze3A_151 : f32 to vector<16xf32>
        %mul3A_216 = arith.mulf %get3A_214, %mul3A_215 : vector<16xf32>
        %swap3A_217 = arith.index_cast %add3A_155 : i32 to index
        %swap3A_218 = arith.constant 80 : index
        %swap3A_219 = tpu.vector_load %arg10[%swap3A_217, %swap3A_218] {strides = array<i32>} : memref<128x128xf32, #tpu.memory_space<vmem>>, vector<1x16xf32>,
        %swap3A_220 = vector.shape_cast %swap3A_219 : vector<1x16xf32> to vector<16xf32>
        %swap3A_221 = vector.shape_cast %mul3A_216 : vector<16xf32> to vector<1x16xf32>
        tpu.vector_store %arg10[%swap3A_217, %swap3A_218], %swap3A_221 {strides = array<i32>} : memref<128x128xf32, #tpu.memory_space<vmem>>, vector<1x16xf32>,
        %get3A_222 = arith.index_cast %add3A_155 : i32 to index
        %get3A_223 = arith.constant 96 : index
        %get3A_224 = tpu.vector_load %arg10[%get3A_222, %get3A_223] {strides = array<i32>} : memref<128x128xf32, #tpu.memory_space<vmem>>, vector<1x16xf32>,
        %get3A_225 = vector.shape_cast %get3A_224 : vector<1x16xf32> to vector<16xf32>
        %mul3A_226 = vector.broadcast %squeeze3A_151 : f32 to vector<16xf32>
        %mul3A_227 = arith.mulf %get3A_225, %mul3A_226 : vector<16xf32>
        %swap3A_228 = arith.index_cast %add3A_155 : i32 to index
        %swap3A_229 = arith.constant 96 : index
        %swap3A_230 = tpu.vector_load %arg10[%swap3A_228, %swap3A_229] {strides = array<i32>} : memref<128x128xf32, #tpu.memory_space<vmem>>, vector<1x16xf32>,
        %swap3A_231 = vector.shape_cast %swap3A_230 : vector<1x16xf32> to vector<16xf32>
        %swap3A_232 = vector.shape_cast %mul3A_227 : vector<16xf32> to vector<1x16xf32>
        tpu.vector_store %arg10[%swap3A_228, %swap3A_229], %swap3A_232 {strides = array<i32>} : memref<128x128xf32, #tpu.memory_space<vmem>>, vector<1x16xf32>,
        %get3A_233 = arith.index_cast %add3A_155 : i32 to index
        %get3A_234 = arith.constant 112 : index
        %get3A_235 = tpu.vector_load %arg10[%get3A_233, %get3A_234] {strides = array<i32>} : memref<128x128xf32, #tpu.memory_space<vmem>>, vector<1x16xf32>,
        %get3A_236 = vector.shape_cast %get3A_235 : vector<1x16xf32> to vector<16xf32>
        %mul3A_237 = vector.broadcast %squeeze3A_151 : f32 to vector<16xf32>
        %mul3A_238 = arith.mulf %get3A_236, %mul3A_237 : vector<16xf32>
        %swap3A_239 = arith.index_cast %add3A_155 : i32 to index
        %swap3A_240 = arith.constant 112 : index
        %swap3A_241 = tpu.vector_load %arg10[%swap3A_239, %swap3A_240] {strides = array<i32>} : memref<128x128xf32, #tpu.memory_space<vmem>>, vector<1x16xf32>,
        %swap3A_242 = vector.shape_cast %swap3A_241 : vector<1x16xf32> to vector<16xf32>
        %swap3A_243 = vector.shape_cast %mul3A_238 : vector<16xf32> to vector<1x16xf32>
        tpu.vector_store %arg10[%swap3A_239, %swap3A_240], %swap3A_243 {strides = array<i32>} : memref<128x128xf32, #tpu.memory_space<vmem>>, vector<1x16xf32>,
        %slice3A_244 = vector.extract_strided_slice %get3A_58 {offsets = [2], sizes = [1], strides = [1]} : vector<16xf32> to vector<1xf32>
        %squeeze3A_245 = vector.extract %slice3A_244[0] : f32 from vector<1xf32>
        %mul3A_246 = arith.constant 16 : i32
        %mul3A_247 = arith.muli %scan3A_54, %mul3A_246 : i32
        %add3A_248 = arith.constant 2 : i32
        %add3A_249 = arith.addi %mul3A_247, %add3A_248 : i32
        %get3A_250 = arith.index_cast %add3A_249 : i32 to index
        %get3A_251 = arith.constant 0 : index
        %get3A_252 = tpu.vector_load %arg10[%get3A_250, %get3A_251] {strides = array<i32>} : memref<128x128xf32, #tpu.memory_space<vmem>>, vector<1x16xf32>,
        %get3A_253 = vector.shape_cast %get3A_252 : vector<1x16xf32> to vector<16xf32>
        %mul3A_254 = vector.broadcast %squeeze3A_245 : f32 to vector<16xf32>
        %mul3A_255 = arith.mulf %get3A_253, %mul3A_254 : vector<16xf32>
        %swap3A_256 = arith.index_cast %add3A_249 : i32 to index
        %swap3A_257 = arith.constant 0 : index
        %swap3A_258 = tpu.vector_load %arg10[%swap3A_256, %swap3A_257] {strides = array<i32>} : memref<128x128xf32, #tpu.memory_space<vmem>>, vector<1x16xf32>,
        %swap3A_259 = vector.shape_cast %swap3A_258 : vector<1x16xf32> to vector<16xf32>
        %swap3A_260 = vector.shape_cast %mul3A_255 : vector<16xf32> to vector<1x16xf32>
        tpu.vector_store %arg10[%swap3A_256, %swap3A_257], %swap3A_260 {strides = array<i32>} : memref<128x128xf32, #tpu.memory_space<vmem>>, vector<1x16xf32>,
        %get3A_261 = arith.index_cast %add3A_249 : i32 to index
        %get3A_262 = arith.constant 16 : index
        %get3A_263 = tpu.vector_load %arg10[%get3A_261, %get3A_262] {strides = array<i32>} : memref<128x128xf32, #tpu.memory_space<vmem>>, vector<1x16xf32>,
        %get3A_264 = vector.shape_cast %get3A_263 : vector<1x16xf32> to vector<16xf32>
        %mul3A_265 = vector.broadcast %squeeze3A_245 : f32 to vector<16xf32>
        %mul3A_266 = arith.mulf %get3A_264, %mul3A_265 : vector<16xf32>
        %swap3A_267 = arith.index_cast %add3A_249 : i32 to index
        %swap3A_268 = arith.constant 16 : index
        %swap3A_269 = tpu.vector_load %arg10[%swap3A_267, %swap3A_268] {strides = array<i32>} : memref<128x128xf32, #tpu.memory_space<vmem>>, vector<1x16xf32>,
        %swap3A_270 = vector.shape_cast %swap3A_269 : vector<1x16xf32> to vector<16xf32>
        %swap3A_271 = vector.shape_cast %mul3A_266 : vector<16xf32> to vector<1x16xf32>
        tpu.vector_store %arg10[%swap3A_267, %swap3A_268], %swap3A_271 {strides = array<i32>} : memref<128x128xf32, #tpu.memory_space<vmem>>, vector<1x16xf32>,
        %get3A_272 = arith.index_cast %add3A_249 : i32 to index
        %get3A_273 = arith.constant 32 : index
        %get3A_274 = tpu.vector_load %arg10[%get3A_272, %get3A_273] {strides = array<i32>} : memref<128x128xf32, #tpu.memory_space<vmem>>, vector<1x16xf32>,
        %get3A_275 = vector.shape_cast %get3A_274 : vector<1x16xf32> to vector<16xf32>
        %mul3A_276 = vector.broadcast %squeeze3A_245 : f32 to vector<16xf32>
        %mul3A_277 = arith.mulf %get3A_275, %mul3A_276 : vector<16xf32>
        %swap3A_278 = arith.index_cast %add3A_249 : i32 to index
        %swap3A_279 = arith.constant 32 : index
        %swap3A_280 = tpu.vector_load %arg10[%swap3A_278, %swap3A_279] {strides = array<i32>} : memref<128x128xf32, #tpu.memory_space<vmem>>, vector<1x16xf32>,
        %swap3A_281 = vector.shape_cast %swap3A_280 : vector<1x16xf32> to vector<16xf32>
        %swap3A_282 = vector.shape_cast %mul3A_277 : vector<16xf32> to vector<1x16xf32>
        tpu.vector_store %arg10[%swap3A_278, %swap3A_279], %swap3A_282 {strides = array<i32>} : memref<128x128xf32, #tpu.memory_space<vmem>>, vector<1x16xf32>,
        %get3A_283 = arith.index_cast %add3A_249 : i32 to index
        %get3A_284 = arith.constant 48 : index
        %get3A_285 = tpu.vector_load %arg10[%get3A_283, %get3A_284] {strides = array<i32>} : memref<128x128xf32, #tpu.memory_space<vmem>>, vector<1x16xf32>,
        %get3A_286 = vector.shape_cast %get3A_285 : vector<1x16xf32> to vector<16xf32>
        %mul3A_287 = vector.broadcast %squeeze3A_245 : f32 to vector<16xf32>
        %mul3A_288 = arith.mulf %get3A_286, %mul3A_287 : vector<16xf32>
        %swap3A_289 = arith.index_cast %add3A_249 : i32 to index
        %swap3A_290 = arith.constant 48 : index
        %swap3A_291 = tpu.vector_load %arg10[%swap3A_289, %swap3A_290] {strides = array<i32>} : memref<128x128xf32, #tpu.memory_space<vmem>>, vector<1x16xf32>,
        %swap3A_292 = vector.shape_cast %swap3A_291 : vector<1x16xf32> to vector<16xf32>
        %swap3A_293 = vector.shape_cast %mul3A_288 : vector<16xf32> to vector<1x16xf32>
        tpu.vector_store %arg10[%swap3A_289, %swap3A_290], %swap3A_293 {strides = array<i32>} : memref<128x128xf32, #tpu.memory_space<vmem>>, vector<1x16xf32>,
        %get3A_294 = arith.index_cast %add3A_249 : i32 to index
        %get3A_295 = arith.constant 64 : index
        %get3A_296 = tpu.vector_load %arg10[%get3A_294, %get3A_295] {strides = array<i32>} : memref<128x128xf32, #tpu.memory_space<vmem>>, vector<1x16xf32>,
        %get3A_297 = vector.shape_cast %get3A_296 : vector<1x16xf32> to vector<16xf32>
        %mul3A_298 = vector.broadcast %squeeze3A_245 : f32 to vector<16xf32>
        %mul3A_299 = arith.mulf %get3A_297, %mul3A_298 : vector<16xf32>
        %swap3A_300 = arith.index_cast %add3A_249 : i32 to index
        %swap3A_301 = arith.constant 64 : index
        %swap3A_302 = tpu.vector_load %arg10[%swap3A_300, %swap3A_301] {strides = array<i32>} : memref<128x128xf32, #tpu.memory_space<vmem>>, vector<1x16xf32>,
        %swap3A_303 = vector.shape_cast %swap3A_302 : vector<1x16xf32> to vector<16xf32>
        %swap3A_304 = vector.shape_cast %mul3A_299 : vector<16xf32> to vector<1x16xf32>
        tpu.vector_store %arg10[%swap3A_300, %swap3A_301], %swap3A_304 {strides = array<i32>} : memref<128x128xf32, #tpu.memory_space<vmem>>, vector<1x16xf32>,
        %get3A_305 = arith.index_cast %add3A_249 : i32 to index
        %get3A_306 = arith.constant 80 : index
        %get3A_307 = tpu.vector_load %arg10[%get3A_305, %get3A_306] {strides = array<i32>} : memref<128x128xf32, #tpu.memory_space<vmem>>, vector<1x16xf32>,
        %get3A_308 = vector.shape_cast %get3A_307 : vector<1x16xf32> to vector<16xf32>
        %mul3A_309 = vector.broadcast %squeeze3A_245 : f32 to vector<16xf32>
        %mul3A_310 = arith.mulf %get3A_308, %mul3A_309 : vector<16xf32>
        %swap3A_311 = arith.index_cast %add3A_249 : i32 to index
        %swap3A_312 = arith.constant 80 : index
        %swap3A_313 = tpu.vector_load %arg10[%swap3A_311, %swap3A_312] {strides = array<i32>} : memref<128x128xf32, #tpu.memory_space<vmem>>, vector<1x16xf32>,
        %swap3A_314 = vector.shape_cast %swap3A_313 : vector<1x16xf32> to vector<16xf32>
        %swap3A_315 = vector.shape_cast %mul3A_310 : vector<16xf32> to vector<1x16xf32>
        tpu.vector_store %arg10[%swap3A_311, %swap3A_312], %swap3A_315 {strides = array<i32>} : memref<128x128xf32, #tpu.memory_space<vmem>>, vector<1x16xf32>,
        %get3A_316 = arith.index_cast %add3A_249 : i32 to index
        %get3A_317 = arith.constant 96 : index
        %get3A_318 = tpu.vector_load %arg10[%get3A_316, %get3A_317] {strides = array<i32>} : memref<128x128xf32, #tpu.memory_space<vmem>>, vector<1x16xf32>,
        %get3A_319 = vector.shape_cast %get3A_318 : vector<1x16xf32> to vector<16xf32>
        %mul3A_320 = vector.broadcast %squeeze3A_245 : f32 to vector<16xf32>
        %mul3A_321 = arith.mulf %get3A_319, %mul3A_320 : vector<16xf32>
        %swap3A_322 = arith.index_cast %add3A_249 : i32 to index
        %swap3A_323 = arith.constant 96 : index
        %swap3A_324 = tpu.vector_load %arg10[%swap3A_322, %swap3A_323] {strides = array<i32>} : memref<128x128xf32, #tpu.memory_space<vmem>>, vector<1x16xf32>,
        %swap3A_325 = vector.shape_cast %swap3A_324 : vector<1x16xf32> to vector<16xf32>
        %swap3A_326 = vector.shape_cast %mul3A_321 : vector<16xf32> to vector<1x16xf32>
        tpu.vector_store %arg10[%swap3A_322, %swap3A_323], %swap3A_326 {strides = array<i32>} : memref<128x128xf32, #tpu.memory_space<vmem>>, vector<1x16xf32>,
        %get3A_327 = arith.index_cast %add3A_249 : i32 to index
        %get3A_328 = arith.constant 112 : index
        %get3A_329 = tpu.vector_load %arg10[%get3A_327, %get3A_328] {strides = array<i32>} : memref<128x128xf32, #tpu.memory_space<vmem>>, vector<1x16xf32>,
        %get3A_330 = vector.shape_cast %get3A_329 : vector<1x16xf32> to vector<16xf32>
        %mul3A_331 = vector.broadcast %squeeze3A_245 : f32 to vector<16xf32>
        %mul3A_332 = arith.mulf %get3A_330, %mul3A_331 : vector<16xf32>
        %swap3A_333 = arith.index_cast %add3A_249 : i32 to index
        %swap3A_334 = arith.constant 112 : index
        %swap3A_335 = tpu.vector_load %arg10[%swap3A_333, %swap3A_334] {strides = array<i32>} : memref<128x128xf32, #tpu.memory_space<vmem>>, vector<1x16xf32>,
        %swap3A_336 = vector.shape_cast %swap3A_335 : vector<1x16xf32> to vector<16xf32>
        %swap3A_337 = vector.shape_cast %mul3A_332 : vector<16xf32> to vector<1x16xf32>
        tpu.vector_store %arg10[%swap3A_333, %swap3A_334], %swap3A_337 {strides = array<i32>} : memref<128x128xf32, #tpu.memory_space<vmem>>, vector<1x16xf32>,
        %slice3A_338 = vector.extract_strided_slice %get3A_58 {offsets = [3], sizes = [1], strides = [1]} : vector<16xf32> to vector<1xf32>
        %squeeze3A_339 = vector.extract %slice3A_338[0] : f32 from vector<1xf32>
        %mul3A_340 = arith.constant 16 : i32
        %mul3A_341 = arith.muli %scan3A_54, %mul3A_340 : i32
        %add3A_342 = arith.constant 3 : i32
        %add3A_343 = arith.addi %mul3A_341, %add3A_342 : i32
        %get3A_344 = arith.index_cast %add3A_343 : i32 to index
        %get3A_345 = arith.constant 0 : index
        %get3A_346 = tpu.vector_load %arg10[%get3A_344, %get3A_345] {strides = array<i32>} : memref<128x128xf32, #tpu.memory_space<vmem>>, vector<1x16xf32>,
        %get3A_347 = vector.shape_cast %get3A_346 : vector<1x16xf32> to vector<16xf32>
        %mul3A_348 = vector.broadcast %squeeze3A_339 : f32 to vector<16xf32>
        %mul3A_349 = arith.mulf %get3A_347, %mul3A_348 : vector<16xf32>
        %swap3A_350 = arith.index_cast %add3A_343 : i32 to index
        %swap3A_351 = arith.constant 0 : index
        %swap3A_352 = tpu.vector_load %arg10[%swap3A_350, %swap3A_351] {strides = array<i32>} : memref<128x128xf32, #tpu.memory_space<vmem>>, vector<1x16xf32>,
        %swap3A_353 = vector.shape_cast %swap3A_352 : vector<1x16xf32> to vector<16xf32>
        %swap3A_354 = vector.shape_cast %mul3A_349 : vector<16xf32> to vector<1x16xf32>
        tpu.vector_store %arg10[%swap3A_350, %swap3A_351], %swap3A_354 {strides = array<i32>} : memref<128x128xf32, #tpu.memory_space<vmem>>, vector<1x16xf32>,
        %get3A_355 = arith.index_cast %add3A_343 : i32 to index
        %get3A_356 = arith.constant 16 : index
        %get3A_357 = tpu.vector_load %arg10[%get3A_355, %get3A_356] {strides = array<i32>} : memref<128x128xf32, #tpu.memory_space<vmem>>, vector<1x16xf32>,
        %get3A_358 = vector.shape_cast %get3A_357 : vector<1x16xf32> to vector<16xf32>
        %mul3A_359 = vector.broadcast %squeeze3A_339 : f32 to vector<16xf32>
        %mul3A_360 = arith.mulf %get3A_358, %mul3A_359 : vector<16xf32>
        %swap3A_361 = arith.index_cast %add3A_343 : i32 to index
        %swap3A_362 = arith.constant 16 : index
        %swap3A_363 = tpu.vector_load %arg10[%swap3A_361, %swap3A_362] {strides = array<i32>} : memref<128x128xf32, #tpu.memory_space<vmem>>, vector<1x16xf32>,
        %swap3A_364 = vector.shape_cast %swap3A_363 : vector<1x16xf32> to vector<16xf32>
        %swap3A_365 = vector.shape_cast %mul3A_360 : vector<16xf32> to vector<1x16xf32>
        tpu.vector_store %arg10[%swap3A_361, %swap3A_362], %swap3A_365 {strides = array<i32>} : memref<128x128xf32, #tpu.memory_space<vmem>>, vector<1x16xf32>,
        %get3A_366 = arith.index_cast %add3A_343 : i32 to index
        %get3A_367 = arith.constant 32 : index
        %get3A_368 = tpu.vector_load %arg10[%get3A_366, %get3A_367] {strides = array<i32>} : memref<128x128xf32, #tpu.memory_space<vmem>>, vector<1x16xf32>,
        %get3A_369 = vector.shape_cast %get3A_368 : vector<1x16xf32> to vector<16xf32>
        %mul3A_370 = vector.broadcast %squeeze3A_339 : f32 to vector<16xf32>
        %mul3A_371 = arith.mulf %get3A_369, %mul3A_370 : vector<16xf32>
        %swap3A_372 = arith.index_cast %add3A_343 : i32 to index
        %swap3A_373 = arith.constant 32 : index
        %swap3A_374 = tpu.vector_load %arg10[%swap3A_372, %swap3A_373] {strides = array<i32>} : memref<128x128xf32, #tpu.memory_space<vmem>>, vector<1x16xf32>,
        %swap3A_375 = vector.shape_cast %swap3A_374 : vector<1x16xf32> to vector<16xf32>
        %swap3A_376 = vector.shape_cast %mul3A_371 : vector<16xf32> to vector<1x16xf32>
        tpu.vector_store %arg10[%swap3A_372, %swap3A_373], %swap3A_376 {strides = array<i32>} : memref<128x128xf32, #tpu.memory_space<vmem>>, vector<1x16xf32>,
        %get3A_377 = arith.index_cast %add3A_343 : i32 to index
        %get3A_378 = arith.constant 48 : index
        %get3A_379 = tpu.vector_load %arg10[%get3A_377, %get3A_378] {strides = array<i32>} : memref<128x128xf32, #tpu.memory_space<vmem>>, vector<1x16xf32>,
        %get3A_380 = vector.shape_cast %get3A_379 : vector<1x16xf32> to vector<16xf32>
        %mul3A_381 = vector.broadcast %squeeze3A_339 : f32 to vector<16xf32>
        %mul3A_382 = arith.mulf %get3A_380, %mul3A_381 : vector<16xf32>
        %swap3A_383 = arith.index_cast %add3A_343 : i32 to index
        %swap3A_384 = arith.constant 48 : index
        %swap3A_385 = tpu.vector_load %arg10[%swap3A_383, %swap3A_384] {strides = array<i32>} : memref<128x128xf32, #tpu.memory_space<vmem>>, vector<1x16xf32>,
        %swap3A_386 = vector.shape_cast %swap3A_385 : vector<1x16xf32> to vector<16xf32>
        %swap3A_387 = vector.shape_cast %mul3A_382 : vector<16xf32> to vector<1x16xf32>
        tpu.vector_store %arg10[%swap3A_383, %swap3A_384], %swap3A_387 {strides = array<i32>} : memref<128x128xf32, #tpu.memory_space<vmem>>, vector<1x16xf32>,
        %get3A_388 = arith.index_cast %add3A_343 : i32 to index
        %get3A_389 = arith.constant 64 : index
        %get3A_390 = tpu.vector_load %arg10[%get3A_388, %get3A_389] {strides = array<i32>} : memref<128x128xf32, #tpu.memory_space<vmem>>, vector<1x16xf32>,
        %get3A_391 = vector.shape_cast %get3A_390 : vector<1x16xf32> to vector<16xf32>
        %mul3A_392 = vector.broadcast %squeeze3A_339 : f32 to vector<16xf32>
        %mul3A_393 = arith.mulf %get3A_391, %mul3A_392 : vector<16xf32>
        %swap3A_394 = arith.index_cast %add3A_343 : i32 to index
        %swap3A_395 = arith.constant 64 : index
        %swap3A_396 = tpu.vector_load %arg10[%swap3A_394, %swap3A_395] {strides = array<i32>} : memref<128x128xf32, #tpu.memory_space<vmem>>, vector<1x16xf32>,
        %swap3A_397 = vector.shape_cast %swap3A_396 : vector<1x16xf32> to vector<16xf32>
        %swap3A_398 = vector.shape_cast %mul3A_393 : vector<16xf32> to vector<1x16xf32>
        tpu.vector_store %arg10[%swap3A_394, %swap3A_395], %swap3A_398 {strides = array<i32>} : memref<128x128xf32, #tpu.memory_space<vmem>>, vector<1x16xf32>,
        %get3A_399 = arith.index_cast %add3A_343 : i32 to index
        %get3A_400 = arith.constant 80 : index
        %get3A_401 = tpu.vector_load %arg10[%get3A_399, %get3A_400] {strides = array<i32>} : memref<128x128xf32, #tpu.memory_space<vmem>>, vector<1x16xf32>,
        %get3A_402 = vector.shape_cast %get3A_401 : vector<1x16xf32> to vector<16xf32>
        %mul3A_403 = vector.broadcast %squeeze3A_339 : f32 to vector<16xf32>
        %mul3A_404 = arith.mulf %get3A_402, %mul3A_403 : vector<16xf32>
        %swap3A_405 = arith.index_cast %add3A_343 : i32 to index
        %swap3A_406 = arith.constant 80 : index
        %swap3A_407 = tpu.vector_load %arg10[%swap3A_405, %swap3A_406] {strides = array<i32>} : memref<128x128xf32, #tpu.memory_space<vmem>>, vector<1x16xf32>,
        %swap3A_408 = vector.shape_cast %swap3A_407 : vector<1x16xf32> to vector<16xf32>
        %swap3A_409 = vector.shape_cast %mul3A_404 : vector<16xf32> to vector<1x16xf32>
        tpu.vector_store %arg10[%swap3A_405, %swap3A_406], %swap3A_409 {strides = array<i32>} : memref<128x128xf32, #tpu.memory_space<vmem>>, vector<1x16xf32>,
        %get3A_410 = arith.index_cast %add3A_343 : i32 to index
        %get3A_411 = arith.constant 96 : index
        %get3A_412 = tpu.vector_load %arg10[%get3A_410, %get3A_411] {strides = array<i32>} : memref<128x128xf32, #tpu.memory_space<vmem>>, vector<1x16xf32>,
        %get3A_413 = vector.shape_cast %get3A_412 : vector<1x16xf32> to vector<16xf32>
        %mul3A_414 = vector.broadcast %squeeze3A_339 : f32 to vector<16xf32>
        %mul3A_415 = arith.mulf %get3A_413, %mul3A_414 : vector<16xf32>
        %swap3A_416 = arith.index_cast %add3A_343 : i32 to index
        %swap3A_417 = arith.constant 96 : index
        %swap3A_418 = tpu.vector_load %arg10[%swap3A_416, %swap3A_417] {strides = array<i32>} : memref<128x128xf32, #tpu.memory_space<vmem>>, vector<1x16xf32>,
        %swap3A_419 = vector.shape_cast %swap3A_418 : vector<1x16xf32> to vector<16xf32>
        %swap3A_420 = vector.shape_cast %mul3A_415 : vector<16xf32> to vector<1x16xf32>
        tpu.vector_store %arg10[%swap3A_416, %swap3A_417], %swap3A_420 {strides = array<i32>} : memref<128x128xf32, #tpu.memory_space<vmem>>, vector<1x16xf32>,
        %get3A_421 = arith.index_cast %add3A_343 : i32 to index
        %get3A_422 = arith.constant 112 : index
        %get3A_423 = tpu.vector_load %arg10[%get3A_421, %get3A_422] {strides = array<i32>} : memref<128x128xf32, #tpu.memory_space<vmem>>, vector<1x16xf32>,
        %get3A_424 = vector.shape_cast %get3A_423 : vector<1x16xf32> to vector<16xf32>
        %mul3A_425 = vector.broadcast %squeeze3A_339 : f32 to vector<16xf32>
        %mul3A_426 = arith.mulf %get3A_424, %mul3A_425 : vector<16xf32>
        %swap3A_427 = arith.index_cast %add3A_343 : i32 to index
        %swap3A_428 = arith.constant 112 : index
        %swap3A_429 = tpu.vector_load %arg10[%swap3A_427, %swap3A_428] {strides = array<i32>} : memref<128x128xf32, #tpu.memory_space<vmem>>, vector<1x16xf32>,
        %swap3A_430 = vector.shape_cast %swap3A_429 : vector<1x16xf32> to vector<16xf32>
        %swap3A_431 = vector.shape_cast %mul3A_426 : vector<16xf32> to vector<1x16xf32>
        tpu.vector_store %arg10[%swap3A_427, %swap3A_428], %swap3A_431 {strides = array<i32>} : memref<128x128xf32, #tpu.memory_space<vmem>>, vector<1x16xf32>,
        %slice3A_432 = vector.extract_strided_slice %get3A_58 {offsets = [4], sizes = [1], strides = [1]} : vector<16xf32> to vector<1xf32>
        %squeeze3A_433 = vector.extract %slice3A_432[0] : f32 from vector<1xf32>
        %mul3A_434 = arith.constant 16 : i32
        %mul3A_435 = arith.muli %scan3A_54, %mul3A_434 : i32
        %add3A_436 = arith.constant 4 : i32
        %add3A_437 = arith.addi %mul3A_435, %add3A_436 : i32
        %get3A_438 = arith.index_cast %add3A_437 : i32 to index
        %get3A_439 = arith.constant 0 : index
        %get3A_440 = tpu.vector_load %arg10[%get3A_438, %get3A_439] {strides = array<i32>} : memref<128x128xf32, #tpu.memory_space<vmem>>, vector<1x16xf32>,
        %get3A_441 = vector.shape_cast %get3A_440 : vector<1x16xf32> to vector<16xf32>
        %mul3A_442 = vector.broadcast %squeeze3A_433 : f32 to vector<16xf32>
        %mul3A_443 = arith.mulf %get3A_441, %mul3A_442 : vector<16xf32>
        %swap3A_444 = arith.index_cast %add3A_437 : i32 to index
        %swap3A_445 = arith.constant 0 : index
        %swap3A_446 = tpu.vector_load %arg10[%swap3A_444, %swap3A_445] {strides = array<i32>} : memref<128x128xf32, #tpu.memory_space<vmem>>, vector<1x16xf32>,
        %swap3A_447 = vector.shape_cast %swap3A_446 : vector<1x16xf32> to vector<16xf32>
        %swap3A_448 = vector.shape_cast %mul3A_443 : vector<16xf32> to vector<1x16xf32>
        tpu.vector_store %arg10[%swap3A_444, %swap3A_445], %swap3A_448 {strides = array<i32>} : memref<128x128xf32, #tpu.memory_space<vmem>>, vector<1x16xf32>,
        %get3A_449 = arith.index_cast %add3A_437 : i32 to index
        %get3A_450 = arith.constant 16 : index
        %get3A_451 = tpu.vector_load %arg10[%get3A_449, %get3A_450] {strides = array<i32>} : memref<128x128xf32, #tpu.memory_space<vmem>>, vector<1x16xf32>,
        %get3A_452 = vector.shape_cast %get3A_451 : vector<1x16xf32> to vector<16xf32>
        %mul3A_453 = vector.broadcast %squeeze3A_433 : f32 to vector<16xf32>
        %mul3A_454 = arith.mulf %get3A_452, %mul3A_453 : vector<16xf32>
        %swap3A_455 = arith.index_cast %add3A_437 : i32 to index
        %swap3A_456 = arith.constant 16 : index
        %swap3A_457 = tpu.vector_load %arg10[%swap3A_455, %swap3A_456] {strides = array<i32>} : memref<128x128xf32, #tpu.memory_space<vmem>>, vector<1x16xf32>,
        %swap3A_458 = vector.shape_cast %swap3A_457 : vector<1x16xf32> to vector<16xf32>
        %swap3A_459 = vector.shape_cast %mul3A_454 : vector<16xf32> to vector<1x16xf32>
        tpu.vector_store %arg10[%swap3A_455, %swap3A_456], %swap3A_459 {strides = array<i32>} : memref<128x128xf32, #tpu.memory_space<vmem>>, vector<1x16xf32>,
        %get3A_460 = arith.index_cast %add3A_437 : i32 to index
        %get3A_461 = arith.constant 32 : index
        %get3A_462 = tpu.vector_load %arg10[%get3A_460, %get3A_461] {strides = array<i32>} : memref<128x128xf32, #tpu.memory_space<vmem>>, vector<1x16xf32>,
        %get3A_463 = vector.shape_cast %get3A_462 : vector<1x16xf32> to vector<16xf32>
        %mul3A_464 = vector.broadcast %squeeze3A_433 : f32 to vector<16xf32>
        %mul3A_465 = arith.mulf %get3A_463, %mul3A_464 : vector<16xf32>
        %swap3A_466 = arith.index_cast %add3A_437 : i32 to index
        %swap3A_467 = arith.constant 32 : index
        %swap3A_468 = tpu.vector_load %arg10[%swap3A_466, %swap3A_467] {strides = array<i32>} : memref<128x128xf32, #tpu.memory_space<vmem>>, vector<1x16xf32>,
        %swap3A_469 = vector.shape_cast %swap3A_468 : vector<1x16xf32> to vector<16xf32>
        %swap3A_470 = vector.shape_cast %mul3A_465 : vector<16xf32> to vector<1x16xf32>
        tpu.vector_store %arg10[%swap3A_466, %swap3A_467], %swap3A_470 {strides = array<i32>} : memref<128x128xf32, #tpu.memory_space<vmem>>, vector<1x16xf32>,
        %get3A_471 = arith.index_cast %add3A_437 : i32 to index
        %get3A_472 = arith.constant 48 : index
        %get3A_473 = tpu.vector_load %arg10[%get3A_471, %get3A_472] {strides = array<i32>} : memref<128x128xf32, #tpu.memory_space<vmem>>, vector<1x16xf32>,
        %get3A_474 = vector.shape_cast %get3A_473 : vector<1x16xf32> to vector<16xf32>
        %mul3A_475 = vector.broadcast %squeeze3A_433 : f32 to vector<16xf32>
        %mul3A_476 = arith.mulf %get3A_474, %mul3A_475 : vector<16xf32>
        %swap3A_477 = arith.index_cast %add3A_437 : i32 to index
        %swap3A_478 = arith.constant 48 : index
        %swap3A_479 = tpu.vector_load %arg10[%swap3A_477, %swap3A_478] {strides = array<i32>} : memref<128x128xf32, #tpu.memory_space<vmem>>, vector<1x16xf32>,
        %swap3A_480 = vector.shape_cast %swap3A_479 : vector<1x16xf32> to vector<16xf32>
        %swap3A_481 = vector.shape_cast %mul3A_476 : vector<16xf32> to vector<1x16xf32>
        tpu.vector_store %arg10[%swap3A_477, %swap3A_478], %swap3A_481 {strides = array<i32>} : memref<128x128xf32, #tpu.memory_space<vmem>>, vector<1x16xf32>,
        %get3A_482 = arith.index_cast %add3A_437 : i32 to index
        %get3A_483 = arith.constant 64 : index
        %get3A_484 = tpu.vector_load %arg10[%get3A_482, %get3A_483] {strides = array<i32>} : memref<128x128xf32, #tpu.memory_space<vmem>>, vector<1x16xf32>,
        %get3A_485 = vector.shape_cast %get3A_484 : vector<1x16xf32> to vector<16xf32>
        %mul3A_486 = vector.broadcast %squeeze3A_433 : f32 to vector<16xf32>
        %mul3A_487 = arith.mulf %get3A_485, %mul3A_486 : vector<16xf32>
        %swap3A_488 = arith.index_cast %add3A_437 : i32 to index
        %swap3A_489 = arith.constant 64 : index
        %swap3A_490 = tpu.vector_load %arg10[%swap3A_488, %swap3A_489] {strides = array<i32>} : memref<128x128xf32, #tpu.memory_space<vmem>>, vector<1x16xf32>,
        %swap3A_491 = vector.shape_cast %swap3A_490 : vector<1x16xf32> to vector<16xf32>
        %swap3A_492 = vector.shape_cast %mul3A_487 : vector<16xf32> to vector<1x16xf32>
        tpu.vector_store %arg10[%swap3A_488, %swap3A_489], %swap3A_492 {strides = array<i32>} : memref<128x128xf32, #tpu.memory_space<vmem>>, vector<1x16xf32>,
        %get3A_493 = arith.index_cast %add3A_437 : i32 to index
        %get3A_494 = arith.constant 80 : index
        %get3A_495 = tpu.vector_load %arg10[%get3A_493, %get3A_494] {strides = array<i32>} : memref<128x128xf32, #tpu.memory_space<vmem>>, vector<1x16xf32>,
        %get3A_496 = vector.shape_cast %get3A_495 : vector<1x16xf32> to vector<16xf32>
        %mul3A_497 = vector.broadcast %squeeze3A_433 : f32 to vector<16xf32>
        %mul3A_498 = arith.mulf %get3A_496, %mul3A_497 : vector<16xf32>
        %swap3A_499 = arith.index_cast %add3A_437 : i32 to index
        %swap3A_500 = arith.constant 80 : index
        %swap3A_501 = tpu.vector_load %arg10[%swap3A_499, %swap3A_500] {strides = array<i32>} : memref<128x128xf32, #tpu.memory_space<vmem>>, vector<1x16xf32>,
        %swap3A_502 = vector.shape_cast %swap3A_501 : vector<1x16xf32> to vector<16xf32>
        %swap3A_503 = vector.shape_cast %mul3A_498 : vector<16xf32> to vector<1x16xf32>
        tpu.vector_store %arg10[%swap3A_499, %swap3A_500], %swap3A_503 {strides = array<i32>} : memref<128x128xf32, #tpu.memory_space<vmem>>, vector<1x16xf32>,
        %get3A_504 = arith.index_cast %add3A_437 : i32 to index
        %get3A_505 = arith.constant 96 : index
        %get3A_506 = tpu.vector_load %arg10[%get3A_504, %get3A_505] {strides = array<i32>} : memref<128x128xf32, #tpu.memory_space<vmem>>, vector<1x16xf32>,
        %get3A_507 = vector.shape_cast %get3A_506 : vector<1x16xf32> to vector<16xf32>
        %mul3A_508 = vector.broadcast %squeeze3A_433 : f32 to vector<16xf32>
        %mul3A_509 = arith.mulf %get3A_507, %mul3A_508 : vector<16xf32>
        %swap3A_510 = arith.index_cast %add3A_437 : i32 to index
        %swap3A_511 = arith.constant 96 : index
        %swap3A_512 = tpu.vector_load %arg10[%swap3A_510, %swap3A_511] {strides = array<i32>} : memref<128x128xf32, #tpu.memory_space<vmem>>, vector<1x16xf32>,
        %swap3A_513 = vector.shape_cast %swap3A_512 : vector<1x16xf32> to vector<16xf32>
        %swap3A_514 = vector.shape_cast %mul3A_509 : vector<16xf32> to vector<1x16xf32>
        tpu.vector_store %arg10[%swap3A_510, %swap3A_511], %swap3A_514 {strides = array<i32>} : memref<128x128xf32, #tpu.memory_space<vmem>>, vector<1x16xf32>,
        %get3A_515 = arith.index_cast %add3A_437 : i32 to index
        %get3A_516 = arith.constant 112 : index
        %get3A_517 = tpu.vector_load %arg10[%get3A_515, %get3A_516] {strides = array<i32>} : memref<128x128xf32, #tpu.memory_space<vmem>>, vector<1x16xf32>,
        %get3A_518 = vector.shape_cast %get3A_517 : vector<1x16xf32> to vector<16xf32>
        %mul3A_519 = vector.broadcast %squeeze3A_433 : f32 to vector<16xf32>
        %mul3A_520 = arith.mulf %get3A_518, %mul3A_519 : vector<16xf32>
        %swap3A_521 = arith.index_cast %add3A_437 : i32 to index
        %swap3A_522 = arith.constant 112 : index
        %swap3A_523 = tpu.vector_load %arg10[%swap3A_521, %swap3A_522] {strides = array<i32>} : memref<128x128xf32, #tpu.memory_space<vmem>>, vector<1x16xf32>,
        %swap3A_524 = vector.shape_cast %swap3A_523 : vector<1x16xf32> to vector<16xf32>
        %swap3A_525 = vector.shape_cast %mul3A_520 : vector<16xf32> to vector<1x16xf32>
        tpu.vector_store %arg10[%swap3A_521, %swap3A_522], %swap3A_525 {strides = array<i32>} : memref<128x128xf32, #tpu.memory_space<vmem>>, vector<1x16xf32>,
        %slice3A_526 = vector.extract_strided_slice %get3A_58 {offsets = [5], sizes = [1], strides = [1]} : vector<16xf32> to vector<1xf32>
        %squeeze3A_527 = vector.extract %slice3A_526[0] : f32 from vector<1xf32>
        %mul3A_528 = arith.constant 16 : i32
        %mul3A_529 = arith.muli %scan3A_54, %mul3A_528 : i32
        %add3A_530 = arith.constant 5 : i32
        %add3A_531 = arith.addi %mul3A_529, %add3A_530 : i32
        %get3A_532 = arith.index_cast %add3A_531 : i32 to index
        %get3A_533 = arith.constant 0 : index
        %get3A_534 = tpu.vector_load %arg10[%get3A_532, %get3A_533] {strides = array<i32>} : memref<128x128xf32, #tpu.memory_space<vmem>>, vector<1x16xf32>,
        %get3A_535 = vector.shape_cast %get3A_534 : vector<1x16xf32> to vector<16xf32>
        %mul3A_536 = vector.broadcast %squeeze3A_527 : f32 to vector<16xf32>
        %mul3A_537 = arith.mulf %get3A_535, %mul3A_536 : vector<16xf32>
        %swap3A_538 = arith.index_cast %add3A_531 : i32 to index
        %swap3A_539 = arith.constant 0 : index
        %swap3A_540 = tpu.vector_load %arg10[%swap3A_538, %swap3A_539] {strides = array<i32>} : memref<128x128xf32, #tpu.memory_space<vmem>>, vector<1x16xf32>,
        %swap3A_541 = vector.shape_cast %swap3A_540 : vector<1x16xf32> to vector<16xf32>
        %swap3A_542 = vector.shape_cast %mul3A_537 : vector<16xf32> to vector<1x16xf32>
        tpu.vector_store %arg10[%swap3A_538, %swap3A_539], %swap3A_542 {strides = array<i32>} : memref<128x128xf32, #tpu.memory_space<vmem>>, vector<1x16xf32>,
        %get3A_543 = arith.index_cast %add3A_531 : i32 to index
        %get3A_544 = arith.constant 16 : index
        %get3A_545 = tpu.vector_load %arg10[%get3A_543, %get3A_544] {strides = array<i32>} : memref<128x128xf32, #tpu.memory_space<vmem>>, vector<1x16xf32>,
        %get3A_546 = vector.shape_cast %get3A_545 : vector<1x16xf32> to vector<16xf32>
        %mul3A_547 = vector.broadcast %squeeze3A_527 : f32 to vector<16xf32>
        %mul3A_548 = arith.mulf %get3A_546, %mul3A_547 : vector<16xf32>
        %swap3A_549 = arith.index_cast %add3A_531 : i32 to index
        %swap3A_550 = arith.constant 16 : index
        %swap3A_551 = tpu.vector_load %arg10[%swap3A_549, %swap3A_550] {strides = array<i32>} : memref<128x128xf32, #tpu.memory_space<vmem>>, vector<1x16xf32>,
        %swap3A_552 = vector.shape_cast %swap3A_551 : vector<1x16xf32> to vector<16xf32>
        %swap3A_553 = vector.shape_cast %mul3A_548 : vector<16xf32> to vector<1x16xf32>
        tpu.vector_store %arg10[%swap3A_549, %swap3A_550], %swap3A_553 {strides = array<i32>} : memref<128x128xf32, #tpu.memory_space<vmem>>, vector<1x16xf32>,
        %get3A_554 = arith.index_cast %add3A_531 : i32 to index
        %get3A_555 = arith.constant 32 : index
        %get3A_556 = tpu.vector_load %arg10[%get3A_554, %get3A_555] {strides = array<i32>} : memref<128x128xf32, #tpu.memory_space<vmem>>, vector<1x16xf32>,
        %get3A_557 = vector.shape_cast %get3A_556 : vector<1x16xf32> to vector<16xf32>
        %mul3A_558 = vector.broadcast %squeeze3A_527 : f32 to vector<16xf32>
        %mul3A_559 = arith.mulf %get3A_557, %mul3A_558 : vector<16xf32>
        %swap3A_560 = arith.index_cast %add3A_531 : i32 to index
        %swap3A_561 = arith.constant 32 : index
        %swap3A_562 = tpu.vector_load %arg10[%swap3A_560, %swap3A_561] {strides = array<i32>} : memref<128x128xf32, #tpu.memory_space<vmem>>, vector<1x16xf32>,
        %swap3A_563 = vector.shape_cast %swap3A_562 : vector<1x16xf32> to vector<16xf32>
        %swap3A_564 = vector.shape_cast %mul3A_559 : vector<16xf32> to vector<1x16xf32>
        tpu.vector_store %arg10[%swap3A_560, %swap3A_561], %swap3A_564 {strides = array<i32>} : memref<128x128xf32, #tpu.memory_space<vmem>>, vector<1x16xf32>,
        %get3A_565 = arith.index_cast %add3A_531 : i32 to index
        %get3A_566 = arith.constant 48 : index
        %get3A_567 = tpu.vector_load %arg10[%get3A_565, %get3A_566] {strides = array<i32>} : memref<128x128xf32, #tpu.memory_space<vmem>>, vector<1x16xf32>,
        %get3A_568 = vector.shape_cast %get3A_567 : vector<1x16xf32> to vector<16xf32>
        %mul3A_569 = vector.broadcast %squeeze3A_527 : f32 to vector<16xf32>
        %mul3A_570 = arith.mulf %get3A_568, %mul3A_569 : vector<16xf32>
        %swap3A_571 = arith.index_cast %add3A_531 : i32 to index
        %swap3A_572 = arith.constant 48 : index
        %swap3A_573 = tpu.vector_load %arg10[%swap3A_571, %swap3A_572] {strides = array<i32>} : memref<128x128xf32, #tpu.memory_space<vmem>>, vector<1x16xf32>,
        %swap3A_574 = vector.shape_cast %swap3A_573 : vector<1x16xf32> to vector<16xf32>
        %swap3A_575 = vector.shape_cast %mul3A_570 : vector<16xf32> to vector<1x16xf32>
        tpu.vector_store %arg10[%swap3A_571, %swap3A_572], %swap3A_575 {strides = array<i32>} : memref<128x128xf32, #tpu.memory_space<vmem>>, vector<1x16xf32>,
        %get3A_576 = arith.index_cast %add3A_531 : i32 to index
        %get3A_577 = arith.constant 64 : index
        %get3A_578 = tpu.vector_load %arg10[%get3A_576, %get3A_577] {strides = array<i32>} : memref<128x128xf32, #tpu.memory_space<vmem>>, vector<1x16xf32>,
        %get3A_579 = vector.shape_cast %get3A_578 : vector<1x16xf32> to vector<16xf32>
        %mul3A_580 = vector.broadcast %squeeze3A_527 : f32 to vector<16xf32>
        %mul3A_581 = arith.mulf %get3A_579, %mul3A_580 : vector<16xf32>
        %swap3A_582 = arith.index_cast %add3A_531 : i32 to index
        %swap3A_583 = arith.constant 64 : index
        %swap3A_584 = tpu.vector_load %arg10[%swap3A_582, %swap3A_583] {strides = array<i32>} : memref<128x128xf32, #tpu.memory_space<vmem>>, vector<1x16xf32>,
        %swap3A_585 = vector.shape_cast %swap3A_584 : vector<1x16xf32> to vector<16xf32>
        %swap3A_586 = vector.shape_cast %mul3A_581 : vector<16xf32> to vector<1x16xf32>
        tpu.vector_store %arg10[%swap3A_582, %swap3A_583], %swap3A_586 {strides = array<i32>} : memref<128x128xf32, #tpu.memory_space<vmem>>, vector<1x16xf32>,
        %get3A_587 = arith.index_cast %add3A_531 : i32 to index
        %get3A_588 = arith.constant 80 : index
        %get3A_589 = tpu.vector_load %arg10[%get3A_587, %get3A_588] {strides = array<i32>} : memref<128x128xf32, #tpu.memory_space<vmem>>, vector<1x16xf32>,
        %get3A_590 = vector.shape_cast %get3A_589 : vector<1x16xf32> to vector<16xf32>
        %mul3A_591 = vector.broadcast %squeeze3A_527 : f32 to vector<16xf32>
        %mul3A_592 = arith.mulf %get3A_590, %mul3A_591 : vector<16xf32>
        %swap3A_593 = arith.index_cast %add3A_531 : i32 to index
        %swap3A_594 = arith.constant 80 : index
        %swap3A_595 = tpu.vector_load %arg10[%swap3A_593, %swap3A_594] {strides = array<i32>} : memref<128x128xf32, #tpu.memory_space<vmem>>, vector<1x16xf32>,
        %swap3A_596 = vector.shape_cast %swap3A_595 : vector<1x16xf32> to vector<16xf32>
        %swap3A_597 = vector.shape_cast %mul3A_592 : vector<16xf32> to vector<1x16xf32>
        tpu.vector_store %arg10[%swap3A_593, %swap3A_594], %swap3A_597 {strides = array<i32>} : memref<128x128xf32, #tpu.memory_space<vmem>>, vector<1x16xf32>,
        %get3A_598 = arith.index_cast %add3A_531 : i32 to index
        %get3A_599 = arith.constant 96 : index
        %get3A_600 = tpu.vector_load %arg10[%get3A_598, %get3A_599] {strides = array<i32>} : memref<128x128xf32, #tpu.memory_space<vmem>>, vector<1x16xf32>,
        %get3A_601 = vector.shape_cast %get3A_600 : vector<1x16xf32> to vector<16xf32>
        %mul3A_602 = vector.broadcast %squeeze3A_527 : f32 to vector<16xf32>
        %mul3A_603 = arith.mulf %get3A_601, %mul3A_602 : vector<16xf32>
        %swap3A_604 = arith.index_cast %add3A_531 : i32 to index
        %swap3A_605 = arith.constant 96 : index
        %swap3A_606 = tpu.vector_load %arg10[%swap3A_604, %swap3A_605] {strides = array<i32>} : memref<128x128xf32, #tpu.memory_space<vmem>>, vector<1x16xf32>,
        %swap3A_607 = vector.shape_cast %swap3A_606 : vector<1x16xf32> to vector<16xf32>
        %swap3A_608 = vector.shape_cast %mul3A_603 : vector<16xf32> to vector<1x16xf32>
        tpu.vector_store %arg10[%swap3A_604, %swap3A_605], %swap3A_608 {strides = array<i32>} : memref<128x128xf32, #tpu.memory_space<vmem>>, vector<1x16xf32>,
        %get3A_609 = arith.index_cast %add3A_531 : i32 to index
        %get3A_610 = arith.constant 112 : index
        %get3A_611 = tpu.vector_load %arg10[%get3A_609, %get3A_610] {strides = array<i32>} : memref<128x128xf32, #tpu.memory_space<vmem>>, vector<1x16xf32>,
        %get3A_612 = vector.shape_cast %get3A_611 : vector<1x16xf32> to vector<16xf32>
        %mul3A_613 = vector.broadcast %squeeze3A_527 : f32 to vector<16xf32>
        %mul3A_614 = arith.mulf %get3A_612, %mul3A_613 : vector<16xf32>
        %swap3A_615 = arith.index_cast %add3A_531 : i32 to index
        %swap3A_616 = arith.constant 112 : index
        %swap3A_617 = tpu.vector_load %arg10[%swap3A_615, %swap3A_616] {strides = array<i32>} : memref<128x128xf32, #tpu.memory_space<vmem>>, vector<1x16xf32>,
        %swap3A_618 = vector.shape_cast %swap3A_617 : vector<1x16xf32> to vector<16xf32>
        %swap3A_619 = vector.shape_cast %mul3A_614 : vector<16xf32> to vector<1x16xf32>
        tpu.vector_store %arg10[%swap3A_615, %swap3A_616], %swap3A_619 {strides = array<i32>} : memref<128x128xf32, #tpu.memory_space<vmem>>, vector<1x16xf32>,
        %slice3A_620 = vector.extract_strided_slice %get3A_58 {offsets = [6], sizes = [1], strides = [1]} : vector<16xf32> to vector<1xf32>
        %squeeze3A_621 = vector.extract %slice3A_620[0] : f32 from vector<1xf32>
        %mul3A_622 = arith.constant 16 : i32
        %mul3A_623 = arith.muli %scan3A_54, %mul3A_622 : i32
        %add3A_624 = arith.constant 6 : i32
        %add3A_625 = arith.addi %mul3A_623, %add3A_624 : i32
        %get3A_626 = arith.index_cast %add3A_625 : i32 to index
        %get3A_627 = arith.constant 0 : index
        %get3A_628 = tpu.vector_load %arg10[%get3A_626, %get3A_627] {strides = array<i32>} : memref<128x128xf32, #tpu.memory_space<vmem>>, vector<1x16xf32>,
        %get3A_629 = vector.shape_cast %get3A_628 : vector<1x16xf32> to vector<16xf32>
        %mul3A_630 = vector.broadcast %squeeze3A_621 : f32 to vector<16xf32>
        %mul3A_631 = arith.mulf %get3A_629, %mul3A_630 : vector<16xf32>
        %swap3A_632 = arith.index_cast %add3A_625 : i32 to index
        %swap3A_633 = arith.constant 0 : index
        %swap3A_634 = tpu.vector_load %arg10[%swap3A_632, %swap3A_633] {strides = array<i32>} : memref<128x128xf32, #tpu.memory_space<vmem>>, vector<1x16xf32>,
        %swap3A_635 = vector.shape_cast %swap3A_634 : vector<1x16xf32> to vector<16xf32>
        %swap3A_636 = vector.shape_cast %mul3A_631 : vector<16xf32> to vector<1x16xf32>
        tpu.vector_store %arg10[%swap3A_632, %swap3A_633], %swap3A_636 {strides = array<i32>} : memref<128x128xf32, #tpu.memory_space<vmem>>, vector<1x16xf32>,
        %get3A_637 = arith.index_cast %add3A_625 : i32 to index
        %get3A_638 = arith.constant 16 : index
        %get3A_639 = tpu.vector_load %arg10[%get3A_637, %get3A_638] {strides = array<i32>} : memref<128x128xf32, #tpu.memory_space<vmem>>, vector<1x16xf32>,
        %get3A_640 = vector.shape_cast %get3A_639 : vector<1x16xf32> to vector<16xf32>
        %mul3A_641 = vector.broadcast %squeeze3A_621 : f32 to vector<16xf32>
        %mul3A_642 = arith.mulf %get3A_640, %mul3A_641 : vector<16xf32>
        %swap3A_643 = arith.index_cast %add3A_625 : i32 to index
        %swap3A_644 = arith.constant 16 : index
        %swap3A_645 = tpu.vector_load %arg10[%swap3A_643, %swap3A_644] {strides = array<i32>} : memref<128x128xf32, #tpu.memory_space<vmem>>, vector<1x16xf32>,
        %swap3A_646 = vector.shape_cast %swap3A_645 : vector<1x16xf32> to vector<16xf32>
        %swap3A_647 = vector.shape_cast %mul3A_642 : vector<16xf32> to vector<1x16xf32>
        tpu.vector_store %arg10[%swap3A_643, %swap3A_644], %swap3A_647 {strides = array<i32>} : memref<128x128xf32, #tpu.memory_space<vmem>>, vector<1x16xf32>,
        %get3A_648 = arith.index_cast %add3A_625 : i32 to index
        %get3A_649 = arith.constant 32 : index
        %get3A_650 = tpu.vector_load %arg10[%get3A_648, %get3A_649] {strides = array<i32>} : memref<128x128xf32, #tpu.memory_space<vmem>>, vector<1x16xf32>,
        %get3A_651 = vector.shape_cast %get3A_650 : vector<1x16xf32> to vector<16xf32>
        %mul3A_652 = vector.broadcast %squeeze3A_621 : f32 to vector<16xf32>
        %mul3A_653 = arith.mulf %get3A_651, %mul3A_652 : vector<16xf32>
        %swap3A_654 = arith.index_cast %add3A_625 : i32 to index
        %swap3A_655 = arith.constant 32 : index
        %swap3A_656 = tpu.vector_load %arg10[%swap3A_654, %swap3A_655] {strides = array<i32>} : memref<128x128xf32, #tpu.memory_space<vmem>>, vector<1x16xf32>,
        %swap3A_657 = vector.shape_cast %swap3A_656 : vector<1x16xf32> to vector<16xf32>
        %swap3A_658 = vector.shape_cast %mul3A_653 : vector<16xf32> to vector<1x16xf32>
        tpu.vector_store %arg10[%swap3A_654, %swap3A_655], %swap3A_658 {strides = array<i32>} : memref<128x128xf32, #tpu.memory_space<vmem>>, vector<1x16xf32>,
        %get3A_659 = arith.index_cast %add3A_625 : i32 to index
        %get3A_660 = arith.constant 48 : index
        %get3A_661 = tpu.vector_load %arg10[%get3A_659, %get3A_660] {strides = array<i32>} : memref<128x128xf32, #tpu.memory_space<vmem>>, vector<1x16xf32>,
        %get3A_662 = vector.shape_cast %get3A_661 : vector<1x16xf32> to vector<16xf32>
        %mul3A_663 = vector.broadcast %squeeze3A_621 : f32 to vector<16xf32>
        %mul3A_664 = arith.mulf %get3A_662, %mul3A_663 : vector<16xf32>
        %swap3A_665 = arith.index_cast %add3A_625 : i32 to index
        %swap3A_666 = arith.constant 48 : index
        %swap3A_667 = tpu.vector_load %arg10[%swap3A_665, %swap3A_666] {strides = array<i32>} : memref<128x128xf32, #tpu.memory_space<vmem>>, vector<1x16xf32>,
        %swap3A_668 = vector.shape_cast %swap3A_667 : vector<1x16xf32> to vector<16xf32>
        %swap3A_669 = vector.shape_cast %mul3A_664 : vector<16xf32> to vector<1x16xf32>
        tpu.vector_store %arg10[%swap3A_665, %swap3A_666], %swap3A_669 {strides = array<i32>} : memref<128x128xf32, #tpu.memory_space<vmem>>, vector<1x16xf32>,
        %get3A_670 = arith.index_cast %add3A_625 : i32 to index
        %get3A_671 = arith.constant 64 : index
        %get3A_672 = tpu.vector_load %arg10[%get3A_670, %get3A_671] {strides = array<i32>} : memref<128x128xf32, #tpu.memory_space<vmem>>, vector<1x16xf32>,
        %get3A_673 = vector.shape_cast %get3A_672 : vector<1x16xf32> to vector<16xf32>
        %mul3A_674 = vector.broadcast %squeeze3A_621 : f32 to vector<16xf32>
        %mul3A_675 = arith.mulf %get3A_673, %mul3A_674 : vector<16xf32>
        %swap3A_676 = arith.index_cast %add3A_625 : i32 to index
        %swap3A_677 = arith.constant 64 : index
        %swap3A_678 = tpu.vector_load %arg10[%swap3A_676, %swap3A_677] {strides = array<i32>} : memref<128x128xf32, #tpu.memory_space<vmem>>, vector<1x16xf32>,
        %swap3A_679 = vector.shape_cast %swap3A_678 : vector<1x16xf32> to vector<16xf32>
        %swap3A_680 = vector.shape_cast %mul3A_675 : vector<16xf32> to vector<1x16xf32>
        tpu.vector_store %arg10[%swap3A_676, %swap3A_677], %swap3A_680 {strides = array<i32>} : memref<128x128xf32, #tpu.memory_space<vmem>>, vector<1x16xf32>,
        %get3A_681 = arith.index_cast %add3A_625 : i32 to index
        %get3A_682 = arith.constant 80 : index
        %get3A_683 = tpu.vector_load %arg10[%get3A_681, %get3A_682] {strides = array<i32>} : memref<128x128xf32, #tpu.memory_space<vmem>>, vector<1x16xf32>,
        %get3A_684 = vector.shape_cast %get3A_683 : vector<1x16xf32> to vector<16xf32>
        %mul3A_685 = vector.broadcast %squeeze3A_621 : f32 to vector<16xf32>
        %mul3A_686 = arith.mulf %get3A_684, %mul3A_685 : vector<16xf32>
        %swap3A_687 = arith.index_cast %add3A_625 : i32 to index
        %swap3A_688 = arith.constant 80 : index
        %swap3A_689 = tpu.vector_load %arg10[%swap3A_687, %swap3A_688] {strides = array<i32>} : memref<128x128xf32, #tpu.memory_space<vmem>>, vector<1x16xf32>,
        %swap3A_690 = vector.shape_cast %swap3A_689 : vector<1x16xf32> to vector<16xf32>
        %swap3A_691 = vector.shape_cast %mul3A_686 : vector<16xf32> to vector<1x16xf32>
        tpu.vector_store %arg10[%swap3A_687, %swap3A_688], %swap3A_691 {strides = array<i32>} : memref<128x128xf32, #tpu.memory_space<vmem>>, vector<1x16xf32>,
        %get3A_692 = arith.index_cast %add3A_625 : i32 to index
        %get3A_693 = arith.constant 96 : index
        %get3A_694 = tpu.vector_load %arg10[%get3A_692, %get3A_693] {strides = array<i32>} : memref<128x128xf32, #tpu.memory_space<vmem>>, vector<1x16xf32>,
        %get3A_695 = vector.shape_cast %get3A_694 : vector<1x16xf32> to vector<16xf32>
        %mul3A_696 = vector.broadcast %squeeze3A_621 : f32 to vector<16xf32>
        %mul3A_697 = arith.mulf %get3A_695, %mul3A_696 : vector<16xf32>
        %swap3A_698 = arith.index_cast %add3A_625 : i32 to index
        %swap3A_699 = arith.constant 96 : index
        %swap3A_700 = tpu.vector_load %arg10[%swap3A_698, %swap3A_699] {strides = array<i32>} : memref<128x128xf32, #tpu.memory_space<vmem>>, vector<1x16xf32>,
        %swap3A_701 = vector.shape_cast %swap3A_700 : vector<1x16xf32> to vector<16xf32>
        %swap3A_702 = vector.shape_cast %mul3A_697 : vector<16xf32> to vector<1x16xf32>
        tpu.vector_store %arg10[%swap3A_698, %swap3A_699], %swap3A_702 {strides = array<i32>} : memref<128x128xf32, #tpu.memory_space<vmem>>, vector<1x16xf32>,
        %get3A_703 = arith.index_cast %add3A_625 : i32 to index
        %get3A_704 = arith.constant 112 : index
        %get3A_705 = tpu.vector_load %arg10[%get3A_703, %get3A_704] {strides = array<i32>} : memref<128x128xf32, #tpu.memory_space<vmem>>, vector<1x16xf32>,
        %get3A_706 = vector.shape_cast %get3A_705 : vector<1x16xf32> to vector<16xf32>
        %mul3A_707 = vector.broadcast %squeeze3A_621 : f32 to vector<16xf32>
        %mul3A_708 = arith.mulf %get3A_706, %mul3A_707 : vector<16xf32>
        %swap3A_709 = arith.index_cast %add3A_625 : i32 to index
        %swap3A_710 = arith.constant 112 : index
        %swap3A_711 = tpu.vector_load %arg10[%swap3A_709, %swap3A_710] {strides = array<i32>} : memref<128x128xf32, #tpu.memory_space<vmem>>, vector<1x16xf32>,
        %swap3A_712 = vector.shape_cast %swap3A_711 : vector<1x16xf32> to vector<16xf32>
        %swap3A_713 = vector.shape_cast %mul3A_708 : vector<16xf32> to vector<1x16xf32>
        tpu.vector_store %arg10[%swap3A_709, %swap3A_710], %swap3A_713 {strides = array<i32>} : memref<128x128xf32, #tpu.memory_space<vmem>>, vector<1x16xf32>,
        %slice3A_714 = vector.extract_strided_slice %get3A_58 {offsets = [7], sizes = [1], strides = [1]} : vector<16xf32> to vector<1xf32>
        %squeeze3A_715 = vector.extract %slice3A_714[0] : f32 from vector<1xf32>
        %mul3A_716 = arith.constant 16 : i32
        %mul3A_717 = arith.muli %scan3A_54, %mul3A_716 : i32
        %add3A_718 = arith.constant 7 : i32
        %add3A_719 = arith.addi %mul3A_717, %add3A_718 : i32
        %get3A_720 = arith.index_cast %add3A_719 : i32 to index
        %get3A_721 = arith.constant 0 : index
        %get3A_722 = tpu.vector_load %arg10[%get3A_720, %get3A_721] {strides = array<i32>} : memref<128x128xf32, #tpu.memory_space<vmem>>, vector<1x16xf32>,
        %get3A_723 = vector.shape_cast %get3A_722 : vector<1x16xf32> to vector<16xf32>
        %mul3A_724 = vector.broadcast %squeeze3A_715 : f32 to vector<16xf32>
        %mul3A_725 = arith.mulf %get3A_723, %mul3A_724 : vector<16xf32>
        %swap3A_726 = arith.index_cast %add3A_719 : i32 to index
        %swap3A_727 = arith.constant 0 : index
        %swap3A_728 = tpu.vector_load %arg10[%swap3A_726, %swap3A_727] {strides = array<i32>} : memref<128x128xf32, #tpu.memory_space<vmem>>, vector<1x16xf32>,
        %swap3A_729 = vector.shape_cast %swap3A_728 : vector<1x16xf32> to vector<16xf32>
        %swap3A_730 = vector.shape_cast %mul3A_725 : vector<16xf32> to vector<1x16xf32>
        tpu.vector_store %arg10[%swap3A_726, %swap3A_727], %swap3A_730 {strides = array<i32>} : memref<128x128xf32, #tpu.memory_space<vmem>>, vector<1x16xf32>,
        %get3A_731 = arith.index_cast %add3A_719 : i32 to index
        %get3A_732 = arith.constant 16 : index
        %get3A_733 = tpu.vector_load %arg10[%get3A_731, %get3A_732] {strides = array<i32>} : memref<128x128xf32, #tpu.memory_space<vmem>>, vector<1x16xf32>,
        %get3A_734 = vector.shape_cast %get3A_733 : vector<1x16xf32> to vector<16xf32>
        %mul3A_735 = vector.broadcast %squeeze3A_715 : f32 to vector<16xf32>
        %mul3A_736 = arith.mulf %get3A_734, %mul3A_735 : vector<16xf32>
        %swap3A_737 = arith.index_cast %add3A_719 : i32 to index
        %swap3A_738 = arith.constant 16 : index
        %swap3A_739 = tpu.vector_load %arg10[%swap3A_737, %swap3A_738] {strides = array<i32>} : memref<128x128xf32, #tpu.memory_space<vmem>>, vector<1x16xf32>,
        %swap3A_740 = vector.shape_cast %swap3A_739 : vector<1x16xf32> to vector<16xf32>
        %swap3A_741 = vector.shape_cast %mul3A_736 : vector<16xf32> to vector<1x16xf32>
        tpu.vector_store %arg10[%swap3A_737, %swap3A_738], %swap3A_741 {strides = array<i32>} : memref<128x128xf32, #tpu.memory_space<vmem>>, vector<1x16xf32>,
        %get3A_742 = arith.index_cast %add3A_719 : i32 to index
        %get3A_743 = arith.constant 32 : index
        %get3A_744 = tpu.vector_load %arg10[%get3A_742, %get3A_743] {strides = array<i32>} : memref<128x128xf32, #tpu.memory_space<vmem>>, vector<1x16xf32>,
        %get3A_745 = vector.shape_cast %get3A_744 : vector<1x16xf32> to vector<16xf32>
        %mul3A_746 = vector.broadcast %squeeze3A_715 : f32 to vector<16xf32>
        %mul3A_747 = arith.mulf %get3A_745, %mul3A_746 : vector<16xf32>
        %swap3A_748 = arith.index_cast %add3A_719 : i32 to index
        %swap3A_749 = arith.constant 32 : index
        %swap3A_750 = tpu.vector_load %arg10[%swap3A_748, %swap3A_749] {strides = array<i32>} : memref<128x128xf32, #tpu.memory_space<vmem>>, vector<1x16xf32>,
        %swap3A_751 = vector.shape_cast %swap3A_750 : vector<1x16xf32> to vector<16xf32>
        %swap3A_752 = vector.shape_cast %mul3A_747 : vector<16xf32> to vector<1x16xf32>
        tpu.vector_store %arg10[%swap3A_748, %swap3A_749], %swap3A_752 {strides = array<i32>} : memref<128x128xf32, #tpu.memory_space<vmem>>, vector<1x16xf32>,
        %get3A_753 = arith.index_cast %add3A_719 : i32 to index
        %get3A_754 = arith.constant 48 : index
        %get3A_755 = tpu.vector_load %arg10[%get3A_753, %get3A_754] {strides = array<i32>} : memref<128x128xf32, #tpu.memory_space<vmem>>, vector<1x16xf32>,
        %get3A_756 = vector.shape_cast %get3A_755 : vector<1x16xf32> to vector<16xf32>
        %mul3A_757 = vector.broadcast %squeeze3A_715 : f32 to vector<16xf32>
        %mul3A_758 = arith.mulf %get3A_756, %mul3A_757 : vector<16xf32>
        %swap3A_759 = arith.index_cast %add3A_719 : i32 to index
        %swap3A_760 = arith.constant 48 : index
        %swap3A_761 = tpu.vector_load %arg10[%swap3A_759, %swap3A_760] {strides = array<i32>} : memref<128x128xf32, #tpu.memory_space<vmem>>, vector<1x16xf32>,
        %swap3A_762 = vector.shape_cast %swap3A_761 : vector<1x16xf32> to vector<16xf32>
        %swap3A_763 = vector.shape_cast %mul3A_758 : vector<16xf32> to vector<1x16xf32>
        tpu.vector_store %arg10[%swap3A_759, %swap3A_760], %swap3A_763 {strides = array<i32>} : memref<128x128xf32, #tpu.memory_space<vmem>>, vector<1x16xf32>,
        %get3A_764 = arith.index_cast %add3A_719 : i32 to index
        %get3A_765 = arith.constant 64 : index
        %get3A_766 = tpu.vector_load %arg10[%get3A_764, %get3A_765] {strides = array<i32>} : memref<128x128xf32, #tpu.memory_space<vmem>>, vector<1x16xf32>,
        %get3A_767 = vector.shape_cast %get3A_766 : vector<1x16xf32> to vector<16xf32>
        %mul3A_768 = vector.broadcast %squeeze3A_715 : f32 to vector<16xf32>
        %mul3A_769 = arith.mulf %get3A_767, %mul3A_768 : vector<16xf32>
        %swap3A_770 = arith.index_cast %add3A_719 : i32 to index
        %swap3A_771 = arith.constant 64 : index
        %swap3A_772 = tpu.vector_load %arg10[%swap3A_770, %swap3A_771] {strides = array<i32>} : memref<128x128xf32, #tpu.memory_space<vmem>>, vector<1x16xf32>,
        %swap3A_773 = vector.shape_cast %swap3A_772 : vector<1x16xf32> to vector<16xf32>
        %swap3A_774 = vector.shape_cast %mul3A_769 : vector<16xf32> to vector<1x16xf32>
        tpu.vector_store %arg10[%swap3A_770, %swap3A_771], %swap3A_774 {strides = array<i32>} : memref<128x128xf32, #tpu.memory_space<vmem>>, vector<1x16xf32>,
        %get3A_775 = arith.index_cast %add3A_719 : i32 to index
        %get3A_776 = arith.constant 80 : index
        %get3A_777 = tpu.vector_load %arg10[%get3A_775, %get3A_776] {strides = array<i32>} : memref<128x128xf32, #tpu.memory_space<vmem>>, vector<1x16xf32>,
        %get3A_778 = vector.shape_cast %get3A_777 : vector<1x16xf32> to vector<16xf32>
        %mul3A_779 = vector.broadcast %squeeze3A_715 : f32 to vector<16xf32>
        %mul3A_780 = arith.mulf %get3A_778, %mul3A_779 : vector<16xf32>
        %swap3A_781 = arith.index_cast %add3A_719 : i32 to index
        %swap3A_782 = arith.constant 80 : index
        %swap3A_783 = tpu.vector_load %arg10[%swap3A_781, %swap3A_782] {strides = array<i32>} : memref<128x128xf32, #tpu.memory_space<vmem>>, vector<1x16xf32>,
        %swap3A_784 = vector.shape_cast %swap3A_783 : vector<1x16xf32> to vector<16xf32>
        %swap3A_785 = vector.shape_cast %mul3A_780 : vector<16xf32> to vector<1x16xf32>
        tpu.vector_store %arg10[%swap3A_781, %swap3A_782], %swap3A_785 {strides = array<i32>} : memref<128x128xf32, #tpu.memory_space<vmem>>, vector<1x16xf32>,
        %get3A_786 = arith.index_cast %add3A_719 : i32 to index
        %get3A_787 = arith.constant 96 : index
        %get3A_788 = tpu.vector_load %arg10[%get3A_786, %get3A_787] {strides = array<i32>} : memref<128x128xf32, #tpu.memory_space<vmem>>, vector<1x16xf32>,
        %get3A_789 = vector.shape_cast %get3A_788 : vector<1x16xf32> to vector<16xf32>
        %mul3A_790 = vector.broadcast %squeeze3A_715 : f32 to vector<16xf32>
        %mul3A_791 = arith.mulf %get3A_789, %mul3A_790 : vector<16xf32>
        %swap3A_792 = arith.index_cast %add3A_719 : i32 to index
        %swap3A_793 = arith.constant 96 : index
        %swap3A_794 = tpu.vector_load %arg10[%swap3A_792, %swap3A_793] {strides = array<i32>} : memref<128x128xf32, #tpu.memory_space<vmem>>, vector<1x16xf32>,
        %swap3A_795 = vector.shape_cast %swap3A_794 : vector<1x16xf32> to vector<16xf32>
        %swap3A_796 = vector.shape_cast %mul3A_791 : vector<16xf32> to vector<1x16xf32>
        tpu.vector_store %arg10[%swap3A_792, %swap3A_793], %swap3A_796 {strides = array<i32>} : memref<128x128xf32, #tpu.memory_space<vmem>>, vector<1x16xf32>,
        %get3A_797 = arith.index_cast %add3A_719 : i32 to index
        %get3A_798 = arith.constant 112 : index
        %get3A_799 = tpu.vector_load %arg10[%get3A_797, %get3A_798] {strides = array<i32>} : memref<128x128xf32, #tpu.memory_space<vmem>>, vector<1x16xf32>,
        %get3A_800 = vector.shape_cast %get3A_799 : vector<1x16xf32> to vector<16xf32>
        %mul3A_801 = vector.broadcast %squeeze3A_715 : f32 to vector<16xf32>
        %mul3A_802 = arith.mulf %get3A_800, %mul3A_801 : vector<16xf32>
        %swap3A_803 = arith.index_cast %add3A_719 : i32 to index
        %swap3A_804 = arith.constant 112 : index
        %swap3A_805 = tpu.vector_load %arg10[%swap3A_803, %swap3A_804] {strides = array<i32>} : memref<128x128xf32, #tpu.memory_space<vmem>>, vector<1x16xf32>,
        %swap3A_806 = vector.shape_cast %swap3A_805 : vector<1x16xf32> to vector<16xf32>
        %swap3A_807 = vector.shape_cast %mul3A_802 : vector<16xf32> to vector<1x16xf32>
        tpu.vector_store %arg10[%swap3A_803, %swap3A_804], %swap3A_807 {strides = array<i32>} : memref<128x128xf32, #tpu.memory_space<vmem>>, vector<1x16xf32>,
        %slice3A_808 = vector.extract_strided_slice %get3A_58 {offsets = [8], sizes = [1], strides = [1]} : vector<16xf32> to vector<1xf32>
        %squeeze3A_809 = vector.extract %slice3A_808[0] : f32 from vector<1xf32>
        %mul3A_810 = arith.constant 16 : i32
        %mul3A_811 = arith.muli %scan3A_54, %mul3A_810 : i32
        %add3A_812 = arith.constant 8 : i32
        %add3A_813 = arith.addi %mul3A_811, %add3A_812 : i32
        %get3A_814 = arith.index_cast %add3A_813 : i32 to index
        %get3A_815 = arith.constant 0 : index
        %get3A_816 = tpu.vector_load %arg10[%get3A_814, %get3A_815] {strides = array<i32>} : memref<128x128xf32, #tpu.memory_space<vmem>>, vector<1x16xf32>,
        %get3A_817 = vector.shape_cast %get3A_816 : vector<1x16xf32> to vector<16xf32>
        %mul3A_818 = vector.broadcast %squeeze3A_809 : f32 to vector<16xf32>
        %mul3A_819 = arith.mulf %get3A_817, %mul3A_818 : vector<16xf32>
        %swap3A_820 = arith.index_cast %add3A_813 : i32 to index
        %swap3A_821 = arith.constant 0 : index
        %swap3A_822 = tpu.vector_load %arg10[%swap3A_820, %swap3A_821] {strides = array<i32>} : memref<128x128xf32, #tpu.memory_space<vmem>>, vector<1x16xf32>,
        %swap3A_823 = vector.shape_cast %swap3A_822 : vector<1x16xf32> to vector<16xf32>
        %swap3A_824 = vector.shape_cast %mul3A_819 : vector<16xf32> to vector<1x16xf32>
        tpu.vector_store %arg10[%swap3A_820, %swap3A_821], %swap3A_824 {strides = array<i32>} : memref<128x128xf32, #tpu.memory_space<vmem>>, vector<1x16xf32>,
        %get3A_825 = arith.index_cast %add3A_813 : i32 to index
        %get3A_826 = arith.constant 16 : index
        %get3A_827 = tpu.vector_load %arg10[%get3A_825, %get3A_826] {strides = array<i32>} : memref<128x128xf32, #tpu.memory_space<vmem>>, vector<1x16xf32>,
        %get3A_828 = vector.shape_cast %get3A_827 : vector<1x16xf32> to vector<16xf32>
        %mul3A_829 = vector.broadcast %squeeze3A_809 : f32 to vector<16xf32>
        %mul3A_830 = arith.mulf %get3A_828, %mul3A_829 : vector<16xf32>
        %swap3A_831 = arith.index_cast %add3A_813 : i32 to index
        %swap3A_832 = arith.constant 16 : index
        %swap3A_833 = tpu.vector_load %arg10[%swap3A_831, %swap3A_832] {strides = array<i32>} : memref<128x128xf32, #tpu.memory_space<vmem>>, vector<1x16xf32>,
        %swap3A_834 = vector.shape_cast %swap3A_833 : vector<1x16xf32> to vector<16xf32>
        %swap3A_835 = vector.shape_cast %mul3A_830 : vector<16xf32> to vector<1x16xf32>
        tpu.vector_store %arg10[%swap3A_831, %swap3A_832], %swap3A_835 {strides = array<i32>} : memref<128x128xf32, #tpu.memory_space<vmem>>, vector<1x16xf32>,
        %get3A_836 = arith.index_cast %add3A_813 : i32 to index
        %get3A_837 = arith.constant 32 : index
        %get3A_838 = tpu.vector_load %arg10[%get3A_836, %get3A_837] {strides = array<i32>} : memref<128x128xf32, #tpu.memory_space<vmem>>, vector<1x16xf32>,
        %get3A_839 = vector.shape_cast %get3A_838 : vector<1x16xf32> to vector<16xf32>
        %mul3A_840 = vector.broadcast %squeeze3A_809 : f32 to vector<16xf32>
        %mul3A_841 = arith.mulf %get3A_839, %mul3A_840 : vector<16xf32>
        %swap3A_842 = arith.index_cast %add3A_813 : i32 to index
        %swap3A_843 = arith.constant 32 : index
        %swap3A_844 = tpu.vector_load %arg10[%swap3A_842, %swap3A_843] {strides = array<i32>} : memref<128x128xf32, #tpu.memory_space<vmem>>, vector<1x16xf32>,
        %swap3A_845 = vector.shape_cast %swap3A_844 : vector<1x16xf32> to vector<16xf32>
        %swap3A_846 = vector.shape_cast %mul3A_841 : vector<16xf32> to vector<1x16xf32>
        tpu.vector_store %arg10[%swap3A_842, %swap3A_843], %swap3A_846 {strides = array<i32>} : memref<128x128xf32, #tpu.memory_space<vmem>>, vector<1x16xf32>,
        %get3A_847 = arith.index_cast %add3A_813 : i32 to index
        %get3A_848 = arith.constant 48 : index
        %get3A_849 = tpu.vector_load %arg10[%get3A_847, %get3A_848] {strides = array<i32>} : memref<128x128xf32, #tpu.memory_space<vmem>>, vector<1x16xf32>,
        %get3A_850 = vector.shape_cast %get3A_849 : vector<1x16xf32> to vector<16xf32>
        %mul3A_851 = vector.broadcast %squeeze3A_809 : f32 to vector<16xf32>
        %mul3A_852 = arith.mulf %get3A_850, %mul3A_851 : vector<16xf32>
        %swap3A_853 = arith.index_cast %add3A_813 : i32 to index
        %swap3A_854 = arith.constant 48 : index
        %swap3A_855 = tpu.vector_load %arg10[%swap3A_853, %swap3A_854] {strides = array<i32>} : memref<128x128xf32, #tpu.memory_space<vmem>>, vector<1x16xf32>,
        %swap3A_856 = vector.shape_cast %swap3A_855 : vector<1x16xf32> to vector<16xf32>
        %swap3A_857 = vector.shape_cast %mul3A_852 : vector<16xf32> to vector<1x16xf32>
        tpu.vector_store %arg10[%swap3A_853, %swap3A_854], %swap3A_857 {strides = array<i32>} : memref<128x128xf32, #tpu.memory_space<vmem>>, vector<1x16xf32>,
        %get3A_858 = arith.index_cast %add3A_813 : i32 to index
        %get3A_859 = arith.constant 64 : index
        %get3A_860 = tpu.vector_load %arg10[%get3A_858, %get3A_859] {strides = array<i32>} : memref<128x128xf32, #tpu.memory_space<vmem>>, vector<1x16xf32>,
        %get3A_861 = vector.shape_cast %get3A_860 : vector<1x16xf32> to vector<16xf32>
        %mul3A_862 = vector.broadcast %squeeze3A_809 : f32 to vector<16xf32>
        %mul3A_863 = arith.mulf %get3A_861, %mul3A_862 : vector<16xf32>
        %swap3A_864 = arith.index_cast %add3A_813 : i32 to index
        %swap3A_865 = arith.constant 64 : index
        %swap3A_866 = tpu.vector_load %arg10[%swap3A_864, %swap3A_865] {strides = array<i32>} : memref<128x128xf32, #tpu.memory_space<vmem>>, vector<1x16xf32>,
        %swap3A_867 = vector.shape_cast %swap3A_866 : vector<1x16xf32> to vector<16xf32>
        %swap3A_868 = vector.shape_cast %mul3A_863 : vector<16xf32> to vector<1x16xf32>
        tpu.vector_store %arg10[%swap3A_864, %swap3A_865], %swap3A_868 {strides = array<i32>} : memref<128x128xf32, #tpu.memory_space<vmem>>, vector<1x16xf32>,
        %get3A_869 = arith.index_cast %add3A_813 : i32 to index
        %get3A_870 = arith.constant 80 : index
        %get3A_871 = tpu.vector_load %arg10[%get3A_869, %get3A_870] {strides = array<i32>} : memref<128x128xf32, #tpu.memory_space<vmem>>, vector<1x16xf32>,
        %get3A_872 = vector.shape_cast %get3A_871 : vector<1x16xf32> to vector<16xf32>
        %mul3A_873 = vector.broadcast %squeeze3A_809 : f32 to vector<16xf32>
        %mul3A_874 = arith.mulf %get3A_872, %mul3A_873 : vector<16xf32>
        %swap3A_875 = arith.index_cast %add3A_813 : i32 to index
        %swap3A_876 = arith.constant 80 : index
        %swap3A_877 = tpu.vector_load %arg10[%swap3A_875, %swap3A_876] {strides = array<i32>} : memref<128x128xf32, #tpu.memory_space<vmem>>, vector<1x16xf32>,
        %swap3A_878 = vector.shape_cast %swap3A_877 : vector<1x16xf32> to vector<16xf32>
        %swap3A_879 = vector.shape_cast %mul3A_874 : vector<16xf32> to vector<1x16xf32>
        tpu.vector_store %arg10[%swap3A_875, %swap3A_876], %swap3A_879 {strides = array<i32>} : memref<128x128xf32, #tpu.memory_space<vmem>>, vector<1x16xf32>,
        %get3A_880 = arith.index_cast %add3A_813 : i32 to index
        %get3A_881 = arith.constant 96 : index
        %get3A_882 = tpu.vector_load %arg10[%get3A_880, %get3A_881] {strides = array<i32>} : memref<128x128xf32, #tpu.memory_space<vmem>>, vector<1x16xf32>,
        %get3A_883 = vector.shape_cast %get3A_882 : vector<1x16xf32> to vector<16xf32>
        %mul3A_884 = vector.broadcast %squeeze3A_809 : f32 to vector<16xf32>
        %mul3A_885 = arith.mulf %get3A_883, %mul3A_884 : vector<16xf32>
        %swap3A_886 = arith.index_cast %add3A_813 : i32 to index
        %swap3A_887 = arith.constant 96 : index
        %swap3A_888 = tpu.vector_load %arg10[%swap3A_886, %swap3A_887] {strides = array<i32>} : memref<128x128xf32, #tpu.memory_space<vmem>>, vector<1x16xf32>,
        %swap3A_889 = vector.shape_cast %swap3A_888 : vector<1x16xf32> to vector<16xf32>
        %swap3A_890 = vector.shape_cast %mul3A_885 : vector<16xf32> to vector<1x16xf32>
        tpu.vector_store %arg10[%swap3A_886, %swap3A_887], %swap3A_890 {strides = array<i32>} : memref<128x128xf32, #tpu.memory_space<vmem>>, vector<1x16xf32>,
        %get3A_891 = arith.index_cast %add3A_813 : i32 to index
        %get3A_892 = arith.constant 112 : index
        %get3A_893 = tpu.vector_load %arg10[%get3A_891, %get3A_892] {strides = array<i32>} : memref<128x128xf32, #tpu.memory_space<vmem>>, vector<1x16xf32>,
        %get3A_894 = vector.shape_cast %get3A_893 : vector<1x16xf32> to vector<16xf32>
        %mul3A_895 = vector.broadcast %squeeze3A_809 : f32 to vector<16xf32>
        %mul3A_896 = arith.mulf %get3A_894, %mul3A_895 : vector<16xf32>
        %swap3A_897 = arith.index_cast %add3A_813 : i32 to index
        %swap3A_898 = arith.constant 112 : index
        %swap3A_899 = tpu.vector_load %arg10[%swap3A_897, %swap3A_898] {strides = array<i32>} : memref<128x128xf32, #tpu.memory_space<vmem>>, vector<1x16xf32>,
        %swap3A_900 = vector.shape_cast %swap3A_899 : vector<1x16xf32> to vector<16xf32>
        %swap3A_901 = vector.shape_cast %mul3A_896 : vector<16xf32> to vector<1x16xf32>
        tpu.vector_store %arg10[%swap3A_897, %swap3A_898], %swap3A_901 {strides = array<i32>} : memref<128x128xf32, #tpu.memory_space<vmem>>, vector<1x16xf32>,
        %slice3A_902 = vector.extract_strided_slice %get3A_58 {offsets = [9], sizes = [1], strides = [1]} : vector<16xf32> to vector<1xf32>
        %squeeze3A_903 = vector.extract %slice3A_902[0] : f32 from vector<1xf32>
        %mul3A_904 = arith.constant 16 : i32
        %mul3A_905 = arith.muli %scan3A_54, %mul3A_904 : i32
        %add3A_906 = arith.constant 9 : i32
        %add3A_907 = arith.addi %mul3A_905, %add3A_906 : i32
        %get3A_908 = arith.index_cast %add3A_907 : i32 to index
        %get3A_909 = arith.constant 0 : index
        %get3A_910 = tpu.vector_load %arg10[%get3A_908, %get3A_909] {strides = array<i32>} : memref<128x128xf32, #tpu.memory_space<vmem>>, vector<1x16xf32>,
        %get3A_911 = vector.shape_cast %get3A_910 : vector<1x16xf32> to vector<16xf32>
        %mul3A_912 = vector.broadcast %squeeze3A_903 : f32 to vector<16xf32>
        %mul3A_913 = arith.mulf %get3A_911, %mul3A_912 : vector<16xf32>
        %swap3A_914 = arith.index_cast %add3A_907 : i32 to index
        %swap3A_915 = arith.constant 0 : index
        %swap3A_916 = tpu.vector_load %arg10[%swap3A_914, %swap3A_915] {strides = array<i32>} : memref<128x128xf32, #tpu.memory_space<vmem>>, vector<1x16xf32>,
        %swap3A_917 = vector.shape_cast %swap3A_916 : vector<1x16xf32> to vector<16xf32>
        %swap3A_918 = vector.shape_cast %mul3A_913 : vector<16xf32> to vector<1x16xf32>
        tpu.vector_store %arg10[%swap3A_914, %swap3A_915], %swap3A_918 {strides = array<i32>} : memref<128x128xf32, #tpu.memory_space<vmem>>, vector<1x16xf32>,
        %get3A_919 = arith.index_cast %add3A_907 : i32 to index
        %get3A_920 = arith.constant 16 : index
        %get3A_921 = tpu.vector_load %arg10[%get3A_919, %get3A_920] {strides = array<i32>} : memref<128x128xf32, #tpu.memory_space<vmem>>, vector<1x16xf32>,
        %get3A_922 = vector.shape_cast %get3A_921 : vector<1x16xf32> to vector<16xf32>
        %mul3A_923 = vector.broadcast %squeeze3A_903 : f32 to vector<16xf32>
        %mul3A_924 = arith.mulf %get3A_922, %mul3A_923 : vector<16xf32>
        %swap3A_925 = arith.index_cast %add3A_907 : i32 to index
        %swap3A_926 = arith.constant 16 : index
        %swap3A_927 = tpu.vector_load %arg10[%swap3A_925, %swap3A_926] {strides = array<i32>} : memref<128x128xf32, #tpu.memory_space<vmem>>, vector<1x16xf32>,
        %swap3A_928 = vector.shape_cast %swap3A_927 : vector<1x16xf32> to vector<16xf32>
        %swap3A_929 = vector.shape_cast %mul3A_924 : vector<16xf32> to vector<1x16xf32>
        tpu.vector_store %arg10[%swap3A_925, %swap3A_926], %swap3A_929 {strides = array<i32>} : memref<128x128xf32, #tpu.memory_space<vmem>>, vector<1x16xf32>,
        %get3A_930 = arith.index_cast %add3A_907 : i32 to index
        %get3A_931 = arith.constant 32 : index
        %get3A_932 = tpu.vector_load %arg10[%get3A_930, %get3A_931] {strides = array<i32>} : memref<128x128xf32, #tpu.memory_space<vmem>>, vector<1x16xf32>,
        %get3A_933 = vector.shape_cast %get3A_932 : vector<1x16xf32> to vector<16xf32>
        %mul3A_934 = vector.broadcast %squeeze3A_903 : f32 to vector<16xf32>
        %mul3A_935 = arith.mulf %get3A_933, %mul3A_934 : vector<16xf32>
        %swap3A_936 = arith.index_cast %add3A_907 : i32 to index
        %swap3A_937 = arith.constant 32 : index
        %swap3A_938 = tpu.vector_load %arg10[%swap3A_936, %swap3A_937] {strides = array<i32>} : memref<128x128xf32, #tpu.memory_space<vmem>>, vector<1x16xf32>,
        %swap3A_939 = vector.shape_cast %swap3A_938 : vector<1x16xf32> to vector<16xf32>
        %swap3A_940 = vector.shape_cast %mul3A_935 : vector<16xf32> to vector<1x16xf32>
        tpu.vector_store %arg10[%swap3A_936, %swap3A_937], %swap3A_940 {strides = array<i32>} : memref<128x128xf32, #tpu.memory_space<vmem>>, vector<1x16xf32>,
        %get3A_941 = arith.index_cast %add3A_907 : i32 to index
        %get3A_942 = arith.constant 48 : index
        %get3A_943 = tpu.vector_load %arg10[%get3A_941, %get3A_942] {strides = array<i32>} : memref<128x128xf32, #tpu.memory_space<vmem>>, vector<1x16xf32>,
        %get3A_944 = vector.shape_cast %get3A_943 : vector<1x16xf32> to vector<16xf32>
        %mul3A_945 = vector.broadcast %squeeze3A_903 : f32 to vector<16xf32>
        %mul3A_946 = arith.mulf %get3A_944, %mul3A_945 : vector<16xf32>
        %swap3A_947 = arith.index_cast %add3A_907 : i32 to index
        %swap3A_948 = arith.constant 48 : index
        %swap3A_949 = tpu.vector_load %arg10[%swap3A_947, %swap3A_948] {strides = array<i32>} : memref<128x128xf32, #tpu.memory_space<vmem>>, vector<1x16xf32>,
        %swap3A_950 = vector.shape_cast %swap3A_949 : vector<1x16xf32> to vector<16xf32>
        %swap3A_951 = vector.shape_cast %mul3A_946 : vector<16xf32> to vector<1x16xf32>
        tpu.vector_store %arg10[%swap3A_947, %swap3A_948], %swap3A_951 {strides = array<i32>} : memref<128x128xf32, #tpu.memory_space<vmem>>, vector<1x16xf32>,
        %get3A_952 = arith.index_cast %add3A_907 : i32 to index
        %get3A_953 = arith.constant 64 : index
        %get3A_954 = tpu.vector_load %arg10[%get3A_952, %get3A_953] {strides = array<i32>} : memref<128x128xf32, #tpu.memory_space<vmem>>, vector<1x16xf32>,
        %get3A_955 = vector.shape_cast %get3A_954 : vector<1x16xf32> to vector<16xf32>
        %mul3A_956 = vector.broadcast %squeeze3A_903 : f32 to vector<16xf32>
        %mul3A_957 = arith.mulf %get3A_955, %mul3A_956 : vector<16xf32>
        %swap3A_958 = arith.index_cast %add3A_907 : i32 to index
        %swap3A_959 = arith.constant 64 : index
        %swap3A_960 = tpu.vector_load %arg10[%swap3A_958, %swap3A_959] {strides = array<i32>} : memref<128x128xf32, #tpu.memory_space<vmem>>, vector<1x16xf32>,
        %swap3A_961 = vector.shape_cast %swap3A_960 : vector<1x16xf32> to vector<16xf32>
        %swap3A_962 = vector.shape_cast %mul3A_957 : vector<16xf32> to vector<1x16xf32>
        tpu.vector_store %arg10[%swap3A_958, %swap3A_959], %swap3A_962 {strides = array<i32>} : memref<128x128xf32, #tpu.memory_space<vmem>>, vector<1x16xf32>,
        %get3A_963 = arith.index_cast %add3A_907 : i32 to index
        %get3A_964 = arith.constant 80 : index
        %get3A_965 = tpu.vector_load %arg10[%get3A_963, %get3A_964] {strides = array<i32>} : memref<128x128xf32, #tpu.memory_space<vmem>>, vector<1x16xf32>,
        %get3A_966 = vector.shape_cast %get3A_965 : vector<1x16xf32> to vector<16xf32>
        %mul3A_967 = vector.broadcast %squeeze3A_903 : f32 to vector<16xf32>
        %mul3A_968 = arith.mulf %get3A_966, %mul3A_967 : vector<16xf32>
        %swap3A_969 = arith.index_cast %add3A_907 : i32 to index
        %swap3A_970 = arith.constant 80 : index
        %swap3A_971 = tpu.vector_load %arg10[%swap3A_969, %swap3A_970] {strides = array<i32>} : memref<128x128xf32, #tpu.memory_space<vmem>>, vector<1x16xf32>,
        %swap3A_972 = vector.shape_cast %swap3A_971 : vector<1x16xf32> to vector<16xf32>
        %swap3A_973 = vector.shape_cast %mul3A_968 : vector<16xf32> to vector<1x16xf32>
        tpu.vector_store %arg10[%swap3A_969, %swap3A_970], %swap3A_973 {strides = array<i32>} : memref<128x128xf32, #tpu.memory_space<vmem>>, vector<1x16xf32>,
        %get3A_974 = arith.index_cast %add3A_907 : i32 to index
        %get3A_975 = arith.constant 96 : index
        %get3A_976 = tpu.vector_load %arg10[%get3A_974, %get3A_975] {strides = array<i32>} : memref<128x128xf32, #tpu.memory_space<vmem>>, vector<1x16xf32>,
        %get3A_977 = vector.shape_cast %get3A_976 : vector<1x16xf32> to vector<16xf32>
        %mul3A_978 = vector.broadcast %squeeze3A_903 : f32 to vector<16xf32>
        %mul3A_979 = arith.mulf %get3A_977, %mul3A_978 : vector<16xf32>
        %swap3A_980 = arith.index_cast %add3A_907 : i32 to index
        %swap3A_981 = arith.constant 96 : index
        %swap3A_982 = tpu.vector_load %arg10[%swap3A_980, %swap3A_981] {strides = array<i32>} : memref<128x128xf32, #tpu.memory_space<vmem>>, vector<1x16xf32>,
        %swap3A_983 = vector.shape_cast %swap3A_982 : vector<1x16xf32> to vector<16xf32>
        %swap3A_984 = vector.shape_cast %mul3A_979 : vector<16xf32> to vector<1x16xf32>
        tpu.vector_store %arg10[%swap3A_980, %swap3A_981], %swap3A_984 {strides = array<i32>} : memref<128x128xf32, #tpu.memory_space<vmem>>, vector<1x16xf32>,
        %get3A_985 = arith.index_cast %add3A_907 : i32 to index
        %get3A_986 = arith.constant 112 : index
        %get3A_987 = tpu.vector_load %arg10[%get3A_985, %get3A_986] {strides = array<i32>} : memref<128x128xf32, #tpu.memory_space<vmem>>, vector<1x16xf32>,
        %get3A_988 = vector.shape_cast %get3A_987 : vector<1x16xf32> to vector<16xf32>
        %mul3A_989 = vector.broadcast %squeeze3A_903 : f32 to vector<16xf32>
        %mul3A_990 = arith.mulf %get3A_988, %mul3A_989 : vector<16xf32>
        %swap3A_991 = arith.index_cast %add3A_907 : i32 to index
        %swap3A_992 = arith.constant 112 : index
        %swap3A_993 = tpu.vector_load %arg10[%swap3A_991, %swap3A_992] {strides = array<i32>} : memref<128x128xf32, #tpu.memory_space<vmem>>, vector<1x16xf32>,
        %swap3A_994 = vector.shape_cast %swap3A_993 : vector<1x16xf32> to vector<16xf32>
        %swap3A_995 = vector.shape_cast %mul3A_990 : vector<16xf32> to vector<1x16xf32>
        tpu.vector_store %arg10[%swap3A_991, %swap3A_992], %swap3A_995 {strides = array<i32>} : memref<128x128xf32, #tpu.memory_space<vmem>>, vector<1x16xf32>,
        %slice3A_996 = vector.extract_strided_slice %get3A_58 {offsets = [10], sizes = [1], strides = [1]} : vector<16xf32> to vector<1xf32>
        %squeeze3A_997 = vector.extract %slice3A_996[0] : f32 from vector<1xf32>
        %mul3A_998 = arith.constant 16 : i32
        %mul3A_999 = arith.muli %scan3A_54, %mul3A_998 : i32
        %add3A_1000 = arith.constant 10 : i32
        %add3A_1001 = arith.addi %mul3A_999, %add3A_1000 : i32
        %get3A_1002 = arith.index_cast %add3A_1001 : i32 to index
        %get3A_1003 = arith.constant 0 : index
        %get3A_1004 = tpu.vector_load %arg10[%get3A_1002, %get3A_1003] {strides = array<i32>} : memref<128x128xf32, #tpu.memory_space<vmem>>, vector<1x16xf32>,
        %get3A_1005 = vector.shape_cast %get3A_1004 : vector<1x16xf32> to vector<16xf32>
        %mul3A_1006 = vector.broadcast %squeeze3A_997 : f32 to vector<16xf32>
        %mul3A_1007 = arith.mulf %get3A_1005, %mul3A_1006 : vector<16xf32>
        %swap3A_1008 = arith.index_cast %add3A_1001 : i32 to index
        %swap3A_1009 = arith.constant 0 : index
        %swap3A_1010 = tpu.vector_load %arg10[%swap3A_1008, %swap3A_1009] {strides = array<i32>} : memref<128x128xf32, #tpu.memory_space<vmem>>, vector<1x16xf32>,
        %swap3A_1011 = vector.shape_cast %swap3A_1010 : vector<1x16xf32> to vector<16xf32>
        %swap3A_1012 = vector.shape_cast %mul3A_1007 : vector<16xf32> to vector<1x16xf32>
        tpu.vector_store %arg10[%swap3A_1008, %swap3A_1009], %swap3A_1012 {strides = array<i32>} : memref<128x128xf32, #tpu.memory_space<vmem>>, vector<1x16xf32>,
        %get3A_1013 = arith.index_cast %add3A_1001 : i32 to index
        %get3A_1014 = arith.constant 16 : index
        %get3A_1015 = tpu.vector_load %arg10[%get3A_1013, %get3A_1014] {strides = array<i32>} : memref<128x128xf32, #tpu.memory_space<vmem>>, vector<1x16xf32>,
        %get3A_1016 = vector.shape_cast %get3A_1015 : vector<1x16xf32> to vector<16xf32>
        %mul3A_1017 = vector.broadcast %squeeze3A_997 : f32 to vector<16xf32>
        %mul3A_1018 = arith.mulf %get3A_1016, %mul3A_1017 : vector<16xf32>
        %swap3A_1019 = arith.index_cast %add3A_1001 : i32 to index
        %swap3A_1020 = arith.constant 16 : index
        %swap3A_1021 = tpu.vector_load %arg10[%swap3A_1019, %swap3A_1020] {strides = array<i32>} : memref<128x128xf32, #tpu.memory_space<vmem>>, vector<1x16xf32>,
        %swap3A_1022 = vector.shape_cast %swap3A_1021 : vector<1x16xf32> to vector<16xf32>
        %swap3A_1023 = vector.shape_cast %mul3A_1018 : vector<16xf32> to vector<1x16xf32>
        tpu.vector_store %arg10[%swap3A_1019, %swap3A_1020], %swap3A_1023 {strides = array<i32>} : memref<128x128xf32, #tpu.memory_space<vmem>>, vector<1x16xf32>,
        %get3A_1024 = arith.index_cast %add3A_1001 : i32 to index
        %get3A_1025 = arith.constant 32 : index
        %get3A_1026 = tpu.vector_load %arg10[%get3A_1024, %get3A_1025] {strides = array<i32>} : memref<128x128xf32, #tpu.memory_space<vmem>>, vector<1x16xf32>,
        %get3A_1027 = vector.shape_cast %get3A_1026 : vector<1x16xf32> to vector<16xf32>
        %mul3A_1028 = vector.broadcast %squeeze3A_997 : f32 to vector<16xf32>
        %mul3A_1029 = arith.mulf %get3A_1027, %mul3A_1028 : vector<16xf32>
        %swap3A_1030 = arith.index_cast %add3A_1001 : i32 to index
        %swap3A_1031 = arith.constant 32 : index
        %swap3A_1032 = tpu.vector_load %arg10[%swap3A_1030, %swap3A_1031] {strides = array<i32>} : memref<128x128xf32, #tpu.memory_space<vmem>>, vector<1x16xf32>,
        %swap3A_1033 = vector.shape_cast %swap3A_1032 : vector<1x16xf32> to vector<16xf32>
        %swap3A_1034 = vector.shape_cast %mul3A_1029 : vector<16xf32> to vector<1x16xf32>
        tpu.vector_store %arg10[%swap3A_1030, %swap3A_1031], %swap3A_1034 {strides = array<i32>} : memref<128x128xf32, #tpu.memory_space<vmem>>, vector<1x16xf32>,
        %get3A_1035 = arith.index_cast %add3A_1001 : i32 to index
        %get3A_1036 = arith.constant 48 : index
        %get3A_1037 = tpu.vector_load %arg10[%get3A_1035, %get3A_1036] {strides = array<i32>} : memref<128x128xf32, #tpu.memory_space<vmem>>, vector<1x16xf32>,
        %get3A_1038 = vector.shape_cast %get3A_1037 : vector<1x16xf32> to vector<16xf32>
        %mul3A_1039 = vector.broadcast %squeeze3A_997 : f32 to vector<16xf32>
        %mul3A_1040 = arith.mulf %get3A_1038, %mul3A_1039 : vector<16xf32>
        %swap3A_1041 = arith.index_cast %add3A_1001 : i32 to index
        %swap3A_1042 = arith.constant 48 : index
        %swap3A_1043 = tpu.vector_load %arg10[%swap3A_1041, %swap3A_1042] {strides = array<i32>} : memref<128x128xf32, #tpu.memory_space<vmem>>, vector<1x16xf32>,
        %swap3A_1044 = vector.shape_cast %swap3A_1043 : vector<1x16xf32> to vector<16xf32>
        %swap3A_1045 = vector.shape_cast %mul3A_1040 : vector<16xf32> to vector<1x16xf32>
        tpu.vector_store %arg10[%swap3A_1041, %swap3A_1042], %swap3A_1045 {strides = array<i32>} : memref<128x128xf32, #tpu.memory_space<vmem>>, vector<1x16xf32>,
        %get3A_1046 = arith.index_cast %add3A_1001 : i32 to index
        %get3A_1047 = arith.constant 64 : index
        %get3A_1048 = tpu.vector_load %arg10[%get3A_1046, %get3A_1047] {strides = array<i32>} : memref<128x128xf32, #tpu.memory_space<vmem>>, vector<1x16xf32>,
        %get3A_1049 = vector.shape_cast %get3A_1048 : vector<1x16xf32> to vector<16xf32>
        %mul3A_1050 = vector.broadcast %squeeze3A_997 : f32 to vector<16xf32>
        %mul3A_1051 = arith.mulf %get3A_1049, %mul3A_1050 : vector<16xf32>
        %swap3A_1052 = arith.index_cast %add3A_1001 : i32 to index
        %swap3A_1053 = arith.constant 64 : index
        %swap3A_1054 = tpu.vector_load %arg10[%swap3A_1052, %swap3A_1053] {strides = array<i32>} : memref<128x128xf32, #tpu.memory_space<vmem>>, vector<1x16xf32>,
        %swap3A_1055 = vector.shape_cast %swap3A_1054 : vector<1x16xf32> to vector<16xf32>
        %swap3A_1056 = vector.shape_cast %mul3A_1051 : vector<16xf32> to vector<1x16xf32>
        tpu.vector_store %arg10[%swap3A_1052, %swap3A_1053], %swap3A_1056 {strides = array<i32>} : memref<128x128xf32, #tpu.memory_space<vmem>>, vector<1x16xf32>,
        %get3A_1057 = arith.index_cast %add3A_1001 : i32 to index
        %get3A_1058 = arith.constant 80 : index
        %get3A_1059 = tpu.vector_load %arg10[%get3A_1057, %get3A_1058] {strides = array<i32>} : memref<128x128xf32, #tpu.memory_space<vmem>>, vector<1x16xf32>,
        %get3A_1060 = vector.shape_cast %get3A_1059 : vector<1x16xf32> to vector<16xf32>
        %mul3A_1061 = vector.broadcast %squeeze3A_997 : f32 to vector<16xf32>
        %mul3A_1062 = arith.mulf %get3A_1060, %mul3A_1061 : vector<16xf32>
        %swap3A_1063 = arith.index_cast %add3A_1001 : i32 to index
        %swap3A_1064 = arith.constant 80 : index
        %swap3A_1065 = tpu.vector_load %arg10[%swap3A_1063, %swap3A_1064] {strides = array<i32>} : memref<128x128xf32, #tpu.memory_space<vmem>>, vector<1x16xf32>,
        %swap3A_1066 = vector.shape_cast %swap3A_1065 : vector<1x16xf32> to vector<16xf32>
        %swap3A_1067 = vector.shape_cast %mul3A_1062 : vector<16xf32> to vector<1x16xf32>
        tpu.vector_store %arg10[%swap3A_1063, %swap3A_1064], %swap3A_1067 {strides = array<i32>} : memref<128x128xf32, #tpu.memory_space<vmem>>, vector<1x16xf32>,
        %get3A_1068 = arith.index_cast %add3A_1001 : i32 to index
        %get3A_1069 = arith.constant 96 : index
        %get3A_1070 = tpu.vector_load %arg10[%get3A_1068, %get3A_1069] {strides = array<i32>} : memref<128x128xf32, #tpu.memory_space<vmem>>, vector<1x16xf32>,
        %get3A_1071 = vector.shape_cast %get3A_1070 : vector<1x16xf32> to vector<16xf32>
        %mul3A_1072 = vector.broadcast %squeeze3A_997 : f32 to vector<16xf32>
        %mul3A_1073 = arith.mulf %get3A_1071, %mul3A_1072 : vector<16xf32>
        %swap3A_1074 = arith.index_cast %add3A_1001 : i32 to index
        %swap3A_1075 = arith.constant 96 : index
        %swap3A_1076 = tpu.vector_load %arg10[%swap3A_1074, %swap3A_1075] {strides = array<i32>} : memref<128x128xf32, #tpu.memory_space<vmem>>, vector<1x16xf32>,
        %swap3A_1077 = vector.shape_cast %swap3A_1076 : vector<1x16xf32> to vector<16xf32>
        %swap3A_1078 = vector.shape_cast %mul3A_1073 : vector<16xf32> to vector<1x16xf32>
        tpu.vector_store %arg10[%swap3A_1074, %swap3A_1075], %swap3A_1078 {strides = array<i32>} : memref<128x128xf32, #tpu.memory_space<vmem>>, vector<1x16xf32>,
        %get3A_1079 = arith.index_cast %add3A_1001 : i32 to index
        %get3A_1080 = arith.constant 112 : index
        %get3A_1081 = tpu.vector_load %arg10[%get3A_1079, %get3A_1080] {strides = array<i32>} : memref<128x128xf32, #tpu.memory_space<vmem>>, vector<1x16xf32>,
        %get3A_1082 = vector.shape_cast %get3A_1081 : vector<1x16xf32> to vector<16xf32>
        %mul3A_1083 = vector.broadcast %squeeze3A_997 : f32 to vector<16xf32>
        %mul3A_1084 = arith.mulf %get3A_1082, %mul3A_1083 : vector<16xf32>
        %swap3A_1085 = arith.index_cast %add3A_1001 : i32 to index
        %swap3A_1086 = arith.constant 112 : index
        %swap3A_1087 = tpu.vector_load %arg10[%swap3A_1085, %swap3A_1086] {strides = array<i32>} : memref<128x128xf32, #tpu.memory_space<vmem>>, vector<1x16xf32>,
        %swap3A_1088 = vector.shape_cast %swap3A_1087 : vector<1x16xf32> to vector<16xf32>
        %swap3A_1089 = vector.shape_cast %mul3A_1084 : vector<16xf32> to vector<1x16xf32>
        tpu.vector_store %arg10[%swap3A_1085, %swap3A_1086], %swap3A_1089 {strides = array<i32>} : memref<128x128xf32, #tpu.memory_space<vmem>>, vector<1x16xf32>,
        %slice3A_1090 = vector.extract_strided_slice %get3A_58 {offsets = [11], sizes = [1], strides = [1]} : vector<16xf32> to vector<1xf32>
        %squeeze3A_1091 = vector.extract %slice3A_1090[0] : f32 from vector<1xf32>
        %mul3A_1092 = arith.constant 16 : i32
        %mul3A_1093 = arith.muli %scan3A_54, %mul3A_1092 : i32
        %add3A_1094 = arith.constant 11 : i32
        %add3A_1095 = arith.addi %mul3A_1093, %add3A_1094 : i32
        %get3A_1096 = arith.index_cast %add3A_1095 : i32 to index
        %get3A_1097 = arith.constant 0 : index
        %get3A_1098 = tpu.vector_load %arg10[%get3A_1096, %get3A_1097] {strides = array<i32>} : memref<128x128xf32, #tpu.memory_space<vmem>>, vector<1x16xf32>,
        %get3A_1099 = vector.shape_cast %get3A_1098 : vector<1x16xf32> to vector<16xf32>
        %mul3A_1100 = vector.broadcast %squeeze3A_1091 : f32 to vector<16xf32>
        %mul3A_1101 = arith.mulf %get3A_1099, %mul3A_1100 : vector<16xf32>
        %swap3A_1102 = arith.index_cast %add3A_1095 : i32 to index
        %swap3A_1103 = arith.constant 0 : index
        %swap3A_1104 = tpu.vector_load %arg10[%swap3A_1102, %swap3A_1103] {strides = array<i32>} : memref<128x128xf32, #tpu.memory_space<vmem>>, vector<1x16xf32>,
        %swap3A_1105 = vector.shape_cast %swap3A_1104 : vector<1x16xf32> to vector<16xf32>
        %swap3A_1106 = vector.shape_cast %mul3A_1101 : vector<16xf32> to vector<1x16xf32>
        tpu.vector_store %arg10[%swap3A_1102, %swap3A_1103], %swap3A_1106 {strides = array<i32>} : memref<128x128xf32, #tpu.memory_space<vmem>>, vector<1x16xf32>,
        %get3A_1107 = arith.index_cast %add3A_1095 : i32 to index
        %get3A_1108 = arith.constant 16 : index
        %get3A_1109 = tpu.vector_load %arg10[%get3A_1107, %get3A_1108] {strides = array<i32>} : memref<128x128xf32, #tpu.memory_space<vmem>>, vector<1x16xf32>,
        %get3A_1110 = vector.shape_cast %get3A_1109 : vector<1x16xf32> to vector<16xf32>
        %mul3A_1111 = vector.broadcast %squeeze3A_1091 : f32 to vector<16xf32>
        %mul3A_1112 = arith.mulf %get3A_1110, %mul3A_1111 : vector<16xf32>
        %swap3A_1113 = arith.index_cast %add3A_1095 : i32 to index
        %swap3A_1114 = arith.constant 16 : index
        %swap3A_1115 = tpu.vector_load %arg10[%swap3A_1113, %swap3A_1114] {strides = array<i32>} : memref<128x128xf32, #tpu.memory_space<vmem>>, vector<1x16xf32>,
        %swap3A_1116 = vector.shape_cast %swap3A_1115 : vector<1x16xf32> to vector<16xf32>
        %swap3A_1117 = vector.shape_cast %mul3A_1112 : vector<16xf32> to vector<1x16xf32>
        tpu.vector_store %arg10[%swap3A_1113, %swap3A_1114], %swap3A_1117 {strides = array<i32>} : memref<128x128xf32, #tpu.memory_space<vmem>>, vector<1x16xf32>,
        %get3A_1118 = arith.index_cast %add3A_1095 : i32 to index
        %get3A_1119 = arith.constant 32 : index
        %get3A_1120 = tpu.vector_load %arg10[%get3A_1118, %get3A_1119] {strides = array<i32>} : memref<128x128xf32, #tpu.memory_space<vmem>>, vector<1x16xf32>,
        %get3A_1121 = vector.shape_cast %get3A_1120 : vector<1x16xf32> to vector<16xf32>
        %mul3A_1122 = vector.broadcast %squeeze3A_1091 : f32 to vector<16xf32>
        %mul3A_1123 = arith.mulf %get3A_1121, %mul3A_1122 : vector<16xf32>
        %swap3A_1124 = arith.index_cast %add3A_1095 : i32 to index
        %swap3A_1125 = arith.constant 32 : index
        %swap3A_1126 = tpu.vector_load %arg10[%swap3A_1124, %swap3A_1125] {strides = array<i32>} : memref<128x128xf32, #tpu.memory_space<vmem>>, vector<1x16xf32>,
        %swap3A_1127 = vector.shape_cast %swap3A_1126 : vector<1x16xf32> to vector<16xf32>
        %swap3A_1128 = vector.shape_cast %mul3A_1123 : vector<16xf32> to vector<1x16xf32>
        tpu.vector_store %arg10[%swap3A_1124, %swap3A_1125], %swap3A_1128 {strides = array<i32>} : memref<128x128xf32, #tpu.memory_space<vmem>>, vector<1x16xf32>,
        %get3A_1129 = arith.index_cast %add3A_1095 : i32 to index
        %get3A_1130 = arith.constant 48 : index
        %get3A_1131 = tpu.vector_load %arg10[%get3A_1129, %get3A_1130] {strides = array<i32>} : memref<128x128xf32, #tpu.memory_space<vmem>>, vector<1x16xf32>,
        %get3A_1132 = vector.shape_cast %get3A_1131 : vector<1x16xf32> to vector<16xf32>
        %mul3A_1133 = vector.broadcast %squeeze3A_1091 : f32 to vector<16xf32>
        %mul3A_1134 = arith.mulf %get3A_1132, %mul3A_1133 : vector<16xf32>
        %swap3A_1135 = arith.index_cast %add3A_1095 : i32 to index
        %swap3A_1136 = arith.constant 48 : index
        %swap3A_1137 = tpu.vector_load %arg10[%swap3A_1135, %swap3A_1136] {strides = array<i32>} : memref<128x128xf32, #tpu.memory_space<vmem>>, vector<1x16xf32>,
        %swap3A_1138 = vector.shape_cast %swap3A_1137 : vector<1x16xf32> to vector<16xf32>
        %swap3A_1139 = vector.shape_cast %mul3A_1134 : vector<16xf32> to vector<1x16xf32>
        tpu.vector_store %arg10[%swap3A_1135, %swap3A_1136], %swap3A_1139 {strides = array<i32>} : memref<128x128xf32, #tpu.memory_space<vmem>>, vector<1x16xf32>,
        %get3A_1140 = arith.index_cast %add3A_1095 : i32 to index
        %get3A_1141 = arith.constant 64 : index
        %get3A_1142 = tpu.vector_load %arg10[%get3A_1140, %get3A_1141] {strides = array<i32>} : memref<128x128xf32, #tpu.memory_space<vmem>>, vector<1x16xf32>,
        %get3A_1143 = vector.shape_cast %get3A_1142 : vector<1x16xf32> to vector<16xf32>
        %mul3A_1144 = vector.broadcast %squeeze3A_1091 : f32 to vector<16xf32>
        %mul3A_1145 = arith.mulf %get3A_1143, %mul3A_1144 : vector<16xf32>
        %swap3A_1146 = arith.index_cast %add3A_1095 : i32 to index
        %swap3A_1147 = arith.constant 64 : index
        %swap3A_1148 = tpu.vector_load %arg10[%swap3A_1146, %swap3A_1147] {strides = array<i32>} : memref<128x128xf32, #tpu.memory_space<vmem>>, vector<1x16xf32>,
        %swap3A_1149 = vector.shape_cast %swap3A_1148 : vector<1x16xf32> to vector<16xf32>
        %swap3A_1150 = vector.shape_cast %mul3A_1145 : vector<16xf32> to vector<1x16xf32>
        tpu.vector_store %arg10[%swap3A_1146, %swap3A_1147], %swap3A_1150 {strides = array<i32>} : memref<128x128xf32, #tpu.memory_space<vmem>>, vector<1x16xf32>,
        %get3A_1151 = arith.index_cast %add3A_1095 : i32 to index
        %get3A_1152 = arith.constant 80 : index
        %get3A_1153 = tpu.vector_load %arg10[%get3A_1151, %get3A_1152] {strides = array<i32>} : memref<128x128xf32, #tpu.memory_space<vmem>>, vector<1x16xf32>,
        %get3A_1154 = vector.shape_cast %get3A_1153 : vector<1x16xf32> to vector<16xf32>
        %mul3A_1155 = vector.broadcast %squeeze3A_1091 : f32 to vector<16xf32>
        %mul3A_1156 = arith.mulf %get3A_1154, %mul3A_1155 : vector<16xf32>
        %swap3A_1157 = arith.index_cast %add3A_1095 : i32 to index
        %swap3A_1158 = arith.constant 80 : index
        %swap3A_1159 = tpu.vector_load %arg10[%swap3A_1157, %swap3A_1158] {strides = array<i32>} : memref<128x128xf32, #tpu.memory_space<vmem>>, vector<1x16xf32>,
        %swap3A_1160 = vector.shape_cast %swap3A_1159 : vector<1x16xf32> to vector<16xf32>
        %swap3A_1161 = vector.shape_cast %mul3A_1156 : vector<16xf32> to vector<1x16xf32>
        tpu.vector_store %arg10[%swap3A_1157, %swap3A_1158], %swap3A_1161 {strides = array<i32>} : memref<128x128xf32, #tpu.memory_space<vmem>>, vector<1x16xf32>,
        %get3A_1162 = arith.index_cast %add3A_1095 : i32 to index
        %get3A_1163 = arith.constant 96 : index
        %get3A_1164 = tpu.vector_load %arg10[%get3A_1162, %get3A_1163] {strides = array<i32>} : memref<128x128xf32, #tpu.memory_space<vmem>>, vector<1x16xf32>,
        %get3A_1165 = vector.shape_cast %get3A_1164 : vector<1x16xf32> to vector<16xf32>
        %mul3A_1166 = vector.broadcast %squeeze3A_1091 : f32 to vector<16xf32>
        %mul3A_1167 = arith.mulf %get3A_1165, %mul3A_1166 : vector<16xf32>
        %swap3A_1168 = arith.index_cast %add3A_1095 : i32 to index
        %swap3A_1169 = arith.constant 96 : index
        %swap3A_1170 = tpu.vector_load %arg10[%swap3A_1168, %swap3A_1169] {strides = array<i32>} : memref<128x128xf32, #tpu.memory_space<vmem>>, vector<1x16xf32>,
        %swap3A_1171 = vector.shape_cast %swap3A_1170 : vector<1x16xf32> to vector<16xf32>
        %swap3A_1172 = vector.shape_cast %mul3A_1167 : vector<16xf32> to vector<1x16xf32>
        tpu.vector_store %arg10[%swap3A_1168, %swap3A_1169], %swap3A_1172 {strides = array<i32>} : memref<128x128xf32, #tpu.memory_space<vmem>>, vector<1x16xf32>,
        %get3A_1173 = arith.index_cast %add3A_1095 : i32 to index
        %get3A_1174 = arith.constant 112 : index
        %get3A_1175 = tpu.vector_load %arg10[%get3A_1173, %get3A_1174] {strides = array<i32>} : memref<128x128xf32, #tpu.memory_space<vmem>>, vector<1x16xf32>,
        %get3A_1176 = vector.shape_cast %get3A_1175 : vector<1x16xf32> to vector<16xf32>
        %mul3A_1177 = vector.broadcast %squeeze3A_1091 : f32 to vector<16xf32>
        %mul3A_1178 = arith.mulf %get3A_1176, %mul3A_1177 : vector<16xf32>
        %swap3A_1179 = arith.index_cast %add3A_1095 : i32 to index
        %swap3A_1180 = arith.constant 112 : index
        %swap3A_1181 = tpu.vector_load %arg10[%swap3A_1179, %swap3A_1180] {strides = array<i32>} : memref<128x128xf32, #tpu.memory_space<vmem>>, vector<1x16xf32>,
        %swap3A_1182 = vector.shape_cast %swap3A_1181 : vector<1x16xf32> to vector<16xf32>
        %swap3A_1183 = vector.shape_cast %mul3A_1178 : vector<16xf32> to vector<1x16xf32>
        tpu.vector_store %arg10[%swap3A_1179, %swap3A_1180], %swap3A_1183 {strides = array<i32>} : memref<128x128xf32, #tpu.memory_space<vmem>>, vector<1x16xf32>,
        %slice3A_1184 = vector.extract_strided_slice %get3A_58 {offsets = [12], sizes = [1], strides = [1]} : vector<16xf32> to vector<1xf32>
        %squeeze3A_1185 = vector.extract %slice3A_1184[0] : f32 from vector<1xf32>
        %mul3A_1186 = arith.constant 16 : i32
        %mul3A_1187 = arith.muli %scan3A_54, %mul3A_1186 : i32
        %add3A_1188 = arith.constant 12 : i32
        %add3A_1189 = arith.addi %mul3A_1187, %add3A_1188 : i32
        %get3A_1190 = arith.index_cast %add3A_1189 : i32 to index
        %get3A_1191 = arith.constant 0 : index
        %get3A_1192 = tpu.vector_load %arg10[%get3A_1190, %get3A_1191] {strides = array<i32>} : memref<128x128xf32, #tpu.memory_space<vmem>>, vector<1x16xf32>,
        %get3A_1193 = vector.shape_cast %get3A_1192 : vector<1x16xf32> to vector<16xf32>
        %mul3A_1194 = vector.broadcast %squeeze3A_1185 : f32 to vector<16xf32>
        %mul3A_1195 = arith.mulf %get3A_1193, %mul3A_1194 : vector<16xf32>
        %swap3A_1196 = arith.index_cast %add3A_1189 : i32 to index
        %swap3A_1197 = arith.constant 0 : index
        %swap3A_1198 = tpu.vector_load %arg10[%swap3A_1196, %swap3A_1197] {strides = array<i32>} : memref<128x128xf32, #tpu.memory_space<vmem>>, vector<1x16xf32>,
        %swap3A_1199 = vector.shape_cast %swap3A_1198 : vector<1x16xf32> to vector<16xf32>
        %swap3A_1200 = vector.shape_cast %mul3A_1195 : vector<16xf32> to vector<1x16xf32>
        tpu.vector_store %arg10[%swap3A_1196, %swap3A_1197], %swap3A_1200 {strides = array<i32>} : memref<128x128xf32, #tpu.memory_space<vmem>>, vector<1x16xf32>,
        %get3A_1201 = arith.index_cast %add3A_1189 : i32 to index
        %get3A_1202 = arith.constant 16 : index
        %get3A_1203 = tpu.vector_load %arg10[%get3A_1201, %get3A_1202] {strides = array<i32>} : memref<128x128xf32, #tpu.memory_space<vmem>>, vector<1x16xf32>,
        %get3A_1204 = vector.shape_cast %get3A_1203 : vector<1x16xf32> to vector<16xf32>
        %mul3A_1205 = vector.broadcast %squeeze3A_1185 : f32 to vector<16xf32>
        %mul3A_1206 = arith.mulf %get3A_1204, %mul3A_1205 : vector<16xf32>
        %swap3A_1207 = arith.index_cast %add3A_1189 : i32 to index
        %swap3A_1208 = arith.constant 16 : index
        %swap3A_1209 = tpu.vector_load %arg10[%swap3A_1207, %swap3A_1208] {strides = array<i32>} : memref<128x128xf32, #tpu.memory_space<vmem>>, vector<1x16xf32>,
        %swap3A_1210 = vector.shape_cast %swap3A_1209 : vector<1x16xf32> to vector<16xf32>
        %swap3A_1211 = vector.shape_cast %mul3A_1206 : vector<16xf32> to vector<1x16xf32>
        tpu.vector_store %arg10[%swap3A_1207, %swap3A_1208], %swap3A_1211 {strides = array<i32>} : memref<128x128xf32, #tpu.memory_space<vmem>>, vector<1x16xf32>,
        %get3A_1212 = arith.index_cast %add3A_1189 : i32 to index
        %get3A_1213 = arith.constant 32 : index
        %get3A_1214 = tpu.vector_load %arg10[%get3A_1212, %get3A_1213] {strides = array<i32>} : memref<128x128xf32, #tpu.memory_space<vmem>>, vector<1x16xf32>,
        %get3A_1215 = vector.shape_cast %get3A_1214 : vector<1x16xf32> to vector<16xf32>
        %mul3A_1216 = vector.broadcast %squeeze3A_1185 : f32 to vector<16xf32>
        %mul3A_1217 = arith.mulf %get3A_1215, %mul3A_1216 : vector<16xf32>
        %swap3A_1218 = arith.index_cast %add3A_1189 : i32 to index
        %swap3A_1219 = arith.constant 32 : index
        %swap3A_1220 = tpu.vector_load %arg10[%swap3A_1218, %swap3A_1219] {strides = array<i32>} : memref<128x128xf32, #tpu.memory_space<vmem>>, vector<1x16xf32>,
        %swap3A_1221 = vector.shape_cast %swap3A_1220 : vector<1x16xf32> to vector<16xf32>
        %swap3A_1222 = vector.shape_cast %mul3A_1217 : vector<16xf32> to vector<1x16xf32>
        tpu.vector_store %arg10[%swap3A_1218, %swap3A_1219], %swap3A_1222 {strides = array<i32>} : memref<128x128xf32, #tpu.memory_space<vmem>>, vector<1x16xf32>,
        %get3A_1223 = arith.index_cast %add3A_1189 : i32 to index
        %get3A_1224 = arith.constant 48 : index
        %get3A_1225 = tpu.vector_load %arg10[%get3A_1223, %get3A_1224] {strides = array<i32>} : memref<128x128xf32, #tpu.memory_space<vmem>>, vector<1x16xf32>,
        %get3A_1226 = vector.shape_cast %get3A_1225 : vector<1x16xf32> to vector<16xf32>
        %mul3A_1227 = vector.broadcast %squeeze3A_1185 : f32 to vector<16xf32>
        %mul3A_1228 = arith.mulf %get3A_1226, %mul3A_1227 : vector<16xf32>
        %swap3A_1229 = arith.index_cast %add3A_1189 : i32 to index
        %swap3A_1230 = arith.constant 48 : index
        %swap3A_1231 = tpu.vector_load %arg10[%swap3A_1229, %swap3A_1230] {strides = array<i32>} : memref<128x128xf32, #tpu.memory_space<vmem>>, vector<1x16xf32>,
        %swap3A_1232 = vector.shape_cast %swap3A_1231 : vector<1x16xf32> to vector<16xf32>
        %swap3A_1233 = vector.shape_cast %mul3A_1228 : vector<16xf32> to vector<1x16xf32>
        tpu.vector_store %arg10[%swap3A_1229, %swap3A_1230], %swap3A_1233 {strides = array<i32>} : memref<128x128xf32, #tpu.memory_space<vmem>>, vector<1x16xf32>,
        %get3A_1234 = arith.index_cast %add3A_1189 : i32 to index
        %get3A_1235 = arith.constant 64 : index
        %get3A_1236 = tpu.vector_load %arg10[%get3A_1234, %get3A_1235] {strides = array<i32>} : memref<128x128xf32, #tpu.memory_space<vmem>>, vector<1x16xf32>,
        %get3A_1237 = vector.shape_cast %get3A_1236 : vector<1x16xf32> to vector<16xf32>
        %mul3A_1238 = vector.broadcast %squeeze3A_1185 : f32 to vector<16xf32>
        %mul3A_1239 = arith.mulf %get3A_1237, %mul3A_1238 : vector<16xf32>
        %swap3A_1240 = arith.index_cast %add3A_1189 : i32 to index
        %swap3A_1241 = arith.constant 64 : index
        %swap3A_1242 = tpu.vector_load %arg10[%swap3A_1240, %swap3A_1241] {strides = array<i32>} : memref<128x128xf32, #tpu.memory_space<vmem>>, vector<1x16xf32>,
        %swap3A_1243 = vector.shape_cast %swap3A_1242 : vector<1x16xf32> to vector<16xf32>
        %swap3A_1244 = vector.shape_cast %mul3A_1239 : vector<16xf32> to vector<1x16xf32>
        tpu.vector_store %arg10[%swap3A_1240, %swap3A_1241], %swap3A_1244 {strides = array<i32>} : memref<128x128xf32, #tpu.memory_space<vmem>>, vector<1x16xf32>,
        %get3A_1245 = arith.index_cast %add3A_1189 : i32 to index
        %get3A_1246 = arith.constant 80 : index
        %get3A_1247 = tpu.vector_load %arg10[%get3A_1245, %get3A_1246] {strides = array<i32>} : memref<128x128xf32, #tpu.memory_space<vmem>>, vector<1x16xf32>,
        %get3A_1248 = vector.shape_cast %get3A_1247 : vector<1x16xf32> to vector<16xf32>
        %mul3A_1249 = vector.broadcast %squeeze3A_1185 : f32 to vector<16xf32>
        %mul3A_1250 = arith.mulf %get3A_1248, %mul3A_1249 : vector<16xf32>
        %swap3A_1251 = arith.index_cast %add3A_1189 : i32 to index
        %swap3A_1252 = arith.constant 80 : index
        %swap3A_1253 = tpu.vector_load %arg10[%swap3A_1251, %swap3A_1252] {strides = array<i32>} : memref<128x128xf32, #tpu.memory_space<vmem>>, vector<1x16xf32>,
        %swap3A_1254 = vector.shape_cast %swap3A_1253 : vector<1x16xf32> to vector<16xf32>
        %swap3A_1255 = vector.shape_cast %mul3A_1250 : vector<16xf32> to vector<1x16xf32>
        tpu.vector_store %arg10[%swap3A_1251, %swap3A_1252], %swap3A_1255 {strides = array<i32>} : memref<128x128xf32, #tpu.memory_space<vmem>>, vector<1x16xf32>,
        %get3A_1256 = arith.index_cast %add3A_1189 : i32 to index
        %get3A_1257 = arith.constant 96 : index
        %get3A_1258 = tpu.vector_load %arg10[%get3A_1256, %get3A_1257] {strides = array<i32>} : memref<128x128xf32, #tpu.memory_space<vmem>>, vector<1x16xf32>,
        %get3A_1259 = vector.shape_cast %get3A_1258 : vector<1x16xf32> to vector<16xf32>
        %mul3A_1260 = vector.broadcast %squeeze3A_1185 : f32 to vector<16xf32>
        %mul3A_1261 = arith.mulf %get3A_1259, %mul3A_1260 : vector<16xf32>
        %swap3A_1262 = arith.index_cast %add3A_1189 : i32 to index
        %swap3A_1263 = arith.constant 96 : index
        %swap3A_1264 = tpu.vector_load %arg10[%swap3A_1262, %swap3A_1263] {strides = array<i32>} : memref<128x128xf32, #tpu.memory_space<vmem>>, vector<1x16xf32>,
        %swap3A_1265 = vector.shape_cast %swap3A_1264 : vector<1x16xf32> to vector<16xf32>
        %swap3A_1266 = vector.shape_cast %mul3A_1261 : vector<16xf32> to vector<1x16xf32>
        tpu.vector_store %arg10[%swap3A_1262, %swap3A_1263], %swap3A_1266 {strides = array<i32>} : memref<128x128xf32, #tpu.memory_space<vmem>>, vector<1x16xf32>,
        %get3A_1267 = arith.index_cast %add3A_1189 : i32 to index
        %get3A_1268 = arith.constant 112 : index
        %get3A_1269 = tpu.vector_load %arg10[%get3A_1267, %get3A_1268] {strides = array<i32>} : memref<128x128xf32, #tpu.memory_space<vmem>>, vector<1x16xf32>,
        %get3A_1270 = vector.shape_cast %get3A_1269 : vector<1x16xf32> to vector<16xf32>
        %mul3A_1271 = vector.broadcast %squeeze3A_1185 : f32 to vector<16xf32>
        %mul3A_1272 = arith.mulf %get3A_1270, %mul3A_1271 : vector<16xf32>
        %swap3A_1273 = arith.index_cast %add3A_1189 : i32 to index
        %swap3A_1274 = arith.constant 112 : index
        %swap3A_1275 = tpu.vector_load %arg10[%swap3A_1273, %swap3A_1274] {strides = array<i32>} : memref<128x128xf32, #tpu.memory_space<vmem>>, vector<1x16xf32>,
        %swap3A_1276 = vector.shape_cast %swap3A_1275 : vector<1x16xf32> to vector<16xf32>
        %swap3A_1277 = vector.shape_cast %mul3A_1272 : vector<16xf32> to vector<1x16xf32>
        tpu.vector_store %arg10[%swap3A_1273, %swap3A_1274], %swap3A_1277 {strides = array<i32>} : memref<128x128xf32, #tpu.memory_space<vmem>>, vector<1x16xf32>,
        %slice3A_1278 = vector.extract_strided_slice %get3A_58 {offsets = [13], sizes = [1], strides = [1]} : vector<16xf32> to vector<1xf32>
        %squeeze3A_1279 = vector.extract %slice3A_1278[0] : f32 from vector<1xf32>
        %mul3A_1280 = arith.constant 16 : i32
        %mul3A_1281 = arith.muli %scan3A_54, %mul3A_1280 : i32
        %add3A_1282 = arith.constant 13 : i32
        %add3A_1283 = arith.addi %mul3A_1281, %add3A_1282 : i32
        %get3A_1284 = arith.index_cast %add3A_1283 : i32 to index
        %get3A_1285 = arith.constant 0 : index
        %get3A_1286 = tpu.vector_load %arg10[%get3A_1284, %get3A_1285] {strides = array<i32>} : memref<128x128xf32, #tpu.memory_space<vmem>>, vector<1x16xf32>,
        %get3A_1287 = vector.shape_cast %get3A_1286 : vector<1x16xf32> to vector<16xf32>
        %mul3A_1288 = vector.broadcast %squeeze3A_1279 : f32 to vector<16xf32>
        %mul3A_1289 = arith.mulf %get3A_1287, %mul3A_1288 : vector<16xf32>
        %swap3A_1290 = arith.index_cast %add3A_1283 : i32 to index
        %swap3A_1291 = arith.constant 0 : index
        %swap3A_1292 = tpu.vector_load %arg10[%swap3A_1290, %swap3A_1291] {strides = array<i32>} : memref<128x128xf32, #tpu.memory_space<vmem>>, vector<1x16xf32>,
        %swap3A_1293 = vector.shape_cast %swap3A_1292 : vector<1x16xf32> to vector<16xf32>
        %swap3A_1294 = vector.shape_cast %mul3A_1289 : vector<16xf32> to vector<1x16xf32>
        tpu.vector_store %arg10[%swap3A_1290, %swap3A_1291], %swap3A_1294 {strides = array<i32>} : memref<128x128xf32, #tpu.memory_space<vmem>>, vector<1x16xf32>,
        %get3A_1295 = arith.index_cast %add3A_1283 : i32 to index
        %get3A_1296 = arith.constant 16 : index
        %get3A_1297 = tpu.vector_load %arg10[%get3A_1295, %get3A_1296] {strides = array<i32>} : memref<128x128xf32, #tpu.memory_space<vmem>>, vector<1x16xf32>,
        %get3A_1298 = vector.shape_cast %get3A_1297 : vector<1x16xf32> to vector<16xf32>
        %mul3A_1299 = vector.broadcast %squeeze3A_1279 : f32 to vector<16xf32>
        %mul3A_1300 = arith.mulf %get3A_1298, %mul3A_1299 : vector<16xf32>
        %swap3A_1301 = arith.index_cast %add3A_1283 : i32 to index
        %swap3A_1302 = arith.constant 16 : index
        %swap3A_1303 = tpu.vector_load %arg10[%swap3A_1301, %swap3A_1302] {strides = array<i32>} : memref<128x128xf32, #tpu.memory_space<vmem>>, vector<1x16xf32>,
        %swap3A_1304 = vector.shape_cast %swap3A_1303 : vector<1x16xf32> to vector<16xf32>
        %swap3A_1305 = vector.shape_cast %mul3A_1300 : vector<16xf32> to vector<1x16xf32>
        tpu.vector_store %arg10[%swap3A_1301, %swap3A_1302], %swap3A_1305 {strides = array<i32>} : memref<128x128xf32, #tpu.memory_space<vmem>>, vector<1x16xf32>,
        %get3A_1306 = arith.index_cast %add3A_1283 : i32 to index
        %get3A_1307 = arith.constant 32 : index
        %get3A_1308 = tpu.vector_load %arg10[%get3A_1306, %get3A_1307] {strides = array<i32>} : memref<128x128xf32, #tpu.memory_space<vmem>>, vector<1x16xf32>,
        %get3A_1309 = vector.shape_cast %get3A_1308 : vector<1x16xf32> to vector<16xf32>
        %mul3A_1310 = vector.broadcast %squeeze3A_1279 : f32 to vector<16xf32>
        %mul3A_1311 = arith.mulf %get3A_1309, %mul3A_1310 : vector<16xf32>
        %swap3A_1312 = arith.index_cast %add3A_1283 : i32 to index
        %swap3A_1313 = arith.constant 32 : index
        %swap3A_1314 = tpu.vector_load %arg10[%swap3A_1312, %swap3A_1313] {strides = array<i32>} : memref<128x128xf32, #tpu.memory_space<vmem>>, vector<1x16xf32>,
        %swap3A_1315 = vector.shape_cast %swap3A_1314 : vector<1x16xf32> to vector<16xf32>
        %swap3A_1316 = vector.shape_cast %mul3A_1311 : vector<16xf32> to vector<1x16xf32>
        tpu.vector_store %arg10[%swap3A_1312, %swap3A_1313], %swap3A_1316 {strides = array<i32>} : memref<128x128xf32, #tpu.memory_space<vmem>>, vector<1x16xf32>,
        %get3A_1317 = arith.index_cast %add3A_1283 : i32 to index
        %get3A_1318 = arith.constant 48 : index
        %get3A_1319 = tpu.vector_load %arg10[%get3A_1317, %get3A_1318] {strides = array<i32>} : memref<128x128xf32, #tpu.memory_space<vmem>>, vector<1x16xf32>,
        %get3A_1320 = vector.shape_cast %get3A_1319 : vector<1x16xf32> to vector<16xf32>
        %mul3A_1321 = vector.broadcast %squeeze3A_1279 : f32 to vector<16xf32>
        %mul3A_1322 = arith.mulf %get3A_1320, %mul3A_1321 : vector<16xf32>
        %swap3A_1323 = arith.index_cast %add3A_1283 : i32 to index
        %swap3A_1324 = arith.constant 48 : index
        %swap3A_1325 = tpu.vector_load %arg10[%swap3A_1323, %swap3A_1324] {strides = array<i32>} : memref<128x128xf32, #tpu.memory_space<vmem>>, vector<1x16xf32>,
        %swap3A_1326 = vector.shape_cast %swap3A_1325 : vector<1x16xf32> to vector<16xf32>
        %swap3A_1327 = vector.shape_cast %mul3A_1322 : vector<16xf32> to vector<1x16xf32>
        tpu.vector_store %arg10[%swap3A_1323, %swap3A_1324], %swap3A_1327 {strides = array<i32>} : memref<128x128xf32, #tpu.memory_space<vmem>>, vector<1x16xf32>,
        %get3A_1328 = arith.index_cast %add3A_1283 : i32 to index
        %get3A_1329 = arith.constant 64 : index
        %get3A_1330 = tpu.vector_load %arg10[%get3A_1328, %get3A_1329] {strides = array<i32>} : memref<128x128xf32, #tpu.memory_space<vmem>>, vector<1x16xf32>,
        %get3A_1331 = vector.shape_cast %get3A_1330 : vector<1x16xf32> to vector<16xf32>
        %mul3A_1332 = vector.broadcast %squeeze3A_1279 : f32 to vector<16xf32>
        %mul3A_1333 = arith.mulf %get3A_1331, %mul3A_1332 : vector<16xf32>
        %swap3A_1334 = arith.index_cast %add3A_1283 : i32 to index
        %swap3A_1335 = arith.constant 64 : index
        %swap3A_1336 = tpu.vector_load %arg10[%swap3A_1334, %swap3A_1335] {strides = array<i32>} : memref<128x128xf32, #tpu.memory_space<vmem>>, vector<1x16xf32>,
        %swap3A_1337 = vector.shape_cast %swap3A_1336 : vector<1x16xf32> to vector<16xf32>
        %swap3A_1338 = vector.shape_cast %mul3A_1333 : vector<16xf32> to vector<1x16xf32>
        tpu.vector_store %arg10[%swap3A_1334, %swap3A_1335], %swap3A_1338 {strides = array<i32>} : memref<128x128xf32, #tpu.memory_space<vmem>>, vector<1x16xf32>,
        %get3A_1339 = arith.index_cast %add3A_1283 : i32 to index
        %get3A_1340 = arith.constant 80 : index
        %get3A_1341 = tpu.vector_load %arg10[%get3A_1339, %get3A_1340] {strides = array<i32>} : memref<128x128xf32, #tpu.memory_space<vmem>>, vector<1x16xf32>,
        %get3A_1342 = vector.shape_cast %get3A_1341 : vector<1x16xf32> to vector<16xf32>
        %mul3A_1343 = vector.broadcast %squeeze3A_1279 : f32 to vector<16xf32>
        %mul3A_1344 = arith.mulf %get3A_1342, %mul3A_1343 : vector<16xf32>
        %swap3A_1345 = arith.index_cast %add3A_1283 : i32 to index
        %swap3A_1346 = arith.constant 80 : index
        %swap3A_1347 = tpu.vector_load %arg10[%swap3A_1345, %swap3A_1346] {strides = array<i32>} : memref<128x128xf32, #tpu.memory_space<vmem>>, vector<1x16xf32>,
        %swap3A_1348 = vector.shape_cast %swap3A_1347 : vector<1x16xf32> to vector<16xf32>
        %swap3A_1349 = vector.shape_cast %mul3A_1344 : vector<16xf32> to vector<1x16xf32>
        tpu.vector_store %arg10[%swap3A_1345, %swap3A_1346], %swap3A_1349 {strides = array<i32>} : memref<128x128xf32, #tpu.memory_space<vmem>>, vector<1x16xf32>,
        %get3A_1350 = arith.index_cast %add3A_1283 : i32 to index
        %get3A_1351 = arith.constant 96 : index
        %get3A_1352 = tpu.vector_load %arg10[%get3A_1350, %get3A_1351] {strides = array<i32>} : memref<128x128xf32, #tpu.memory_space<vmem>>, vector<1x16xf32>,
        %get3A_1353 = vector.shape_cast %get3A_1352 : vector<1x16xf32> to vector<16xf32>
        %mul3A_1354 = vector.broadcast %squeeze3A_1279 : f32 to vector<16xf32>
        %mul3A_1355 = arith.mulf %get3A_1353, %mul3A_1354 : vector<16xf32>
        %swap3A_1356 = arith.index_cast %add3A_1283 : i32 to index
        %swap3A_1357 = arith.constant 96 : index
        %swap3A_1358 = tpu.vector_load %arg10[%swap3A_1356, %swap3A_1357] {strides = array<i32>} : memref<128x128xf32, #tpu.memory_space<vmem>>, vector<1x16xf32>,
        %swap3A_1359 = vector.shape_cast %swap3A_1358 : vector<1x16xf32> to vector<16xf32>
        %swap3A_1360 = vector.shape_cast %mul3A_1355 : vector<16xf32> to vector<1x16xf32>
        tpu.vector_store %arg10[%swap3A_1356, %swap3A_1357], %swap3A_1360 {strides = array<i32>} : memref<128x128xf32, #tpu.memory_space<vmem>>, vector<1x16xf32>,
        %get3A_1361 = arith.index_cast %add3A_1283 : i32 to index
        %get3A_1362 = arith.constant 112 : index
        %get3A_1363 = tpu.vector_load %arg10[%get3A_1361, %get3A_1362] {strides = array<i32>} : memref<128x128xf32, #tpu.memory_space<vmem>>, vector<1x16xf32>,
        %get3A_1364 = vector.shape_cast %get3A_1363 : vector<1x16xf32> to vector<16xf32>
        %mul3A_1365 = vector.broadcast %squeeze3A_1279 : f32 to vector<16xf32>
        %mul3A_1366 = arith.mulf %get3A_1364, %mul3A_1365 : vector<16xf32>
        %swap3A_1367 = arith.index_cast %add3A_1283 : i32 to index
        %swap3A_1368 = arith.constant 112 : index
        %swap3A_1369 = tpu.vector_load %arg10[%swap3A_1367, %swap3A_1368] {strides = array<i32>} : memref<128x128xf32, #tpu.memory_space<vmem>>, vector<1x16xf32>,
        %swap3A_1370 = vector.shape_cast %swap3A_1369 : vector<1x16xf32> to vector<16xf32>
        %swap3A_1371 = vector.shape_cast %mul3A_1366 : vector<16xf32> to vector<1x16xf32>
        tpu.vector_store %arg10[%swap3A_1367, %swap3A_1368], %swap3A_1371 {strides = array<i32>} : memref<128x128xf32, #tpu.memory_space<vmem>>, vector<1x16xf32>,
        %slice3A_1372 = vector.extract_strided_slice %get3A_58 {offsets = [14], sizes = [1], strides = [1]} : vector<16xf32> to vector<1xf32>
        %squeeze3A_1373 = vector.extract %slice3A_1372[0] : f32 from vector<1xf32>
        %mul3A_1374 = arith.constant 16 : i32
        %mul3A_1375 = arith.muli %scan3A_54, %mul3A_1374 : i32
        %add3A_1376 = arith.constant 14 : i32
        %add3A_1377 = arith.addi %mul3A_1375, %add3A_1376 : i32
        %get3A_1378 = arith.index_cast %add3A_1377 : i32 to index
        %get3A_1379 = arith.constant 0 : index
        %get3A_1380 = tpu.vector_load %arg10[%get3A_1378, %get3A_1379] {strides = array<i32>} : memref<128x128xf32, #tpu.memory_space<vmem>>, vector<1x16xf32>,
        %get3A_1381 = vector.shape_cast %get3A_1380 : vector<1x16xf32> to vector<16xf32>
        %mul3A_1382 = vector.broadcast %squeeze3A_1373 : f32 to vector<16xf32>
        %mul3A_1383 = arith.mulf %get3A_1381, %mul3A_1382 : vector<16xf32>
        %swap3A_1384 = arith.index_cast %add3A_1377 : i32 to index
        %swap3A_1385 = arith.constant 0 : index
        %swap3A_1386 = tpu.vector_load %arg10[%swap3A_1384, %swap3A_1385] {strides = array<i32>} : memref<128x128xf32, #tpu.memory_space<vmem>>, vector<1x16xf32>,
        %swap3A_1387 = vector.shape_cast %swap3A_1386 : vector<1x16xf32> to vector<16xf32>
        %swap3A_1388 = vector.shape_cast %mul3A_1383 : vector<16xf32> to vector<1x16xf32>
        tpu.vector_store %arg10[%swap3A_1384, %swap3A_1385], %swap3A_1388 {strides = array<i32>} : memref<128x128xf32, #tpu.memory_space<vmem>>, vector<1x16xf32>,
        %get3A_1389 = arith.index_cast %add3A_1377 : i32 to index
        %get3A_1390 = arith.constant 16 : index
        %get3A_1391 = tpu.vector_load %arg10[%get3A_1389, %get3A_1390] {strides = array<i32>} : memref<128x128xf32, #tpu.memory_space<vmem>>, vector<1x16xf32>,
        %get3A_1392 = vector.shape_cast %get3A_1391 : vector<1x16xf32> to vector<16xf32>
        %mul3A_1393 = vector.broadcast %squeeze3A_1373 : f32 to vector<16xf32>
        %mul3A_1394 = arith.mulf %get3A_1392, %mul3A_1393 : vector<16xf32>
        %swap3A_1395 = arith.index_cast %add3A_1377 : i32 to index
        %swap3A_1396 = arith.constant 16 : index
        %swap3A_1397 = tpu.vector_load %arg10[%swap3A_1395, %swap3A_1396] {strides = array<i32>} : memref<128x128xf32, #tpu.memory_space<vmem>>, vector<1x16xf32>,
        %swap3A_1398 = vector.shape_cast %swap3A_1397 : vector<1x16xf32> to vector<16xf32>
        %swap3A_1399 = vector.shape_cast %mul3A_1394 : vector<16xf32> to vector<1x16xf32>
        tpu.vector_store %arg10[%swap3A_1395, %swap3A_1396], %swap3A_1399 {strides = array<i32>} : memref<128x128xf32, #tpu.memory_space<vmem>>, vector<1x16xf32>,
        %get3A_1400 = arith.index_cast %add3A_1377 : i32 to index
        %get3A_1401 = arith.constant 32 : index
        %get3A_1402 = tpu.vector_load %arg10[%get3A_1400, %get3A_1401] {strides = array<i32>} : memref<128x128xf32, #tpu.memory_space<vmem>>, vector<1x16xf32>,
        %get3A_1403 = vector.shape_cast %get3A_1402 : vector<1x16xf32> to vector<16xf32>
        %mul3A_1404 = vector.broadcast %squeeze3A_1373 : f32 to vector<16xf32>
        %mul3A_1405 = arith.mulf %get3A_1403, %mul3A_1404 : vector<16xf32>
        %swap3A_1406 = arith.index_cast %add3A_1377 : i32 to index
        %swap3A_1407 = arith.constant 32 : index
        %swap3A_1408 = tpu.vector_load %arg10[%swap3A_1406, %swap3A_1407] {strides = array<i32>} : memref<128x128xf32, #tpu.memory_space<vmem>>, vector<1x16xf32>,
        %swap3A_1409 = vector.shape_cast %swap3A_1408 : vector<1x16xf32> to vector<16xf32>
        %swap3A_1410 = vector.shape_cast %mul3A_1405 : vector<16xf32> to vector<1x16xf32>
        tpu.vector_store %arg10[%swap3A_1406, %swap3A_1407], %swap3A_1410 {strides = array<i32>} : memref<128x128xf32, #tpu.memory_space<vmem>>, vector<1x16xf32>,
        %get3A_1411 = arith.index_cast %add3A_1377 : i32 to index
        %get3A_1412 = arith.constant 48 : index
        %get3A_1413 = tpu.vector_load %arg10[%get3A_1411, %get3A_1412] {strides = array<i32>} : memref<128x128xf32, #tpu.memory_space<vmem>>, vector<1x16xf32>,
        %get3A_1414 = vector.shape_cast %get3A_1413 : vector<1x16xf32> to vector<16xf32>
        %mul3A_1415 = vector.broadcast %squeeze3A_1373 : f32 to vector<16xf32>
        %mul3A_1416 = arith.mulf %get3A_1414, %mul3A_1415 : vector<16xf32>
        %swap3A_1417 = arith.index_cast %add3A_1377 : i32 to index
        %swap3A_1418 = arith.constant 48 : index
        %swap3A_1419 = tpu.vector_load %arg10[%swap3A_1417, %swap3A_1418] {strides = array<i32>} : memref<128x128xf32, #tpu.memory_space<vmem>>, vector<1x16xf32>,
        %swap3A_1420 = vector.shape_cast %swap3A_1419 : vector<1x16xf32> to vector<16xf32>
        %swap3A_1421 = vector.shape_cast %mul3A_1416 : vector<16xf32> to vector<1x16xf32>
        tpu.vector_store %arg10[%swap3A_1417, %swap3A_1418], %swap3A_1421 {strides = array<i32>} : memref<128x128xf32, #tpu.memory_space<vmem>>, vector<1x16xf32>,
        %get3A_1422 = arith.index_cast %add3A_1377 : i32 to index
        %get3A_1423 = arith.constant 64 : index
        %get3A_1424 = tpu.vector_load %arg10[%get3A_1422, %get3A_1423] {strides = array<i32>} : memref<128x128xf32, #tpu.memory_space<vmem>>, vector<1x16xf32>,
        %get3A_1425 = vector.shape_cast %get3A_1424 : vector<1x16xf32> to vector<16xf32>
        %mul3A_1426 = vector.broadcast %squeeze3A_1373 : f32 to vector<16xf32>
        %mul3A_1427 = arith.mulf %get3A_1425, %mul3A_1426 : vector<16xf32>
        %swap3A_1428 = arith.index_cast %add3A_1377 : i32 to index
        %swap3A_1429 = arith.constant 64 : index
        %swap3A_1430 = tpu.vector_load %arg10[%swap3A_1428, %swap3A_1429] {strides = array<i32>} : memref<128x128xf32, #tpu.memory_space<vmem>>, vector<1x16xf32>,
        %swap3A_1431 = vector.shape_cast %swap3A_1430 : vector<1x16xf32> to vector<16xf32>
        %swap3A_1432 = vector.shape_cast %mul3A_1427 : vector<16xf32> to vector<1x16xf32>
        tpu.vector_store %arg10[%swap3A_1428, %swap3A_1429], %swap3A_1432 {strides = array<i32>} : memref<128x128xf32, #tpu.memory_space<vmem>>, vector<1x16xf32>,
        %get3A_1433 = arith.index_cast %add3A_1377 : i32 to index
        %get3A_1434 = arith.constant 80 : index
        %get3A_1435 = tpu.vector_load %arg10[%get3A_1433, %get3A_1434] {strides = array<i32>} : memref<128x128xf32, #tpu.memory_space<vmem>>, vector<1x16xf32>,
        %get3A_1436 = vector.shape_cast %get3A_1435 : vector<1x16xf32> to vector<16xf32>
        %mul3A_1437 = vector.broadcast %squeeze3A_1373 : f32 to vector<16xf32>
        %mul3A_1438 = arith.mulf %get3A_1436, %mul3A_1437 : vector<16xf32>
        %swap3A_1439 = arith.index_cast %add3A_1377 : i32 to index
        %swap3A_1440 = arith.constant 80 : index
        %swap3A_1441 = tpu.vector_load %arg10[%swap3A_1439, %swap3A_1440] {strides = array<i32>} : memref<128x128xf32, #tpu.memory_space<vmem>>, vector<1x16xf32>,
        %swap3A_1442 = vector.shape_cast %swap3A_1441 : vector<1x16xf32> to vector<16xf32>
        %swap3A_1443 = vector.shape_cast %mul3A_1438 : vector<16xf32> to vector<1x16xf32>
        tpu.vector_store %arg10[%swap3A_1439, %swap3A_1440], %swap3A_1443 {strides = array<i32>} : memref<128x128xf32, #tpu.memory_space<vmem>>, vector<1x16xf32>,
        %get3A_1444 = arith.index_cast %add3A_1377 : i32 to index
        %get3A_1445 = arith.constant 96 : index
        %get3A_1446 = tpu.vector_load %arg10[%get3A_1444, %get3A_1445] {strides = array<i32>} : memref<128x128xf32, #tpu.memory_space<vmem>>, vector<1x16xf32>,
        %get3A_1447 = vector.shape_cast %get3A_1446 : vector<1x16xf32> to vector<16xf32>
        %mul3A_1448 = vector.broadcast %squeeze3A_1373 : f32 to vector<16xf32>
        %mul3A_1449 = arith.mulf %get3A_1447, %mul3A_1448 : vector<16xf32>
        %swap3A_1450 = arith.index_cast %add3A_1377 : i32 to index
        %swap3A_1451 = arith.constant 96 : index
        %swap3A_1452 = tpu.vector_load %arg10[%swap3A_1450, %swap3A_1451] {strides = array<i32>} : memref<128x128xf32, #tpu.memory_space<vmem>>, vector<1x16xf32>,
        %swap3A_1453 = vector.shape_cast %swap3A_1452 : vector<1x16xf32> to vector<16xf32>
        %swap3A_1454 = vector.shape_cast %mul3A_1449 : vector<16xf32> to vector<1x16xf32>
        tpu.vector_store %arg10[%swap3A_1450, %swap3A_1451], %swap3A_1454 {strides = array<i32>} : memref<128x128xf32, #tpu.memory_space<vmem>>, vector<1x16xf32>,
        %get3A_1455 = arith.index_cast %add3A_1377 : i32 to index
        %get3A_1456 = arith.constant 112 : index
        %get3A_1457 = tpu.vector_load %arg10[%get3A_1455, %get3A_1456] {strides = array<i32>} : memref<128x128xf32, #tpu.memory_space<vmem>>, vector<1x16xf32>,
        %get3A_1458 = vector.shape_cast %get3A_1457 : vector<1x16xf32> to vector<16xf32>
        %mul3A_1459 = vector.broadcast %squeeze3A_1373 : f32 to vector<16xf32>
        %mul3A_1460 = arith.mulf %get3A_1458, %mul3A_1459 : vector<16xf32>
        %swap3A_1461 = arith.index_cast %add3A_1377 : i32 to index
        %swap3A_1462 = arith.constant 112 : index
        %swap3A_1463 = tpu.vector_load %arg10[%swap3A_1461, %swap3A_1462] {strides = array<i32>} : memref<128x128xf32, #tpu.memory_space<vmem>>, vector<1x16xf32>,
        %swap3A_1464 = vector.shape_cast %swap3A_1463 : vector<1x16xf32> to vector<16xf32>
        %swap3A_1465 = vector.shape_cast %mul3A_1460 : vector<16xf32> to vector<1x16xf32>
        tpu.vector_store %arg10[%swap3A_1461, %swap3A_1462], %swap3A_1465 {strides = array<i32>} : memref<128x128xf32, #tpu.memory_space<vmem>>, vector<1x16xf32>,
        %slice3A_1466 = vector.extract_strided_slice %get3A_58 {offsets = [15], sizes = [1], strides = [1]} : vector<16xf32> to vector<1xf32>
        %squeeze3A_1467 = vector.extract %slice3A_1466[0] : f32 from vector<1xf32>
        %mul3A_1468 = arith.constant 16 : i32
        %mul3A_1469 = arith.muli %scan3A_54, %mul3A_1468 : i32
        %add3A_1470 = arith.constant 15 : i32
        %add3A_1471 = arith.addi %mul3A_1469, %add3A_1470 : i32
        %get3A_1472 = arith.index_cast %add3A_1471 : i32 to index
        %get3A_1473 = arith.constant 0 : index
        %get3A_1474 = tpu.vector_load %arg10[%get3A_1472, %get3A_1473] {strides = array<i32>} : memref<128x128xf32, #tpu.memory_space<vmem>>, vector<1x16xf32>,
        %get3A_1475 = vector.shape_cast %get3A_1474 : vector<1x16xf32> to vector<16xf32>
        %mul3A_1476 = vector.broadcast %squeeze3A_1467 : f32 to vector<16xf32>
        %mul3A_1477 = arith.mulf %get3A_1475, %mul3A_1476 : vector<16xf32>
        %swap3A_1478 = arith.index_cast %add3A_1471 : i32 to index
        %swap3A_1479 = arith.constant 0 : index
        %swap3A_1480 = tpu.vector_load %arg10[%swap3A_1478, %swap3A_1479] {strides = array<i32>} : memref<128x128xf32, #tpu.memory_space<vmem>>, vector<1x16xf32>,
        %swap3A_1481 = vector.shape_cast %swap3A_1480 : vector<1x16xf32> to vector<16xf32>
        %swap3A_1482 = vector.shape_cast %mul3A_1477 : vector<16xf32> to vector<1x16xf32>
        tpu.vector_store %arg10[%swap3A_1478, %swap3A_1479], %swap3A_1482 {strides = array<i32>} : memref<128x128xf32, #tpu.memory_space<vmem>>, vector<1x16xf32>,
        %get3A_1483 = arith.index_cast %add3A_1471 : i32 to index
        %get3A_1484 = arith.constant 16 : index
        %get3A_1485 = tpu.vector_load %arg10[%get3A_1483, %get3A_1484] {strides = array<i32>} : memref<128x128xf32, #tpu.memory_space<vmem>>, vector<1x16xf32>,
        %get3A_1486 = vector.shape_cast %get3A_1485 : vector<1x16xf32> to vector<16xf32>
        %mul3A_1487 = vector.broadcast %squeeze3A_1467 : f32 to vector<16xf32>
        %mul3A_1488 = arith.mulf %get3A_1486, %mul3A_1487 : vector<16xf32>
        %swap3A_1489 = arith.index_cast %add3A_1471 : i32 to index
        %swap3A_1490 = arith.constant 16 : index
        %swap3A_1491 = tpu.vector_load %arg10[%swap3A_1489, %swap3A_1490] {strides = array<i32>} : memref<128x128xf32, #tpu.memory_space<vmem>>, vector<1x16xf32>,
        %swap3A_1492 = vector.shape_cast %swap3A_1491 : vector<1x16xf32> to vector<16xf32>
        %swap3A_1493 = vector.shape_cast %mul3A_1488 : vector<16xf32> to vector<1x16xf32>
        tpu.vector_store %arg10[%swap3A_1489, %swap3A_1490], %swap3A_1493 {strides = array<i32>} : memref<128x128xf32, #tpu.memory_space<vmem>>, vector<1x16xf32>,
        %get3A_1494 = arith.index_cast %add3A_1471 : i32 to index
        %get3A_1495 = arith.constant 32 : index
        %get3A_1496 = tpu.vector_load %arg10[%get3A_1494, %get3A_1495] {strides = array<i32>} : memref<128x128xf32, #tpu.memory_space<vmem>>, vector<1x16xf32>,
        %get3A_1497 = vector.shape_cast %get3A_1496 : vector<1x16xf32> to vector<16xf32>
        %mul3A_1498 = vector.broadcast %squeeze3A_1467 : f32 to vector<16xf32>
        %mul3A_1499 = arith.mulf %get3A_1497, %mul3A_1498 : vector<16xf32>
        %swap3A_1500 = arith.index_cast %add3A_1471 : i32 to index
        %swap3A_1501 = arith.constant 32 : index
        %swap3A_1502 = tpu.vector_load %arg10[%swap3A_1500, %swap3A_1501] {strides = array<i32>} : memref<128x128xf32, #tpu.memory_space<vmem>>, vector<1x16xf32>,
        %swap3A_1503 = vector.shape_cast %swap3A_1502 : vector<1x16xf32> to vector<16xf32>
        %swap3A_1504 = vector.shape_cast %mul3A_1499 : vector<16xf32> to vector<1x16xf32>
        tpu.vector_store %arg10[%swap3A_1500, %swap3A_1501], %swap3A_1504 {strides = array<i32>} : memref<128x128xf32, #tpu.memory_space<vmem>>, vector<1x16xf32>,
        %get3A_1505 = arith.index_cast %add3A_1471 : i32 to index
        %get3A_1506 = arith.constant 48 : index
        %get3A_1507 = tpu.vector_load %arg10[%get3A_1505, %get3A_1506] {strides = array<i32>} : memref<128x128xf32, #tpu.memory_space<vmem>>, vector<1x16xf32>,
        %get3A_1508 = vector.shape_cast %get3A_1507 : vector<1x16xf32> to vector<16xf32>
        %mul3A_1509 = vector.broadcast %squeeze3A_1467 : f32 to vector<16xf32>
        %mul3A_1510 = arith.mulf %get3A_1508, %mul3A_1509 : vector<16xf32>
        %swap3A_1511 = arith.index_cast %add3A_1471 : i32 to index
        %swap3A_1512 = arith.constant 48 : index
        %swap3A_1513 = tpu.vector_load %arg10[%swap3A_1511, %swap3A_1512] {strides = array<i32>} : memref<128x128xf32, #tpu.memory_space<vmem>>, vector<1x16xf32>,
        %swap3A_1514 = vector.shape_cast %swap3A_1513 : vector<1x16xf32> to vector<16xf32>
        %swap3A_1515 = vector.shape_cast %mul3A_1510 : vector<16xf32> to vector<1x16xf32>
        tpu.vector_store %arg10[%swap3A_1511, %swap3A_1512], %swap3A_1515 {strides = array<i32>} : memref<128x128xf32, #tpu.memory_space<vmem>>, vector<1x16xf32>,
        %get3A_1516 = arith.index_cast %add3A_1471 : i32 to index
        %get3A_1517 = arith.constant 64 : index
        %get3A_1518 = tpu.vector_load %arg10[%get3A_1516, %get3A_1517] {strides = array<i32>} : memref<128x128xf32, #tpu.memory_space<vmem>>, vector<1x16xf32>,
        %get3A_1519 = vector.shape_cast %get3A_1518 : vector<1x16xf32> to vector<16xf32>
        %mul3A_1520 = vector.broadcast %squeeze3A_1467 : f32 to vector<16xf32>
        %mul3A_1521 = arith.mulf %get3A_1519, %mul3A_1520 : vector<16xf32>
        %swap3A_1522 = arith.index_cast %add3A_1471 : i32 to index
        %swap3A_1523 = arith.constant 64 : index
        %swap3A_1524 = tpu.vector_load %arg10[%swap3A_1522, %swap3A_1523] {strides = array<i32>} : memref<128x128xf32, #tpu.memory_space<vmem>>, vector<1x16xf32>,
        %swap3A_1525 = vector.shape_cast %swap3A_1524 : vector<1x16xf32> to vector<16xf32>
        %swap3A_1526 = vector.shape_cast %mul3A_1521 : vector<16xf32> to vector<1x16xf32>
        tpu.vector_store %arg10[%swap3A_1522, %swap3A_1523], %swap3A_1526 {strides = array<i32>} : memref<128x128xf32, #tpu.memory_space<vmem>>, vector<1x16xf32>,
        %get3A_1527 = arith.index_cast %add3A_1471 : i32 to index
        %get3A_1528 = arith.constant 80 : index
        %get3A_1529 = tpu.vector_load %arg10[%get3A_1527, %get3A_1528] {strides = array<i32>} : memref<128x128xf32, #tpu.memory_space<vmem>>, vector<1x16xf32>,
        %get3A_1530 = vector.shape_cast %get3A_1529 : vector<1x16xf32> to vector<16xf32>
        %mul3A_1531 = vector.broadcast %squeeze3A_1467 : f32 to vector<16xf32>
        %mul3A_1532 = arith.mulf %get3A_1530, %mul3A_1531 : vector<16xf32>
        %swap3A_1533 = arith.index_cast %add3A_1471 : i32 to index
        %swap3A_1534 = arith.constant 80 : index
        %swap3A_1535 = tpu.vector_load %arg10[%swap3A_1533, %swap3A_1534] {strides = array<i32>} : memref<128x128xf32, #tpu.memory_space<vmem>>, vector<1x16xf32>,
        %swap3A_1536 = vector.shape_cast %swap3A_1535 : vector<1x16xf32> to vector<16xf32>
        %swap3A_1537 = vector.shape_cast %mul3A_1532 : vector<16xf32> to vector<1x16xf32>
        tpu.vector_store %arg10[%swap3A_1533, %swap3A_1534], %swap3A_1537 {strides = array<i32>} : memref<128x128xf32, #tpu.memory_space<vmem>>, vector<1x16xf32>,
        %get3A_1538 = arith.index_cast %add3A_1471 : i32 to index
        %get3A_1539 = arith.constant 96 : index
        %get3A_1540 = tpu.vector_load %arg10[%get3A_1538, %get3A_1539] {strides = array<i32>} : memref<128x128xf32, #tpu.memory_space<vmem>>, vector<1x16xf32>,
        %get3A_1541 = vector.shape_cast %get3A_1540 : vector<1x16xf32> to vector<16xf32>
        %mul3A_1542 = vector.broadcast %squeeze3A_1467 : f32 to vector<16xf32>
        %mul3A_1543 = arith.mulf %get3A_1541, %mul3A_1542 : vector<16xf32>
        %swap3A_1544 = arith.index_cast %add3A_1471 : i32 to index
        %swap3A_1545 = arith.constant 96 : index
        %swap3A_1546 = tpu.vector_load %arg10[%swap3A_1544, %swap3A_1545] {strides = array<i32>} : memref<128x128xf32, #tpu.memory_space<vmem>>, vector<1x16xf32>,
        %swap3A_1547 = vector.shape_cast %swap3A_1546 : vector<1x16xf32> to vector<16xf32>
        %swap3A_1548 = vector.shape_cast %mul3A_1543 : vector<16xf32> to vector<1x16xf32>
        tpu.vector_store %arg10[%swap3A_1544, %swap3A_1545], %swap3A_1548 {strides = array<i32>} : memref<128x128xf32, #tpu.memory_space<vmem>>, vector<1x16xf32>,
        %get3A_1549 = arith.index_cast %add3A_1471 : i32 to index
        %get3A_1550 = arith.constant 112 : index
        %get3A_1551 = tpu.vector_load %arg10[%get3A_1549, %get3A_1550] {strides = array<i32>} : memref<128x128xf32, #tpu.memory_space<vmem>>, vector<1x16xf32>,
        %get3A_1552 = vector.shape_cast %get3A_1551 : vector<1x16xf32> to vector<16xf32>
        %mul3A_1553 = vector.broadcast %squeeze3A_1467 : f32 to vector<16xf32>
        %mul3A_1554 = arith.mulf %get3A_1552, %mul3A_1553 : vector<16xf32>
        %swap3A_1555 = arith.index_cast %add3A_1471 : i32 to index
        %swap3A_1556 = arith.constant 112 : index
        %swap3A_1557 = tpu.vector_load %arg10[%swap3A_1555, %swap3A_1556] {strides = array<i32>} : memref<128x128xf32, #tpu.memory_space<vmem>>, vector<1x16xf32>,
        %swap3A_1558 = vector.shape_cast %swap3A_1557 : vector<1x16xf32> to vector<16xf32>
        %swap3A_1559 = vector.shape_cast %mul3A_1554 : vector<16xf32> to vector<1x16xf32>
        tpu.vector_store %arg10[%swap3A_1555, %swap3A_1556], %swap3A_1559 {strides = array<i32>} : memref<128x128xf32, #tpu.memory_space<vmem>>, vector<1x16xf32>,
      }
      %scan3A_53 = arith.constant 8 : i32
      "tpu.region"() ({
        %run_scoped3A = tpu.sem_alloc : memref<!tpu.dma_semaphore, #tpu.memory_space<semaphore_mem>>
        %dma_start3A_54 = arith.constant 0 : i32
        %dma_start3A_55 = arith.constant 0 : i32
        %dma_start3A_56 = tpu.memref_slice %arg11[%dma_start3A_54, %dma_start3A_55] : memref<10240x128xf32, #tpu.memory_space<vmem_shared>> -> memref<10240x128xf32, #tpu.memory_space<vmem_shared>>
        tpu.enqueue_indirect_dma source(%arg10 : memref<128x128xf32, #tpu.memory_space<vmem>>) target(%dma_start3A_56 : memref<10240x128xf32, #tpu.memory_space<vmem_shared>>) offsets(%arg8 : memref<128xi32, #tpu.memory_space<vmem>>) semaphore(%run_scoped3A : memref<!tpu.dma_semaphore, #tpu.memory_space<semaphore_mem>>) {add = true}
        %dma_wait3A_57 = arith.constant 0 : i32
        %dma_wait3A_58 = arith.constant 0 : i32
        %dma_wait3A_59 = tpu.memref_slice %arg11[%dma_wait3A_57, %dma_wait3A_58] : memref<10240x128xf32, #tpu.memory_space<vmem_shared>> -> memref<10240x128xf32, #tpu.memory_space<vmem_shared>>
        tpu.wait_indirect_dma semaphore(%run_scoped3A : memref<!tpu.dma_semaphore, #tpu.memory_space<semaphore_mem>>) src(%arg10 : memref<128x128xf32, #tpu.memory_space<vmem>>) dst(%dma_wait3A_59 : memref<10240x128xf32, #tpu.memory_space<vmem_shared>>)
        tpu.yield
      }) : () -> ()
    }
    %scan3A_32 = arith.constant 80 : i32
    %barrier3A_33 = arith.constant 0 : index
    tpu.barrier barrier_id(%barrier3A_33)
    %mul3A_34 = arith.constant 640 : i32
    %mul3A_35 = arith.muli %arg1, %mul3A_34 : i32
    %mul3A_36 = arith.constant 640 : i32
    %mul3A_37 = arith.muli %arg1, %mul3A_36 : i32
    "tpu.region"() ({
      %run_scoped3A = tpu.sem_alloc : memref<!tpu.dma_semaphore, #tpu.memory_space<semaphore_mem>>
      %dma_start3A = arith.constant 0 : i32
      %dma_start3A_38 = tpu.memref_slice %arg6[%arg0, %mul3A_37, %dma_start3A] : memref<2x10240x128xf32, #tpu.memory_space<hbm>> -> memref<1x640x128xf32, #tpu.memory_space<hbm>>
      %dma_start3A_39 = tpu.memref_squeeze %dma_start3A_38 : memref<1x640x128xf32, #tpu.memory_space<hbm>> -> memref<640x128xf32, #tpu.memory_space<hbm>>
      %dma_start3A_40 = arith.constant 0 : i32
      %dma_start3A_41 = tpu.memref_slice %arg11[%mul3A_35, %dma_start3A_40] : memref<10240x128xf32, #tpu.memory_space<vmem_shared>> -> memref<640x128xf32, #tpu.memory_space<vmem_shared>>
      tpu.enqueue_dma source(%dma_start3A_41 : memref<640x128xf32, #tpu.memory_space<vmem_shared>>) target(%dma_start3A_39 : memref<640x128xf32, #tpu.memory_space<hbm>>) target_semaphore(%run_scoped3A : memref<!tpu.dma_semaphore, #tpu.memory_space<semaphore_mem>>)
      %dma_wait3A = arith.constant 0 : i32
      %dma_wait3A_42 = tpu.memref_slice %arg6[%arg0, %mul3A_37, %dma_wait3A] : memref<2x10240x128xf32, #tpu.memory_space<hbm>> -> memref<1x640x128xf32, #tpu.memory_space<hbm>>
      %dma_wait3A_43 = tpu.memref_squeeze %dma_wait3A_42 : memref<1x640x128xf32, #tpu.memory_space<hbm>> -> memref<640x128xf32, #tpu.memory_space<hbm>>
      %dma_wait3A_44 = arith.constant 0 : i32
      %dma_wait3A_45 = tpu.memref_slice %arg11[%mul3A_35, %dma_wait3A_44] : memref<10240x128xf32, #tpu.memory_space<vmem_shared>> -> memref<640x128xf32, #tpu.memory_space<vmem_shared>>
      tpu.wait_dma2 semaphore(%run_scoped3A : memref<!tpu.dma_semaphore, #tpu.memory_space<semaphore_mem>>) src(%dma_wait3A_45 : memref<640x128xf32, #tpu.memory_space<vmem_shared>>) dst(%dma_wait3A_43 : memref<640x128xf32, #tpu.memory_space<hbm>>)
      tpu.yield
    }) : () -> ()
    return
  }
}

module attributes {stable_mosaic.version = 14 : i64} {
  func.func @_k2_body(%arg0: i32, %arg1: memref<1024x128xf32, #tpu.memory_space<vmem>>, %arg2: memref<128x128xf32, #tpu.memory_space<vmem>>, %arg3: memref<32x1024xf32, #tpu.memory_space<vmem>>, %arg4: memref<1024x128xf32, #tpu.memory_space<vmem>>, %arg5: memref<1024x128xf32, #tpu.memory_space<vmem>>, %arg6: memref<1x1024xf32, #tpu.memory_space<vmem>>, %arg7: memref<1x1024xf32, #tpu.memory_space<vmem>>) attributes {dimension_semantics = [#tpu.dimension_semantics<arbitrary>], iteration_bounds = array<i64: 10>, scalar_prefetch = 0 : i64, scratch_operands = 0 : i64, tpu.core_type = #tpu.core_type<tc>, window_params = [{transform_indices = @transform_0, window_bounds = array<i64: 1024, 128>}, {pipeline_mode = #tpu.pipeline_mode<synchronous>, transform_indices = @transform_1, window_bounds = array<i64: 128, 128>}, {transform_indices = @transform_2, window_bounds = array<i64: 32, 1024>}, {transform_indices = @transform_3, window_bounds = array<i64: 1024, 128>}, {transform_indices = @transform_4, window_bounds = array<i64: 1024, 128>}, {transform_indices = @transform_5, window_bounds = array<i64: 1, 1024>}, {transform_indices = @transform_6, window_bounds = array<i64: 1, 1024>}]} {
    %get3A = arith.constant 0 : index
    %get3A_0 = arith.constant 0 : index
    %get3A_1 = vector.load %arg3[%get3A, %get3A_0] : memref<32x1024xf32, #tpu.memory_space<vmem>>, vector<32x1024xf32>
    %reduce_sum3A = arith.constant dense<0.000000e+00> : vector<1024xf32>
    %reduce_sum3A_2 = vector.multi_reduction <add>, %get3A_1, %reduce_sum3A [0] : vector<32x1024xf32> to vector<1024xf32>
    %add3A = arith.constant 1.000000e+00 : f32
    %add3A_3 = vector.broadcast %add3A : f32 to vector<1024xf32>
    %add3A_4 = arith.addf %add3A_3, %reduce_sum3A_2 : vector<1024xf32>
    %rsqrt3A = math.rsqrt %add3A_4 : vector<1024xf32>
    %get3A_5 = arith.constant 0 : index
    %get3A_6 = arith.constant 0 : index
    %get3A_7 = vector.load %arg1[%get3A_5, %get3A_6] : memref<1024x128xf32, #tpu.memory_space<vmem>>, vector<1024x128xf32>
    %get3A_8 = arith.constant 0 : index
    %get3A_9 = arith.constant 0 : index
    %get3A_10 = vector.load %arg2[%get3A_8, %get3A_9] : memref<128x128xf32, #tpu.memory_space<vmem>>, vector<128x128xf32>
    %dot_general3A = arith.constant dense<0.000000e+00> : vector<1024x128xf32>
    %dot_general3A_11 = tpu.matmul %get3A_7, %get3A_10, %dot_general3A {dimension_numbers = #tpu.dot_dimension_numbers<[1], [0], [0], [1], [0, 0, 1, 1], [], []>, transpose_lhs_hint = false} : vector<1024x128xf32>, vector<128x128xf32>, vector<1024x128xf32> -> vector<1024x128xf32>
    %broadcast_in_dim3A = vector.shape_cast %rsqrt3A : vector<1024xf32> to vector<1024x1xf32>
    %mul3A = vector.broadcast %broadcast_in_dim3A : vector<1024x1xf32> to vector<1024x128xf32>
    %mul3A_12 = arith.mulf %dot_general3A_11, %mul3A : vector<1024x128xf32>
    %swap3A = arith.constant 0 : index
    %swap3A_13 = arith.constant 0 : index
    %swap3A_14 = vector.load %arg4[%swap3A, %swap3A_13] : memref<1024x128xf32, #tpu.memory_space<vmem>>, vector<1024x128xf32>
    tpu.vector_store %arg4[%swap3A, %swap3A_13], %mul3A_12 {strides = array<i32>} : memref<1024x128xf32, #tpu.memory_space<vmem>>, vector<1024x128xf32>,
    %swap3A_15 = arith.constant 0 : index
    %swap3A_16 = arith.constant 0 : index
    %swap3A_17 = vector.load %arg5[%swap3A_15, %swap3A_16] : memref<1024x128xf32, #tpu.memory_space<vmem>>, vector<1024x128xf32>
    tpu.vector_store %arg5[%swap3A_15, %swap3A_16], %dot_general3A_11 {strides = array<i32>} : memref<1024x128xf32, #tpu.memory_space<vmem>>, vector<1024x128xf32>,
    %broadcast_in_dim3A_18 = vector.shape_cast %rsqrt3A : vector<1024xf32> to vector<1x1024xf32>
    %swap3A_19 = arith.constant 0 : index
    %swap3A_20 = arith.constant 0 : index
    %swap3A_21 = vector.load %arg6[%swap3A_19, %swap3A_20] : memref<1x1024xf32, #tpu.memory_space<vmem>>, vector<1x1024xf32>
    tpu.vector_store %arg6[%swap3A_19, %swap3A_20], %broadcast_in_dim3A_18 {strides = array<i32>} : memref<1x1024xf32, #tpu.memory_space<vmem>>, vector<1x1024xf32>,
    %div3A = arith.constant 1.000000e+00 : f32
    %div3A_22 = vector.broadcast %div3A : f32 to vector<1024xf32>
    %div3A_23 = arith.divf %div3A_22, %add3A_4 : vector<1024xf32>
    %broadcast_in_dim3A_24 = vector.shape_cast %div3A_23 : vector<1024xf32> to vector<1x1024xf32>
    %swap3A_25 = arith.constant 0 : index
    %swap3A_26 = arith.constant 0 : index
    %swap3A_27 = vector.load %arg7[%swap3A_25, %swap3A_26] : memref<1x1024xf32, #tpu.memory_space<vmem>>, vector<1x1024xf32>
    tpu.vector_store %arg7[%swap3A_25, %swap3A_26], %broadcast_in_dim3A_24 {strides = array<i32>} : memref<1x1024xf32, #tpu.memory_space<vmem>>, vector<1x1024xf32>,
    return
  }
  func.func @transform_0(%arg0: i32) -> (i32, i32) {
    %c0_i32 = arith.constant 0 : i32
    %c0_i32_0 = arith.constant 0 : i32
    return %arg0, %c0_i32 : i32, i32
  }
  func.func @transform_1(%arg0: i32) -> (i32, i32) {
    %c0_i32 = arith.constant 0 : i32
    %c0_i32_0 = arith.constant 0 : i32
    %c0_i32_1 = arith.constant 0 : i32
    return %c0_i32, %c0_i32_0 : i32, i32
  }
  func.func @transform_2(%arg0: i32) -> (i32, i32) {
    %c0_i32 = arith.constant 0 : i32
    %c0_i32_0 = arith.constant 0 : i32
    return %c0_i32, %arg0 : i32, i32
  }
  func.func @transform_3(%arg0: i32) -> (i32, i32) {
    %c0_i32 = arith.constant 0 : i32
    %c0_i32_0 = arith.constant 0 : i32
    return %arg0, %c0_i32 : i32, i32
  }
  func.func @transform_4(%arg0: i32) -> (i32, i32) {
    %c0_i32 = arith.constant 0 : i32
    %c0_i32_0 = arith.constant 0 : i32
    return %arg0, %c0_i32 : i32, i32
  }
  func.func @transform_5(%arg0: i32) -> (i32, i32) {
    %c0_i32 = arith.constant 0 : i32
    %c0_i32_0 = arith.constant 0 : i32
    return %c0_i32, %arg0 : i32, i32
  }
  func.func @transform_6(%arg0: i32) -> (i32, i32) {
    %c0_i32 = arith.constant 0 : i32
    %c0_i32_0 = arith.constant 0 : i32
    return %c0_i32, %arg0 : i32, i32
  }
}

module attributes {stable_mosaic.version = 14 : i64} {
  func.func @_k4_body(%arg0: i32, %arg1: memref<2x1024x128xf32, #tpu.memory_space<vmem>>, %arg2: memref<1024x128xf32, #tpu.memory_space<vmem>>, %arg3: memref<1x1024xf32, #tpu.memory_space<vmem>>, %arg4: memref<1x1024xf32, #tpu.memory_space<vmem>>, %arg5: memref<1x128xf32, #tpu.memory_space<vmem>>, %arg6: memref<128x128xf32, #tpu.memory_space<vmem>>, %arg7: memref<1024x128xf32, #tpu.memory_space<vmem>>, %arg8: memref<1024x128xf32, #tpu.memory_space<vmem>>) attributes {dimension_semantics = [#tpu.dimension_semantics<arbitrary>], iteration_bounds = array<i64: 10>, scalar_prefetch = 0 : i64, scratch_operands = 0 : i64, tpu.core_type = #tpu.core_type<tc>, window_params = [{transform_indices = @transform_0, window_bounds = array<i64: 2, 1024, 128>}, {transform_indices = @transform_1, window_bounds = array<i64: 1024, 128>}, {transform_indices = @transform_2, window_bounds = array<i64: 1, 1024>}, {transform_indices = @transform_3, window_bounds = array<i64: 1, 1024>}, {pipeline_mode = #tpu.pipeline_mode<synchronous>, transform_indices = @transform_4, window_bounds = array<i64: 1, 128>}, {pipeline_mode = #tpu.pipeline_mode<synchronous>, transform_indices = @transform_5, window_bounds = array<i64: 128, 128>}, {transform_indices = @transform_6, window_bounds = array<i64: 1024, 128>}, {transform_indices = @transform_7, window_bounds = array<i64: 1024, 128>}]} {
    %get3A = arith.constant 0 : index
    %get3A_0 = arith.constant 0 : index
    %get3A_1 = vector.load %arg3[%get3A, %get3A_0] : memref<1x1024xf32, #tpu.memory_space<vmem>>, vector<1x1024xf32>
    %get3A_2 = vector.shape_cast %get3A_1 : vector<1x1024xf32> to vector<1024xf32>
    %get3A_3 = arith.constant 0 : index
    %get3A_4 = arith.constant 0 : index
    %get3A_5 = vector.load %arg4[%get3A_3, %get3A_4] : memref<1x1024xf32, #tpu.memory_space<vmem>>, vector<1x1024xf32>
    %get3A_6 = vector.shape_cast %get3A_5 : vector<1x1024xf32> to vector<1024xf32>
    %get3A_7 = arith.constant 0 : index
    %get3A_8 = arith.constant 0 : index
    %get3A_9 = arith.constant 0 : index
    %get3A_10 = vector.load %arg1[%get3A_7, %get3A_8, %get3A_9] : memref<2x1024x128xf32, #tpu.memory_space<vmem>>, vector<1x1024x128xf32>
    %get3A_11 = vector.shape_cast %get3A_10 : vector<1x1024x128xf32> to vector<1024x128xf32>
    %get3A_12 = arith.constant 1 : index
    %get3A_13 = arith.constant 0 : index
    %get3A_14 = arith.constant 0 : index
    %get3A_15 = vector.load %arg1[%get3A_12, %get3A_13, %get3A_14] : memref<2x1024x128xf32, #tpu.memory_space<vmem>>, vector<1x1024x128xf32>
    %get3A_16 = vector.shape_cast %get3A_15 : vector<1x1024x128xf32> to vector<1024x128xf32>
    %add3A = arith.addf %get3A_11, %get3A_16 : vector<1024x128xf32>
    %broadcast_in_dim3A = vector.shape_cast %get3A_2 : vector<1024xf32> to vector<1024x1xf32>
    %mul3A = vector.broadcast %broadcast_in_dim3A : vector<1024x1xf32> to vector<1024x128xf32>
    %mul3A_17 = arith.mulf %add3A, %mul3A : vector<1024x128xf32>
    %get3A_18 = arith.constant 0 : index
    %get3A_19 = arith.constant 0 : index
    %get3A_20 = vector.load %arg2[%get3A_18, %get3A_19] : memref<1024x128xf32, #tpu.memory_space<vmem>>, vector<1024x128xf32>
    %broadcast_in_dim3A_21 = vector.shape_cast %get3A_6 : vector<1024xf32> to vector<1024x1xf32>
    %mul3A_22 = vector.broadcast %broadcast_in_dim3A_21 : vector<1024x1xf32> to vector<1024x128xf32>
    %mul3A_23 = arith.mulf %get3A_20, %mul3A_22 : vector<1024x128xf32>
    %add3A_24 = arith.addf %mul3A_17, %mul3A_23 : vector<1024x128xf32>
    %get3A_25 = arith.constant 0 : index
    %get3A_26 = arith.constant 0 : index
    %get3A_27 = vector.load %arg5[%get3A_25, %get3A_26] : memref<1x128xf32, #tpu.memory_space<vmem>>, vector<1x128xf32>
    %add3A_28 = vector.broadcast %get3A_27 : vector<1x128xf32> to vector<1024x128xf32>
    %add3A_29 = arith.addf %add3A_24, %add3A_28 : vector<1024x128xf32>
    %max3A = arith.constant 0.000000e+00 : f32
    %max3A_30 = vector.broadcast %max3A : f32 to vector<1024x128xf32>
    %max3A_31 = arith.maximumf %add3A_29, %max3A_30 : vector<1024x128xf32>
    %get3A_32 = arith.constant 0 : index
    %get3A_33 = arith.constant 0 : index
    %get3A_34 = vector.load %arg6[%get3A_32, %get3A_33] : memref<128x128xf32, #tpu.memory_space<vmem>>, vector<128x128xf32>
    %dot_general3A = arith.constant dense<0.000000e+00> : vector<1024x128xf32>
    %dot_general3A_35 = tpu.matmul %max3A_31, %get3A_34, %dot_general3A {dimension_numbers = #tpu.dot_dimension_numbers<[1], [0], [0], [1], [0, 0, 1, 1], [], []>, transpose_lhs_hint = false} : vector<1024x128xf32>, vector<128x128xf32>, vector<1024x128xf32> -> vector<1024x128xf32>
    %broadcast_in_dim3A_36 = vector.shape_cast %get3A_2 : vector<1024xf32> to vector<1024x1xf32>
    %mul3A_37 = vector.broadcast %broadcast_in_dim3A_36 : vector<1024x1xf32> to vector<1024x128xf32>
    %mul3A_38 = arith.mulf %dot_general3A_35, %mul3A_37 : vector<1024x128xf32>
    %swap3A = arith.constant 0 : index
    %swap3A_39 = arith.constant 0 : index
    %swap3A_40 = vector.load %arg7[%swap3A, %swap3A_39] : memref<1024x128xf32, #tpu.memory_space<vmem>>, vector<1024x128xf32>
    tpu.vector_store %arg7[%swap3A, %swap3A_39], %mul3A_38 {strides = array<i32>} : memref<1024x128xf32, #tpu.memory_space<vmem>>, vector<1024x128xf32>,
    %swap3A_41 = arith.constant 0 : index
    %swap3A_42 = arith.constant 0 : index
    %swap3A_43 = vector.load %arg8[%swap3A_41, %swap3A_42] : memref<1024x128xf32, #tpu.memory_space<vmem>>, vector<1024x128xf32>
    tpu.vector_store %arg8[%swap3A_41, %swap3A_42], %dot_general3A_35 {strides = array<i32>} : memref<1024x128xf32, #tpu.memory_space<vmem>>, vector<1024x128xf32>,
    return
  }
  func.func @transform_0(%arg0: i32) -> (i32, i32, i32) {
    %c0_i32 = arith.constant 0 : i32
    %c0_i32_0 = arith.constant 0 : i32
    %c0_i32_1 = arith.constant 0 : i32
    return %c0_i32, %arg0, %c0_i32_0 : i32, i32, i32
  }
  func.func @transform_1(%arg0: i32) -> (i32, i32) {
    %c0_i32 = arith.constant 0 : i32
    %c0_i32_0 = arith.constant 0 : i32
    return %arg0, %c0_i32 : i32, i32
  }
  func.func @transform_2(%arg0: i32) -> (i32, i32) {
    %c0_i32 = arith.constant 0 : i32
    %c0_i32_0 = arith.constant 0 : i32
    return %c0_i32, %arg0 : i32, i32
  }
  func.func @transform_3(%arg0: i32) -> (i32, i32) {
    %c0_i32 = arith.constant 0 : i32
    %c0_i32_0 = arith.constant 0 : i32
    return %c0_i32, %arg0 : i32, i32
  }
  func.func @transform_4(%arg0: i32) -> (i32, i32) {
    %c0_i32 = arith.constant 0 : i32
    %c0_i32_0 = arith.constant 0 : i32
    %c0_i32_1 = arith.constant 0 : i32
    return %c0_i32, %c0_i32_0 : i32, i32
  }
  func.func @transform_5(%arg0: i32) -> (i32, i32) {
    %c0_i32 = arith.constant 0 : i32
    %c0_i32_0 = arith.constant 0 : i32
    %c0_i32_1 = arith.constant 0 : i32
    return %c0_i32, %c0_i32_0 : i32, i32
  }
  func.func @transform_6(%arg0: i32) -> (i32, i32) {
    %c0_i32 = arith.constant 0 : i32
    %c0_i32_0 = arith.constant 0 : i32
    return %arg0, %c0_i32 : i32, i32
  }
  func.func @transform_7(%arg0: i32) -> (i32, i32) {
    %c0_i32 = arith.constant 0 : i32
    %c0_i32_0 = arith.constant 0 : i32
    return %arg0, %c0_i32 : i32, i32
  }
}

module attributes {stable_mosaic.version = 14 : i64} {
  func.func @_k6_body(%arg0: i32, %arg1: memref<2x1024x128xf32, #tpu.memory_space<vmem>>, %arg2: memref<1024x128xf32, #tpu.memory_space<vmem>>, %arg3: memref<1x1024xf32, #tpu.memory_space<vmem>>, %arg4: memref<1x1024xf32, #tpu.memory_space<vmem>>, %arg5: memref<1x128xf32, #tpu.memory_space<vmem>>, %arg6: memref<1x1024xi32, #tpu.memory_space<vmem>>, %arg7: memref<128x10xf32, #tpu.memory_space<vmem>>, %arg8: memref<1x10xf32, #tpu.memory_space<vmem>>, %arg9: memref<64x10xf32, #tpu.memory_space<vmem>>, %arg10: memref<64x128xf32, #tpu.memory_space<vmem>>, %arg11: memref<64x128xf32, #tpu.memory_space<vmem>>) attributes {dimension_semantics = [#tpu.dimension_semantics<arbitrary>], iteration_bounds = array<i64: 10>, scalar_prefetch = 0 : i64, scratch_operands = 2 : i64, tpu.core_type = #tpu.core_type<tc>, window_params = [{transform_indices = @transform_0, window_bounds = array<i64: 2, 1024, 128>}, {transform_indices = @transform_1, window_bounds = array<i64: 1024, 128>}, {transform_indices = @transform_2, window_bounds = array<i64: 1, 1024>}, {transform_indices = @transform_3, window_bounds = array<i64: 1, 1024>}, {pipeline_mode = #tpu.pipeline_mode<synchronous>, transform_indices = @transform_4, window_bounds = array<i64: 1, 128>}, {transform_indices = @transform_5, window_bounds = array<i64: 1, 1024>}, {pipeline_mode = #tpu.pipeline_mode<synchronous>, transform_indices = @transform_6, window_bounds = array<i64: 128, 10>}, {pipeline_mode = #tpu.pipeline_mode<synchronous>, transform_indices = @transform_7, window_bounds = array<i64: 1, 10>}, {pipeline_mode = #tpu.pipeline_mode<synchronous>, transform_indices = @transform_8, window_bounds = array<i64: 64, 10>}]} {
    %eq3A = arith.constant 0 : i32
    %eq3A_0 = arith.cmpi eq, %arg0, %eq3A : i32
    %convert_element_type3A = arith.extui %eq3A_0 : i1 to i32
    %cond3A = arith.constant 0 : i32
    %cond3A_1 = arith.cmpi ne, %convert_element_type3A, %cond3A : i32
    scf.if %cond3A_1 {
      %broadcast_in_dim3A_66 = arith.constant 0.000000e+00 : f32
      %broadcast_in_dim3A_67 = vector.broadcast %broadcast_in_dim3A_66 : f32 to vector<64x128xf32>
      %swap3A_68 = arith.constant 0 : index
      %swap3A_69 = arith.constant 0 : index
      %swap3A_70 = vector.load %arg10[%swap3A_68, %swap3A_69] : memref<64x128xf32, #tpu.memory_space<vmem>>, vector<64x128xf32>
      tpu.vector_store %arg10[%swap3A_68, %swap3A_69], %broadcast_in_dim3A_67 {strides = array<i32>} : memref<64x128xf32, #tpu.memory_space<vmem>>, vector<64x128xf32>,
      %broadcast_in_dim3A_71 = arith.constant 0.000000e+00 : f32
      %broadcast_in_dim3A_72 = vector.broadcast %broadcast_in_dim3A_71 : f32 to vector<64x128xf32>
      %swap3A_73 = arith.constant 0 : index
      %swap3A_74 = arith.constant 0 : index
      %swap3A_75 = vector.load %arg11[%swap3A_73, %swap3A_74] : memref<64x128xf32, #tpu.memory_space<vmem>>, vector<64x128xf32>
      tpu.vector_store %arg11[%swap3A_73, %swap3A_74], %broadcast_in_dim3A_72 {strides = array<i32>} : memref<64x128xf32, #tpu.memory_space<vmem>>, vector<64x128xf32>,
    } else {
    }
    %get3A = arith.constant 0 : index
    %get3A_2 = arith.constant 0 : index
    %get3A_3 = vector.load %arg3[%get3A, %get3A_2] : memref<1x1024xf32, #tpu.memory_space<vmem>>, vector<1x1024xf32>
    %get3A_4 = vector.shape_cast %get3A_3 : vector<1x1024xf32> to vector<1024xf32>
    %get3A_5 = arith.constant 0 : index
    %get3A_6 = arith.constant 0 : index
    %get3A_7 = vector.load %arg4[%get3A_5, %get3A_6] : memref<1x1024xf32, #tpu.memory_space<vmem>>, vector<1x1024xf32>
    %get3A_8 = vector.shape_cast %get3A_7 : vector<1x1024xf32> to vector<1024xf32>
    %get3A_9 = arith.constant 0 : index
    %get3A_10 = arith.constant 0 : index
    %get3A_11 = arith.constant 0 : index
    %get3A_12 = vector.load %arg1[%get3A_9, %get3A_10, %get3A_11] : memref<2x1024x128xf32, #tpu.memory_space<vmem>>, vector<1x1024x128xf32>
    %get3A_13 = vector.shape_cast %get3A_12 : vector<1x1024x128xf32> to vector<1024x128xf32>
    %get3A_14 = arith.constant 1 : index
    %get3A_15 = arith.constant 0 : index
    %get3A_16 = arith.constant 0 : index
    %get3A_17 = vector.load %arg1[%get3A_14, %get3A_15, %get3A_16] : memref<2x1024x128xf32, #tpu.memory_space<vmem>>, vector<1x1024x128xf32>
    %get3A_18 = vector.shape_cast %get3A_17 : vector<1x1024x128xf32> to vector<1024x128xf32>
    %add3A = arith.addf %get3A_13, %get3A_18 : vector<1024x128xf32>
    %broadcast_in_dim3A = vector.shape_cast %get3A_4 : vector<1024xf32> to vector<1024x1xf32>
    %mul3A = vector.broadcast %broadcast_in_dim3A : vector<1024x1xf32> to vector<1024x128xf32>
    %mul3A_19 = arith.mulf %add3A, %mul3A : vector<1024x128xf32>
    %get3A_20 = arith.constant 0 : index
    %get3A_21 = arith.constant 0 : index
    %get3A_22 = vector.load %arg2[%get3A_20, %get3A_21] : memref<1024x128xf32, #tpu.memory_space<vmem>>, vector<1024x128xf32>
    %broadcast_in_dim3A_23 = vector.shape_cast %get3A_8 : vector<1024xf32> to vector<1024x1xf32>
    %mul3A_24 = vector.broadcast %broadcast_in_dim3A_23 : vector<1024x1xf32> to vector<1024x128xf32>
    %mul3A_25 = arith.mulf %get3A_22, %mul3A_24 : vector<1024x128xf32>
    %add3A_26 = arith.addf %mul3A_19, %mul3A_25 : vector<1024x128xf32>
    %get3A_27 = arith.constant 0 : index
    %get3A_28 = arith.constant 0 : index
    %get3A_29 = vector.load %arg5[%get3A_27, %get3A_28] : memref<1x128xf32, #tpu.memory_space<vmem>>, vector<1x128xf32>
    %add3A_30 = vector.broadcast %get3A_29 : vector<1x128xf32> to vector<1024x128xf32>
    %add3A_31 = arith.addf %add3A_26, %add3A_30 : vector<1024x128xf32>
    %max3A = arith.constant 0.000000e+00 : f32
    %max3A_32 = vector.broadcast %max3A : f32 to vector<1024x128xf32>
    %max3A_33 = arith.maximumf %add3A_31, %max3A_32 : vector<1024x128xf32>
    %get3A_34 = arith.constant 0 : index
    %get3A_35 = arith.constant 0 : index
    %get3A_36 = vector.load %arg6[%get3A_34, %get3A_35] : memref<1x1024xi32, #tpu.memory_space<vmem>>, vector<1x1024xi32>
    %get3A_37 = vector.shape_cast %get3A_36 : vector<1x1024xi32> to vector<1024xi32>
    %iota3A = tpu.iota {dimensions = array<i32: 0>} : vector<64x1024xi32>
    %broadcast_in_dim3A_38 = vector.shape_cast %get3A_37 : vector<1024xi32> to vector<1x1024xi32>
    %eq3A_39 = vector.broadcast %broadcast_in_dim3A_38 : vector<1x1024xi32> to vector<64x1024xi32>
    %eq3A_40 = arith.cmpi eq, %eq3A_39, %iota3A : vector<64x1024xi32>
    %convert_element_type3A_41 = arith.extui %eq3A_40 : vector<64x1024xi1> to vector<64x1024xi32>
    %convert_element_type3A_42 = arith.sitofp %convert_element_type3A_41 : vector<64x1024xi32> to vector<64x1024xf32>
    %get3A_43 = arith.constant 0 : index
    %get3A_44 = arith.constant 0 : index
    %get3A_45 = vector.load %arg10[%get3A_43, %get3A_44] : memref<64x128xf32, #tpu.memory_space<vmem>>, vector<64x128xf32>
    %dot_general3A = arith.constant dense<0.000000e+00> : vector<64x128xf32>
    %dot_general3A_46 = tpu.matmul %convert_element_type3A_42, %max3A_33, %dot_general3A {dimension_numbers = #tpu.dot_dimension_numbers<[1], [0], [0], [1], [0, 0, 1, 1], [], []>, transpose_lhs_hint = false} : vector<64x1024xf32>, vector<1024x128xf32>, vector<64x128xf32> -> vector<64x128xf32>
    %add3A_47 = arith.addf %get3A_45, %dot_general3A_46 : vector<64x128xf32>
    %swap3A = arith.constant 0 : index
    %swap3A_48 = arith.constant 0 : index
    %swap3A_49 = vector.load %arg10[%swap3A, %swap3A_48] : memref<64x128xf32, #tpu.memory_space<vmem>>, vector<64x128xf32>
    tpu.vector_store %arg10[%swap3A, %swap3A_48], %add3A_47 {strides = array<i32>} : memref<64x128xf32, #tpu.memory_space<vmem>>, vector<64x128xf32>,
    %get3A_50 = arith.constant 0 : index
    %get3A_51 = arith.constant 0 : index
    %get3A_52 = vector.load %arg11[%get3A_50, %get3A_51] : memref<64x128xf32, #tpu.memory_space<vmem>>, vector<64x128xf32>
    %reduce_sum3A = arith.constant dense<0.000000e+00> : vector<64xf32>
    %reduce_sum3A_53 = vector.multi_reduction <add>, %convert_element_type3A_42, %reduce_sum3A [1] : vector<64x1024xf32> to vector<64xf32>
    %broadcast_in_dim3A_54 = vector.shape_cast %reduce_sum3A_53 : vector<64xf32> to vector<64x1xf32>
    %broadcast_in_dim3A_55 = vector.shape_cast %broadcast_in_dim3A_54 : vector<64x1xf32> to vector<64x1xf32>
    %broadcast_in_dim3A_56 = vector.broadcast %broadcast_in_dim3A_55 : vector<64x1xf32> to vector<64x128xf32>
    %add3A_57 = arith.addf %get3A_52, %broadcast_in_dim3A_56 : vector<64x128xf32>
    %swap3A_58 = arith.constant 0 : index
    %swap3A_59 = arith.constant 0 : index
    %swap3A_60 = vector.load %arg11[%swap3A_58, %swap3A_59] : memref<64x128xf32, #tpu.memory_space<vmem>>, vector<64x128xf32>
    tpu.vector_store %arg11[%swap3A_58, %swap3A_59], %add3A_57 {strides = array<i32>} : memref<64x128xf32, #tpu.memory_space<vmem>>, vector<64x128xf32>,
    %eq3A_61 = arith.constant 9 : i32
    %eq3A_62 = arith.cmpi eq, %arg0, %eq3A_61 : i32
    %convert_element_type3A_63 = arith.extui %eq3A_62 : i1 to i32
    %cond3A_64 = arith.constant 0 : i32
    %cond3A_65 = arith.cmpi ne, %convert_element_type3A_63, %cond3A_64 : i32
    scf.if %cond3A_65 {
      %get3A_66 = arith.constant 0 : index
      %get3A_67 = arith.constant 0 : index
      %get3A_68 = vector.load %arg10[%get3A_66, %get3A_67] : memref<64x128xf32, #tpu.memory_space<vmem>>, vector<64x128xf32>
      %get3A_69 = arith.constant 0 : index
      %get3A_70 = arith.constant 0 : index
      %get3A_71 = vector.load %arg11[%get3A_69, %get3A_70] : memref<64x128xf32, #tpu.memory_space<vmem>>, vector<64x128xf32>
      %max3A_72 = arith.constant 1.000000e+00 : f32
      %max3A_73 = vector.broadcast %max3A_72 : f32 to vector<64x128xf32>
      %max3A_74 = arith.maximumf %get3A_71, %max3A_73 : vector<64x128xf32>
      %div3A = arith.divf %get3A_68, %max3A_74 : vector<64x128xf32>
      %get3A_75 = arith.constant 0 : index
      %get3A_76 = arith.constant 0 : index
      %get3A_77 = vector.load %arg7[%get3A_75, %get3A_76] : memref<128x10xf32, #tpu.memory_space<vmem>>, vector<128x10xf32>
      %dot_general3A_78 = arith.constant dense<0.000000e+00> : vector<64x10xf32>
      %dot_general3A_79 = tpu.matmul %div3A, %get3A_77, %dot_general3A_78 {dimension_numbers = #tpu.dot_dimension_numbers<[1], [0], [0], [1], [0, 0, 1, 1], [], []>, transpose_lhs_hint = false} : vector<64x128xf32>, vector<128x10xf32>, vector<64x10xf32> -> vector<64x10xf32>
      %get3A_80 = arith.constant 0 : index
      %get3A_81 = arith.constant 0 : index
      %get3A_82 = vector.load %arg8[%get3A_80, %get3A_81] : memref<1x10xf32, #tpu.memory_space<vmem>>, vector<1x10xf32>
      %add3A_83 = vector.broadcast %get3A_82 : vector<1x10xf32> to vector<64x10xf32>
      %add3A_84 = arith.addf %dot_general3A_79, %add3A_83 : vector<64x10xf32>
      %swap3A_85 = arith.constant 0 : index
      %swap3A_86 = arith.constant 0 : index
      %swap3A_87 = vector.load %arg9[%swap3A_85, %swap3A_86] : memref<64x10xf32, #tpu.memory_space<vmem>>, vector<64x10xf32>
      tpu.vector_store %arg9[%swap3A_85, %swap3A_86], %add3A_84 {strides = array<i32>} : memref<64x10xf32, #tpu.memory_space<vmem>>, vector<64x10xf32>,
    } else {
    }
    return
  }
  func.func @transform_0(%arg0: i32) -> (i32, i32, i32) {
    %c0_i32 = arith.constant 0 : i32
    %c0_i32_0 = arith.constant 0 : i32
    %c0_i32_1 = arith.constant 0 : i32
    return %c0_i32, %arg0, %c0_i32_0 : i32, i32, i32
  }
  func.func @transform_1(%arg0: i32) -> (i32, i32) {
    %c0_i32 = arith.constant 0 : i32
    %c0_i32_0 = arith.constant 0 : i32
    return %arg0, %c0_i32 : i32, i32
  }
  func.func @transform_2(%arg0: i32) -> (i32, i32) {
    %c0_i32 = arith.constant 0 : i32
    %c0_i32_0 = arith.constant 0 : i32
    return %c0_i32, %arg0 : i32, i32
  }
  func.func @transform_3(%arg0: i32) -> (i32, i32) {
    %c0_i32 = arith.constant 0 : i32
    %c0_i32_0 = arith.constant 0 : i32
    return %c0_i32, %arg0 : i32, i32
  }
  func.func @transform_4(%arg0: i32) -> (i32, i32) {
    %c0_i32 = arith.constant 0 : i32
    %c0_i32_0 = arith.constant 0 : i32
    %c0_i32_1 = arith.constant 0 : i32
    return %c0_i32, %c0_i32_0 : i32, i32
  }
  func.func @transform_5(%arg0: i32) -> (i32, i32) {
    %c0_i32 = arith.constant 0 : i32
    %c0_i32_0 = arith.constant 0 : i32
    return %c0_i32, %arg0 : i32, i32
  }
  func.func @transform_6(%arg0: i32) -> (i32, i32) {
    %c0_i32 = arith.constant 0 : i32
    %c0_i32_0 = arith.constant 0 : i32
    %c0_i32_1 = arith.constant 0 : i32
    return %c0_i32, %c0_i32_0 : i32, i32
  }
  func.func @transform_7(%arg0: i32) -> (i32, i32) {
    %c0_i32 = arith.constant 0 : i32
    %c0_i32_0 = arith.constant 0 : i32
    %c0_i32_1 = arith.constant 0 : i32
    return %c0_i32, %c0_i32_0 : i32, i32
  }
  func.func @transform_8(%arg0: i32) -> (i32, i32) {
    %c0_i32 = arith.constant 0 : i32
    %c0_i32_0 = arith.constant 0 : i32
    %c0_i32_1 = arith.constant 0 : i32
    return %c0_i32, %c0_i32_0 : i32, i32
  }
}

</mosaic_0001>

<sc_bundles>
// kernel: kernel.11.cloned.1.call-start
scs
__scs_entry_jumppad:
0x0: {  	(pc) =	sbr.rel $0x88, $3  }
0x1: {  	(tag) =	ssettag $0x0;
	lr =	simm.s32 $0x1  }
0x2: {  	[smem:$0x3F97] =	sst lr;
	_ =	strace $0xD0000000  }
0x3: {  	_ = 	snop  }
0x4: {  	_ = 	snop  }
0x5: {  	_ = 	snop  }
0x6: {  	_ = 	snop  }
0x7: {  	_ = 	snop  }
__scs_overlays_trampoline_lowered:
0x8: {  	[smem:$0x3FA6] =	sst s0  }
0x9: {  	[smem:$0x3FA7] =	sst s1  }
0xa: {  	[smem:$0x3FA8] =	sst s2  }
0xb: {  	[smem:$0x3FA9] =	sst s3  }
0xc: {  	[smem:$0x3FAA] =	sst s4  }
0xd: {  	[smem:$0x3FAB] =	sst s5  }
0xe: {  	[smem:$0x3FAC] =	sst s6  }
0xf: {  	[smem:$0x3FAD] =	sst s7  }
0x10: {  	[smem:$0x3FAE] =	sst s8  }
0x11: {  	[smem:$0x3FAF] =	sst s9;
	s0 =	simm.s32 @!p0 $0x0  }
0x12: {  	s1 =	sld [smem:$0x3F95];
	s0 =	simm.s32 @p0 $0x1  }
0x13: {  	[smem:$0x3FB0] =	sst s0;
	s0 =	simm.s32 @!p1 $0x0  }
0x14: {  	s2 =	sld [smem:$0x3F94];
	s0 =	simm.s32 @p1 $0x1  }
0x15: {  	[smem:$0x3FB1] =	sst s0;
	s0 =	simm.s32 @!p2 $0x0  }
0x16: {  	s3 =	sld [smem:$0x3FDB];
	s0 =	simm.s32 @p2 $0x1  }
0x17: {  	s4 =	simm.s32 $0x1BF5;
	[smem:$0x3FB3] =	sst s0  }
0x18: {  	s0 =	sld [smem:$0x3F96];
	_ =	swait.ge [sflag:s4], $0x0  }
0x19: {  	s7 =	sld [smem:$0x3F97]  }
0x1a: {  	s8 =	sadd.s32 $0xFFFFE003, lr  }
0x1b: {  	s9 =	sadd.s32 $0xFFFFFEF7, lr;
	s5 =	simm.s32 $0xFFFFFFFF;
	p2 =	slt.u32 s8, $0xFFFFF086  }
0x1c: {  	p1 =	slt.u32 s9, $0xF7A;
	s5 =	simm.s32 @!p2 $0x0  }
0x1d: {  	s5 =	simm.s32 @p1 $0x1;
	p0 =	seq.s32 s7, s2  }
0x1e: {  	s7 =	smul.u32 @!p0 $0xF7A, s2;
	p2 =	seq.s32 @!p0 s5, $0x0  }
0x1f: {  	s9 =	smul.u32 $0xF7A, s1;
	s8 =	simm.s32 @!p0 $0x1BF5;
	p2 =	por !p2, p0  }
0x20: {  	[sflag:s8] =	ssyncset.s32 @!p0 $0xFFFFF086;
	s6 =	sadd.s32 @!p0 s3, s7;
	s7 =	simm.s32 @!p0 $0x108  }
0x21: {  	s3 =	sadd.s32 s3, s9;
	s6 =	sadd.s32 @!p0 $0x88, s6;
	s7 =	simm.s32 @p2 $0x1082  }
0x22: {  	[simem:s7], [sflag:s8] =	dma.local @!p0 [hbm:s6], $0xF7A  }
0x23: {  	s9 =	sor.u32 $0xD0000000, s2;
	s6 =	simm.s32 $0x108;
	_ =	swait.ge @!p0 [sflag:s8], $0x0  }
0x24: {  	s3 =	sadd.s32 $0x88, s3;
	s6 =	simm.s32 @!p1 $0x1082;
	[sflag:s4] =	ssyncset.s32 $0xFFFFF086  }
0x25: {  	[simem:s6], [sflag:s4] =	dma.local [hbm:s3], $0xF7A  }
0x26: {  	[smem:$0x3F97] =	sst s1;
	(tag) =	ssettag s2;
	_ =	strace s9  }
0x27: {  	s1 =	sld [smem:$0x3FA7]  }
0x28: {  	s2 =	sld [smem:$0x3FA8]  }
0x29: {  	s4 =	sld [smem:$0x3FAA]  }
0x2a: {  	p0 =	seq.s32 s5, $0x0;
	s5 =	sld [smem:$0x3FAB]  }
0x2b: {  	s6 =	sld [smem:$0x3FAC]  }
0x2c: {  	s7 =	sld [smem:$0x3FAD]  }
0x2d: {  	s3 =	simm.s32 $0x108;
	s8 =	sld [smem:$0x3FAE]  }
0x2e: {  	s3 =	simm.s32 @!p0 $0x1082;
	s9 =	sld [smem:$0x3FAF]  }
0x2f: {  	lr =	sadd.s32 s0, s3;
	s0 =	sld [smem:$0x3FA6]  }
0x30: {  	s3 =	sld [smem:$0x3FA9]  }
0x31: {  	[smem:$0x3FB2] =	sst s10  }
0x32: {  	s10 =	sld [smem:$0x3FB0];
	_ =	sdelay $0x3  }
0x33: {  	p0 =	seq.s32 s10, $0x1;
	s10 =	sld [smem:$0x3FB2];
	_ =	sdelay $0x3  }
0x34: {  	[smem:$0x3FB2] =	sst s10  }
0x35: {  	s10 =	sld [smem:$0x3FB1];
	_ =	sdelay $0x3  }
0x36: {  	p1 =	seq.s32 s10, $0x1;
	s10 =	sld [smem:$0x3FB2];
	_ =	sdelay $0x3  }
0x37: {  	[smem:$0x3FB2] =	sst s10  }
0x38: {  	s10 =	sld [smem:$0x3FB3]  }
0x39: {  	_ = 	snop;
	(pc) =	sbr.ind lr, $3  }
0x3a: {  	_ = 	snop  }
0x3b: {  	_ = 	snop  }
0x3c: {  	p2 =	seq.s32 s10, $0x1;
	s10 =	sld [smem:$0x3FB2]  }
0x3d: {  	_ =	shalt  }
0x3e: {  	_ =	shalt  }
0x3f: {  	_ =	shalt  }
0x40: {  	_ =	shalt  }
0x41: {  	_ =	shalt  }
0x42: {  	_ =	shalt  }
0x43: {  	_ =	shalt  }
0x44: {  	_ =	shalt  }
0x45: {  	_ =	shalt  }
0x46: {  	_ =	shalt  }
0x47: {  	_ =	shalt  }
0x48: {  	_ =	shalt  }
0x49: {  	_ =	shalt  }
0x4a: {  	_ =	shalt  }
0x4b: {  	_ =	shalt  }
0x4c: {  	_ =	shalt  }
0x4d: {  	_ =	shalt  }
0x4e: {  	_ =	shalt  }
0x4f: {  	_ =	shalt  }
0x50: {  	_ =	shalt  }
0x51: {  	_ =	shalt  }
0x52: {  	_ =	shalt  }
0x53: {  	_ =	shalt  }
0x54: {  	_ =	shalt  }
0x55: {  	_ =	shalt  }
0x56: {  	_ =	shalt  }
0x57: {  	_ =	shalt  }
0x58: {  	_ =	shalt  }
0x59: {  	_ =	shalt  }
0x5a: {  	_ =	shalt  }
0x5b: {  	_ =	shalt  }
0x5c: {  	_ =	shalt  }
0x5d: {  	_ =	shalt  }
0x5e: {  	_ =	shalt  }
0x5f: {  	_ =	shalt  }
0x60: {  	_ =	shalt  }
0x61: {  	_ =	shalt  }
0x62: {  	_ =	shalt  }
0x63: {  	_ =	shalt  }
0x64: {  	_ =	shalt  }
0x65: {  	_ =	shalt  }
0x66: {  	_ =	shalt  }
0x67: {  	_ =	shalt  }
0x68: {  	_ =	shalt  }
0x69: {  	_ =	shalt  }
0x6a: {  	_ =	shalt  }
0x6b: {  	_ =	shalt  }
0x6c: {  	_ =	shalt  }
0x6d: {  	_ =	shalt  }
0x6e: {  	_ =	shalt  }
0x6f: {  	_ =	shalt  }
0x70: {  	_ =	shalt  }
0x71: {  	_ =	shalt  }
0x72: {  	_ =	shalt  }
0x73: {  	_ =	shalt  }
0x74: {  	_ =	shalt  }
0x75: {  	_ =	shalt  }
0x76: {  	_ =	shalt  }
0x77: {  	_ =	shalt  }
0x78: {  	_ =	shalt  }
0x79: {  	_ =	shalt  }
0x7a: {  	_ =	shalt  }
0x7b: {  	_ =	shalt  }
0x7c: {  	_ =	shalt  }
0x7d: {  	_ =	shalt  }
0x7e: {  	_ =	shalt  }
0x7f: {  	_ =	shalt  }
0x80: {  	_ =	shalt  }
0x81: {  	_ =	shalt  }
0x82: {  	_ =	shalt  }
0x83: {  	_ =	shalt  }
0x84: {  	_ =	shalt  }
0x85: {  	_ =	shalt  }
0x86: {  	_ =	shalt  }
0x87: {  	_ =	shalt  }
.Lfunc_end0:
.L_simem_size_0:
called_computation.1_lowered:
.L_overlay_start_0:
0x88: {  	s2 =	sld [smem:$0x3FD9]  }
0x89: {  	s3 =	sld [smem:$0x3FFE];
	_ =	sdelay $0x1  }
0x8a: {  	s1 =	srdreg.scid  }
0x8b: {  	s0 =	sand.u32 $0x1, s1  }
0x8c: {  	s16 =	sshll.u32 s0, $0xA;
	s2 =	sadd.s32 s3, s2  }
0x8d: {  	s2 =	sadd.s32 s2, s16  }
0x8e: {  	[smem:$0x3FBE] =	sst s2  }
0x8f: {  	_ = 	snop  }
0x90: {  	(tm) =	ssettm $0x1  }
0x91: {  	s17 =	sld [smem:$0x3FFB];
	_ =	sdelay $0x3  }
0x92: {  	_ =	strace s17  }
0x93: {  	s2 =	sld [smem:$0x3FFC];
	_ =	sdelay $0x3  }
0x94: {  	_ =	strace s2  }
0x95: {  	s2 =	sld [smem:$0x3FFD];
	_ =	sdelay $0x3  }
0x96: {  	_ =	strace s2  }
0x97: {  	_ =	strace $0x8FFFFFFF  }
0x98: {  	s18 =	sld [smem:$0x3FDB];
	_ =	sdelay $0x1  }
0x99: {  	s19 =	simm.s32 $_scs_section_size  }
0x9a: {  	s4 =	simm.s32 $_size__tile_overlayer_lowered;
	s5 =	simm.s32 $_tile_overlayer_lowered  }
0x9b: {  	s22 =	simm.s32 $0x1BFF;
	s21 =	sshll.u32 s5, $0x1;
	s2 =	sadd.s32 s19, s18  }
0x9c: {  	s6 =	simm.s32 $0x0;
	s20 =	sshll.u32 s4, $0x1;
	s4 =	sadd.s32 s21, s2  }
0x9d: {  	[timem:s6], [sflag:s22] =	dma.local [hbm:s4], s20  }
0x9e: {  	_ =	swait.ge [sflag:s22], s20  }
0x9f: {  	s3 =	ssub.s32 $0x0, s20;
	[sflag:s22] =	ssyncset.done $0x0  }
0xa0: {  	[sflag:s22] =	ssyncadd.s32 s3;
	_ =	sdelay $0x1  }
0xa1: {  	s23 =	simm.s32 $0x1B8B  }
0xa2: {  	_ =	swait.ge [sflag:s23], $0x1  }
0xa3: {  	[sflag:s23] =	ssyncset.done $0x0  }
0xa4: {  	s25 =	simm.s32 $0x1B8E;
	s24 =	sld [smem:$0x3FFE];
	[sflag:s23] =	ssyncadd.s32 $0xFFFFFFFF  }
0xa5: {  	s26 =	simm.s32 $execute0_lowered;
	[smem:$0x3FD2] =	sst s25  }
0xa6: {  	s4 =	sshll.u32 s26, $0x1;
	_ =	strace $0x80000049;
	[dreg:$0x1] =	wrdreg $0xFFFFFFFF  }
0xa7: {  	s28 =	simm.s32 $_size_execute0_lowered;
	s2 =	sadd.s32 s2, s4;
	[dreg:$0x0] =	wrdreg $0x0  }
0xa8: {  	s4 =	sshll.u32 s28, $0x1;
	[dreg:$0x2] =	wrdreg s2  }
0xa9: {  	[dreg:$0x3] =	wrdreg s4  }
0xaa: {  	[dreg:$0x4] =	wrdreg $0xC0  }
0xab: {  	_ =	task [dreg:s6], $0x5FFFF  }
0xac: {  	[dreg:$0x1] =	wrdreg $0xFFFFFFFF  }
0xad: {  	[dreg:$0x0] =	wrdreg $0x60  }
0xae: {  	[dreg:$0x2] =	wrdreg s24  }
0xaf: {  	[dreg:$0x3] =	wrdreg $0x41800  }
0xb0: {  	[dreg:$0x4] =	wrdreg $0x9  }
0xb1: {  	_ =	task.clear_ibuf [dreg:s6], $0x5FFFF;
	_ =	strace $0x90000049  }
0xb2: {  	s29 =	simm.s32 $0x9;
	_ =	strace $0x8000004B  }
0xb3: {  	_ =	swait.ge [sflag:s29], $0x1  }
0xb4: {  	[sflag:s29] =	ssyncadd.s32 $0xFFFFFFFF  }
0xb5: {  	_ =	strace $0x9000004B  }
0xb6: {  	_ =	sfence  }
0xb7: {  	s30 =	sld [smem:$0x0];
	_ =	sdelay $0x2  }
0xb8: {  	s31 =	sshll.u32 s1, $0xD;
	s1 =	sshrl.u32 s1, $0x2  }
0xb9: {  	s3 =	sand.u32 $0x4000, s31;
	s1 =	sadd.s32 s1, s30  }
0xba: {  	s0 =	sor.u32 s3, s0;
	s1 =	sshll.u32 s1, $0x11  }
0xbb: {  	s0 =	sor.u32 s1, s0  }
0xbc: {  	s0 =	sadd.s32 $0x8F2B, s0  }
0xbd: {  	[sflag:s0] =	ssyncadd.remote.s32 $0x1  }
0xbe: {  	_ =	sfence.sel $0xFFFF  }
0xbf: {  	[dreg:$0x0] =	wrdreg $0xFFFFFFFF;
	(pc) =	sbr.abs _section_cstart, $3  }
0xc0: {  	[dreg:$0x1] =	wrdreg $0xFFFFFFFF  }
0xc1: {  	_ =	task.clear_ibuf [dreg:s6], $0x2FFFF;
	_ =	strace $0x9FFFFFFF  }
0xc2: {  	(tm) =	ssettm $0x7FFFFFFF  }
0xc3: {  	_ =	shalt  }
tec
execute0_lowered:
.L_overlay_start_1:
0x0: {  	(tag) =	ssettag $0x1  }
0x1: {  	s8 =	rddreg [dreg:$0x0]  }
0x2: {  	s1 =	rddreg [dreg:$0x1]  }
0x3: {  	s2 =	srdreg.scid;
	s0 =	rddreg [dreg:$0x2];
	s3 =	simm.s32 $0x0  }
0x4: {  	s16 =	simm.s32 $0x180;
	s17 =	simm.s32 $0x2;
	s18 =	simm.s32 $0x80  }
0x5: {  	s19 =	simm.s32 $0x100;
	s9 =	sand.u32 $0x1, s2;
	s2 =	stileid.u32  }
0x6: {  	s20 =	simm.s32 $0x1;
	[smem:$0x7FF] =	sst s3;
	s6 =	smul.u32 $0x140000, s9  }
0x7: {  	s4 =	sadd.s32 $0x2A800, s8;
	s5 =	sadd.s32 $0x20800, s8;
	s7 =	smul.u32 $0x14000, s2  }
0x8: {  	_ =	strace $0x8000004A;
	s11 =	smul.u32 $0x50000, s2;
	s30 =	ssub.s32 $0x2, s9  }
0x9: {  	s9 =	sshll.u32 s9, $0x4;
	s21 =	sshll.u32 s2, $0x6;
	s31 =	sshrl.u32 s30, $0x1  }
0xa: {  	s13 =	sor.u32 s2, s9;
	s21 =	sor.u32 $0x1C02, s21;
	s7 =	sadd.s32 s7, s6  }
0xb: {  	s6 =	sadd.s32 $0x2800, s8;
	s11 =	sshrl.u32 s11, $0x2;
	s15 =	ssub.s32 s30, s31  }
0xc: {  	s13 =	smul.u32 $0x50, s13;
	s10 =	sshrl.u32 s7, $0x3;
	s7 =	sadd.s32 $0xC800, s8  }
0xd: {  	s15 =	smax.u32 s15, $0x1;
	s14 =	sadd.s32 s10, s8;
	s8 =	sadd.s32 s11, s1  }
0xe: {  	s9 =	sadd.s32 $0x4000, s8;
	s10 =	sadd.s32 $0x8000, s8;
	s11 =	sadd.s32 $0xC000, s8  }
0xf: {  	v0 =	vimm.f32 $0.0e+00;
	s12 =	sadd.s32 $0x10000, s8;
	s14 =	sadd.s32 $0x52800, s14;
	s22 =	sshrl.u32 s8, $0x3  }
.LBB2_1:
0x10: {  	s23 =	simm.s32 $0x0;
	s24 =	simm.s32 $0x200  }
.LBB2_2:
0x11: {  	p0 =	sne.s32 s24, $0xFE00;
	[tilespmem:s23+$0x1F0] =	vst v0  }
0x12: {  	[tilespmem:s23+$0x180] =	vst v0  }
0x13: {  	[tilespmem:s23+$0x190] =	vst v0  }
.Ltmp0:
0x14: {  	[tilespmem:s23+$0x1A0] =	vst v0;
	(pc) =	sbr.rel @p0 .LBB2_2-.Ltmp0, $4  }
0x15: {  	[tilespmem:s23+$0x1B0] =	vst v0  }
0x16: {  	[tilespmem:s23+$0x1C0] =	vst v0  }
0x17: {  	[tilespmem:s23+$0x1D0] =	vst v0  }
0x18: {  	[tilespmem:s23+$0x1E0] =	vst v0;
	s23 =	sshra.s32 s24, $0x2;
	s24 =	sadd.s32 $0x200, s24  }
0x19: {  	[tilespmem:s23+$0x1F0] =	vst v0  }
0x1a: {  	[tilespmem:s23+$0x180] =	vst v0  }
0x1b: {  	[tilespmem:s23+$0x190] =	vst v0  }
0x1c: {  	[tilespmem:s23+$0x1A0] =	vst v0  }
0x1d: {  	[tilespmem:s23+$0x1B0] =	vst v0  }
0x1e: {  	[tilespmem:s23+$0x1C0] =	vst v0  }
0x1f: {  	[tilespmem:s23+$0x1D0] =	vst v0  }
0x20: {  	[tilespmem:s23+$0x1E0] =	vst v0  }
0x21: {  	[spmem:s8] =	stream.linear.scatter [tilespmem:s16], [sflag:$0x2], $0x4000, $0x38;
	[tilespmem:$0x18180] =	vst v63  }
0x22: {  	_ =	swait.ge [sflag:s17], $0x4000  }
0x23: {  	[sflag:s17] =	ssyncset.done $0x0  }
0x24: {  	[sflag:s17] =	ssyncadd.s32 $0xFFFFC000  }
0x25: {  	[spmem:s9] =	stream.linear.scatter [tilespmem:s16], [sflag:$0x2], $0x4000, $0x38;
	[tilespmem:$0x18180] =	vst v63  }
0x26: {  	_ =	swait.ge [sflag:s17], $0x4000  }
0x27: {  	[sflag:s17] =	ssyncset.done $0x0  }
0x28: {  	[sflag:s17] =	ssyncadd.s32 $0xFFFFC000  }
0x29: {  	[spmem:s10] =	stream.linear.scatter [tilespmem:s16], [sflag:$0x2], $0x4000, $0x38;
	[tilespmem:$0x18180] =	vst v63  }
0x2a: {  	_ =	swait.ge [sflag:s17], $0x4000  }
0x2b: {  	[sflag:s17] =	ssyncset.done $0x0  }
0x2c: {  	[sflag:s17] =	ssyncadd.s32 $0xFFFFC000  }
0x2d: {  	[spmem:s11] =	stream.linear.scatter [tilespmem:s16], [sflag:$0x2], $0x4000, $0x38;
	[tilespmem:$0x18180] =	vst v63  }
0x2e: {  	_ =	swait.ge [sflag:s17], $0x4000  }
0x2f: {  	[sflag:s17] =	ssyncset.done $0x0  }
0x30: {  	[sflag:s17] =	ssyncadd.s32 $0xFFFFC000  }
0x31: {  	[spmem:s12] =	stream.linear.scatter [tilespmem:s16], [sflag:$0x2], $0x4000, $0x38;
	[tilespmem:$0x18180] =	vst v63  }
0x32: {  	_ =	swait.ge [sflag:s17], $0x4000  }
0x33: {  	[sflag:s17] =	ssyncset.done $0x0  }
0x34: {  	[sflag:s17] =	ssyncadd.s32 $0xFFFFC000  }
0x35: {  	s23 =	simm.s32 $0x0;
	s24 =	simm.s32 $0x0;
	[bflag:$0x0] =	sbarrier.arrive $0xFFFF  }
.LBB2_4:
0x36: {  	s25 =	sadd.s32 s13, s24  }
0x37: {  	s25 =	sshll.u32 s25, $0x4  }
0x38: {  	s26 =	sadd.s32 s5, s25  }
0x39: {  	[tilespmem:s23], [sflag:$0x2] =	stream.linear.gather [hbm4b:s26+s23], $0x80, $0x38;
	[tilespmem:$0x18180] =	vst v63  }
0x3a: {  	_ =	swait.ge [sflag:s17], $0x80  }
0x3b: {  	[sflag:s17] =	ssyncset.done $0x0  }
0x3c: {  	s29 =	sadd.s32 s6, s25;
	[sflag:s17] =	ssyncadd.s32 $0xFFFFFF80  }
0x3d: {  	[tilespmem:s18], [sflag:$0x2] =	stream.linear.gather [hbm4b:s29+s23], $0x80, $0x38;
	[tilespmem:$0x18180] =	vst v63  }
0x3e: {  	_ =	swait.ge [sflag:s17], $0x80  }
0x3f: {  	[sflag:s17] =	ssyncset.done $0x0  }
0x40: {  	s25 =	sadd.s32 s7, s25;
	[sflag:s17] =	ssyncadd.s32 $0xFFFFFF80  }
0x41: {  	[tilespmem:s19], [sflag:$0x2] =	stream.linear.gather [hbm4b:s25+s23], $0x80, $0x38;
	[tilespmem:$0x18180] =	vst v63  }
0x42: {  	_ =	swait.ge [sflag:s17], $0x80  }
0x43: {  	[sflag:s17] =	ssyncset.done $0x0  }
0x44: {  	[sflag:s17] =	ssyncadd.s32 $0xFFFFFF80  }
0x45: {  	[tilespmem:s16], [sflag:$0x1] =	stream.indirect.gather [hbm4b:s4+s18], $0x80, s23, s18, $0xb8;
	[tilespmem:$0x18180] =	vst v63  }
0x46: {  	_ =	swait.ge [sflag:s20], $0x4000  }
0x47: {  	s30 =	simm.s32 $0x0;
	[sflag:s20] =	ssyncset.done $0x0  }
0x48: {  	s25 =	sand.u32 $0x3FFFFFF0, s30;
	[sflag:s20] =	ssyncadd.s32 $0xFFFFC000  }
0x49: {  	s31 =	simm.s32 $0x0;
	v1 =	vld [tilespmem:s25+$0x100]  }
0x4a: {  	s25 =	sand.u32 $0x3FFFF800, s31  }
0x4b: {  	v3 =	vld [tilespmem:s25+$0x1A0]  }
0x4c: {  	v4 =	vld [tilespmem:s25+$0x1B0]  }
0x4d: {  	v10 =	vld [tilespmem:s25+$0x1E0]  }
0x4e: {  	v11 =	vld [tilespmem:s25+$0x1F0];
	v2 =	vbroadcast v1, $0x0  }
0x4f: {  	v12 =	vld [tilespmem:s25+$0x200]  }
0x50: {  	v13 =	vld [tilespmem:s25+$0x210];
	v3 =	vmul.f32 v3, v2  }
0x51: {  	v14 =	vld [tilespmem:s25+$0x220];
	v4 =	vmul.f32 v4, v2  }
0x52: {  	v9 =	vld [tilespmem:s25+$0x230];
	v23 =	vbroadcast v1, $0x1;
	v22 =	vmul.f32 v10, v2;
	[tilespmem:s25+$0x1A0] =	vst v3  }
0x53: {  	v7 =	vld [tilespmem:s25+$0x240];
	v11 =	vmul.f32 v11, v2;
	[tilespmem:s25+$0x1B0] =	vst v4  }
0x54: {  	v8 =	vld [tilespmem:s25+$0x250];
	v12 =	vmul.f32 v12, v23;
	[tilespmem:s25+$0x1E0] =	vst v22  }
0x55: {  	v25 =	vld [tilespmem:s25+$0x270];
	v13 =	vmul.f32 v13, v23;
	[tilespmem:s25+$0x1F0] =	vst v11  }
0x56: {  	v26 =	vld [tilespmem:s25+$0x280];
	v14 =	vmul.f32 v14, v23;
	[tilespmem:s25+$0x200] =	vst v12  }
0x57: {  	v27 =	vld [tilespmem:s25+$0x290];
	v9 =	vmul.f32 v9, v23;
	[tilespmem:s25+$0x210] =	vst v13  }
0x58: {  	v6 =	vld [tilespmem:s25+$0x6F0];
	v7 =	vmul.f32 v7, v23;
	[tilespmem:s25+$0x220] =	vst v14  }
0x59: {  	v24 =	vld [tilespmem:s25+$0x260];
	v15 =	vbroadcast v1, $0x2;
	v8 =	vmul.f32 v8, v23;
	[tilespmem:s25+$0x230] =	vst v9  }
0x5a: {  	v28 =	vld [tilespmem:s25+$0x2A0];
	v10 =	vmul.f32 v25, v23;
	[tilespmem:s25+$0x240] =	vst v7  }
0x5b: {  	v29 =	vld [tilespmem:s25+$0x2B0];
	v5 =	vbroadcast v1, $0xA;
	v32 =	vmul.f32 v26, v15;
	[tilespmem:s25+$0x250] =	vst v8  }
0x5c: {  	v30 =	vld [tilespmem:s25+$0x2C0];
	v34 =	vmul.f32 v27, v15;
	[tilespmem:s25+$0x270] =	vst v10  }
0x5d: {  	v33 =	vld [tilespmem:s25+$0x2E0];
	v3 =	vmul.f32 v6, v5;
	[tilespmem:s25+$0x280] =	vst v32  }
0x5e: {  	v35 =	vld [tilespmem:s25+$0x2F0];
	v11 =	vmul.f32 v24, v23;
	[tilespmem:s25+$0x290] =	vst v34  }
0x5f: {  	v36 =	vld [tilespmem:s25+$0x300];
	v9 =	vmul.f32 v28, v15;
	[tilespmem:s25+$0x6F0] =	vst v3  }
0x60: {  	v31 =	vld [tilespmem:s25+$0x2D0];
	v7 =	vmul.f32 v29, v15;
	[tilespmem:s25+$0x260] =	vst v11  }
0x61: {  	v37 =	vld [tilespmem:s25+$0x310];
	v8 =	vmul.f32 v30, v15;
	[tilespmem:s25+$0x2A0] =	vst v9  }
0x62: {  	v38 =	vld [tilespmem:s25+$0x320];
	v41 =	vbroadcast v1, $0x3;
	v10 =	vmul.f32 v33, v15;
	[tilespmem:s25+$0x2B0] =	vst v7  }
0x63: {  	v39 =	vld [tilespmem:s25+$0x330];
	v12 =	vmul.f32 v35, v15;
	[tilespmem:s25+$0x2C0] =	vst v8  }
0x64: {  	v42 =	vld [tilespmem:s25+$0x350];
	v13 =	vmul.f32 v36, v41;
	[tilespmem:s25+$0x2E0] =	vst v10  }
0x65: {  	v43 =	vld [tilespmem:s25+$0x360];
	v11 =	vmul.f32 v31, v15;
	[tilespmem:s25+$0x2F0] =	vst v12  }
0x66: {  	v44 =	vld [tilespmem:s25+$0x370];
	v9 =	vmul.f32 v37, v41;
	[tilespmem:s25+$0x300] =	vst v13  }
0x67: {  	v40 =	vld [tilespmem:s25+$0x340];
	v7 =	vmul.f32 v38, v41;
	[tilespmem:s25+$0x2D0] =	vst v11  }
0x68: {  	v45 =	vld [tilespmem:s25+$0x380];
	v8 =	vmul.f32 v39, v41;
	[tilespmem:s25+$0x310] =	vst v9  }
0x69: {  	v46 =	vld [tilespmem:s25+$0x390];
	v10 =	vmul.f32 v42, v41;
	[tilespmem:s25+$0x320] =	vst v7  }
0x6a: {  	v47 =	vld [tilespmem:s25+$0x3A0];
	v12 =	vmul.f32 v43, v41;
	[tilespmem:s25+$0x330] =	vst v8  }
0x6b: {  	v49 =	vld [tilespmem:s25+$0x3C0];
	v50 =	vbroadcast v1, $0x4;
	v13 =	vmul.f32 v44, v41;
	[tilespmem:s25+$0x350] =	vst v10  }
0x6c: {  	v51 =	vld [tilespmem:s25+$0x3D0];
	v11 =	vmul.f32 v40, v41;
	[tilespmem:s25+$0x360] =	vst v12  }
0x6d: {  	v52 =	vld [tilespmem:s25+$0x3E0];
	v9 =	vmul.f32 v45, v50;
	[tilespmem:s25+$0x370] =	vst v13  }
0x6e: {  	v48 =	vld [tilespmem:s25+$0x3B0];
	v7 =	vmul.f32 v46, v50;
	[tilespmem:s25+$0x340] =	vst v11  }
0x6f: {  	v53 =	vld [tilespmem:s25+$0x3F0];
	v8 =	vmul.f32 v47, v50;
	[tilespmem:s25+$0x380] =	vst v9  }
0x70: {  	v54 =	vld [tilespmem:s25+$0x400];
	v10 =	vmul.f32 v49, v50;
	[tilespmem:s25+$0x390] =	vst v7  }
0x71: {  	v55 =	vld [tilespmem:s25+$0x410];
	v12 =	vmul.f32 v51, v50;
	[tilespmem:s25+$0x3A0] =	vst v8  }
0x72: {  	v57 =	vld [tilespmem:s25+$0x430];
	v13 =	vmul.f32 v52, v50;
	[tilespmem:s25+$0x3C0] =	vst v10  }
0x73: {  	v58 =	vld [tilespmem:s25+$0x440];
	v59 =	vbroadcast v1, $0x5;
	v11 =	vmul.f32 v48, v50;
	[tilespmem:s25+$0x3D0] =	vst v12  }
0x74: {  	v60 =	vld [tilespmem:s25+$0x450];
	v9 =	vmul.f32 v53, v50;
	[tilespmem:s25+$0x3E0] =	vst v13  }
0x75: {  	v56 =	vld [tilespmem:s25+$0x420];
	v7 =	vmul.f32 v54, v59;
	[tilespmem:s25+$0x3B0] =	vst v11  }
0x76: {  	v61 =	vld [tilespmem:s25+$0x460];
	v8 =	vmul.f32 v55, v59;
	[tilespmem:s25+$0x3F0] =	vst v9  }
0x77: {  	v62 =	vld [tilespmem:s25+$0x470];
	v10 =	vmul.f32 v57, v59;
	[tilespmem:s25+$0x400] =	vst v7  }
0x78: {  	v63 =	vld [tilespmem:s25+$0x480];
	v12 =	vmul.f32 v58, v59;
	[tilespmem:s25+$0x410] =	vst v8  }
0x79: {  	v19 =	vld [tilespmem:s25+$0x4A0];
	v13 =	vmul.f32 v60, v59;
	[tilespmem:s25+$0x430] =	vst v10  }
0x7a: {  	v20 =	vld [tilespmem:s25+$0x4B0];
	v11 =	vmul.f32 v56, v59;
	[tilespmem:s25+$0x440] =	vst v12  }
0x7b: {  	v21 =	vld [tilespmem:s25+$0x4C0];
	v22 =	vbroadcast v1, $0x6;
	v9 =	vmul.f32 v61, v59;
	[tilespmem:s25+$0x450] =	vst v13  }
0x7c: {  	v18 =	vld [tilespmem:s25+$0x490];
	v7 =	vmul.f32 v62, v59;
	[tilespmem:s25+$0x420] =	vst v11  }
0x7d: {  	v23 =	vld [tilespmem:s25+$0x4D0];
	v8 =	vmul.f32 v63, v22;
	[tilespmem:s25+$0x460] =	vst v9  }
0x7e: {  	v24 =	vld [tilespmem:s25+$0x4E0];
	v10 =	vmul.f32 v19, v22;
	[tilespmem:s25+$0x470] =	vst v7  }
0x7f: {  	v25 =	vld [tilespmem:s25+$0x4F0];
	v12 =	vmul.f32 v20, v22;
	[tilespmem:s25+$0x480] =	vst v8  }
0x80: {  	v27 =	vld [tilespmem:s25+$0x510];
	v13 =	vmul.f32 v21, v22;
	[tilespmem:s25+$0x4A0] =	vst v10  }
0x81: {  	v28 =	vld [tilespmem:s25+$0x520];
	v11 =	vmul.f32 v18, v22;
	[tilespmem:s25+$0x4B0] =	vst v12  }
0x82: {  	v29 =	vld [tilespmem:s25+$0x530];
	v9 =	vmul.f32 v23, v22;
	[tilespmem:s25+$0x4C0] =	vst v13  }
0x83: {  	v31 =	vbroadcast v1, $0x7;
	v53 =	vld [tilespmem:s25+$0x680];
	v7 =	vmul.f32 v24, v22;
	[tilespmem:s25+$0x490] =	vst v11  }
0x84: {  	v57 =	vld [tilespmem:s25+$0x6C0];
	v8 =	vmul.f32 v25, v22;
	[tilespmem:s25+$0x4D0] =	vst v9  }
0x85: {  	v58 =	vld [tilespmem:s25+$0x6D0];
	v10 =	vmul.f32 v27, v31;
	[tilespmem:s25+$0x4E0] =	vst v7  }
0x86: {  	v26 =	vld [tilespmem:s25+$0x500];
	v12 =	vmul.f32 v28, v31;
	[tilespmem:s25+$0x4F0] =	vst v8  }
0x87: {  	v30 =	vld [tilespmem:s25+$0x540];
	v13 =	vmul.f32 v29, v31;
	[tilespmem:s25+$0x510] =	vst v10  }
0x88: {  	v32 =	vld [tilespmem:s25+$0x550];
	v59 =	vmul.f32 v53, v5;
	[tilespmem:s25+$0x520] =	vst v12  }
0x89: {  	v33 =	vld [tilespmem:s25+$0x560];
	v18 =	vmul.f32 v57, v5;
	[tilespmem:s25+$0x530] =	vst v13  }
0x8a: {  	v35 =	vld [tilespmem:s25+$0x580];
	v20 =	vmul.f32 v58, v5;
	[tilespmem:s25+$0x680] =	vst v59  }
0x8b: {  	v36 =	vld [tilespmem:s25+$0x590];
	v11 =	vmul.f32 v26, v31;
	[tilespmem:s25+$0x6C0] =	vst v18  }
0x8c: {  	v37 =	vld [tilespmem:s25+$0x5A0];
	v9 =	vmul.f32 v30, v31;
	[tilespmem:s25+$0x6D0] =	vst v20  }
0x8d: {  	v4 =	vld [tilespmem:s25+$0x700];
	v40 =	vbroadcast v1, $0x8;
	v7 =	vmul.f32 v32, v31;
	[tilespmem:s25+$0x500] =	vst v11  }
0x8e: {  	v6 =	vld [tilespmem:s25+$0x710];
	v8 =	vmul.f32 v33, v31;
	[tilespmem:s25+$0x540] =	vst v9  }
0x8f: {  	v3 =	vld [tilespmem:s25+$0x950];
	v10 =	vmul.f32 v35, v40;
	[tilespmem:s25+$0x550] =	vst v7  }
0x90: {  	v61 =	vld [tilespmem:s25+$0x180];
	v23 =	vbroadcast v1, $0xB;
	v12 =	vmul.f32 v36, v40;
	[tilespmem:s25+$0x560] =	vst v8  }
0x91: {  	v34 =	vld [tilespmem:s25+$0x570];
	v13 =	vmul.f32 v37, v40;
	[tilespmem:s25+$0x580] =	vst v10  }
0x92: {  	v38 =	vld [tilespmem:s25+$0x5B0];
	v27 =	vbroadcast v1, $0xF;
	v4 =	vmul.f32 v4, v23;
	[tilespmem:s25+$0x590] =	vst v12  }
0x93: {  	v39 =	vld [tilespmem:s25+$0x5C0];
	v6 =	vmul.f32 v6, v23;
	[tilespmem:s25+$0x5A0] =	vst v13  }
0x94: {  	v41 =	vld [tilespmem:s25+$0x5D0];
	v3 =	vmul.f32 v3, v27;
	[tilespmem:s25+$0x700] =	vst v4  }
0x95: {  	v43 =	vld [tilespmem:s25+$0x5F0];
	v24 =	vmul.f32 v2, v61;
	[tilespmem:s25+$0x710] =	vst v6  }
0x96: {  	v44 =	vld [tilespmem:s25+$0x600];
	v11 =	vmul.f32 v34, v31;
	[tilespmem:s25+$0x950] =	vst v3  }
0x97: {  	v45 =	vld [tilespmem:s25+$0x610];
	v9 =	vmul.f32 v38, v40;
	[tilespmem:s25+$0x180] =	vst v24  }
0x98: {  	v63 =	vld [tilespmem:s25+$0x1C0];
	v7 =	vmul.f32 v39, v40;
	[tilespmem:s25+$0x570] =	vst v11  }
0x99: {  	v49 =	vbroadcast v1, $0x9;
	v29 =	vld [tilespmem:s25+$0x770];
	v8 =	vmul.f32 v41, v40;
	[tilespmem:s25+$0x5B0] =	vst v9  }
0x9a: {  	v42 =	vld [tilespmem:s25+$0x5E0];
	v10 =	vmul.f32 v43, v40;
	[tilespmem:s25+$0x5C0] =	vst v7  }
0x9b: {  	v46 =	vld [tilespmem:s25+$0x620];
	v12 =	vmul.f32 v44, v49;
	[tilespmem:s25+$0x5D0] =	vst v8  }
0x9c: {  	v47 =	vld [tilespmem:s25+$0x630];
	v13 =	vmul.f32 v45, v49;
	[tilespmem:s25+$0x5F0] =	vst v10  }
0x9d: {  	v48 =	vld [tilespmem:s25+$0x640];
	v3 =	vmul.f32 v63, v2;
	[tilespmem:s25+$0x600] =	vst v12  }
0x9e: {  	v51 =	vld [tilespmem:s25+$0x660];
	v6 =	vmul.f32 v29, v23;
	[tilespmem:s25+$0x610] =	vst v13  }
0x9f: {  	v52 =	vld [tilespmem:s25+$0x670];
	v11 =	vmul.f32 v42, v40;
	[tilespmem:s25+$0x1C0] =	vst v3  }
0xa0: {  	v28 =	vld [tilespmem:s25+$0x760];
	v9 =	vmul.f32 v46, v49;
	[tilespmem:s25+$0x770] =	vst v6  }
0xa1: {  	v26 =	vld [tilespmem:s25+$0x750];
	v7 =	vmul.f32 v47, v49;
	[tilespmem:s25+$0x5E0] =	vst v11  }
0xa2: {  	v30 =	vld [tilespmem:s25+$0x780];
	v8 =	vmul.f32 v48, v49;
	[tilespmem:s25+$0x620] =	vst v9  }
0xa3: {  	v50 =	vld [tilespmem:s25+$0x650];
	v10 =	vmul.f32 v51, v49;
	[tilespmem:s25+$0x630] =	vst v7  }
0xa4: {  	v54 =	vld [tilespmem:s25+$0x690];
	v12 =	vmul.f32 v52, v49;
	[tilespmem:s25+$0x640] =	vst v8  }
0xa5: {  	v55 =	vld [tilespmem:s25+$0x6A0];
	v35 =	vbroadcast v1, $0xC;
	v40 =	vmul.f32 v28, v23;
	[tilespmem:s25+$0x660] =	vst v10  }
0xa6: {  	v56 =	vld [tilespmem:s25+$0x6B0];
	v32 =	vmul.f32 v26, v23;
	[tilespmem:s25+$0x670] =	vst v12  }
0xa7: {  	v60 =	vld [tilespmem:s25+$0x6E0];
	v15 =	vmul.f32 v30, v35;
	[tilespmem:s25+$0x760] =	vst v40  }
0xa8: {  	v62 =	vld [tilespmem:s25+$0x190];
	v11 =	vmul.f32 v50, v49;
	[tilespmem:s25+$0x750] =	vst v32  }
0xa9: {  	v19 =	vld [tilespmem:s25+$0x1D0];
	v9 =	vmul.f32 v54, v5;
	[tilespmem:s25+$0x780] =	vst v15  }
0xaa: {  	v33 =	vld [tilespmem:s25+$0x7B0];
	v7 =	vmul.f32 v55, v5;
	[tilespmem:s25+$0x650] =	vst v11  }
0xab: {  	v61 =	vld [tilespmem:s25+$0x970];
	v8 =	vmul.f32 v56, v5;
	[tilespmem:s25+$0x690] =	vst v9  }
0xac: {  	v38 =	vld [tilespmem:s25+$0x7F0];
	v5 =	vmul.f32 v60, v5;
	[tilespmem:s25+$0x6A0] =	vst v7  }
0xad: {  	v21 =	vld [tilespmem:s25+$0x720];
	v12 =	vmul.f32 v62, v2;
	[tilespmem:s25+$0x6B0] =	vst v8  }
0xae: {  	v22 =	vld [tilespmem:s25+$0x730];
	v2 =	vmul.f32 v19, v2;
	[tilespmem:s25+$0x6E0] =	vst v5  }
0xaf: {  	v25 =	vld [tilespmem:s25+$0x740];
	v62 =	vmul.f32 v33, v35;
	[tilespmem:s25+$0x190] =	vst v12  }
0xb0: {  	v31 =	vld [tilespmem:s25+$0x790];
	v63 =	vmul.f32 v61, v27;
	[tilespmem:s25+$0x1D0] =	vst v2  }
0xb1: {  	v34 =	vld [tilespmem:s25+$0x7C0];
	v15 =	vmul.f32 v38, v35;
	[tilespmem:s25+$0x7B0] =	vst v62  }
0xb2: {  	v41 =	vld [tilespmem:s25+$0x820];
	v7 =	vmul.f32 v21, v23;
	[tilespmem:s25+$0x970] =	vst v63  }
0xb3: {  	v46 =	vld [tilespmem:s25+$0x860];
	v8 =	vmul.f32 v22, v23;
	[tilespmem:s25+$0x7F0] =	vst v15  }
0xb4: {  	v36 =	vld [tilespmem:s25+$0x7D0];
	v5 =	vmul.f32 v25, v23;
	[tilespmem:s25+$0x720] =	vst v7  }
0xb5: {  	v44 =	vbroadcast v1, $0xD;
	v9 =	vmul.f32 v31, v35;
	v2 =	vld [tilespmem:s25+$0x810];
	[tilespmem:s25+$0x730] =	vst v8  }
0xb6: {  	v37 =	vld [tilespmem:s25+$0x7E0];
	v12 =	vmul.f32 v34, v35;
	[tilespmem:s25+$0x740] =	vst v5  }
0xb7: {  	v39 =	vld [tilespmem:s25+$0x800];
	v11 =	vmul.f32 v41, v44;
	[tilespmem:s25+$0x790] =	vst v9  }
0xb8: {  	v42 =	vld [tilespmem:s25+$0x830];
	v51 =	vmul.f32 v46, v44;
	[tilespmem:s25+$0x7C0] =	vst v12  }
0xb9: {  	v48 =	vld [tilespmem:s25+$0x890];
	v8 =	vmul.f32 v36, v35;
	[tilespmem:s25+$0x820] =	vst v11  }
0xba: {  	v49 =	vld [tilespmem:s25+$0x8A0];
	[tilespmem:s25+$0x860] =	vst v51;
	v2 =	vmul.f32 v2, v44  }
0xbb: {  	v50 =	vld [tilespmem:s25+$0x8B0];
	v5 =	vmul.f32 v37, v35;
	[tilespmem:s25+$0x7D0] =	vst v8  }
0xbc: {  	v1 =	vbroadcast v1, $0xE;
	v9 =	vmul.f32 v39, v44;
	[tilespmem:s25+$0x810] =	vst v2;
	v2 =	vld [tilespmem:s25+$0x880]  }
0xbd: {  	v60 =	vld [tilespmem:s25+$0x960];
	v12 =	vmul.f32 v42, v44;
	[tilespmem:s25+$0x7E0] =	vst v5  }
0xbe: {  	v45 =	vld [tilespmem:s25+$0x850];
	v11 =	vmul.f32 v48, v1;
	[tilespmem:s25+$0x800] =	vst v9  }
0xbf: {  	v47 =	vld [tilespmem:s25+$0x870];
	v10 =	vmul.f32 v49, v1;
	[tilespmem:s25+$0x830] =	vst v12  }
0xc0: {  	v43 =	vld [tilespmem:s25+$0x840];
	v6 =	vmul.f32 v50, v1;
	[tilespmem:s25+$0x890] =	vst v11  }
0xc1: {  	v55 =	vld [tilespmem:s25+$0x900];
	[tilespmem:s25+$0x8A0] =	vst v10;
	v2 =	vmul.f32 v2, v1  }
0xc2: {  	v57 =	vld [tilespmem:s25+$0x920];
	v4 =	vmul.f32 v60, v27;
	[tilespmem:s25+$0x8B0] =	vst v6  }
0xc3: {  	v5 =	vmul.f32 v45, v44;
	[tilespmem:s25+$0x880] =	vst v2;
	v2 =	vld [tilespmem:s25+$0x8F0]  }
0xc4: {  	v52 =	vld [tilespmem:s25+$0x8C0];
	v9 =	vmul.f32 v47, v44;
	[tilespmem:s25+$0x960] =	vst v4  }
0xc5: {  	v56 =	vld [tilespmem:s25+$0x910];
	v8 =	vmul.f32 v43, v44;
	[tilespmem:s25+$0x850] =	vst v5  }
0xc6: {  	v54 =	vld [tilespmem:s25+$0x8E0];
	v11 =	vmul.f32 v55, v27;
	[tilespmem:s25+$0x870] =	vst v9  }
0xc7: {  	v58 =	vld [tilespmem:s25+$0x930];
	v6 =	vmul.f32 v57, v27;
	[tilespmem:s25+$0x840] =	vst v8  }
0xc8: {  	v53 =	vld [tilespmem:s25+$0x8D0];
	[tilespmem:s25+$0x900] =	vst v11;
	v2 =	vmul.f32 v2, v1  }
0xc9: {  	v59 =	vld [tilespmem:s25+$0x940];
	v5 =	vmul.f32 v52, v1;
	[tilespmem:s25+$0x920] =	vst v6  }
0xca: {  	[tilespmem:s25+$0x8F0] =	vst v2;
	v2 =	vmul.f32 v56, v27  }
0xcb: {  	v3 =	vld [tilespmem:s25+$0x7A0];
	v9 =	vmul.f32 v54, v1;
	[tilespmem:s25+$0x8C0] =	vst v5  }
0xcc: {  	[tilespmem:s25+$0x910] =	vst v2;
	v2 =	vmul.f32 v58, v27  }
0xcd: {  	[tilespmem:s25+$0x8E0] =	vst v9;
	v1 =	vmul.f32 v53, v1  }
0xce: {  	[tilespmem:s25+$0x930] =	vst v2;
	v2 =	vmul.f32 v59, v27  }
0xcf: {  	[tilespmem:s25+$0x8D0] =	vst v1  }
0xd0: {  	s26 =	simm.s32 $0x1;
	[tilespmem:s25+$0x940] =	vst v2;
	v2 =	vmul.f32 v3, v35  }
.LBB2_5:
0xd1: {  	s28 =	sshll.u32 s26, $0x4  }
0xd2: {  	p0 =	sne.s32 s26, $0x7;
	[tilespmem:s25+$0x7A0] =	vst v2;
	s25 =	smov.u32 s26;
	s26 =	sadd.s32 $0x1, s26  }
0xd3: {  	s28 =	sand.u32 $0x3FFFFFF0, s28  }
0xd4: {  	s25 =	sshll.u32 s25, $0xB;
	v1 =	vld [tilespmem:s28+$0x100]  }
0xd5: {  	s25 =	sand.u32 $0x3FFFF800, s25  }
0xd6: {  	v8 =	vld [tilespmem:s25+$0x240]  }
0xd7: {  	v9 =	vld [tilespmem:s25+$0x250]  }
0xd8: {  	v10 =	vld [tilespmem:s25+$0x230]  }
0xd9: {  	v2 =	vbroadcast v1, $0x0;
	v3 =	vld [tilespmem:s25+$0x1A0];
	v7 =	vbroadcast v1, $0x4  }
0xda: {  	v5 =	vld [tilespmem:s25+$0x1B0]  }
0xdb: {  	v6 =	vld [tilespmem:s25+$0x6F0]  }
0xdc: {  	v11 =	vld [tilespmem:s25+$0x1E0]  }
0xdd: {  	v12 =	vld [tilespmem:s25+$0x1F0]  }
0xde: {  	v4 =	vbroadcast v1, $0xA;
	v3 =	vmul.f32 v3, v2;
	v13 =	vld [tilespmem:s25+$0x200]  }
0xdf: {  	v5 =	vmul.f32 v5, v2;
	v14 =	vld [tilespmem:s25+$0x210]  }
0xe0: {  	[tilespmem:s25+$0x1A0] =	vst v3;
	v15 =	vld [tilespmem:s25+$0x220];
	v3 =	vmul.f32 v6, v4  }
0xe1: {  	[tilespmem:s25+$0x1B0] =	vst v5;
	v6 =	vmul.f32 v11, v2;
	v11 =	vbroadcast v1, $0x1;
	v5 =	vld [tilespmem:s25+$0x700]  }
0xe2: {  	v12 =	vmul.f32 v12, v2;
	[tilespmem:s25+$0x6F0] =	vst v3;
	v3 =	vld [tilespmem:s25+$0x950]  }
0xe3: {  	[tilespmem:s25+$0x1E0] =	vst v6;
	v13 =	vmul.f32 v13, v11;
	v6 =	vld [tilespmem:s25+$0x710]  }
0xe4: {  	[tilespmem:s25+$0x1F0] =	vst v12;
	v12 =	vmul.f32 v14, v11;
	v14 =	vld [tilespmem:s25+$0x260]  }
0xe5: {  	[tilespmem:s25+$0x200] =	vst v13;
	v13 =	vmul.f32 v15, v11;
	v15 =	vld [tilespmem:s25+$0x270]  }
0xe6: {  	v10 =	vmul.f32 v10, v11;
	[tilespmem:s25+$0x210] =	vst v12;
	v12 =	vld [tilespmem:s25+$0x280]  }
0xe7: {  	v8 =	vmul.f32 v8, v11;
	[tilespmem:s25+$0x220] =	vst v13;
	v13 =	vld [tilespmem:s25+$0x290]  }
0xe8: {  	v9 =	vmul.f32 v9, v11;
	[tilespmem:s25+$0x230] =	vst v10;
	v10 =	vld [tilespmem:s25+$0x2A0]  }
0xe9: {  	[tilespmem:s25+$0x240] =	vst v8;
	v8 =	vmul.f32 v14, v11;
	v14 =	vbroadcast v1, $0x2;
	v16 =	vld [tilespmem:s25+$0x2B0]  }
0xea: {  	[tilespmem:s25+$0x250] =	vst v9;
	v9 =	vmul.f32 v15, v11;
	v11 =	vld [tilespmem:s25+$0x2C0]  }
0xeb: {  	[tilespmem:s25+$0x260] =	vst v8;
	v8 =	vmul.f32 v12, v14;
	v12 =	vld [tilespmem:s25+$0x2D0]  }
0xec: {  	[tilespmem:s25+$0x270] =	vst v9;
	v9 =	vmul.f32 v13, v14;
	v13 =	vld [tilespmem:s25+$0x2E0]  }
0xed: {  	[tilespmem:s25+$0x280] =	vst v8;
	v8 =	vmul.f32 v10, v14;
	v10 =	vld [tilespmem:s25+$0x2F0]  }
0xee: {  	[tilespmem:s25+$0x290] =	vst v9;
	v9 =	vmul.f32 v16, v14;
	v15 =	vld [tilespmem:s25+$0x300]  }
0xef: {  	[tilespmem:s25+$0x2A0] =	vst v8;
	v8 =	vmul.f32 v11, v14;
	v11 =	vld [tilespmem:s25+$0x310]  }
0xf0: {  	[tilespmem:s25+$0x2B0] =	vst v9;
	v9 =	vmul.f32 v12, v14;
	v12 =	vld [tilespmem:s25+$0x320]  }
0xf1: {  	[tilespmem:s25+$0x2C0] =	vst v8;
	v8 =	vmul.f32 v13, v14;
	v13 =	vbroadcast v1, $0x3;
	v16 =	vld [tilespmem:s25+$0x330]  }
0xf2: {  	[tilespmem:s25+$0x2D0] =	vst v9;
	v9 =	vmul.f32 v10, v14;
	v10 =	vld [tilespmem:s25+$0x340]  }
0xf3: {  	[tilespmem:s25+$0x2E0] =	vst v8;
	v8 =	vmul.f32 v15, v13;
	v14 =	vld [tilespmem:s25+$0x350]  }
0xf4: {  	[tilespmem:s25+$0x2F0] =	vst v9;
	v9 =	vmul.f32 v11, v13;
	v11 =	vld [tilespmem:s25+$0x360]  }
0xf5: {  	[tilespmem:s25+$0x300] =	vst v8;
	v8 =	vmul.f32 v12, v13;
	v12 =	vld [tilespmem:s25+$0x370]  }
0xf6: {  	[tilespmem:s25+$0x310] =	vst v9;
	v9 =	vmul.f32 v16, v13;
	v15 =	vld [tilespmem:s25+$0x380]  }
0xf7: {  	[tilespmem:s25+$0x320] =	vst v8;
	v8 =	vmul.f32 v10, v13;
	v10 =	vld [tilespmem:s25+$0x390]  }
0xf8: {  	[tilespmem:s25+$0x330] =	vst v9;
	v9 =	vmul.f32 v14, v13;
	v14 =	vld [tilespmem:s25+$0x3A0]  }
0xf9: {  	[tilespmem:s25+$0x340] =	vst v8;
	v8 =	vmul.f32 v11, v13;
	v11 =	vld [tilespmem:s25+$0x3B0]  }
0xfa: {  	[tilespmem:s25+$0x350] =	vst v9;
	v9 =	vmul.f32 v12, v13;
	v12 =	vld [tilespmem:s25+$0x3C0]  }
0xfb: {  	[tilespmem:s25+$0x360] =	vst v8;
	v8 =	vmul.f32 v15, v7;
	v13 =	vld [tilespmem:s25+$0x3D0]  }
0xfc: {  	[tilespmem:s25+$0x370] =	vst v9;
	v9 =	vmul.f32 v10, v7;
	v10 =	vld [tilespmem:s25+$0x3E0]  }
0xfd: {  	[tilespmem:s25+$0x380] =	vst v8;
	v8 =	vmul.f32 v14, v7;
	v14 =	vld [tilespmem:s25+$0x3F0]  }
0xfe: {  	[tilespmem:s25+$0x390] =	vst v9;
	v9 =	vmul.f32 v11, v7;
	v11 =	vld [tilespmem:s25+$0x400]  }
0xff: {  	[tilespmem:s25+$0x3A0] =	vst v8;
	v8 =	vmul.f32 v12, v7;
	v12 =	vld [tilespmem:s25+$0x410]  }
0x100: {  	[tilespmem:s25+$0x3B0] =	vst v9;
	v9 =	vmul.f32 v13, v7;
	v13 =	vld [tilespmem:s25+$0x420]  }
0x101: {  	[tilespmem:s25+$0x3C0] =	vst v8;
	v8 =	vmul.f32 v10, v7;
	v10 =	vbroadcast v1, $0x5;
	v15 =	vld [tilespmem:s25+$0x430]  }
0x102: {  	[tilespmem:s25+$0x3D0] =	vst v9;
	v7 =	vmul.f32 v14, v7;
	v9 =	vld [tilespmem:s25+$0x440]  }
0x103: {  	[tilespmem:s25+$0x3E0] =	vst v8;
	v8 =	vmul.f32 v11, v10;
	v11 =	vld [tilespmem:s25+$0x450]  }
0x104: {  	[tilespmem:s25+$0x3F0] =	vst v7;
	v7 =	vmul.f32 v12, v10;
	v12 =	vld [tilespmem:s25+$0x460]  }
0x105: {  	[tilespmem:s25+$0x400] =	vst v8;
	v8 =	vmul.f32 v13, v10;
	v13 =	vld [tilespmem:s25+$0x470]  }
0x106: {  	[tilespmem:s25+$0x410] =	vst v7;
	v7 =	vmul.f32 v15, v10;
	v14 =	vld [tilespmem:s25+$0x480]  }
0x107: {  	[tilespmem:s25+$0x420] =	vst v8;
	v8 =	vmul.f32 v9, v10;
	v9 =	vld [tilespmem:s25+$0x490]  }
0x108: {  	[tilespmem:s25+$0x430] =	vst v7;
	v7 =	vmul.f32 v11, v10;
	v11 =	vld [tilespmem:s25+$0x4A0]  }
0x109: {  	[tilespmem:s25+$0x440] =	vst v8;
	v8 =	vmul.f32 v12, v10;
	v12 =	vbroadcast v1, $0x6;
	v15 =	vld [tilespmem:s25+$0x4B0]  }
0x10a: {  	[tilespmem:s25+$0x450] =	vst v7;
	v7 =	vmul.f32 v13, v10;
	v10 =	vld [tilespmem:s25+$0x4C0]  }
0x10b: {  	[tilespmem:s25+$0x460] =	vst v8;
	v8 =	vmul.f32 v14, v12;
	v13 =	vld [tilespmem:s25+$0x4D0]  }
0x10c: {  	[tilespmem:s25+$0x470] =	vst v7;
	v7 =	vmul.f32 v9, v12;
	v9 =	vld [tilespmem:s25+$0x4E0]  }
0x10d: {  	[tilespmem:s25+$0x480] =	vst v8;
	v8 =	vmul.f32 v11, v12;
	v11 =	vld [tilespmem:s25+$0x4F0]  }
0x10e: {  	[tilespmem:s25+$0x490] =	vst v7;
	v7 =	vmul.f32 v15, v12;
	v14 =	vld [tilespmem:s25+$0x500]  }
0x10f: {  	[tilespmem:s25+$0x4A0] =	vst v8;
	v8 =	vmul.f32 v10, v12;
	v10 =	vld [tilespmem:s25+$0x510]  }
0x110: {  	[tilespmem:s25+$0x4B0] =	vst v7;
	v7 =	vmul.f32 v13, v12;
	v13 =	vld [tilespmem:s25+$0x520]  }
0x111: {  	[tilespmem:s25+$0x4C0] =	vst v8;
	v8 =	vmul.f32 v9, v12;
	v9 =	vbroadcast v1, $0x7;
	v15 =	vld [tilespmem:s25+$0x530]  }
0x112: {  	[tilespmem:s25+$0x4D0] =	vst v7;
	v7 =	vmul.f32 v11, v12;
	v11 =	vld [tilespmem:s25+$0x540]  }
0x113: {  	[tilespmem:s25+$0x4E0] =	vst v8;
	v8 =	vmul.f32 v14, v9;
	v12 =	vld [tilespmem:s25+$0x550]  }
0x114: {  	[tilespmem:s25+$0x4F0] =	vst v7;
	v7 =	vmul.f32 v10, v9;
	v10 =	vld [tilespmem:s25+$0x560]  }
0x115: {  	[tilespmem:s25+$0x500] =	vst v8;
	v8 =	vmul.f32 v13, v9;
	v13 =	vld [tilespmem:s25+$0x570]  }
0x116: {  	[tilespmem:s25+$0x510] =	vst v7;
	v7 =	vmul.f32 v15, v9;
	v14 =	vld [tilespmem:s25+$0x580]  }
0x117: {  	[tilespmem:s25+$0x520] =	vst v8;
	v8 =	vmul.f32 v11, v9;
	v11 =	vld [tilespmem:s25+$0x590]  }
0x118: {  	[tilespmem:s25+$0x530] =	vst v7;
	v7 =	vmul.f32 v12, v9;
	v12 =	vld [tilespmem:s25+$0x5A0]  }
0x119: {  	[tilespmem:s25+$0x540] =	vst v8;
	v8 =	vmul.f32 v10, v9;
	v10 =	vbroadcast v1, $0x8;
	v15 =	vld [tilespmem:s25+$0x5B0]  }
0x11a: {  	[tilespmem:s25+$0x550] =	vst v7;
	v7 =	vmul.f32 v13, v9;
	v9 =	vld [tilespmem:s25+$0x5C0]  }
0x11b: {  	[tilespmem:s25+$0x560] =	vst v8;
	v8 =	vmul.f32 v14, v10;
	v13 =	vld [tilespmem:s25+$0x5D0]  }
0x11c: {  	[tilespmem:s25+$0x570] =	vst v7;
	v7 =	vmul.f32 v11, v10;
	v11 =	vld [tilespmem:s25+$0x5E0]  }
0x11d: {  	[tilespmem:s25+$0x580] =	vst v8;
	v8 =	vmul.f32 v12, v10;
	v12 =	vld [tilespmem:s25+$0x5F0]  }
0x11e: {  	[tilespmem:s25+$0x590] =	vst v7;
	v7 =	vmul.f32 v15, v10;
	v14 =	vld [tilespmem:s25+$0x600]  }
0x11f: {  	[tilespmem:s25+$0x5A0] =	vst v8;
	v8 =	vmul.f32 v9, v10;
	v9 =	vld [tilespmem:s25+$0x610]  }
0x120: {  	[tilespmem:s25+$0x5B0] =	vst v7;
	v7 =	vmul.f32 v13, v10;
	v13 =	vld [tilespmem:s25+$0x620]  }
0x121: {  	[tilespmem:s25+$0x5C0] =	vst v8;
	v8 =	vmul.f32 v11, v10;
	v11 =	vbroadcast v1, $0x9;
	v15 =	vld [tilespmem:s25+$0x630]  }
0x122: {  	[tilespmem:s25+$0x5D0] =	vst v7;
	v7 =	vmul.f32 v12, v10;
	v10 =	vld [tilespmem:s25+$0x640]  }
0x123: {  	[tilespmem:s25+$0x5E0] =	vst v8;
	v8 =	vmul.f32 v14, v11;
	v12 =	vld [tilespmem:s25+$0x650]  }
0x124: {  	[tilespmem:s25+$0x5F0] =	vst v7;
	v7 =	vmul.f32 v9, v11;
	v9 =	vld [tilespmem:s25+$0x660]  }
0x125: {  	[tilespmem:s25+$0x600] =	vst v8;
	v8 =	vmul.f32 v13, v11;
	v13 =	vld [tilespmem:s25+$0x670]  }
0x126: {  	[tilespmem:s25+$0x610] =	vst v7;
	v7 =	vmul.f32 v15, v11;
	v14 =	vld [tilespmem:s25+$0x680]  }
0x127: {  	[tilespmem:s25+$0x620] =	vst v8;
	v8 =	vmul.f32 v10, v11;
	v10 =	vld [tilespmem:s25+$0x690]  }
0x128: {  	[tilespmem:s25+$0x630] =	vst v7;
	v7 =	vmul.f32 v12, v11;
	v12 =	vld [tilespmem:s25+$0x6A0]  }
0x129: {  	[tilespmem:s25+$0x640] =	vst v8;
	v8 =	vmul.f32 v9, v11;
	v9 =	vld [tilespmem:s25+$0x6B0]  }
0x12a: {  	[tilespmem:s25+$0x650] =	vst v7;
	v7 =	vmul.f32 v13, v11;
	v11 =	vld [tilespmem:s25+$0x6C0]  }
0x12b: {  	[tilespmem:s25+$0x660] =	vst v8;
	v8 =	vmul.f32 v14, v4;
	v13 =	vld [tilespmem:s25+$0x6D0]  }
0x12c: {  	[tilespmem:s25+$0x670] =	vst v7;
	v7 =	vmul.f32 v10, v4;
	v10 =	vld [tilespmem:s25+$0x6E0]  }
0x12d: {  	v14 =	vld [tilespmem:s25+$0x180];
	[tilespmem:s25+$0x680] =	vst v8;
	v8 =	vmul.f32 v12, v4  }
0x12e: {  	v12 =	vld [tilespmem:s25+$0x190];
	[tilespmem:s25+$0x690] =	vst v7;
	v7 =	vmul.f32 v9, v4  }
0x12f: {  	v9 =	vld [tilespmem:s25+$0x1C0];
	[tilespmem:s25+$0x6A0] =	vst v8;
	v8 =	vmul.f32 v11, v4  }
0x130: {  	v11 =	vld [tilespmem:s25+$0x1D0];
	[tilespmem:s25+$0x6B0] =	vst v7;
	v7 =	vmul.f32 v13, v4  }
0x131: {  	[tilespmem:s25+$0x6C0] =	vst v8;
	v8 =	vmul.f32 v10, v4;
	v10 =	vbroadcast v1, $0xB;
	v13 =	vld [tilespmem:s25+$0x720]  }
0x132: {  	v4 =	vbroadcast v1, $0xF;
	v14 =	vmul.f32 v2, v14;
	[tilespmem:s25+$0x6D0] =	vst v7;
	v7 =	vld [tilespmem:s25+$0x730]  }
0x133: {  	v12 =	vmul.f32 v12, v2;
	[tilespmem:s25+$0x6E0] =	vst v8;
	v5 =	vmul.f32 v5, v10;
	v8 =	vld [tilespmem:s25+$0x740]  }
0x134: {  	v6 =	vmul.f32 v6, v10;
	[tilespmem:s25+$0x180] =	vst v14;
	v9 =	vmul.f32 v9, v2;
	v14 =	vld [tilespmem:s25+$0x750]  }
0x135: {  	v3 =	vmul.f32 v3, v4;
	v11 =	vmul.f32 v11, v2;
	[tilespmem:s25+$0x700] =	vst v5;
	v2 =	vld [tilespmem:s25+$0x760]  }
0x136: {  	[tilespmem:s25+$0x710] =	vst v6;
	v5 =	vmul.f32 v13, v10;
	v6 =	vld [tilespmem:s25+$0x770]  }
0x137: {  	v7 =	vmul.f32 v7, v10;
	v13 =	vld [tilespmem:s25+$0x780];
	[tilespmem:s25+$0x950] =	vst v3  }
0x138: {  	[tilespmem:s25+$0x190] =	vst v12;
	v3 =	vmul.f32 v8, v10;
	v8 =	vld [tilespmem:s25+$0x790]  }
0x139: {  	[tilespmem:s25+$0x1C0] =	vst v9;
	v9 =	vmul.f32 v14, v10;
	v12 =	vld [tilespmem:s25+$0x7A0]  }
0x13a: {  	v14 =	vbroadcast v1, $0xC;
	[tilespmem:s25+$0x720] =	vst v5;
	v5 =	vmul.f32 v2, v10;
	v15 =	vld [tilespmem:s25+$0x7B0]  }
0x13b: {  	[tilespmem:s25+$0x750] =	vst v9;
	v6 =	vmul.f32 v6, v10;
	v9 =	vld [tilespmem:s25+$0x7C0]  }
0x13c: {  	[tilespmem:s25+$0x730] =	vst v7;
	v2 =	vmul.f32 v13, v14;
	v7 =	vld [tilespmem:s25+$0x7D0]  }
0x13d: {  	[tilespmem:s25+$0x740] =	vst v3;
	v3 =	vmul.f32 v8, v14;
	v8 =	vld [tilespmem:s25+$0x7E0]  }
0x13e: {  	[tilespmem:s25+$0x780] =	vst v2;
	v2 =	vmul.f32 v12, v14;
	v10 =	vld [tilespmem:s25+$0x7F0]  }
0x13f: {  	[tilespmem:s25+$0x790] =	vst v3;
	v3 =	vld [tilespmem:s25+$0x800]  }
0x140: {  	[tilespmem:s25+$0x1D0] =	vst v11;
	v9 =	vmul.f32 v9, v14;
	v11 =	vld [tilespmem:s25+$0x810]  }
0x141: {  	[tilespmem:s25+$0x760] =	vst v5;
	v5 =	vmul.f32 v7, v14;
	v7 =	vld [tilespmem:s25+$0x820]  }
0x142: {  	[tilespmem:s25+$0x7C0] =	vst v9;
	v8 =	vmul.f32 v8, v14;
	v9 =	vbroadcast v1, $0xD;
	v12 =	vld [tilespmem:s25+$0x830]  }
0x143: {  	[tilespmem:s25+$0x7D0] =	vst v5;
	v5 =	vmul.f32 v10, v14;
	v10 =	vld [tilespmem:s25+$0x840]  }
0x144: {  	[tilespmem:s25+$0x7E0] =	vst v8;
	v3 =	vmul.f32 v3, v9;
	v8 =	vld [tilespmem:s25+$0x850]  }
0x145: {  	[tilespmem:s25+$0x7F0] =	vst v5;
	v5 =	vmul.f32 v11, v9;
	v11 =	vld [tilespmem:s25+$0x860]  }
0x146: {  	[tilespmem:s25+$0x800] =	vst v3;
	v3 =	vmul.f32 v7, v9;
	v7 =	vld [tilespmem:s25+$0x870]  }
0x147: {  	[tilespmem:s25+$0x810] =	vst v5;
	v5 =	vmul.f32 v12, v9;
	v12 =	vld [tilespmem:s25+$0x880]  }
0x148: {  	[tilespmem:s25+$0x820] =	vst v3;
	v3 =	vmul.f32 v10, v9;
	v10 =	vld [tilespmem:s25+$0x890]  }
0x149: {  	[tilespmem:s25+$0x830] =	vst v5;
	v5 =	vmul.f32 v8, v9;
	v8 =	vld [tilespmem:s25+$0x8A0]  }
0x14a: {  	v1 =	vbroadcast v1, $0xE;
	[tilespmem:s25+$0x770] =	vst v6;
	v6 =	vmul.f32 v11, v9;
	v11 =	vld [tilespmem:s25+$0x8B0]  }
0x14b: {  	[tilespmem:s25+$0x850] =	vst v5;
	v5 =	vmul.f32 v7, v9;
	v7 =	vld [tilespmem:s25+$0x8C0]  }
0x14c: {  	[tilespmem:s25+$0x860] =	vst v6;
	v6 =	vmul.f32 v12, v1;
	v9 =	vld [tilespmem:s25+$0x8D0]  }
0x14d: {  	[tilespmem:s25+$0x870] =	vst v5;
	v5 =	vmul.f32 v10, v1;
	v10 =	vld [tilespmem:s25+$0x8E0]  }
0x14e: {  	[tilespmem:s25+$0x880] =	vst v6;
	v6 =	vmul.f32 v8, v1;
	v8 =	vld [tilespmem:s25+$0x8F0]  }
0x14f: {  	[tilespmem:s25+$0x890] =	vst v5;
	v5 =	vmul.f32 v11, v1;
	v11 =	vld [tilespmem:s25+$0x900]  }
0x150: {  	[tilespmem:s25+$0x8A0] =	vst v6;
	v6 =	vmul.f32 v7, v1;
	v7 =	vld [tilespmem:s25+$0x910]  }
0x151: {  	[tilespmem:s25+$0x8B0] =	vst v5;
	v5 =	vmul.f32 v9, v1;
	v9 =	vld [tilespmem:s25+$0x920]  }
0x152: {  	[tilespmem:s25+$0x8C0] =	vst v6;
	v6 =	vmul.f32 v10, v1;
	v10 =	vld [tilespmem:s25+$0x930]  }
0x153: {  	[tilespmem:s25+$0x840] =	vst v3;
	v1 =	vmul.f32 v8, v1;
	v3 =	vld [tilespmem:s25+$0x940]  }
0x154: {  	[tilespmem:s25+$0x8E0] =	vst v6;
	v6 =	vmul.f32 v11, v4;
	v8 =	vld [tilespmem:s25+$0x960]  }
0x155: {  	[tilespmem:s25+$0x8F0] =	vst v1;
	v1 =	vmul.f32 v7, v4;
	v7 =	vld [tilespmem:s25+$0x970]  }
0x156: {  	[tilespmem:s25+$0x900] =	vst v6;
	v6 =	vmul.f32 v9, v4  }
0x157: {  	[tilespmem:s25+$0x910] =	vst v1;
	v1 =	vmul.f32 v10, v4  }
0x158: {  	v9 =	vmul.f32 v15, v14;
	[tilespmem:s25+$0x920] =	vst v6  }
0x159: {  	[tilespmem:s25+$0x930] =	vst v1;
	v1 =	vmul.f32 v3, v4  }
.Ltmp1:
0x15a: {  	[tilespmem:s25+$0x7B0] =	vst v9;
	v3 =	vmul.f32 v7, v4;
	(pc) =	sbr.rel @p0 .LBB2_5-.Ltmp1, $4  }
0x15b: {  	[tilespmem:s25+$0x940] =	vst v1  }
0x15c: {  	v1 =	vmul.f32 v8, v4;
	[tilespmem:s25+$0x970] =	vst v3  }
0x15d: {  	[tilespmem:s25+$0x8D0] =	vst v5  }
0x15e: {  	[tilespmem:s25+$0x960] =	vst v1  }
0x15f: {  	s24 =	sadd.s32 $0x1, s24  }
0x160: {  	p0 =	sne.s32 s24, $0x50  }
.Ltmp2:
0x161: {  	[tilespmem:s25+$0x7A0] =	vst v2;
	(pc) =	sbr.rel @p0 .LBB2_4-.Ltmp2, $4  }
0x162: {  	[spmem:s1] =	stream.indirect.scatter.add.f32 [tilespmem:s16], [sflag:$0x2], $0x80, s18, s18, $0xb8;
	[tilespmem:$0x18180] =	vst v63  }
0x163: {  	_ =	swait.ge [sflag:s17], $0x4000  }
0x164: {  	[sflag:s17] =	ssyncset.done $0x0  }
0x165: {  	[sflag:s17] =	ssyncadd.s32 $0xFFFFC000  }
0x166: {  	s3 =	sadd.s32 $0x1, s3  }
0x167: {  	p0 =	sne.s32 s3, s15  }
.Ltmp3:
0x168: {  	[bflag:$0x0] =	sbarrier.arrive $0xFFFF;
	(pc) =	sbr.rel @p0 .LBB2_1-.Ltmp3, $4  }
0x169: {  	[hbm:s14], [sflag:s21] =	dma.local [spmem:s22], $0x2800  }
0x16a: {  	_ =	swait.ge [sflag:s17], $0x2800  }
0x16b: {  	[sflag:s17] =	ssyncset.done $0x0  }
0x16c: {  	[sflag:s17] =	ssyncadd.s32 $0xFFFFD800  }
0x16d: {  	_ =	sfence.sel $0x180000  }
0x16e: {  	[bflag:$0x0] =	sbarrier.arrive $0xFFFF  }
0x16f: {  	p0 =	sne.s32 s2, $0x0;
	_ =	strace $0x9000004A  }
0x170: {  	s0 =	sadd.s32 @!p0 $0x100000, s0;
	[bflag:$0x2] =	sbarrier.arrive $0xFFFF  }
0x171: {  	[sflag:s0] =	ssyncadd.tile.s32 @!p0 $0x1;
	_ =	shalt  }
.Lfunc_end2:
_tile_overlayer_lowered:
.L_overlay_start_2:
0x172: {  	(tag) =	ssettag $0x2  }
0x173: {  	s0 =	rddreg [dreg:$0x0];
	s2 =	stileid.u32  }
0x174: {  	s1 =	rddreg [dreg:$0x1];
	p0 =	sne.s32 s2, $0x0  }
0x175: {  	s3 =	rddreg [dreg:$0x2];
	[bflag:$0x3] =	sbarrier.arrive $0xFFFF;
	s2 =	simm.s32 @!p0 $0x1C02  }
0x176: {  	[timem:s3], [sflag:s2] =	dma.local @!p0 [hbm:s0], s1  }
0x177: {  	s0 =	simm.s32 @!p0 $0x2  }
0x178: {  	_ =	swait.ge @!p0 [sflag:s0], s1  }
0x179: {  	s1 =	ssub.s32 @!p0 $0x0, s1;
	[sflag:s0] =	ssyncset.done @!p0 $0x0  }
0x17a: {  	[sflag:s0] =	ssyncadd.s32 @!p0 s1  }
0x17b: {  	[bflag:$0x3] =	sbarrier.arrive $0xFFFF  }
0x17c: {  	_ =	shalt  }

// kernel: kernel.14.cloned.1.call-start
scs
__scs_entry_jumppad:
0x0: {  	(pc) =	sbr.rel $0x88, $3  }
0x1: {  	(tag) =	ssettag $0x0;
	lr =	simm.s32 $0x1  }
0x2: {  	[smem:$0x3F97] =	sst lr;
	_ =	strace $0xD0000000  }
0x3: {  	_ = 	snop  }
0x4: {  	_ = 	snop  }
0x5: {  	_ = 	snop  }
0x6: {  	_ = 	snop  }
0x7: {  	_ = 	snop  }
__scs_overlays_trampoline_lowered:
0x8: {  	[smem:$0x3FA6] =	sst s0  }
0x9: {  	[smem:$0x3FA7] =	sst s1  }
0xa: {  	[smem:$0x3FA8] =	sst s2  }
0xb: {  	[smem:$0x3FA9] =	sst s3  }
0xc: {  	[smem:$0x3FAA] =	sst s4  }
0xd: {  	[smem:$0x3FAB] =	sst s5  }
0xe: {  	[smem:$0x3FAC] =	sst s6  }
0xf: {  	[smem:$0x3FAD] =	sst s7  }
0x10: {  	[smem:$0x3FAE] =	sst s8  }
0x11: {  	[smem:$0x3FAF] =	sst s9;
	s0 =	simm.s32 @!p0 $0x0  }
0x12: {  	s1 =	sld [smem:$0x3F95];
	s0 =	simm.s32 @p0 $0x1  }
0x13: {  	[smem:$0x3FB0] =	sst s0;
	s0 =	simm.s32 @!p1 $0x0  }
0x14: {  	s2 =	sld [smem:$0x3F94];
	s0 =	simm.s32 @p1 $0x1  }
0x15: {  	[smem:$0x3FB1] =	sst s0;
	s0 =	simm.s32 @!p2 $0x0  }
0x16: {  	s3 =	sld [smem:$0x3FDB];
	s0 =	simm.s32 @p2 $0x1  }
0x17: {  	s4 =	simm.s32 $0x1BF5;
	[smem:$0x3FB3] =	sst s0  }
0x18: {  	s0 =	sld [smem:$0x3F96];
	_ =	swait.ge [sflag:s4], $0x0  }
0x19: {  	s7 =	sld [smem:$0x3F97]  }
0x1a: {  	s8 =	sadd.s32 $0xFFFFE003, lr  }
0x1b: {  	s9 =	sadd.s32 $0xFFFFFEF7, lr;
	s5 =	simm.s32 $0xFFFFFFFF;
	p2 =	slt.u32 s8, $0xFFFFF086  }
0x1c: {  	p1 =	slt.u32 s9, $0xF7A;
	s5 =	simm.s32 @!p2 $0x0  }
0x1d: {  	s5 =	simm.s32 @p1 $0x1;
	p0 =	seq.s32 s7, s2  }
0x1e: {  	s7 =	smul.u32 @!p0 $0xF7A, s2;
	p2 =	seq.s32 @!p0 s5, $0x0  }
0x1f: {  	s9 =	smul.u32 $0xF7A, s1;
	s8 =	simm.s32 @!p0 $0x1BF5;
	p2 =	por !p2, p0  }
0x20: {  	[sflag:s8] =	ssyncset.s32 @!p0 $0xFFFFF086;
	s6 =	sadd.s32 @!p0 s3, s7;
	s7 =	simm.s32 @!p0 $0x108  }
0x21: {  	s3 =	sadd.s32 s3, s9;
	s6 =	sadd.s32 @!p0 $0x88, s6;
	s7 =	simm.s32 @p2 $0x1082  }
0x22: {  	[simem:s7], [sflag:s8] =	dma.local @!p0 [hbm:s6], $0xF7A  }
0x23: {  	s9 =	sor.u32 $0xD0000000, s2;
	s6 =	simm.s32 $0x108;
	_ =	swait.ge @!p0 [sflag:s8], $0x0  }
0x24: {  	s3 =	sadd.s32 $0x88, s3;
	s6 =	simm.s32 @!p1 $0x1082;
	[sflag:s4] =	ssyncset.s32 $0xFFFFF086  }
0x25: {  	[simem:s6], [sflag:s4] =	dma.local [hbm:s3], $0xF7A  }
0x26: {  	[smem:$0x3F97] =	sst s1;
	(tag) =	ssettag s2;
	_ =	strace s9  }
0x27: {  	s1 =	sld [smem:$0x3FA7]  }
0x28: {  	s2 =	sld [smem:$0x3FA8]  }
0x29: {  	s4 =	sld [smem:$0x3FAA]  }
0x2a: {  	p0 =	seq.s32 s5, $0x0;
	s5 =	sld [smem:$0x3FAB]  }
0x2b: {  	s6 =	sld [smem:$0x3FAC]  }
0x2c: {  	s7 =	sld [smem:$0x3FAD]  }
0x2d: {  	s3 =	simm.s32 $0x108;
	s8 =	sld [smem:$0x3FAE]  }
0x2e: {  	s3 =	simm.s32 @!p0 $0x1082;
	s9 =	sld [smem:$0x3FAF]  }
0x2f: {  	lr =	sadd.s32 s0, s3;
	s0 =	sld [smem:$0x3FA6]  }
0x30: {  	s3 =	sld [smem:$0x3FA9]  }
0x31: {  	[smem:$0x3FB2] =	sst s10  }
0x32: {  	s10 =	sld [smem:$0x3FB0];
	_ =	sdelay $0x3  }
0x33: {  	p0 =	seq.s32 s10, $0x1;
	s10 =	sld [smem:$0x3FB2];
	_ =	sdelay $0x3  }
0x34: {  	[smem:$0x3FB2] =	sst s10  }
0x35: {  	s10 =	sld [smem:$0x3FB1];
	_ =	sdelay $0x3  }
0x36: {  	p1 =	seq.s32 s10, $0x1;
	s10 =	sld [smem:$0x3FB2];
	_ =	sdelay $0x3  }
0x37: {  	[smem:$0x3FB2] =	sst s10  }
0x38: {  	s10 =	sld [smem:$0x3FB3]  }
0x39: {  	_ = 	snop;
	(pc) =	sbr.ind lr, $3  }
0x3a: {  	_ = 	snop  }
0x3b: {  	_ = 	snop  }
0x3c: {  	p2 =	seq.s32 s10, $0x1;
	s10 =	sld [smem:$0x3FB2]  }
0x3d: {  	_ =	shalt  }
0x3e: {  	_ =	shalt  }
0x3f: {  	_ =	shalt  }
0x40: {  	_ =	shalt  }
0x41: {  	_ =	shalt  }
0x42: {  	_ =	shalt  }
0x43: {  	_ =	shalt  }
0x44: {  	_ =	shalt  }
0x45: {  	_ =	shalt  }
0x46: {  	_ =	shalt  }
0x47: {  	_ =	shalt  }
0x48: {  	_ =	shalt  }
0x49: {  	_ =	shalt  }
0x4a: {  	_ =	shalt  }
0x4b: {  	_ =	shalt  }
0x4c: {  	_ =	shalt  }
0x4d: {  	_ =	shalt  }
0x4e: {  	_ =	shalt  }
0x4f: {  	_ =	shalt  }
0x50: {  	_ =	shalt  }
0x51: {  	_ =	shalt  }
0x52: {  	_ =	shalt  }
0x53: {  	_ =	shalt  }
0x54: {  	_ =	shalt  }
0x55: {  	_ =	shalt  }
0x56: {  	_ =	shalt  }
0x57: {  	_ =	shalt  }
0x58: {  	_ =	shalt  }
0x59: {  	_ =	shalt  }
0x5a: {  	_ =	shalt  }
0x5b: {  	_ =	shalt  }
0x5c: {  	_ =	shalt  }
0x5d: {  	_ =	shalt  }
0x5e: {  	_ =	shalt  }
0x5f: {  	_ =	shalt  }
0x60: {  	_ =	shalt  }
0x61: {  	_ =	shalt  }
0x62: {  	_ =	shalt  }
0x63: {  	_ =	shalt  }
0x64: {  	_ =	shalt  }
0x65: {  	_ =	shalt  }
0x66: {  	_ =	shalt  }
0x67: {  	_ =	shalt  }
0x68: {  	_ =	shalt  }
0x69: {  	_ =	shalt  }
0x6a: {  	_ =	shalt  }
0x6b: {  	_ =	shalt  }
0x6c: {  	_ =	shalt  }
0x6d: {  	_ =	shalt  }
0x6e: {  	_ =	shalt  }
0x6f: {  	_ =	shalt  }
0x70: {  	_ =	shalt  }
0x71: {  	_ =	shalt  }
0x72: {  	_ =	shalt  }
0x73: {  	_ =	shalt  }
0x74: {  	_ =	shalt  }
0x75: {  	_ =	shalt  }
0x76: {  	_ =	shalt  }
0x77: {  	_ =	shalt  }
0x78: {  	_ =	shalt  }
0x79: {  	_ =	shalt  }
0x7a: {  	_ =	shalt  }
0x7b: {  	_ =	shalt  }
0x7c: {  	_ =	shalt  }
0x7d: {  	_ =	shalt  }
0x7e: {  	_ =	shalt  }
0x7f: {  	_ =	shalt  }
0x80: {  	_ =	shalt  }
0x81: {  	_ =	shalt  }
0x82: {  	_ =	shalt  }
0x83: {  	_ =	shalt  }
0x84: {  	_ =	shalt  }
0x85: {  	_ =	shalt  }
0x86: {  	_ =	shalt  }
0x87: {  	_ =	shalt  }
.Lfunc_end0:
.L_simem_size_0:
called_computation.2_lowered:
.L_overlay_start_0:
0x88: {  	s2 =	sld [smem:$0x3FD9]  }
0x89: {  	s3 =	sld [smem:$0x3FFE];
	_ =	sdelay $0x1  }
0x8a: {  	s1 =	srdreg.scid  }
0x8b: {  	s0 =	sand.u32 $0x1, s1  }
0x8c: {  	s16 =	sshll.u32 s0, $0xA;
	s2 =	sadd.s32 s3, s2  }
0x8d: {  	s2 =	sadd.s32 s2, s16  }
0x8e: {  	[smem:$0x3FBE] =	sst s2  }
0x8f: {  	_ = 	snop  }
0x90: {  	(tm) =	ssettm $0x1  }
0x91: {  	s17 =	sld [smem:$0x3FFB];
	_ =	sdelay $0x3  }
0x92: {  	_ =	strace s17  }
0x93: {  	s2 =	sld [smem:$0x3FFC];
	_ =	sdelay $0x3  }
0x94: {  	_ =	strace s2  }
0x95: {  	s2 =	sld [smem:$0x3FFD];
	_ =	sdelay $0x3  }
0x96: {  	_ =	strace s2  }
0x97: {  	_ =	strace $0x8FFFFFFF  }
0x98: {  	s18 =	sld [smem:$0x3FDB];
	_ =	sdelay $0x1  }
0x99: {  	s19 =	simm.s32 $_scs_section_size  }
0x9a: {  	s4 =	simm.s32 $_size__tile_overlayer_lowered;
	s5 =	simm.s32 $_tile_overlayer_lowered  }
0x9b: {  	s22 =	simm.s32 $0x1BFF;
	s21 =	sshll.u32 s5, $0x1;
	s2 =	sadd.s32 s19, s18  }
0x9c: {  	s6 =	simm.s32 $0x0;
	s20 =	sshll.u32 s4, $0x1;
	s4 =	sadd.s32 s21, s2  }
0x9d: {  	[timem:s6], [sflag:s22] =	dma.local [hbm:s4], s20  }
0x9e: {  	_ =	swait.ge [sflag:s22], s20  }
0x9f: {  	s3 =	ssub.s32 $0x0, s20;
	[sflag:s22] =	ssyncset.done $0x0  }
0xa0: {  	[sflag:s22] =	ssyncadd.s32 s3;
	_ =	sdelay $0x1  }
0xa1: {  	s23 =	simm.s32 $0x1B8B  }
0xa2: {  	_ =	swait.ge [sflag:s23], $0x1  }
0xa3: {  	[sflag:s23] =	ssyncset.done $0x0  }
0xa4: {  	s25 =	simm.s32 $0x1B8E;
	s24 =	sld [smem:$0x3FFE];
	[sflag:s23] =	ssyncadd.s32 $0xFFFFFFFF  }
0xa5: {  	s26 =	simm.s32 $execute0_lowered;
	[smem:$0x3FD2] =	sst s25  }
0xa6: {  	s4 =	sshll.u32 s26, $0x1;
	_ =	strace $0x8000004C;
	[dreg:$0x1] =	wrdreg $0xFFFFFFFF  }
0xa7: {  	s28 =	simm.s32 $_size_execute0_lowered;
	s2 =	sadd.s32 s2, s4;
	[dreg:$0x0] =	wrdreg $0x0  }
0xa8: {  	s4 =	sshll.u32 s28, $0x1;
	[dreg:$0x2] =	wrdreg s2  }
0xa9: {  	[dreg:$0x3] =	wrdreg s4  }
0xaa: {  	[dreg:$0x4] =	wrdreg $0xC0  }
0xab: {  	_ =	task [dreg:s6], $0x5FFFF  }
0xac: {  	[dreg:$0x1] =	wrdreg $0xFFFFFFFF  }
0xad: {  	[dreg:$0x0] =	wrdreg $0x60  }
0xae: {  	[dreg:$0x2] =	wrdreg s24  }
0xaf: {  	[dreg:$0x3] =	wrdreg $0x41800  }
0xb0: {  	[dreg:$0x4] =	wrdreg $0x9  }
0xb1: {  	_ =	task.clear_ibuf [dreg:s6], $0x5FFFF;
	_ =	strace $0x9000004C  }
0xb2: {  	s29 =	simm.s32 $0x9;
	_ =	strace $0x8000004E  }
0xb3: {  	_ =	swait.ge [sflag:s29], $0x1  }
0xb4: {  	[sflag:s29] =	ssyncadd.s32 $0xFFFFFFFF  }
0xb5: {  	_ =	strace $0x9000004E  }
0xb6: {  	_ =	sfence  }
0xb7: {  	s30 =	sld [smem:$0x0];
	_ =	sdelay $0x2  }
0xb8: {  	s31 =	sshll.u32 s1, $0xD;
	s1 =	sshrl.u32 s1, $0x2  }
0xb9: {  	s3 =	sand.u32 $0x4000, s31;
	s1 =	sadd.s32 s1, s30  }
0xba: {  	s0 =	sor.u32 s3, s0;
	s1 =	sshll.u32 s1, $0x11  }
0xbb: {  	s0 =	sor.u32 s1, s0  }
0xbc: {  	s0 =	sadd.s32 $0x8F2B, s0  }
0xbd: {  	[sflag:s0] =	ssyncadd.remote.s32 $0x1  }
0xbe: {  	_ =	sfence.sel $0xFFFF  }
0xbf: {  	[dreg:$0x0] =	wrdreg $0xFFFFFFFF;
	(pc) =	sbr.abs _section_cstart, $3  }
0xc0: {  	[dreg:$0x1] =	wrdreg $0xFFFFFFFF  }
0xc1: {  	_ =	task.clear_ibuf [dreg:s6], $0x2FFFF;
	_ =	strace $0x9FFFFFFF  }
0xc2: {  	(tm) =	ssettm $0x7FFFFFFF  }
0xc3: {  	_ =	shalt  }
tec
execute0_lowered:
.L_overlay_start_1:
0x0: {  	(tag) =	ssettag $0x1  }
0x1: {  	s8 =	rddreg [dreg:$0x0]  }
0x2: {  	s1 =	rddreg [dreg:$0x1]  }
0x3: {  	s2 =	srdreg.scid;
	s0 =	rddreg [dreg:$0x2];
	s3 =	simm.s32 $0x0  }
0x4: {  	s16 =	simm.s32 $0x180;
	s17 =	simm.s32 $0x2;
	s18 =	simm.s32 $0x80  }
0x5: {  	s19 =	simm.s32 $0x100;
	s9 =	sand.u32 $0x1, s2;
	s2 =	stileid.u32  }
0x6: {  	s20 =	simm.s32 $0x1;
	[smem:$0x7FF] =	sst s3;
	s6 =	smul.u32 $0x140000, s9  }
0x7: {  	s4 =	sadd.s32 $0x2A800, s8;
	s5 =	sadd.s32 $0x20800, s8;
	s7 =	smul.u32 $0x14000, s2  }
0x8: {  	_ =	strace $0x8000004D;
	s11 =	smul.u32 $0x50000, s2;
	s30 =	ssub.s32 $0x2, s9  }
0x9: {  	s9 =	sshll.u32 s9, $0x4;
	s21 =	sshll.u32 s2, $0x6;
	s31 =	sshrl.u32 s30, $0x1  }
0xa: {  	s13 =	sor.u32 s2, s9;
	s21 =	sor.u32 $0x1C02, s21;
	s7 =	sadd.s32 s7, s6  }
0xb: {  	s6 =	sadd.s32 $0x2800, s8;
	s11 =	sshrl.u32 s11, $0x2;
	s15 =	ssub.s32 s30, s31  }
0xc: {  	s13 =	smul.u32 $0x50, s13;
	s10 =	sshrl.u32 s7, $0x3;
	s7 =	sadd.s32 $0xC800, s8  }
0xd: {  	s15 =	smax.u32 s15, $0x1;
	s14 =	sadd.s32 s10, s8;
	s8 =	sadd.s32 s11, s1  }
0xe: {  	s9 =	sadd.s32 $0x4000, s8;
	s10 =	sadd.s32 $0x8000, s8;
	s11 =	sadd.s32 $0xC000, s8  }
0xf: {  	v0 =	vimm.f32 $0.0e+00;
	s12 =	sadd.s32 $0x10000, s8;
	s14 =	sadd.s32 $0x52800, s14;
	s22 =	sshrl.u32 s8, $0x3  }
.LBB2_1:
0x10: {  	s23 =	simm.s32 $0x0;
	s24 =	simm.s32 $0x200  }
.LBB2_2:
0x11: {  	p0 =	sne.s32 s24, $0xFE00;
	[tilespmem:s23+$0x1F0] =	vst v0  }
0x12: {  	[tilespmem:s23+$0x180] =	vst v0  }
0x13: {  	[tilespmem:s23+$0x190] =	vst v0  }
.Ltmp0:
0x14: {  	[tilespmem:s23+$0x1A0] =	vst v0;
	(pc) =	sbr.rel @p0 .LBB2_2-.Ltmp0, $4  }
0x15: {  	[tilespmem:s23+$0x1B0] =	vst v0  }
0x16: {  	[tilespmem:s23+$0x1C0] =	vst v0  }
0x17: {  	[tilespmem:s23+$0x1D0] =	vst v0  }
0x18: {  	[tilespmem:s23+$0x1E0] =	vst v0;
	s23 =	sshra.s32 s24, $0x2;
	s24 =	sadd.s32 $0x200, s24  }
0x19: {  	[tilespmem:s23+$0x1F0] =	vst v0  }
0x1a: {  	[tilespmem:s23+$0x180] =	vst v0  }
0x1b: {  	[tilespmem:s23+$0x190] =	vst v0  }
0x1c: {  	[tilespmem:s23+$0x1A0] =	vst v0  }
0x1d: {  	[tilespmem:s23+$0x1B0] =	vst v0  }
0x1e: {  	[tilespmem:s23+$0x1C0] =	vst v0  }
0x1f: {  	[tilespmem:s23+$0x1D0] =	vst v0  }
0x20: {  	[tilespmem:s23+$0x1E0] =	vst v0  }
0x21: {  	[spmem:s8] =	stream.linear.scatter [tilespmem:s16], [sflag:$0x2], $0x4000, $0x38;
	[tilespmem:$0x18180] =	vst v63  }
0x22: {  	_ =	swait.ge [sflag:s17], $0x4000  }
0x23: {  	[sflag:s17] =	ssyncset.done $0x0  }
0x24: {  	[sflag:s17] =	ssyncadd.s32 $0xFFFFC000  }
0x25: {  	[spmem:s9] =	stream.linear.scatter [tilespmem:s16], [sflag:$0x2], $0x4000, $0x38;
	[tilespmem:$0x18180] =	vst v63  }
0x26: {  	_ =	swait.ge [sflag:s17], $0x4000  }
0x27: {  	[sflag:s17] =	ssyncset.done $0x0  }
0x28: {  	[sflag:s17] =	ssyncadd.s32 $0xFFFFC000  }
0x29: {  	[spmem:s10] =	stream.linear.scatter [tilespmem:s16], [sflag:$0x2], $0x4000, $0x38;
	[tilespmem:$0x18180] =	vst v63  }
0x2a: {  	_ =	swait.ge [sflag:s17], $0x4000  }
0x2b: {  	[sflag:s17] =	ssyncset.done $0x0  }
0x2c: {  	[sflag:s17] =	ssyncadd.s32 $0xFFFFC000  }
0x2d: {  	[spmem:s11] =	stream.linear.scatter [tilespmem:s16], [sflag:$0x2], $0x4000, $0x38;
	[tilespmem:$0x18180] =	vst v63  }
0x2e: {  	_ =	swait.ge [sflag:s17], $0x4000  }
0x2f: {  	[sflag:s17] =	ssyncset.done $0x0  }
0x30: {  	[sflag:s17] =	ssyncadd.s32 $0xFFFFC000  }
0x31: {  	[spmem:s12] =	stream.linear.scatter [tilespmem:s16], [sflag:$0x2], $0x4000, $0x38;
	[tilespmem:$0x18180] =	vst v63  }
0x32: {  	_ =	swait.ge [sflag:s17], $0x4000  }
0x33: {  	[sflag:s17] =	ssyncset.done $0x0  }
0x34: {  	[sflag:s17] =	ssyncadd.s32 $0xFFFFC000  }
0x35: {  	s23 =	simm.s32 $0x0;
	s24 =	simm.s32 $0x0;
	[bflag:$0x0] =	sbarrier.arrive $0xFFFF  }
.LBB2_4:
0x36: {  	s25 =	sadd.s32 s13, s24  }
0x37: {  	s25 =	sshll.u32 s25, $0x4  }
0x38: {  	s26 =	sadd.s32 s5, s25  }
0x39: {  	[tilespmem:s23], [sflag:$0x2] =	stream.linear.gather [hbm4b:s26+s23], $0x80, $0x38;
	[tilespmem:$0x18180] =	vst v63  }
0x3a: {  	_ =	swait.ge [sflag:s17], $0x80  }
0x3b: {  	[sflag:s17] =	ssyncset.done $0x0  }
0x3c: {  	s29 =	sadd.s32 s6, s25;
	[sflag:s17] =	ssyncadd.s32 $0xFFFFFF80  }
0x3d: {  	[tilespmem:s18], [sflag:$0x2] =	stream.linear.gather [hbm4b:s29+s23], $0x80, $0x38;
	[tilespmem:$0x18180] =	vst v63  }
0x3e: {  	_ =	swait.ge [sflag:s17], $0x80  }
0x3f: {  	[sflag:s17] =	ssyncset.done $0x0  }
0x40: {  	s25 =	sadd.s32 s7, s25;
	[sflag:s17] =	ssyncadd.s32 $0xFFFFFF80  }
0x41: {  	[tilespmem:s19], [sflag:$0x2] =	stream.linear.gather [hbm4b:s25+s23], $0x80, $0x38;
	[tilespmem:$0x18180] =	vst v63  }
0x42: {  	_ =	swait.ge [sflag:s17], $0x80  }
0x43: {  	[sflag:s17] =	ssyncset.done $0x0  }
0x44: {  	[sflag:s17] =	ssyncadd.s32 $0xFFFFFF80  }
0x45: {  	[tilespmem:s16], [sflag:$0x1] =	stream.indirect.gather [hbm4b:s4+s18], $0x80, s23, s18, $0xb8;
	[tilespmem:$0x18180] =	vst v63  }
0x46: {  	_ =	swait.ge [sflag:s20], $0x4000  }
0x47: {  	s30 =	simm.s32 $0x0;
	[sflag:s20] =	ssyncset.done $0x0  }
0x48: {  	s25 =	sand.u32 $0x3FFFFFF0, s30;
	[sflag:s20] =	ssyncadd.s32 $0xFFFFC000  }
0x49: {  	s31 =	simm.s32 $0x0;
	v1 =	vld [tilespmem:s25+$0x100]  }
0x4a: {  	s25 =	sand.u32 $0x3FFFF800, s31  }
0x4b: {  	v3 =	vld [tilespmem:s25+$0x1A0]  }
0x4c: {  	v4 =	vld [tilespmem:s25+$0x1B0]  }
0x4d: {  	v10 =	vld [tilespmem:s25+$0x1E0]  }
0x4e: {  	v11 =	vld [tilespmem:s25+$0x1F0];
	v2 =	vbroadcast v1, $0x0  }
0x4f: {  	v12 =	vld [tilespmem:s25+$0x200]  }
0x50: {  	v13 =	vld [tilespmem:s25+$0x210];
	v3 =	vmul.f32 v3, v2  }
0x51: {  	v14 =	vld [tilespmem:s25+$0x220];
	v4 =	vmul.f32 v4, v2  }
0x52: {  	v9 =	vld [tilespmem:s25+$0x230];
	v23 =	vbroadcast v1, $0x1;
	v22 =	vmul.f32 v10, v2;
	[tilespmem:s25+$0x1A0] =	vst v3  }
0x53: {  	v7 =	vld [tilespmem:s25+$0x240];
	v11 =	vmul.f32 v11, v2;
	[tilespmem:s25+$0x1B0] =	vst v4  }
0x54: {  	v8 =	vld [tilespmem:s25+$0x250];
	v12 =	vmul.f32 v12, v23;
	[tilespmem:s25+$0x1E0] =	vst v22  }
0x55: {  	v25 =	vld [tilespmem:s25+$0x270];
	v13 =	vmul.f32 v13, v23;
	[tilespmem:s25+$0x1F0] =	vst v11  }
0x56: {  	v26 =	vld [tilespmem:s25+$0x280];
	v14 =	vmul.f32 v14, v23;
	[tilespmem:s25+$0x200] =	vst v12  }
0x57: {  	v27 =	vld [tilespmem:s25+$0x290];
	v9 =	vmul.f32 v9, v23;
	[tilespmem:s25+$0x210] =	vst v13  }
0x58: {  	v6 =	vld [tilespmem:s25+$0x6F0];
	v7 =	vmul.f32 v7, v23;
	[tilespmem:s25+$0x220] =	vst v14  }
0x59: {  	v24 =	vld [tilespmem:s25+$0x260];
	v15 =	vbroadcast v1, $0x2;
	v8 =	vmul.f32 v8, v23;
	[tilespmem:s25+$0x230] =	vst v9  }
0x5a: {  	v28 =	vld [tilespmem:s25+$0x2A0];
	v10 =	vmul.f32 v25, v23;
	[tilespmem:s25+$0x240] =	vst v7  }
0x5b: {  	v29 =	vld [tilespmem:s25+$0x2B0];
	v5 =	vbroadcast v1, $0xA;
	v32 =	vmul.f32 v26, v15;
	[tilespmem:s25+$0x250] =	vst v8  }
0x5c: {  	v30 =	vld [tilespmem:s25+$0x2C0];
	v34 =	vmul.f32 v27, v15;
	[tilespmem:s25+$0x270] =	vst v10  }
0x5d: {  	v33 =	vld [tilespmem:s25+$0x2E0];
	v3 =	vmul.f32 v6, v5;
	[tilespmem:s25+$0x280] =	vst v32  }
0x5e: {  	v35 =	vld [tilespmem:s25+$0x2F0];
	v11 =	vmul.f32 v24, v23;
	[tilespmem:s25+$0x290] =	vst v34  }
0x5f: {  	v36 =	vld [tilespmem:s25+$0x300];
	v9 =	vmul.f32 v28, v15;
	[tilespmem:s25+$0x6F0] =	vst v3  }
0x60: {  	v31 =	vld [tilespmem:s25+$0x2D0];
	v7 =	vmul.f32 v29, v15;
	[tilespmem:s25+$0x260] =	vst v11  }
0x61: {  	v37 =	vld [tilespmem:s25+$0x310];
	v8 =	vmul.f32 v30, v15;
	[tilespmem:s25+$0x2A0] =	vst v9  }
0x62: {  	v38 =	vld [tilespmem:s25+$0x320];
	v41 =	vbroadcast v1, $0x3;
	v10 =	vmul.f32 v33, v15;
	[tilespmem:s25+$0x2B0] =	vst v7  }
0x63: {  	v39 =	vld [tilespmem:s25+$0x330];
	v12 =	vmul.f32 v35, v15;
	[tilespmem:s25+$0x2C0] =	vst v8  }
0x64: {  	v42 =	vld [tilespmem:s25+$0x350];
	v13 =	vmul.f32 v36, v41;
	[tilespmem:s25+$0x2E0] =	vst v10  }
0x65: {  	v43 =	vld [tilespmem:s25+$0x360];
	v11 =	vmul.f32 v31, v15;
	[tilespmem:s25+$0x2F0] =	vst v12  }
0x66: {  	v44 =	vld [tilespmem:s25+$0x370];
	v9 =	vmul.f32 v37, v41;
	[tilespmem:s25+$0x300] =	vst v13  }
0x67: {  	v40 =	vld [tilespmem:s25+$0x340];
	v7 =	vmul.f32 v38, v41;
	[tilespmem:s25+$0x2D0] =	vst v11  }
0x68: {  	v45 =	vld [tilespmem:s25+$0x380];
	v8 =	vmul.f32 v39, v41;
	[tilespmem:s25+$0x310] =	vst v9  }
0x69: {  	v46 =	vld [tilespmem:s25+$0x390];
	v10 =	vmul.f32 v42, v41;
	[tilespmem:s25+$0x320] =	vst v7  }
0x6a: {  	v47 =	vld [tilespmem:s25+$0x3A0];
	v12 =	vmul.f32 v43, v41;
	[tilespmem:s25+$0x330] =	vst v8  }
0x6b: {  	v49 =	vld [tilespmem:s25+$0x3C0];
	v50 =	vbroadcast v1, $0x4;
	v13 =	vmul.f32 v44, v41;
	[tilespmem:s25+$0x350] =	vst v10  }
0x6c: {  	v51 =	vld [tilespmem:s25+$0x3D0];
	v11 =	vmul.f32 v40, v41;
	[tilespmem:s25+$0x360] =	vst v12  }
0x6d: {  	v52 =	vld [tilespmem:s25+$0x3E0];
	v9 =	vmul.f32 v45, v50;
	[tilespmem:s25+$0x370] =	vst v13  }
0x6e: {  	v48 =	vld [tilespmem:s25+$0x3B0];
	v7 =	vmul.f32 v46, v50;
	[tilespmem:s25+$0x340] =	vst v11  }
0x6f: {  	v53 =	vld [tilespmem:s25+$0x3F0];
	v8 =	vmul.f32 v47, v50;
	[tilespmem:s25+$0x380] =	vst v9  }
0x70: {  	v54 =	vld [tilespmem:s25+$0x400];
	v10 =	vmul.f32 v49, v50;
	[tilespmem:s25+$0x390] =	vst v7  }
0x71: {  	v55 =	vld [tilespmem:s25+$0x410];
	v12 =	vmul.f32 v51, v50;
	[tilespmem:s25+$0x3A0] =	vst v8  }
0x72: {  	v57 =	vld [tilespmem:s25+$0x430];
	v13 =	vmul.f32 v52, v50;
	[tilespmem:s25+$0x3C0] =	vst v10  }
0x73: {  	v58 =	vld [tilespmem:s25+$0x440];
	v59 =	vbroadcast v1, $0x5;
	v11 =	vmul.f32 v48, v50;
	[tilespmem:s25+$0x3D0] =	vst v12  }
0x74: {  	v60 =	vld [tilespmem:s25+$0x450];
	v9 =	vmul.f32 v53, v50;
	[tilespmem:s25+$0x3E0] =	vst v13  }
0x75: {  	v56 =	vld [tilespmem:s25+$0x420];
	v7 =	vmul.f32 v54, v59;
	[tilespmem:s25+$0x3B0] =	vst v11  }
0x76: {  	v61 =	vld [tilespmem:s25+$0x460];
	v8 =	vmul.f32 v55, v59;
	[tilespmem:s25+$0x3F0] =	vst v9  }
0x77: {  	v62 =	vld [tilespmem:s25+$0x470];
	v10 =	vmul.f32 v57, v59;
	[tilespmem:s25+$0x400] =	vst v7  }
0x78: {  	v63 =	vld [tilespmem:s25+$0x480];
	v12 =	vmul.f32 v58, v59;
	[tilespmem:s25+$0x410] =	vst v8  }
0x79: {  	v19 =	vld [tilespmem:s25+$0x4A0];
	v13 =	vmul.f32 v60, v59;
	[tilespmem:s25+$0x430] =	vst v10  }
0x7a: {  	v20 =	vld [tilespmem:s25+$0x4B0];
	v11 =	vmul.f32 v56, v59;
	[tilespmem:s25+$0x440] =	vst v12  }
0x7b: {  	v21 =	vld [tilespmem:s25+$0x4C0];
	v22 =	vbroadcast v1, $0x6;
	v9 =	vmul.f32 v61, v59;
	[tilespmem:s25+$0x450] =	vst v13  }
0x7c: {  	v18 =	vld [tilespmem:s25+$0x490];
	v7 =	vmul.f32 v62, v59;
	[tilespmem:s25+$0x420] =	vst v11  }
0x7d: {  	v23 =	vld [tilespmem:s25+$0x4D0];
	v8 =	vmul.f32 v63, v22;
	[tilespmem:s25+$0x460] =	vst v9  }
0x7e: {  	v24 =	vld [tilespmem:s25+$0x4E0];
	v10 =	vmul.f32 v19, v22;
	[tilespmem:s25+$0x470] =	vst v7  }
0x7f: {  	v25 =	vld [tilespmem:s25+$0x4F0];
	v12 =	vmul.f32 v20, v22;
	[tilespmem:s25+$0x480] =	vst v8  }
0x80: {  	v27 =	vld [tilespmem:s25+$0x510];
	v13 =	vmul.f32 v21, v22;
	[tilespmem:s25+$0x4A0] =	vst v10  }
0x81: {  	v28 =	vld [tilespmem:s25+$0x520];
	v11 =	vmul.f32 v18, v22;
	[tilespmem:s25+$0x4B0] =	vst v12  }
0x82: {  	v29 =	vld [tilespmem:s25+$0x530];
	v9 =	vmul.f32 v23, v22;
	[tilespmem:s25+$0x4C0] =	vst v13  }
0x83: {  	v31 =	vbroadcast v1, $0x7;
	v53 =	vld [tilespmem:s25+$0x680];
	v7 =	vmul.f32 v24, v22;
	[tilespmem:s25+$0x490] =	vst v11  }
0x84: {  	v57 =	vld [tilespmem:s25+$0x6C0];
	v8 =	vmul.f32 v25, v22;
	[tilespmem:s25+$0x4D0] =	vst v9  }
0x85: {  	v58 =	vld [tilespmem:s25+$0x6D0];
	v10 =	vmul.f32 v27, v31;
	[tilespmem:s25+$0x4E0] =	vst v7  }
0x86: {  	v26 =	vld [tilespmem:s25+$0x500];
	v12 =	vmul.f32 v28, v31;
	[tilespmem:s25+$0x4F0] =	vst v8  }
0x87: {  	v30 =	vld [tilespmem:s25+$0x540];
	v13 =	vmul.f32 v29, v31;
	[tilespmem:s25+$0x510] =	vst v10  }
0x88: {  	v32 =	vld [tilespmem:s25+$0x550];
	v59 =	vmul.f32 v53, v5;
	[tilespmem:s25+$0x520] =	vst v12  }
0x89: {  	v33 =	vld [tilespmem:s25+$0x560];
	v18 =	vmul.f32 v57, v5;
	[tilespmem:s25+$0x530] =	vst v13  }
0x8a: {  	v35 =	vld [tilespmem:s25+$0x580];
	v20 =	vmul.f32 v58, v5;
	[tilespmem:s25+$0x680] =	vst v59  }
0x8b: {  	v36 =	vld [tilespmem:s25+$0x590];
	v11 =	vmul.f32 v26, v31;
	[tilespmem:s25+$0x6C0] =	vst v18  }
0x8c: {  	v37 =	vld [tilespmem:s25+$0x5A0];
	v9 =	vmul.f32 v30, v31;
	[tilespmem:s25+$0x6D0] =	vst v20  }
0x8d: {  	v4 =	vld [tilespmem:s25+$0x700];
	v40 =	vbroadcast v1, $0x8;
	v7 =	vmul.f32 v32, v31;
	[tilespmem:s25+$0x500] =	vst v11  }
0x8e: {  	v6 =	vld [tilespmem:s25+$0x710];
	v8 =	vmul.f32 v33, v31;
	[tilespmem:s25+$0x540] =	vst v9  }
0x8f: {  	v3 =	vld [tilespmem:s25+$0x950];
	v10 =	vmul.f32 v35, v40;
	[tilespmem:s25+$0x550] =	vst v7  }
0x90: {  	v61 =	vld [tilespmem:s25+$0x180];
	v23 =	vbroadcast v1, $0xB;
	v12 =	vmul.f32 v36, v40;
	[tilespmem:s25+$0x560] =	vst v8  }
0x91: {  	v34 =	vld [tilespmem:s25+$0x570];
	v13 =	vmul.f32 v37, v40;
	[tilespmem:s25+$0x580] =	vst v10  }
0x92: {  	v38 =	vld [tilespmem:s25+$0x5B0];
	v27 =	vbroadcast v1, $0xF;
	v4 =	vmul.f32 v4, v23;
	[tilespmem:s25+$0x590] =	vst v12  }
0x93: {  	v39 =	vld [tilespmem:s25+$0x5C0];
	v6 =	vmul.f32 v6, v23;
	[tilespmem:s25+$0x5A0] =	vst v13  }
0x94: {  	v41 =	vld [tilespmem:s25+$0x5D0];
	v3 =	vmul.f32 v3, v27;
	[tilespmem:s25+$0x700] =	vst v4  }
0x95: {  	v43 =	vld [tilespmem:s25+$0x5F0];
	v24 =	vmul.f32 v2, v61;
	[tilespmem:s25+$0x710] =	vst v6  }
0x96: {  	v44 =	vld [tilespmem:s25+$0x600];
	v11 =	vmul.f32 v34, v31;
	[tilespmem:s25+$0x950] =	vst v3  }
0x97: {  	v45 =	vld [tilespmem:s25+$0x610];
	v9 =	vmul.f32 v38, v40;
	[tilespmem:s25+$0x180] =	vst v24  }
0x98: {  	v63 =	vld [tilespmem:s25+$0x1C0];
	v7 =	vmul.f32 v39, v40;
	[tilespmem:s25+$0x570] =	vst v11  }
0x99: {  	v49 =	vbroadcast v1, $0x9;
	v29 =	vld [tilespmem:s25+$0x770];
	v8 =	vmul.f32 v41, v40;
	[tilespmem:s25+$0x5B0] =	vst v9  }
0x9a: {  	v42 =	vld [tilespmem:s25+$0x5E0];
	v10 =	vmul.f32 v43, v40;
	[tilespmem:s25+$0x5C0] =	vst v7  }
0x9b: {  	v46 =	vld [tilespmem:s25+$0x620];
	v12 =	vmul.f32 v44, v49;
	[tilespmem:s25+$0x5D0] =	vst v8  }
0x9c: {  	v47 =	vld [tilespmem:s25+$0x630];
	v13 =	vmul.f32 v45, v49;
	[tilespmem:s25+$0x5F0] =	vst v10  }
0x9d: {  	v48 =	vld [tilespmem:s25+$0x640];
	v3 =	vmul.f32 v63, v2;
	[tilespmem:s25+$0x600] =	vst v12  }
0x9e: {  	v51 =	vld [tilespmem:s25+$0x660];
	v6 =	vmul.f32 v29, v23;
	[tilespmem:s25+$0x610] =	vst v13  }
0x9f: {  	v52 =	vld [tilespmem:s25+$0x670];
	v11 =	vmul.f32 v42, v40;
	[tilespmem:s25+$0x1C0] =	vst v3  }
0xa0: {  	v28 =	vld [tilespmem:s25+$0x760];
	v9 =	vmul.f32 v46, v49;
	[tilespmem:s25+$0x770] =	vst v6  }
0xa1: {  	v26 =	vld [tilespmem:s25+$0x750];
	v7 =	vmul.f32 v47, v49;
	[tilespmem:s25+$0x5E0] =	vst v11  }
0xa2: {  	v30 =	vld [tilespmem:s25+$0x780];
	v8 =	vmul.f32 v48, v49;
	[tilespmem:s25+$0x620] =	vst v9  }
0xa3: {  	v50 =	vld [tilespmem:s25+$0x650];
	v10 =	vmul.f32 v51, v49;
	[tilespmem:s25+$0x630] =	vst v7  }
0xa4: {  	v54 =	vld [tilespmem:s25+$0x690];
	v12 =	vmul.f32 v52, v49;
	[tilespmem:s25+$0x640] =	vst v8  }
0xa5: {  	v55 =	vld [tilespmem:s25+$0x6A0];
	v35 =	vbroadcast v1, $0xC;
	v40 =	vmul.f32 v28, v23;
	[tilespmem:s25+$0x660] =	vst v10  }
0xa6: {  	v56 =	vld [tilespmem:s25+$0x6B0];
	v32 =	vmul.f32 v26, v23;
	[tilespmem:s25+$0x670] =	vst v12  }
0xa7: {  	v60 =	vld [tilespmem:s25+$0x6E0];
	v15 =	vmul.f32 v30, v35;
	[tilespmem:s25+$0x760] =	vst v40  }
0xa8: {  	v62 =	vld [tilespmem:s25+$0x190];
	v11 =	vmul.f32 v50, v49;
	[tilespmem:s25+$0x750] =	vst v32  }
0xa9: {  	v19 =	vld [tilespmem:s25+$0x1D0];
	v9 =	vmul.f32 v54, v5;
	[tilespmem:s25+$0x780] =	vst v15  }
0xaa: {  	v33 =	vld [tilespmem:s25+$0x7B0];
	v7 =	vmul.f32 v55, v5;
	[tilespmem:s25+$0x650] =	vst v11  }
0xab: {  	v61 =	vld [tilespmem:s25+$0x970];
	v8 =	vmul.f32 v56, v5;
	[tilespmem:s25+$0x690] =	vst v9  }
0xac: {  	v38 =	vld [tilespmem:s25+$0x7F0];
	v5 =	vmul.f32 v60, v5;
	[tilespmem:s25+$0x6A0] =	vst v7  }
0xad: {  	v21 =	vld [tilespmem:s25+$0x720];
	v12 =	vmul.f32 v62, v2;
	[tilespmem:s25+$0x6B0] =	vst v8  }
0xae: {  	v22 =	vld [tilespmem:s25+$0x730];
	v2 =	vmul.f32 v19, v2;
	[tilespmem:s25+$0x6E0] =	vst v5  }
0xaf: {  	v25 =	vld [tilespmem:s25+$0x740];
	v62 =	vmul.f32 v33, v35;
	[tilespmem:s25+$0x190] =	vst v12  }
0xb0: {  	v31 =	vld [tilespmem:s25+$0x790];
	v63 =	vmul.f32 v61, v27;
	[tilespmem:s25+$0x1D0] =	vst v2  }
0xb1: {  	v34 =	vld [tilespmem:s25+$0x7C0];
	v15 =	vmul.f32 v38, v35;
	[tilespmem:s25+$0x7B0] =	vst v62  }
0xb2: {  	v41 =	vld [tilespmem:s25+$0x820];
	v7 =	vmul.f32 v21, v23;
	[tilespmem:s25+$0x970] =	vst v63  }
0xb3: {  	v46 =	vld [tilespmem:s25+$0x860];
	v8 =	vmul.f32 v22, v23;
	[tilespmem:s25+$0x7F0] =	vst v15  }
0xb4: {  	v36 =	vld [tilespmem:s25+$0x7D0];
	v5 =	vmul.f32 v25, v23;
	[tilespmem:s25+$0x720] =	vst v7  }
0xb5: {  	v44 =	vbroadcast v1, $0xD;
	v9 =	vmul.f32 v31, v35;
	v2 =	vld [tilespmem:s25+$0x810];
	[tilespmem:s25+$0x730] =	vst v8  }
0xb6: {  	v37 =	vld [tilespmem:s25+$0x7E0];
	v12 =	vmul.f32 v34, v35;
	[tilespmem:s25+$0x740] =	vst v5  }
0xb7: {  	v39 =	vld [tilespmem:s25+$0x800];
	v11 =	vmul.f32 v41, v44;
	[tilespmem:s25+$0x790] =	vst v9  }
0xb8: {  	v42 =	vld [tilespmem:s25+$0x830];
	v51 =	vmul.f32 v46, v44;
	[tilespmem:s25+$0x7C0] =	vst v12  }
0xb9: {  	v48 =	vld [tilespmem:s25+$0x890];
	v8 =	vmul.f32 v36, v35;
	[tilespmem:s25+$0x820] =	vst v11  }
0xba: {  	v49 =	vld [tilespmem:s25+$0x8A0];
	[tilespmem:s25+$0x860] =	vst v51;
	v2 =	vmul.f32 v2, v44  }
0xbb: {  	v50 =	vld [tilespmem:s25+$0x8B0];
	v5 =	vmul.f32 v37, v35;
	[tilespmem:s25+$0x7D0] =	vst v8  }
0xbc: {  	v1 =	vbroadcast v1, $0xE;
	v9 =	vmul.f32 v39, v44;
	[tilespmem:s25+$0x810] =	vst v2;
	v2 =	vld [tilespmem:s25+$0x880]  }
0xbd: {  	v60 =	vld [tilespmem:s25+$0x960];
	v12 =	vmul.f32 v42, v44;
	[tilespmem:s25+$0x7E0] =	vst v5  }
0xbe: {  	v45 =	vld [tilespmem:s25+$0x850];
	v11 =	vmul.f32 v48, v1;
	[tilespmem:s25+$0x800] =	vst v9  }
0xbf: {  	v47 =	vld [tilespmem:s25+$0x870];
	v10 =	vmul.f32 v49, v1;
	[tilespmem:s25+$0x830] =	vst v12  }
0xc0: {  	v43 =	vld [tilespmem:s25+$0x840];
	v6 =	vmul.f32 v50, v1;
	[tilespmem:s25+$0x890] =	vst v11  }
0xc1: {  	v55 =	vld [tilespmem:s25+$0x900];
	[tilespmem:s25+$0x8A0] =	vst v10;
	v2 =	vmul.f32 v2, v1  }
0xc2: {  	v57 =	vld [tilespmem:s25+$0x920];
	v4 =	vmul.f32 v60, v27;
	[tilespmem:s25+$0x8B0] =	vst v6  }
0xc3: {  	v5 =	vmul.f32 v45, v44;
	[tilespmem:s25+$0x880] =	vst v2;
	v2 =	vld [tilespmem:s25+$0x8F0]  }
0xc4: {  	v52 =	vld [tilespmem:s25+$0x8C0];
	v9 =	vmul.f32 v47, v44;
	[tilespmem:s25+$0x960] =	vst v4  }
0xc5: {  	v56 =	vld [tilespmem:s25+$0x910];
	v8 =	vmul.f32 v43, v44;
	[tilespmem:s25+$0x850] =	vst v5  }
0xc6: {  	v54 =	vld [tilespmem:s25+$0x8E0];
	v11 =	vmul.f32 v55, v27;
	[tilespmem:s25+$0x870] =	vst v9  }
0xc7: {  	v58 =	vld [tilespmem:s25+$0x930];
	v6 =	vmul.f32 v57, v27;
	[tilespmem:s25+$0x840] =	vst v8  }
0xc8: {  	v53 =	vld [tilespmem:s25+$0x8D0];
	[tilespmem:s25+$0x900] =	vst v11;
	v2 =	vmul.f32 v2, v1  }
0xc9: {  	v59 =	vld [tilespmem:s25+$0x940];
	v5 =	vmul.f32 v52, v1;
	[tilespmem:s25+$0x920] =	vst v6  }
0xca: {  	[tilespmem:s25+$0x8F0] =	vst v2;
	v2 =	vmul.f32 v56, v27  }
0xcb: {  	v3 =	vld [tilespmem:s25+$0x7A0];
	v9 =	vmul.f32 v54, v1;
	[tilespmem:s25+$0x8C0] =	vst v5  }
0xcc: {  	[tilespmem:s25+$0x910] =	vst v2;
	v2 =	vmul.f32 v58, v27  }
0xcd: {  	[tilespmem:s25+$0x8E0] =	vst v9;
	v1 =	vmul.f32 v53, v1  }
0xce: {  	[tilespmem:s25+$0x930] =	vst v2;
	v2 =	vmul.f32 v59, v27  }
0xcf: {  	[tilespmem:s25+$0x8D0] =	vst v1  }
0xd0: {  	s26 =	simm.s32 $0x1;
	[tilespmem:s25+$0x940] =	vst v2;
	v2 =	vmul.f32 v3, v35  }
.LBB2_5:
0xd1: {  	s28 =	sshll.u32 s26, $0x4  }
0xd2: {  	p0 =	sne.s32 s26, $0x7;
	[tilespmem:s25+$0x7A0] =	vst v2;
	s25 =	smov.u32 s26;
	s26 =	sadd.s32 $0x1, s26  }
0xd3: {  	s28 =	sand.u32 $0x3FFFFFF0, s28  }
0xd4: {  	s25 =	sshll.u32 s25, $0xB;
	v1 =	vld [tilespmem:s28+$0x100]  }
0xd5: {  	s25 =	sand.u32 $0x3FFFF800, s25  }
0xd6: {  	v8 =	vld [tilespmem:s25+$0x240]  }
0xd7: {  	v9 =	vld [tilespmem:s25+$0x250]  }
0xd8: {  	v10 =	vld [tilespmem:s25+$0x230]  }
0xd9: {  	v2 =	vbroadcast v1, $0x0;
	v3 =	vld [tilespmem:s25+$0x1A0];
	v7 =	vbroadcast v1, $0x4  }
0xda: {  	v5 =	vld [tilespmem:s25+$0x1B0]  }
0xdb: {  	v6 =	vld [tilespmem:s25+$0x6F0]  }
0xdc: {  	v11 =	vld [tilespmem:s25+$0x1E0]  }
0xdd: {  	v12 =	vld [tilespmem:s25+$0x1F0]  }
0xde: {  	v4 =	vbroadcast v1, $0xA;
	v3 =	vmul.f32 v3, v2;
	v13 =	vld [tilespmem:s25+$0x200]  }
0xdf: {  	v5 =	vmul.f32 v5, v2;
	v14 =	vld [tilespmem:s25+$0x210]  }
0xe0: {  	[tilespmem:s25+$0x1A0] =	vst v3;
	v15 =	vld [tilespmem:s25+$0x220];
	v3 =	vmul.f32 v6, v4  }
0xe1: {  	[tilespmem:s25+$0x1B0] =	vst v5;
	v6 =	vmul.f32 v11, v2;
	v11 =	vbroadcast v1, $0x1;
	v5 =	vld [tilespmem:s25+$0x700]  }
0xe2: {  	v12 =	vmul.f32 v12, v2;
	[tilespmem:s25+$0x6F0] =	vst v3;
	v3 =	vld [tilespmem:s25+$0x950]  }
0xe3: {  	[tilespmem:s25+$0x1E0] =	vst v6;
	v13 =	vmul.f32 v13, v11;
	v6 =	vld [tilespmem:s25+$0x710]  }
0xe4: {  	[tilespmem:s25+$0x1F0] =	vst v12;
	v12 =	vmul.f32 v14, v11;
	v14 =	vld [tilespmem:s25+$0x260]  }
0xe5: {  	[tilespmem:s25+$0x200] =	vst v13;
	v13 =	vmul.f32 v15, v11;
	v15 =	vld [tilespmem:s25+$0x270]  }
0xe6: {  	v10 =	vmul.f32 v10, v11;
	[tilespmem:s25+$0x210] =	vst v12;
	v12 =	vld [tilespmem:s25+$0x280]  }
0xe7: {  	v8 =	vmul.f32 v8, v11;
	[tilespmem:s25+$0x220] =	vst v13;
	v13 =	vld [tilespmem:s25+$0x290]  }
0xe8: {  	v9 =	vmul.f32 v9, v11;
	[tilespmem:s25+$0x230] =	vst v10;
	v10 =	vld [tilespmem:s25+$0x2A0]  }
0xe9: {  	[tilespmem:s25+$0x240] =	vst v8;
	v8 =	vmul.f32 v14, v11;
	v14 =	vbroadcast v1, $0x2;
	v16 =	vld [tilespmem:s25+$0x2B0]  }
0xea: {  	[tilespmem:s25+$0x250] =	vst v9;
	v9 =	vmul.f32 v15, v11;
	v11 =	vld [tilespmem:s25+$0x2C0]  }
0xeb: {  	[tilespmem:s25+$0x260] =	vst v8;
	v8 =	vmul.f32 v12, v14;
	v12 =	vld [tilespmem:s25+$0x2D0]  }
0xec: {  	[tilespmem:s25+$0x270] =	vst v9;
	v9 =	vmul.f32 v13, v14;
	v13 =	vld [tilespmem:s25+$0x2E0]  }
0xed: {  	[tilespmem:s25+$0x280] =	vst v8;
	v8 =	vmul.f32 v10, v14;
	v10 =	vld [tilespmem:s25+$0x2F0]  }
0xee: {  	[tilespmem:s25+$0x290] =	vst v9;
	v9 =	vmul.f32 v16, v14;
	v15 =	vld [tilespmem:s25+$0x300]  }
0xef: {  	[tilespmem:s25+$0x2A0] =	vst v8;
	v8 =	vmul.f32 v11, v14;
	v11 =	vld [tilespmem:s25+$0x310]  }
0xf0: {  	[tilespmem:s25+$0x2B0] =	vst v9;
	v9 =	vmul.f32 v12, v14;
	v12 =	vld [tilespmem:s25+$0x320]  }
0xf1: {  	[tilespmem:s25+$0x2C0] =	vst v8;
	v8 =	vmul.f32 v13, v14;
	v13 =	vbroadcast v1, $0x3;
	v16 =	vld [tilespmem:s25+$0x330]  }
0xf2: {  	[tilespmem:s25+$0x2D0] =	vst v9;
	v9 =	vmul.f32 v10, v14;
	v10 =	vld [tilespmem:s25+$0x340]  }
0xf3: {  	[tilespmem:s25+$0x2E0] =	vst v8;
	v8 =	vmul.f32 v15, v13;
	v14 =	vld [tilespmem:s25+$0x350]  }
0xf4: {  	[tilespmem:s25+$0x2F0] =	vst v9;
	v9 =	vmul.f32 v11, v13;
	v11 =	vld [tilespmem:s25+$0x360]  }
0xf5: {  	[tilespmem:s25+$0x300] =	vst v8;
	v8 =	vmul.f32 v12, v13;
	v12 =	vld [tilespmem:s25+$0x370]  }
0xf6: {  	[tilespmem:s25+$0x310] =	vst v9;
	v9 =	vmul.f32 v16, v13;
	v15 =	vld [tilespmem:s25+$0x380]  }
0xf7: {  	[tilespmem:s25+$0x320] =	vst v8;
	v8 =	vmul.f32 v10, v13;
	v10 =	vld [tilespmem:s25+$0x390]  }
0xf8: {  	[tilespmem:s25+$0x330] =	vst v9;
	v9 =	vmul.f32 v14, v13;
	v14 =	vld [tilespmem:s25+$0x3A0]  }
0xf9: {  	[tilespmem:s25+$0x340] =	vst v8;
	v8 =	vmul.f32 v11, v13;
	v11 =	vld [tilespmem:s25+$0x3B0]  }
0xfa: {  	[tilespmem:s25+$0x350] =	vst v9;
	v9 =	vmul.f32 v12, v13;
	v12 =	vld [tilespmem:s25+$0x3C0]  }
0xfb: {  	[tilespmem:s25+$0x360] =	vst v8;
	v8 =	vmul.f32 v15, v7;
	v13 =	vld [tilespmem:s25+$0x3D0]  }
0xfc: {  	[tilespmem:s25+$0x370] =	vst v9;
	v9 =	vmul.f32 v10, v7;
	v10 =	vld [tilespmem:s25+$0x3E0]  }
0xfd: {  	[tilespmem:s25+$0x380] =	vst v8;
	v8 =	vmul.f32 v14, v7;
	v14 =	vld [tilespmem:s25+$0x3F0]  }
0xfe: {  	[tilespmem:s25+$0x390] =	vst v9;
	v9 =	vmul.f32 v11, v7;
	v11 =	vld [tilespmem:s25+$0x400]  }
0xff: {  	[tilespmem:s25+$0x3A0] =	vst v8;
	v8 =	vmul.f32 v12, v7;
	v12 =	vld [tilespmem:s25+$0x410]  }
0x100: {  	[tilespmem:s25+$0x3B0] =	vst v9;
	v9 =	vmul.f32 v13, v7;
	v13 =	vld [tilespmem:s25+$0x420]  }
0x101: {  	[tilespmem:s25+$0x3C0] =	vst v8;
	v8 =	vmul.f32 v10, v7;
	v10 =	vbroadcast v1, $0x5;
	v15 =	vld [tilespmem:s25+$0x430]  }
0x102: {  	[tilespmem:s25+$0x3D0] =	vst v9;
	v7 =	vmul.f32 v14, v7;
	v9 =	vld [tilespmem:s25+$0x440]  }
0x103: {  	[tilespmem:s25+$0x3E0] =	vst v8;
	v8 =	vmul.f32 v11, v10;
	v11 =	vld [tilespmem:s25+$0x450]  }
0x104: {  	[tilespmem:s25+$0x3F0] =	vst v7;
	v7 =	vmul.f32 v12, v10;
	v12 =	vld [tilespmem:s25+$0x460]  }
0x105: {  	[tilespmem:s25+$0x400] =	vst v8;
	v8 =	vmul.f32 v13, v10;
	v13 =	vld [tilespmem:s25+$0x470]  }
0x106: {  	[tilespmem:s25+$0x410] =	vst v7;
	v7 =	vmul.f32 v15, v10;
	v14 =	vld [tilespmem:s25+$0x480]  }
0x107: {  	[tilespmem:s25+$0x420] =	vst v8;
	v8 =	vmul.f32 v9, v10;
	v9 =	vld [tilespmem:s25+$0x490]  }
0x108: {  	[tilespmem:s25+$0x430] =	vst v7;
	v7 =	vmul.f32 v11, v10;
	v11 =	vld [tilespmem:s25+$0x4A0]  }
0x109: {  	[tilespmem:s25+$0x440] =	vst v8;
	v8 =	vmul.f32 v12, v10;
	v12 =	vbroadcast v1, $0x6;
	v15 =	vld [tilespmem:s25+$0x4B0]  }
0x10a: {  	[tilespmem:s25+$0x450] =	vst v7;
	v7 =	vmul.f32 v13, v10;
	v10 =	vld [tilespmem:s25+$0x4C0]  }
0x10b: {  	[tilespmem:s25+$0x460] =	vst v8;
	v8 =	vmul.f32 v14, v12;
	v13 =	vld [tilespmem:s25+$0x4D0]  }
0x10c: {  	[tilespmem:s25+$0x470] =	vst v7;
	v7 =	vmul.f32 v9, v12;
	v9 =	vld [tilespmem:s25+$0x4E0]  }
0x10d: {  	[tilespmem:s25+$0x480] =	vst v8;
	v8 =	vmul.f32 v11, v12;
	v11 =	vld [tilespmem:s25+$0x4F0]  }
0x10e: {  	[tilespmem:s25+$0x490] =	vst v7;
	v7 =	vmul.f32 v15, v12;
	v14 =	vld [tilespmem:s25+$0x500]  }
0x10f: {  	[tilespmem:s25+$0x4A0] =	vst v8;
	v8 =	vmul.f32 v10, v12;
	v10 =	vld [tilespmem:s25+$0x510]  }
0x110: {  	[tilespmem:s25+$0x4B0] =	vst v7;
	v7 =	vmul.f32 v13, v12;
	v13 =	vld [tilespmem:s25+$0x520]  }
0x111: {  	[tilespmem:s25+$0x4C0] =	vst v8;
	v8 =	vmul.f32 v9, v12;
	v9 =	vbroadcast v1, $0x7;
	v15 =	vld [tilespmem:s25+$0x530]  }
0x112: {  	[tilespmem:s25+$0x4D0] =	vst v7;
	v7 =	vmul.f32 v11, v12;
	v11 =	vld [tilespmem:s25+$0x540]  }
0x113: {  	[tilespmem:s25+$0x4E0] =	vst v8;
	v8 =	vmul.f32 v14, v9;
	v12 =	vld [tilespmem:s25+$0x550]  }
0x114: {  	[tilespmem:s25+$0x4F0] =	vst v7;
	v7 =	vmul.f32 v10, v9;
	v10 =	vld [tilespmem:s25+$0x560]  }
0x115: {  	[tilespmem:s25+$0x500] =	vst v8;
	v8 =	vmul.f32 v13, v9;
	v13 =	vld [tilespmem:s25+$0x570]  }
0x116: {  	[tilespmem:s25+$0x510] =	vst v7;
	v7 =	vmul.f32 v15, v9;
	v14 =	vld [tilespmem:s25+$0x580]  }
0x117: {  	[tilespmem:s25+$0x520] =	vst v8;
	v8 =	vmul.f32 v11, v9;
	v11 =	vld [tilespmem:s25+$0x590]  }
0x118: {  	[tilespmem:s25+$0x530] =	vst v7;
	v7 =	vmul.f32 v12, v9;
	v12 =	vld [tilespmem:s25+$0x5A0]  }
0x119: {  	[tilespmem:s25+$0x540] =	vst v8;
	v8 =	vmul.f32 v10, v9;
	v10 =	vbroadcast v1, $0x8;
	v15 =	vld [tilespmem:s25+$0x5B0]  }
0x11a: {  	[tilespmem:s25+$0x550] =	vst v7;
	v7 =	vmul.f32 v13, v9;
	v9 =	vld [tilespmem:s25+$0x5C0]  }
0x11b: {  	[tilespmem:s25+$0x560] =	vst v8;
	v8 =	vmul.f32 v14, v10;
	v13 =	vld [tilespmem:s25+$0x5D0]  }
0x11c: {  	[tilespmem:s25+$0x570] =	vst v7;
	v7 =	vmul.f32 v11, v10;
	v11 =	vld [tilespmem:s25+$0x5E0]  }
0x11d: {  	[tilespmem:s25+$0x580] =	vst v8;
	v8 =	vmul.f32 v12, v10;
	v12 =	vld [tilespmem:s25+$0x5F0]  }
0x11e: {  	[tilespmem:s25+$0x590] =	vst v7;
	v7 =	vmul.f32 v15, v10;
	v14 =	vld [tilespmem:s25+$0x600]  }
0x11f: {  	[tilespmem:s25+$0x5A0] =	vst v8;
	v8 =	vmul.f32 v9, v10;
	v9 =	vld [tilespmem:s25+$0x610]  }
0x120: {  	[tilespmem:s25+$0x5B0] =	vst v7;
	v7 =	vmul.f32 v13, v10;
	v13 =	vld [tilespmem:s25+$0x620]  }
0x121: {  	[tilespmem:s25+$0x5C0] =	vst v8;
	v8 =	vmul.f32 v11, v10;
	v11 =	vbroadcast v1, $0x9;
	v15 =	vld [tilespmem:s25+$0x630]  }
0x122: {  	[tilespmem:s25+$0x5D0] =	vst v7;
	v7 =	vmul.f32 v12, v10;
	v10 =	vld [tilespmem:s25+$0x640]  }
0x123: {  	[tilespmem:s25+$0x5E0] =	vst v8;
	v8 =	vmul.f32 v14, v11;
	v12 =	vld [tilespmem:s25+$0x650]  }
0x124: {  	[tilespmem:s25+$0x5F0] =	vst v7;
	v7 =	vmul.f32 v9, v11;
	v9 =	vld [tilespmem:s25+$0x660]  }
0x125: {  	[tilespmem:s25+$0x600] =	vst v8;
	v8 =	vmul.f32 v13, v11;
	v13 =	vld [tilespmem:s25+$0x670]  }
0x126: {  	[tilespmem:s25+$0x610] =	vst v7;
	v7 =	vmul.f32 v15, v11;
	v14 =	vld [tilespmem:s25+$0x680]  }
0x127: {  	[tilespmem:s25+$0x620] =	vst v8;
	v8 =	vmul.f32 v10, v11;
	v10 =	vld [tilespmem:s25+$0x690]  }
0x128: {  	[tilespmem:s25+$0x630] =	vst v7;
	v7 =	vmul.f32 v12, v11;
	v12 =	vld [tilespmem:s25+$0x6A0]  }
0x129: {  	[tilespmem:s25+$0x640] =	vst v8;
	v8 =	vmul.f32 v9, v11;
	v9 =	vld [tilespmem:s25+$0x6B0]  }
0x12a: {  	[tilespmem:s25+$0x650] =	vst v7;
	v7 =	vmul.f32 v13, v11;
	v11 =	vld [tilespmem:s25+$0x6C0]  }
0x12b: {  	[tilespmem:s25+$0x660] =	vst v8;
	v8 =	vmul.f32 v14, v4;
	v13 =	vld [tilespmem:s25+$0x6D0]  }
0x12c: {  	[tilespmem:s25+$0x670] =	vst v7;
	v7 =	vmul.f32 v10, v4;
	v10 =	vld [tilespmem:s25+$0x6E0]  }
0x12d: {  	v14 =	vld [tilespmem:s25+$0x180];
	[tilespmem:s25+$0x680] =	vst v8;
	v8 =	vmul.f32 v12, v4  }
0x12e: {  	v12 =	vld [tilespmem:s25+$0x190];
	[tilespmem:s25+$0x690] =	vst v7;
	v7 =	vmul.f32 v9, v4  }
0x12f: {  	v9 =	vld [tilespmem:s25+$0x1C0];
	[tilespmem:s25+$0x6A0] =	vst v8;
	v8 =	vmul.f32 v11, v4  }
0x130: {  	v11 =	vld [tilespmem:s25+$0x1D0];
	[tilespmem:s25+$0x6B0] =	vst v7;
	v7 =	vmul.f32 v13, v4  }
0x131: {  	[tilespmem:s25+$0x6C0] =	vst v8;
	v8 =	vmul.f32 v10, v4;
	v10 =	vbroadcast v1, $0xB;
	v13 =	vld [tilespmem:s25+$0x720]  }
0x132: {  	v4 =	vbroadcast v1, $0xF;
	v14 =	vmul.f32 v2, v14;
	[tilespmem:s25+$0x6D0] =	vst v7;
	v7 =	vld [tilespmem:s25+$0x730]  }
0x133: {  	v12 =	vmul.f32 v12, v2;
	[tilespmem:s25+$0x6E0] =	vst v8;
	v5 =	vmul.f32 v5, v10;
	v8 =	vld [tilespmem:s25+$0x740]  }
0x134: {  	v6 =	vmul.f32 v6, v10;
	[tilespmem:s25+$0x180] =	vst v14;
	v9 =	vmul.f32 v9, v2;
	v14 =	vld [tilespmem:s25+$0x750]  }
0x135: {  	v3 =	vmul.f32 v3, v4;
	v11 =	vmul.f32 v11, v2;
	[tilespmem:s25+$0x700] =	vst v5;
	v2 =	vld [tilespmem:s25+$0x760]  }
0x136: {  	[tilespmem:s25+$0x710] =	vst v6;
	v5 =	vmul.f32 v13, v10;
	v6 =	vld [tilespmem:s25+$0x770]  }
0x137: {  	v7 =	vmul.f32 v7, v10;
	v13 =	vld [tilespmem:s25+$0x780];
	[tilespmem:s25+$0x950] =	vst v3  }
0x138: {  	[tilespmem:s25+$0x190] =	vst v12;
	v3 =	vmul.f32 v8, v10;
	v8 =	vld [tilespmem:s25+$0x790]  }
0x139: {  	[tilespmem:s25+$0x1C0] =	vst v9;
	v9 =	vmul.f32 v14, v10;
	v12 =	vld [tilespmem:s25+$0x7A0]  }
0x13a: {  	v14 =	vbroadcast v1, $0xC;
	[tilespmem:s25+$0x720] =	vst v5;
	v5 =	vmul.f32 v2, v10;
	v15 =	vld [tilespmem:s25+$0x7B0]  }
0x13b: {  	[tilespmem:s25+$0x750] =	vst v9;
	v6 =	vmul.f32 v6, v10;
	v9 =	vld [tilespmem:s25+$0x7C0]  }
0x13c: {  	[tilespmem:s25+$0x730] =	vst v7;
	v2 =	vmul.f32 v13, v14;
	v7 =	vld [tilespmem:s25+$0x7D0]  }
0x13d: {  	[tilespmem:s25+$0x740] =	vst v3;
	v3 =	vmul.f32 v8, v14;
	v8 =	vld [tilespmem:s25+$0x7E0]  }
0x13e: {  	[tilespmem:s25+$0x780] =	vst v2;
	v2 =	vmul.f32 v12, v14;
	v10 =	vld [tilespmem:s25+$0x7F0]  }
0x13f: {  	[tilespmem:s25+$0x790] =	vst v3;
	v3 =	vld [tilespmem:s25+$0x800]  }
0x140: {  	[tilespmem:s25+$0x1D0] =	vst v11;
	v9 =	vmul.f32 v9, v14;
	v11 =	vld [tilespmem:s25+$0x810]  }
0x141: {  	[tilespmem:s25+$0x760] =	vst v5;
	v5 =	vmul.f32 v7, v14;
	v7 =	vld [tilespmem:s25+$0x820]  }
0x142: {  	[tilespmem:s25+$0x7C0] =	vst v9;
	v8 =	vmul.f32 v8, v14;
	v9 =	vbroadcast v1, $0xD;
	v12 =	vld [tilespmem:s25+$0x830]  }
0x143: {  	[tilespmem:s25+$0x7D0] =	vst v5;
	v5 =	vmul.f32 v10, v14;
	v10 =	vld [tilespmem:s25+$0x840]  }
0x144: {  	[tilespmem:s25+$0x7E0] =	vst v8;
	v3 =	vmul.f32 v3, v9;
	v8 =	vld [tilespmem:s25+$0x850]  }
0x145: {  	[tilespmem:s25+$0x7F0] =	vst v5;
	v5 =	vmul.f32 v11, v9;
	v11 =	vld [tilespmem:s25+$0x860]  }
0x146: {  	[tilespmem:s25+$0x800] =	vst v3;
	v3 =	vmul.f32 v7, v9;
	v7 =	vld [tilespmem:s25+$0x870]  }
0x147: {  	[tilespmem:s25+$0x810] =	vst v5;
	v5 =	vmul.f32 v12, v9;
	v12 =	vld [tilespmem:s25+$0x880]  }
0x148: {  	[tilespmem:s25+$0x820] =	vst v3;
	v3 =	vmul.f32 v10, v9;
	v10 =	vld [tilespmem:s25+$0x890]  }
0x149: {  	[tilespmem:s25+$0x830] =	vst v5;
	v5 =	vmul.f32 v8, v9;
	v8 =	vld [tilespmem:s25+$0x8A0]  }
0x14a: {  	v1 =	vbroadcast v1, $0xE;
	[tilespmem:s25+$0x770] =	vst v6;
	v6 =	vmul.f32 v11, v9;
	v11 =	vld [tilespmem:s25+$0x8B0]  }
0x14b: {  	[tilespmem:s25+$0x850] =	vst v5;
	v5 =	vmul.f32 v7, v9;
	v7 =	vld [tilespmem:s25+$0x8C0]  }
0x14c: {  	[tilespmem:s25+$0x860] =	vst v6;
	v6 =	vmul.f32 v12, v1;
	v9 =	vld [tilespmem:s25+$0x8D0]  }
0x14d: {  	[tilespmem:s25+$0x870] =	vst v5;
	v5 =	vmul.f32 v10, v1;
	v10 =	vld [tilespmem:s25+$0x8E0]  }
0x14e: {  	[tilespmem:s25+$0x880] =	vst v6;
	v6 =	vmul.f32 v8, v1;
	v8 =	vld [tilespmem:s25+$0x8F0]  }
0x14f: {  	[tilespmem:s25+$0x890] =	vst v5;
	v5 =	vmul.f32 v11, v1;
	v11 =	vld [tilespmem:s25+$0x900]  }
0x150: {  	[tilespmem:s25+$0x8A0] =	vst v6;
	v6 =	vmul.f32 v7, v1;
	v7 =	vld [tilespmem:s25+$0x910]  }
0x151: {  	[tilespmem:s25+$0x8B0] =	vst v5;
	v5 =	vmul.f32 v9, v1;
	v9 =	vld [tilespmem:s25+$0x920]  }
0x152: {  	[tilespmem:s25+$0x8C0] =	vst v6;
	v6 =	vmul.f32 v10, v1;
	v10 =	vld [tilespmem:s25+$0x930]  }
0x153: {  	[tilespmem:s25+$0x840] =	vst v3;
	v1 =	vmul.f32 v8, v1;
	v3 =	vld [tilespmem:s25+$0x940]  }
0x154: {  	[tilespmem:s25+$0x8E0] =	vst v6;
	v6 =	vmul.f32 v11, v4;
	v8 =	vld [tilespmem:s25+$0x960]  }
0x155: {  	[tilespmem:s25+$0x8F0] =	vst v1;
	v1 =	vmul.f32 v7, v4;
	v7 =	vld [tilespmem:s25+$0x970]  }
0x156: {  	[tilespmem:s25+$0x900] =	vst v6;
	v6 =	vmul.f32 v9, v4  }
0x157: {  	[tilespmem:s25+$0x910] =	vst v1;
	v1 =	vmul.f32 v10, v4  }
0x158: {  	v9 =	vmul.f32 v15, v14;
	[tilespmem:s25+$0x920] =	vst v6  }
0x159: {  	[tilespmem:s25+$0x930] =	vst v1;
	v1 =	vmul.f32 v3, v4  }
.Ltmp1:
0x15a: {  	[tilespmem:s25+$0x7B0] =	vst v9;
	v3 =	vmul.f32 v7, v4;
	(pc) =	sbr.rel @p0 .LBB2_5-.Ltmp1, $4  }
0x15b: {  	[tilespmem:s25+$0x940] =	vst v1  }
0x15c: {  	v1 =	vmul.f32 v8, v4;
	[tilespmem:s25+$0x970] =	vst v3  }
0x15d: {  	[tilespmem:s25+$0x8D0] =	vst v5  }
0x15e: {  	[tilespmem:s25+$0x960] =	vst v1  }
0x15f: {  	s24 =	sadd.s32 $0x1, s24  }
0x160: {  	p0 =	sne.s32 s24, $0x50  }
.Ltmp2:
0x161: {  	[tilespmem:s25+$0x7A0] =	vst v2;
	(pc) =	sbr.rel @p0 .LBB2_4-.Ltmp2, $4  }
0x162: {  	[spmem:s1] =	stream.indirect.scatter.add.f32 [tilespmem:s16], [sflag:$0x2], $0x80, s18, s18, $0xb8;
	[tilespmem:$0x18180] =	vst v63  }
0x163: {  	_ =	swait.ge [sflag:s17], $0x4000  }
0x164: {  	[sflag:s17] =	ssyncset.done $0x0  }
0x165: {  	[sflag:s17] =	ssyncadd.s32 $0xFFFFC000  }
0x166: {  	s3 =	sadd.s32 $0x1, s3  }
0x167: {  	p0 =	sne.s32 s3, s15  }
.Ltmp3:
0x168: {  	[bflag:$0x0] =	sbarrier.arrive $0xFFFF;
	(pc) =	sbr.rel @p0 .LBB2_1-.Ltmp3, $4  }
0x169: {  	[hbm:s14], [sflag:s21] =	dma.local [spmem:s22], $0x2800  }
0x16a: {  	_ =	swait.ge [sflag:s17], $0x2800  }
0x16b: {  	[sflag:s17] =	ssyncset.done $0x0  }
0x16c: {  	[sflag:s17] =	ssyncadd.s32 $0xFFFFD800  }
0x16d: {  	_ =	sfence.sel $0x180000  }
0x16e: {  	[bflag:$0x0] =	sbarrier.arrive $0xFFFF  }
0x16f: {  	p0 =	sne.s32 s2, $0x0;
	_ =	strace $0x9000004D  }
0x170: {  	s0 =	sadd.s32 @!p0 $0x100000, s0;
	[bflag:$0x2] =	sbarrier.arrive $0xFFFF  }
0x171: {  	[sflag:s0] =	ssyncadd.tile.s32 @!p0 $0x1;
	_ =	shalt  }
.Lfunc_end2:
_tile_overlayer_lowered:
.L_overlay_start_2:
0x172: {  	(tag) =	ssettag $0x2  }
0x173: {  	s0 =	rddreg [dreg:$0x0];
	s2 =	stileid.u32  }
0x174: {  	s1 =	rddreg [dreg:$0x1];
	p0 =	sne.s32 s2, $0x0  }
0x175: {  	s3 =	rddreg [dreg:$0x2];
	[bflag:$0x3] =	sbarrier.arrive $0xFFFF;
	s2 =	simm.s32 @!p0 $0x1C02  }
0x176: {  	[timem:s3], [sflag:s2] =	dma.local @!p0 [hbm:s0], s1  }
0x177: {  	s0 =	simm.s32 @!p0 $0x2  }
0x178: {  	_ =	swait.ge @!p0 [sflag:s0], s1  }
0x179: {  	s1 =	ssub.s32 @!p0 $0x0, s1;
	[sflag:s0] =	ssyncset.done @!p0 $0x0  }
0x17a: {  	[sflag:s0] =	ssyncadd.s32 @!p0 s1  }
0x17b: {  	[bflag:$0x3] =	sbarrier.arrive $0xFFFF  }
0x17c: {  	_ =	shalt  }

// kernel: kernel.8.cloned.1.call-start
scs
__scs_entry_jumppad:
0x0: {  	(pc) =	sbr.rel $0x88, $3  }
0x1: {  	(tag) =	ssettag $0x0;
	lr =	simm.s32 $0x1  }
0x2: {  	[smem:$0x3F97] =	sst lr;
	_ =	strace $0xD0000000  }
0x3: {  	_ = 	snop  }
0x4: {  	_ = 	snop  }
0x5: {  	_ = 	snop  }
0x6: {  	_ = 	snop  }
0x7: {  	_ = 	snop  }
__scs_overlays_trampoline_lowered:
0x8: {  	[smem:$0x3FA6] =	sst s0  }
0x9: {  	[smem:$0x3FA7] =	sst s1  }
0xa: {  	[smem:$0x3FA8] =	sst s2  }
0xb: {  	[smem:$0x3FA9] =	sst s3  }
0xc: {  	[smem:$0x3FAA] =	sst s4  }
0xd: {  	[smem:$0x3FAB] =	sst s5  }
0xe: {  	[smem:$0x3FAC] =	sst s6  }
0xf: {  	[smem:$0x3FAD] =	sst s7  }
0x10: {  	[smem:$0x3FAE] =	sst s8  }
0x11: {  	[smem:$0x3FAF] =	sst s9;
	s0 =	simm.s32 @!p0 $0x0  }
0x12: {  	s1 =	sld [smem:$0x3F95];
	s0 =	simm.s32 @p0 $0x1  }
0x13: {  	[smem:$0x3FB0] =	sst s0;
	s0 =	simm.s32 @!p1 $0x0  }
0x14: {  	s2 =	sld [smem:$0x3F94];
	s0 =	simm.s32 @p1 $0x1  }
0x15: {  	[smem:$0x3FB1] =	sst s0;
	s0 =	simm.s32 @!p2 $0x0  }
0x16: {  	s3 =	sld [smem:$0x3FDB];
	s0 =	simm.s32 @p2 $0x1  }
0x17: {  	s4 =	simm.s32 $0x1BF5;
	[smem:$0x3FB3] =	sst s0  }
0x18: {  	s0 =	sld [smem:$0x3F96];
	_ =	swait.ge [sflag:s4], $0x0  }
0x19: {  	s7 =	sld [smem:$0x3F97]  }
0x1a: {  	s8 =	sadd.s32 $0xFFFFE003, lr  }
0x1b: {  	s9 =	sadd.s32 $0xFFFFFEF7, lr;
	s5 =	simm.s32 $0xFFFFFFFF;
	p2 =	slt.u32 s8, $0xFFFFF086  }
0x1c: {  	p1 =	slt.u32 s9, $0xF7A;
	s5 =	simm.s32 @!p2 $0x0  }
0x1d: {  	s5 =	simm.s32 @p1 $0x1;
	p0 =	seq.s32 s7, s2  }
0x1e: {  	s7 =	smul.u32 @!p0 $0xF7A, s2;
	p2 =	seq.s32 @!p0 s5, $0x0  }
0x1f: {  	s9 =	smul.u32 $0xF7A, s1;
	s8 =	simm.s32 @!p0 $0x1BF5;
	p2 =	por !p2, p0  }
0x20: {  	[sflag:s8] =	ssyncset.s32 @!p0 $0xFFFFF086;
	s6 =	sadd.s32 @!p0 s3, s7;
	s7 =	simm.s32 @!p0 $0x108  }
0x21: {  	s3 =	sadd.s32 s3, s9;
	s6 =	sadd.s32 @!p0 $0x88, s6;
	s7 =	simm.s32 @p2 $0x1082  }
0x22: {  	[simem:s7], [sflag:s8] =	dma.local @!p0 [hbm:s6], $0xF7A  }
0x23: {  	s9 =	sor.u32 $0xD0000000, s2;
	s6 =	simm.s32 $0x108;
	_ =	swait.ge @!p0 [sflag:s8], $0x0  }
0x24: {  	s3 =	sadd.s32 $0x88, s3;
	s6 =	simm.s32 @!p1 $0x1082;
	[sflag:s4] =	ssyncset.s32 $0xFFFFF086  }
0x25: {  	[simem:s6], [sflag:s4] =	dma.local [hbm:s3], $0xF7A  }
0x26: {  	[smem:$0x3F97] =	sst s1;
	(tag) =	ssettag s2;
	_ =	strace s9  }
0x27: {  	s1 =	sld [smem:$0x3FA7]  }
0x28: {  	s2 =	sld [smem:$0x3FA8]  }
0x29: {  	s4 =	sld [smem:$0x3FAA]  }
0x2a: {  	p0 =	seq.s32 s5, $0x0;
	s5 =	sld [smem:$0x3FAB]  }
0x2b: {  	s6 =	sld [smem:$0x3FAC]  }
0x2c: {  	s7 =	sld [smem:$0x3FAD]  }
0x2d: {  	s3 =	simm.s32 $0x108;
	s8 =	sld [smem:$0x3FAE]  }
0x2e: {  	s3 =	simm.s32 @!p0 $0x1082;
	s9 =	sld [smem:$0x3FAF]  }
0x2f: {  	lr =	sadd.s32 s0, s3;
	s0 =	sld [smem:$0x3FA6]  }
0x30: {  	s3 =	sld [smem:$0x3FA9]  }
0x31: {  	[smem:$0x3FB2] =	sst s10  }
0x32: {  	s10 =	sld [smem:$0x3FB0];
	_ =	sdelay $0x3  }
0x33: {  	p0 =	seq.s32 s10, $0x1;
	s10 =	sld [smem:$0x3FB2];
	_ =	sdelay $0x3  }
0x34: {  	[smem:$0x3FB2] =	sst s10  }
0x35: {  	s10 =	sld [smem:$0x3FB1];
	_ =	sdelay $0x3  }
0x36: {  	p1 =	seq.s32 s10, $0x1;
	s10 =	sld [smem:$0x3FB2];
	_ =	sdelay $0x3  }
0x37: {  	[smem:$0x3FB2] =	sst s10  }
0x38: {  	s10 =	sld [smem:$0x3FB3]  }
0x39: {  	_ = 	snop;
	(pc) =	sbr.ind lr, $3  }
0x3a: {  	_ = 	snop  }
0x3b: {  	_ = 	snop  }
0x3c: {  	p2 =	seq.s32 s10, $0x1;
	s10 =	sld [smem:$0x3FB2]  }
0x3d: {  	_ =	shalt  }
0x3e: {  	_ =	shalt  }
0x3f: {  	_ =	shalt  }
0x40: {  	_ =	shalt  }
0x41: {  	_ =	shalt  }
0x42: {  	_ =	shalt  }
0x43: {  	_ =	shalt  }
0x44: {  	_ =	shalt  }
0x45: {  	_ =	shalt  }
0x46: {  	_ =	shalt  }
0x47: {  	_ =	shalt  }
0x48: {  	_ =	shalt  }
0x49: {  	_ =	shalt  }
0x4a: {  	_ =	shalt  }
0x4b: {  	_ =	shalt  }
0x4c: {  	_ =	shalt  }
0x4d: {  	_ =	shalt  }
0x4e: {  	_ =	shalt  }
0x4f: {  	_ =	shalt  }
0x50: {  	_ =	shalt  }
0x51: {  	_ =	shalt  }
0x52: {  	_ =	shalt  }
0x53: {  	_ =	shalt  }
0x54: {  	_ =	shalt  }
0x55: {  	_ =	shalt  }
0x56: {  	_ =	shalt  }
0x57: {  	_ =	shalt  }
0x58: {  	_ =	shalt  }
0x59: {  	_ =	shalt  }
0x5a: {  	_ =	shalt  }
0x5b: {  	_ =	shalt  }
0x5c: {  	_ =	shalt  }
0x5d: {  	_ =	shalt  }
0x5e: {  	_ =	shalt  }
0x5f: {  	_ =	shalt  }
0x60: {  	_ =	shalt  }
0x61: {  	_ =	shalt  }
0x62: {  	_ =	shalt  }
0x63: {  	_ =	shalt  }
0x64: {  	_ =	shalt  }
0x65: {  	_ =	shalt  }
0x66: {  	_ =	shalt  }
0x67: {  	_ =	shalt  }
0x68: {  	_ =	shalt  }
0x69: {  	_ =	shalt  }
0x6a: {  	_ =	shalt  }
0x6b: {  	_ =	shalt  }
0x6c: {  	_ =	shalt  }
0x6d: {  	_ =	shalt  }
0x6e: {  	_ =	shalt  }
0x6f: {  	_ =	shalt  }
0x70: {  	_ =	shalt  }
0x71: {  	_ =	shalt  }
0x72: {  	_ =	shalt  }
0x73: {  	_ =	shalt  }
0x74: {  	_ =	shalt  }
0x75: {  	_ =	shalt  }
0x76: {  	_ =	shalt  }
0x77: {  	_ =	shalt  }
0x78: {  	_ =	shalt  }
0x79: {  	_ =	shalt  }
0x7a: {  	_ =	shalt  }
0x7b: {  	_ =	shalt  }
0x7c: {  	_ =	shalt  }
0x7d: {  	_ =	shalt  }
0x7e: {  	_ =	shalt  }
0x7f: {  	_ =	shalt  }
0x80: {  	_ =	shalt  }
0x81: {  	_ =	shalt  }
0x82: {  	_ =	shalt  }
0x83: {  	_ =	shalt  }
0x84: {  	_ =	shalt  }
0x85: {  	_ =	shalt  }
0x86: {  	_ =	shalt  }
0x87: {  	_ =	shalt  }
.Lfunc_end0:
.L_simem_size_0:
called_computation_lowered:
.L_overlay_start_0:
0x88: {  	s2 =	sld [smem:$0x3FD9]  }
0x89: {  	s3 =	sld [smem:$0x3FFE];
	_ =	sdelay $0x1  }
0x8a: {  	s1 =	srdreg.scid  }
0x8b: {  	s0 =	sand.u32 $0x1, s1  }
0x8c: {  	s16 =	sshll.u32 s0, $0xA;
	s2 =	sadd.s32 s3, s2  }
0x8d: {  	s2 =	sadd.s32 s2, s16  }
0x8e: {  	[smem:$0x3FBE] =	sst s2  }
0x8f: {  	_ = 	snop  }
0x90: {  	(tm) =	ssettm $0x1  }
0x91: {  	s17 =	sld [smem:$0x3FFB];
	_ =	sdelay $0x3  }
0x92: {  	_ =	strace s17  }
0x93: {  	s2 =	sld [smem:$0x3FFC];
	_ =	sdelay $0x3  }
0x94: {  	_ =	strace s2  }
0x95: {  	s2 =	sld [smem:$0x3FFD];
	_ =	sdelay $0x3  }
0x96: {  	_ =	strace s2  }
0x97: {  	_ =	strace $0x8FFFFFFF  }
0x98: {  	s18 =	sld [smem:$0x3FDB];
	_ =	sdelay $0x1  }
0x99: {  	s19 =	simm.s32 $_scs_section_size  }
0x9a: {  	s4 =	simm.s32 $_size__tile_overlayer_lowered;
	s5 =	simm.s32 $_tile_overlayer_lowered  }
0x9b: {  	s22 =	simm.s32 $0x1BFF;
	s21 =	sshll.u32 s5, $0x1;
	s2 =	sadd.s32 s19, s18  }
0x9c: {  	s6 =	simm.s32 $0x0;
	s20 =	sshll.u32 s4, $0x1;
	s4 =	sadd.s32 s21, s2  }
0x9d: {  	[timem:s6], [sflag:s22] =	dma.local [hbm:s4], s20  }
0x9e: {  	_ =	swait.ge [sflag:s22], s20  }
0x9f: {  	s3 =	ssub.s32 $0x0, s20;
	[sflag:s22] =	ssyncset.done $0x0  }
0xa0: {  	[sflag:s22] =	ssyncadd.s32 s3;
	_ =	sdelay $0x1  }
0xa1: {  	s23 =	simm.s32 $0x1B8B  }
0xa2: {  	_ =	swait.ge [sflag:s23], $0x1  }
0xa3: {  	[sflag:s23] =	ssyncset.done $0x0  }
0xa4: {  	s25 =	simm.s32 $0x1B8E;
	s24 =	sld [smem:$0x3FFE];
	[sflag:s23] =	ssyncadd.s32 $0xFFFFFFFF  }
0xa5: {  	s26 =	simm.s32 $execute0_lowered;
	[smem:$0x3FD2] =	sst s25  }
0xa6: {  	s4 =	sshll.u32 s26, $0x1;
	_ =	strace $0x80000046;
	[dreg:$0x1] =	wrdreg $0xFFFFFFFF  }
0xa7: {  	s28 =	simm.s32 $_size_execute0_lowered;
	s2 =	sadd.s32 s2, s4;
	[dreg:$0x0] =	wrdreg $0x0  }
0xa8: {  	s4 =	sshll.u32 s28, $0x1;
	[dreg:$0x2] =	wrdreg s2  }
0xa9: {  	[dreg:$0x3] =	wrdreg s4  }
0xaa: {  	[dreg:$0x4] =	wrdreg $0xC0  }
0xab: {  	_ =	task [dreg:s6], $0x5FFFF  }
0xac: {  	[dreg:$0x1] =	wrdreg $0xFFFFFFFF  }
0xad: {  	[dreg:$0x0] =	wrdreg $0x60  }
0xae: {  	[dreg:$0x2] =	wrdreg s24  }
0xaf: {  	[dreg:$0x3] =	wrdreg $0x9  }
0xb0: {  	_ =	task.clear_ibuf [dreg:s6], $0x4FFFF;
	_ =	strace $0x90000046  }
0xb1: {  	s29 =	simm.s32 $0x9;
	_ =	strace $0x80000048  }
0xb2: {  	_ =	swait.ge [sflag:s29], $0x1  }
0xb3: {  	[sflag:s29] =	ssyncadd.s32 $0xFFFFFFFF  }
0xb4: {  	_ =	strace $0x90000048  }
0xb5: {  	_ =	sfence  }
0xb6: {  	s30 =	sld [smem:$0x0];
	_ =	sdelay $0x2  }
0xb7: {  	s31 =	sshll.u32 s1, $0xD;
	s1 =	sshrl.u32 s1, $0x2  }
0xb8: {  	s3 =	sand.u32 $0x4000, s31;
	s1 =	sadd.s32 s1, s30  }
0xb9: {  	s0 =	sor.u32 s3, s0;
	s1 =	sshll.u32 s1, $0x11  }
0xba: {  	s0 =	sor.u32 s1, s0  }
0xbb: {  	s0 =	sadd.s32 $0x8F2B, s0  }
0xbc: {  	[sflag:s0] =	ssyncadd.remote.s32 $0x1  }
0xbd: {  	_ =	sfence.sel $0xFFFF  }
0xbe: {  	[dreg:$0x0] =	wrdreg $0xFFFFFFFF;
	(pc) =	sbr.abs _section_cstart, $3  }
0xbf: {  	[dreg:$0x1] =	wrdreg $0xFFFFFFFF  }
0xc0: {  	_ =	task.clear_ibuf [dreg:s6], $0x2FFFF;
	_ =	strace $0x9FFFFFFF  }
0xc1: {  	(tm) =	ssettm $0x7FFFFFFF  }
tec
execute0_lowered:
.L_overlay_start_1:
0x0: {  	(tag) =	ssettag $0x1  }
0x1: {  	s0 =	srdreg.scid  }
0x2: {  	s4 =	rddreg [dreg:$0x0];
	s2 =	simm.s32 $0x0;
	s3 =	sand.u32 $0x1, s0  }
0x3: {  	s8 =	simm.s32 $0x2800;
	s0 =	stileid.u32;
	s1 =	sshll.u32 s3, $0x4  }
0x4: {  	s9 =	simm.s32 $0x5000;
	s10 =	simm.s32 $0x80;
	s5 =	sor.u32 s0, s1  }
0x5: {  	s11 =	simm.s32 $0x400;
	[smem:$0x7FF] =	sst s2;
	s6 =	sshrl.u32 s5, $0x3  }
0x6: {  	s7 =	sshll.u32 s0, $0x7;
	s3 =	ssub.s32 $0x2, s3;
	s6 =	smul.u32 $0x14000, s6  }
0x7: {  	s1 =	rddreg [dreg:$0x1];
	s7 =	sand.u32 $0x380, s7;
	s5 =	smul.u32 $0x500, s5  }
0x8: {  	_ =	strace $0x80000047;
	s31 =	sshrl.u32 s3, $0x1;
	s6 =	sor.u32 s7, s6  }
0x9: {  	s5 =	sadd.s32 s5, s4;
	s7 =	ssub.s32 s3, s31;
	s6 =	sshrl.u32 s6, $0x3  }
0xa: {  	s3 =	sadd.s32 $0x2800, s5;
	s6 =	sadd.s32 s6, s4;
	s4 =	sadd.s32 $0xC800, s5  }
0xb: {  	v0 =	vimm.f32 $0.0e+00;
	s5 =	sadd.s32 $0x16800, s6;
	s6 =	smax.u32 s7, $0x1;
	s7 =	simm.s32 $0x1  }
.LBB2_1:
0xc: {  	s12 =	simm.s32 $0x40;
	s13 =	simm.s32 $0x0  }
.LBB2_2:
0xd: {  	p0 =	sne.s32 s12, $0x9FC0;
	[tilespmem:s13+$0x5000] =	vst v0;
	s13 =	smov.u32 s12;
	s12 =	sadd.s32 $0x40, s12  }
.Ltmp0:
0xe: {  	(pc) =	sbr.rel @p0 .LBB2_2-.Ltmp0, $2  }
0xf: {  	_ =	sdelay $0x2  }
0x10: {  	s13 =	sshra.s32 s13, $0x2  }
0x11: {  	[tilespmem:s13+$0x5000] =	vst v0;
	s12 =	simm.s32 $0x0  }
0x12: {  	[tilespmem:s12], [sflag:$0x1] =	stream.linear.gather [hbm4b:s3+s12], $0x2800, $0x38;
	[tilespmem:$0x7800] =	vst v63  }
0x13: {  	_ =	swait.ge [sflag:s7], $0x2800  }
0x14: {  	[sflag:s7] =	ssyncset.done $0x0  }
0x15: {  	[sflag:s7] =	ssyncadd.s32 $0xFFFFD800  }
0x16: {  	[tilespmem:s8], [sflag:$0x1] =	stream.linear.gather [hbm4b:s4+s12], $0x2800, $0x38;
	[tilespmem:$0x7800] =	vst v63  }
0x17: {  	_ =	swait.ge [sflag:s7], $0x2800  }
0x18: {  	[sflag:s7] =	ssyncset.done $0x0  }
0x19: {  	s13 =	simm.s32 $0x0;
	s12 =	simm.s32 $0x40;
	[sflag:s7] =	ssyncadd.s32 $0xFFFFD800  }
.LBB2_4:
0x1a: {  	p0 =	sne.s32 s12, $0x9FC0;
	v1 =	vld [tilespmem:s13+$0x0];
	_ =	sdelay $0x2  }
0x1b: {  	v2 =	vld [tilespmem:s13+$0x2800]  }
.Ltmp1:
0x1c: {  	(pc) =	sbr.rel @p0 .LBB2_4-.Ltmp1, $2  }
0x1d: {  	_ =	sdelay $0x2  }
0x1e: {  	s13 =	sshra.s32 s12, $0x2;
	s12 =	sadd.s32 $0x40, s12;
	[tilespmem:v1+s9+$0x0] =	vst.idx.add.f32.msk $0xffff, v2  }
0x1f: {  	v1 =	vld [tilespmem:s13+$0x0];
	_ =	sdelay $0x2  }
0x20: {  	v2 =	vld [tilespmem:s13+$0x2800];
	_ =	sdelay $0x2  }
0x21: {  	s2 =	sadd.s32 $0x1, s2  }
0x22: {  	p0 =	sne.s32 s2, s6  }
.Ltmp2:
0x23: {  	[tilespmem:v1+s9+$0x0] =	vst.idx.add.f32.msk $0xffff, v2;
	(pc) =	sbr.rel @p0 .LBB2_1-.Ltmp2, $4  }
0x24: {  	[hbm4b:s5+s10] =	stream.strided.scatter [tilespmem:s9], [sflag:$0x1], $0x2800, s11, s10, $0x38;
	[tilespmem:$0x7800] =	vst v63  }
0x25: {  	_ =	swait.ge [sflag:s7], $0x2800  }
0x26: {  	[sflag:s7] =	ssyncset.done $0x0  }
0x27: {  	[sflag:s7] =	ssyncadd.s32 $0xFFFFD800  }
0x28: {  	_ =	sfence.sel $0x180000  }
0x29: {  	[bflag:$0x0] =	sbarrier.arrive $0xFFFF  }
0x2a: {  	p0 =	sne.s32 s0, $0x0;
	_ =	strace $0x90000047  }
0x2b: {  	s0 =	sadd.s32 @!p0 $0x100000, s1;
	[bflag:$0x2] =	sbarrier.arrive $0xFFFF  }
0x2c: {  	[sflag:s0] =	ssyncadd.tile.s32 @!p0 $0x1;
	_ =	shalt  }
.Lfunc_end2:
_tile_overlayer_lowered:
.L_overlay_start_2:
0x2d: {  	(tag) =	ssettag $0x2  }
0x2e: {  	s0 =	rddreg [dreg:$0x0];
	s2 =	stileid.u32  }
0x2f: {  	s1 =	rddreg [dreg:$0x1];
	p0 =	sne.s32 s2, $0x0  }
0x30: {  	s3 =	rddreg [dreg:$0x2];
	[bflag:$0x3] =	sbarrier.arrive $0xFFFF;
	s2 =	simm.s32 @!p0 $0x1C01  }
0x31: {  	[timem:s3], [sflag:s2] =	dma.local @!p0 [hbm:s0], s1  }
0x32: {  	s0 =	simm.s32 @!p0 $0x1  }
0x33: {  	_ =	swait.ge @!p0 [sflag:s0], s1  }
0x34: {  	s1 =	ssub.s32 @!p0 $0x0, s1;
	[sflag:s0] =	ssyncset.done @!p0 $0x0  }
0x35: {  	[sflag:s0] =	ssyncadd.s32 @!p0 s1  }
0x36: {  	[bflag:$0x3] =	sbarrier.arrive $0xFFFF  }
0x37: {  	_ =	shalt  }

</sc_bundles>
